<compile_context>
chip_gen: v7x
topology: tpu7x:2x2x1
jax: 0.10.2.dev20260603
libtpu: 0.0.44.dev20260713+nightly
codegen_flags: <defaults>
</compile_context>

<pallas_src>
import functools

import jax
import jax.numpy as jnp
from jax import lax
from jax.experimental import pallas as pl
from jax.experimental.pallas import tpu as pltpu
from jax.experimental.pallas import tpu_sc as plsc

RADIUS = 1.54
HID = 32
NUM_MOL = 500

NC, NS = 2, 16
NW = NC * NS
CH = 1024
IR = CH // 128

_sc_mesh = functools.partial(
    plsc.VectorSubcoreMesh, core_axis_name="c", subcore_axis_name="s",
    num_cores=NC, num_subcores=NS)
_sc_params = pltpu.CompilerParams(use_tc_tiling_on_sc=False)


def _worker_id():
    return lax.axis_index("s") * NC + lax.axis_index("c")


def _gather_edges_body(T, CH, IR, NP, tsrc, srcp, dstp, a_out, d_out,
                       idx_s, idx_d, abuf, dbuf, tspm, sem, sem2):
    w = _worker_id()
    s = lax.axis_index("s")
    rpt = NP // NS
    pltpu.sync_copy(tsrc.at[pl.ds(s * rpt, rpt)],
                    tspm.at[pl.ds(s * rpt, rpt)])
    plsc.subcore_barrier()

    def chunk(t, carry):
        row0 = (w * T + t) * IR
        e0 = (w * T + t) * CH
        pltpu.sync_copy(srcp.at[pl.ds(row0, IR)], idx_s)
        pltpu.sync_copy(dstp.at[pl.ds(row0, IR)], idx_d)
        cps = [pltpu.async_copy(tspm.at[idx_s.at[j]],
                                abuf.at[pl.ds(j * 128, 128)], sem)
               for j in range(IR)]
        cps += [pltpu.async_copy(tspm.at[idx_d.at[j]],
                                 dbuf.at[pl.ds(j * 128, 128)], sem2)
                for j in range(IR)]
        for cp in cps:
            cp.wait()
        pltpu.sync_copy(abuf, a_out.at[pl.ds(e0, CH)])
        pltpu.sync_copy(dbuf, d_out.at[pl.ds(e0, CH)])
        return carry

    lax.fori_loop(0, T, chunk, 0)


def _gather_table_body(T, CH, IR, NP, table, srcp, out, idx_s, buf, tspm, sem):
    w = _worker_id()
    s = lax.axis_index("s")
    rpt = NP // NS
    pltpu.sync_copy(table.at[pl.ds(s * rpt, rpt)],
                    tspm.at[pl.ds(s * rpt, rpt)])
    plsc.subcore_barrier()

    def chunk(t, carry):
        row0 = (w * T + t) * IR
        e0 = (w * T + t) * CH
        pltpu.sync_copy(srcp.at[pl.ds(row0, IR)], idx_s)
        cps = [pltpu.async_copy(tspm.at[idx_s.at[j]],
                                buf.at[pl.ds(j * 128, 128)], sem)
               for j in range(IR)]
        for cp in cps:
            cp.wait()
        pltpu.sync_copy(buf, out.at[pl.ds(e0, CH)])
        return carry

    lax.fori_loop(0, T, chunk, 0)


def _scatter_add_body(T, NP, CH, IR, msg, dstp, zeros, out, idx_d, mbuf, table, sem):
    c = lax.axis_index("c")
    s = lax.axis_index("s")
    w = s * NC + c
    rpt = NP // NS
    pltpu.sync_copy(zeros.at[pl.ds(s * rpt, rpt)],
                    table.at[pl.ds(s * rpt, rpt)])
    plsc.subcore_barrier()

    def chunk(t, carry):
        row0 = (w * T + t) * IR
        e0 = (w * T + t) * CH
        pltpu.sync_copy(dstp.at[pl.ds(row0, IR)], idx_d)
        pltpu.sync_copy(msg.at[pl.ds(e0, CH)], mbuf)
        for j in range(IR):
            pltpu.sync_copy(mbuf.at[pl.ds(j * 128, 128)],
                            table.at[idx_d.at[j]], add=True)
        return carry

    lax.fori_loop(0, T, chunk, 0)
    plsc.subcore_barrier()
    pltpu.sync_copy(table.at[pl.ds(s * rpt, rpt)],
                    out.at[c].at[pl.ds(s * rpt, rpt)])


def _edge0_body(a_ref, d_ref, w10, b10r, w11, b11r, w21, b21r,
                w2p, r7, s224, b0m, msg_ref, k1_ref):
    a = a_ref[...]
    d = d_ref[...]
    for k in range(4):
        ak = a[:, k * HID:(k + 1) * HID]
        dk = d[:, k * HID:(k + 1) * HID]
        hoodk = ak[:, 7:9] - dk[:, 7:9]
        h0 = jnp.tanh(jnp.dot(hoodk, w10[...],
                              preferred_element_type=jnp.float32) + b10r[...])
        p = jnp.dot(h0, w2p[...], preferred_element_type=jnp.float32)
        fk = ak[:, 0:7]
        frep = jnp.dot(fk, r7[...], preferred_element_type=jnp.float32)
        acc = (jnp.dot(p * frep, s224[...],
                       preferred_element_type=jnp.float32)
               + jnp.dot(fk, b0m[...], preferred_element_type=jnp.float32))
        h1 = jnp.tanh(jnp.dot(hoodk, w11[...],
                              preferred_element_type=jnp.float32) + b11r[...])
        k1 = jnp.dot(h1, w21[...],
                     preferred_element_type=jnp.float32) + b21r[...]
        msg_ref[:, k * HID:(k + 1) * HID] = acc
        k1_ref[:, k * HID:(k + 1) * HID] = k1


def _node_tanh_body(p_ref, b_ref, f_ref):
    p = p_ref[...]
    f_ref[...] = jnp.tanh(p[0] + p[1] + b_ref[...])


def _edge1_body(k1_ref, f1_ref, z4, msg_ref):
    msg_ref[...] = jnp.dot(k1_ref[...] * f1_ref[...], z4[...],
                           preferred_element_type=jnp.float32)


def _pool_body(NB, MOLP, v0_ref, v1_ref, b1_ref, v2m_ref, molf_ref, moli_ref):
    bias = b1_ref[0, 0]
    mol_ids = lax.broadcasted_iota(jnp.int32, (MOLP, 128), 0)
    neg_inf = jnp.float32(-jnp.inf)
    int_min = jnp.int32(-2147483648)

    UNR = 8

    def pass1(k, cur):
        for j in range(UNR):
            r = k * UNR + j
            vals = v0_ref[pl.ds(r, 1), :] + v1_ref[pl.ds(r, 1), :] + bias
            seg = v2m_ref[pl.ds(r, 1), :]
            cand = jnp.where(seg == mol_ids, vals, neg_inf)
            cur = jnp.maximum(cur, jnp.max(cand, axis=1, keepdims=True))
        return cur

    molmax = lax.fori_loop(0, NB // UNR, pass1,
                           jnp.full((MOLP, 1), neg_inf, jnp.float32))

    def pass2(k, cur):
        for j in range(UNR):
            r = k * UNR + j
            vals = v0_ref[pl.ds(r, 1), :] + v1_ref[pl.ds(r, 1), :] + bias
            seg = v2m_ref[pl.ds(r, 1), :]
            ids = lax.broadcasted_iota(jnp.int32, (MOLP, 128), 1) + r * 128
            mask = (seg == mol_ids) & (vals >= molmax)
            cand = jnp.where(mask, ids, int_min)
            cur = jnp.maximum(cur, jnp.max(cand, axis=1, keepdims=True))
        return cur

    molidx = lax.fori_loop(0, NB // UNR, pass2,
                           jnp.full((MOLP, 1), int_min, jnp.int32))
    molf_ref[...] = molmax[0:NUM_MOL]
    moli_ref[...] = molidx[0:NUM_MOL]


def kernel(atom_features, atom_pos, molecule_edges, vertex2molecule,
           num_molecules, W1_0, b1_0, W2_0, b2_0, bias_0,
           W1_1, b1_1, W2_1, b2_1, bias_1):
    del num_molecules
    N, F = atom_features.shape
    E = molecule_edges.shape[0]
    f32, i32 = jnp.float32, jnp.int32

    NP = ((N + 255) // 256) * 256
    EPW = NW * CH
    EP = ((E + EPW - 1) // EPW) * EPW
    T = EP // (NW * CH)
    CH2, IR2 = 2048, 16
    BE = 8192
    NBLK = NP // 128

    src = molecule_edges[:, 0]
    dst = molecule_edges[:, 1]
    padi = jnp.full((EP - E,), N, dtype=i32)
    srcp = jnp.concatenate([src, padi]).reshape(EP // 128, 128)
    dstp = jnp.concatenate([dst, padi]).reshape(EP // 128, 128)

    tsrc = jnp.pad(jnp.concatenate([atom_features, atom_pos], axis=1),
                   ((0, NP - N), (0, HID - F - 2)))

    zeros32 = jnp.zeros((NP, HID), f32)

    inv_r = 1.0 / RADIUS
    w10 = W1_0 * inv_r
    w11 = W1_1 * inv_r
    b10r = b1_0.reshape(1, HID)
    b11r = b1_1.reshape(1, HID)
    b21r = b2_1.reshape(1, HID)
    w21 = W2_1
    w2p = W2_0.reshape(HID, HID, F).transpose(0, 2, 1).reshape(HID, HID * F)
    r7 = jnp.kron(jnp.eye(F, dtype=f32), jnp.ones((1, HID), f32))
    s224 = jnp.tile(jnp.eye(HID, dtype=f32), (F, 1))
    b0m = b2_0.reshape(HID, F).T
    zpat = jnp.zeros((HID, HID), f32).at[:, 0].set(1.0)
    z4 = jnp.kron(jnp.eye(4, dtype=f32), zpat)
    b1s = bias_1.reshape(1, 1)
    v2m = jnp.concatenate(
        [vertex2molecule, jnp.full((NP - N,), -1, i32)]).reshape(NBLK, 128)

    gather_edges = pl.kernel(
        functools.partial(_gather_edges_body, T, CH, IR, NP),
        out_type=[jax.ShapeDtypeStruct((EP, HID), f32),
                  jax.ShapeDtypeStruct((EP, HID), f32)],
        mesh=_sc_mesh(),
        scratch_types=[pltpu.VMEM((IR, 128), i32),
                       pltpu.VMEM((IR, 128), i32),
                       pltpu.VMEM((CH, HID), f32),
                       pltpu.VMEM((CH, HID), f32),
                       pltpu.VMEM_SHARED((NP, HID), f32),
                       pltpu.SemaphoreType.DMA,
                       pltpu.SemaphoreType.DMA],
        compiler_params=_sc_params,
        name="sc_gather_edges")
    a_e, d_e = gather_edges(tsrc, srcp, dstp)

    nb = EP // BE
    BR = BE // 4
    a4 = a_e.reshape(EP // 4, 128)
    d4 = d_e.reshape(EP // 4, 128)
    const_spec = lambda r, c: pl.BlockSpec((r, c), lambda i: (0, 0))
    msg0, k1e = pl.pallas_call(
        _edge0_body,
        grid=(nb,),
        in_specs=[pl.BlockSpec((BR, 128), lambda i: (i, 0)),
                  pl.BlockSpec((BR, 128), lambda i: (i, 0)),
                  const_spec(2, HID), const_spec(1, HID),
                  const_spec(2, HID), const_spec(1, HID),
                  const_spec(HID, HID), const_spec(1, HID),
                  const_spec(HID, HID * F), const_spec(F, HID * F),
                  const_spec(HID * F, HID), const_spec(F, HID)],
        out_specs=[pl.BlockSpec((BR, 128), lambda i: (i, 0)),
                   pl.BlockSpec((BR, 128), lambda i: (i, 0))],
        out_shape=[jax.ShapeDtypeStruct((EP // 4, 128), f32),
                   jax.ShapeDtypeStruct((EP // 4, 128), f32)],
        name="tc_edge0")(a4, d4, w10, b10r, w11, b11r, w21, b21r,
                         w2p, r7, s224, b0m)

    T2 = EP // (NW * CH2)
    scatter32 = pl.kernel(
        functools.partial(_scatter_add_body, T2, NP, CH2, IR2),
        out_type=jax.ShapeDtypeStruct((NC, NP, HID), f32),
        mesh=_sc_mesh(),
        scratch_types=[pltpu.VMEM((IR2, 128), i32),
                       pltpu.VMEM((CH2, HID), f32),
                       pltpu.VMEM_SHARED((NP, HID), f32),
                       pltpu.SemaphoreType.DMA],
        compiler_params=_sc_params,
        name="sc_scatter_msg0")
    agg0 = scatter32(msg0.reshape(EP, HID), dstp, zeros32)

    feats = pl.pallas_call(
        _node_tanh_body,
        in_specs=[pl.BlockSpec((NC, NP, HID), lambda: (0, 0, 0)),
                  pl.BlockSpec((1, HID), lambda: (0, 0))],
        out_specs=pl.BlockSpec((NP, HID), lambda: (0, 0)),
        out_shape=jax.ShapeDtypeStruct((NP, HID), f32),
        name="tc_node_tanh")(agg0, bias_0.reshape(1, HID))

    gather32 = pl.kernel(
        functools.partial(_gather_table_body, T2, CH2, IR2, NP),
        out_type=jax.ShapeDtypeStruct((EP, HID), f32),
        mesh=_sc_mesh(),
        scratch_types=[pltpu.VMEM((IR2, 128), i32),
                       pltpu.VMEM((CH2, HID), f32),
                       pltpu.VMEM_SHARED((NP, HID), f32),
                       pltpu.SemaphoreType.DMA],
        compiler_params=_sc_params,
        name="sc_gather_feats")
    f1 = gather32(feats, srcp)

    msg1 = pl.pallas_call(
        _edge1_body,
        grid=(nb,),
        in_specs=[pl.BlockSpec((BR, 128), lambda i: (i, 0)),
                  pl.BlockSpec((BR, 128), lambda i: (i, 0)),
                  const_spec(128, 128)],
        out_specs=pl.BlockSpec((BR, 128), lambda i: (i, 0)),
        out_shape=jax.ShapeDtypeStruct((EP // 4, 128), f32),
        name="tc_edge1")(k1e, f1.reshape(EP // 4, 128), z4)

    agg1 = scatter32(msg1.reshape(EP, HID), dstp, zeros32)

    v0 = agg1[0, :, 0].reshape(NBLK, 128)
    v1 = agg1[1, :, 0].reshape(NBLK, 128)
    MOLP = 512
    molf, moli = pl.pallas_call(
        functools.partial(_pool_body, NBLK, MOLP),
        in_specs=[pl.BlockSpec((NBLK, 128), lambda: (0, 0)),
                  pl.BlockSpec((NBLK, 128), lambda: (0, 0)),
                  pl.BlockSpec((1, 1), lambda: (0, 0)),
                  pl.BlockSpec((NBLK, 128), lambda: (0, 0))],
        out_specs=[pl.BlockSpec((NUM_MOL, 1), lambda: (0, 0)),
                   pl.BlockSpec((NUM_MOL, 1), lambda: (0, 0))],
        out_shape=[jax.ShapeDtypeStruct((NUM_MOL, 1), f32),
                   jax.ShapeDtypeStruct((NUM_MOL, 1), jnp.int32)],
        name="tc_pool")(v0, v1, b1s, v2m)

    return (molf, molf, moli)

# --- scband reference (transcript-rebuilt; emitter-appended) ---
"""Pipeline reference for scband-beta2-dmodel-66752381715116 (READ-ONLY COPY).

The authoritative reference and input builder live on the scoring server;
editing this copy changes nothing except your own understanding.
"""

import jax, jax.numpy as jnp
import numpy as np

RADIUS = 1.54
N_NODES = 10000
N_EDGES = 320000
NUM_MOL = 500
HID = 32


def _init_params(key):
    dims = [(7, 32), (32, 1)]
    params = {}
    for i, (ci, co) in enumerate(dims):
        k1, k2 = jax.random.split(jax.random.fold_in(key, i + 100), 2)
        params[f"W1_{i}"] = (jax.random.normal(k1, (2, HID), dtype=jnp.float32) / np.sqrt(2.0)).astype(jnp.float32)
        params[f"b1_{i}"] = jnp.zeros((HID,), dtype=jnp.float32)
        params[f"W2_{i}"] = (jax.random.normal(k2, (HID, co * ci), dtype=jnp.float32) / np.sqrt(HID)).astype(jnp.float32)
        params[f"b2_{i}"] = jnp.zeros((co * ci,), dtype=jnp.float32)
        params[f"bias_{i}"] = jnp.zeros((co,), dtype=jnp.float32)
    return params


def setup_inputs(seed: int = 0):
    key = jax.random.key(seed)
    ks = jax.random.split(key, 8)
    inp = {}
    inp["atom_features"] = jax.random.normal(ks[0], (N_NODES, 7), dtype=jnp.float32)
    inp["atom_pos"] = jax.random.normal(ks[1], (N_NODES, 2), dtype=jnp.float32)
    inp["molecule_edges"] = jax.random.randint(ks[2], (N_EDGES, 2), 0, N_NODES, dtype=jnp.int32)
    inp["vertex2molecule"] = jnp.sort(jax.random.randint(ks[3], (N_NODES,), 0, NUM_MOL, dtype=jnp.int32))
    inp["num_molecules"] = NUM_MOL
    inp.update(_init_params(ks[4]))
    return inp


def _cosmo_layer(feats, src, dst, hood, n_nodes, ci, co, W1, b1, W2, b2, bias):
    # NeuralFieldCosmo: continuous kernel conv; a neural field (MLP with Tanh
    # field_activation) maps relative neighborhood coords -> per-edge kernel
    # of shape [out_channels, in_channels]; messages are gathered from source
    # nodes, transformed by the edge kernel, and scatter-added at target nodes.
    h = jnp.tanh(hood @ W1 + b1)
    kern = (h @ W2 + b2).reshape(-1, co, ci)
    msg = jnp.einsum('eoi,ei->eo', kern, feats[src])
    agg = jax.ops.segment_sum(msg, dst, num_segments=n_nodes)
    return agg + bias


def reference(atom_features, atom_pos, molecule_edges, vertex2molecule, num_molecules, W1_0, b1_0, W2_0, b2_0, bias_0, W1_1, b1_1, W2_1, b2_1, bias_1):
    edge_index = molecule_edges.T
    src, dst = edge_index[0], edge_index[1]
    n = atom_features.shape[0]
    # Lift2D: lift node features onto the molecular graph; hood_coords are
    # relative 2D coordinates scaled by the interaction radius.
    hood = (atom_pos[src] - atom_pos[dst]) / RADIUS
    feats = jnp.tanh(_cosmo_layer(atom_features, src, dst, hood, n, 7, 32, W1_0, b1_0, W2_0, b2_0, bias_0))
    feats = _cosmo_layer(feats, src, dst, hood, n, 32, 1, W1_1, b1_1, W2_1, b2_1, bias_1)
    # scatter_max pooling over molecules (lifted2inst == vertex2molecule)
    seg_ids = vertex2molecule + 0 * jnp.asarray(num_molecules, dtype=vertex2molecule.dtype)
    mol_features = jax.ops.segment_max(feats, seg_ids, num_segments=NUM_MOL)
    node_ids = jnp.arange(n)[:, None]
    is_max = feats >= mol_features[seg_ids]
    cand = jnp.where(is_max, node_ids, -1)
    max_indices = jax.ops.segment_max(cand, seg_ids, num_segments=NUM_MOL)
    return (mol_features, mol_features, max_indices)

if __name__ == "__main__":
    import jax
    _d = setup_inputs()
    print(jax.jit(kernel)(*tuple(_d.values())))

</pallas_src>

<mosaic_0001>
#map = affine_map<(d0, d1) -> (0, 0)>
#map1 = affine_map<(d0, d1) -> (0, 0, 0)>
module attributes {stable_mosaic.version = 14 : i64} {
  func.func @sc_scatter_msg0(%arg0: i32, %arg1: i32, %arg2: memref<327680x32xf32, #tpu.memory_space<hbm>>, %arg3: memref<2560x128xi32, #tpu.memory_space<hbm>>, %arg4: memref<10240x32xf32, #tpu.memory_space<hbm>>, %arg5: memref<2x10240x32xf32, #tpu.memory_space<hbm>>, %arg6: memref<16x128xi32, #tpu.memory_space<vmem>>, %arg7: memref<2048x32xf32, #tpu.memory_space<vmem>>, %arg8: memref<10240x32xf32, #tpu.memory_space<vmem_shared>>, %arg9: memref<!tpu.dma_semaphore, #tpu.memory_space<semaphore_mem>>) attributes {dimension_semantics = [#tpu.dimension_semantics<core_parallel>, #tpu.dimension_semantics<subcore_parallel>], iteration_bounds = array<i64: 2, 16>, scalar_prefetch = 0 : i64, scratch_operands = 4 : i64, tpu.core_type = #tpu.core_type<sc_vector_subcore>, window_params = [{transform_indices = #map}, {transform_indices = #map}, {transform_indices = #map}, {transform_indices = #map1}]} {
    %mul3A = arith.constant 2 : i32
    %mul3A_0 = arith.muli %arg1, %mul3A : i32
    %add3A = arith.addi %mul3A_0, %arg0 : i32
    %mul3A_1 = arith.constant 640 : i32
    %mul3A_2 = arith.muli %arg1, %mul3A_1 : i32
    %mul3A_3 = arith.constant 640 : i32
    %mul3A_4 = arith.muli %arg1, %mul3A_3 : i32
    "tpu.region"() ({
      %run_scoped3A = tpu.sem_alloc : memref<!tpu.dma_semaphore, #tpu.memory_space<semaphore_mem>>
      %dma_start3A = arith.constant 0 : i32
      %dma_start3A_15 = tpu.memref_slice %arg8[%mul3A_4, %dma_start3A] : memref<10240x32xf32, #tpu.memory_space<vmem_shared>> -> memref<640x32xf32, #tpu.memory_space<vmem_shared>>
      %dma_start3A_16 = arith.constant 0 : i32
      %dma_start3A_17 = tpu.memref_slice %arg4[%mul3A_2, %dma_start3A_16] : memref<10240x32xf32, #tpu.memory_space<hbm>> -> memref<640x32xf32, #tpu.memory_space<hbm>>
      tpu.enqueue_dma source(%dma_start3A_17 : memref<640x32xf32, #tpu.memory_space<hbm>>) target(%dma_start3A_15 : memref<640x32xf32, #tpu.memory_space<vmem_shared>>) target_semaphore(%run_scoped3A : memref<!tpu.dma_semaphore, #tpu.memory_space<semaphore_mem>>)
      %dma_wait3A = arith.constant 0 : i32
      %dma_wait3A_18 = tpu.memref_slice %arg8[%mul3A_4, %dma_wait3A] : memref<10240x32xf32, #tpu.memory_space<vmem_shared>> -> memref<640x32xf32, #tpu.memory_space<vmem_shared>>
      %dma_wait3A_19 = arith.constant 0 : i32
      %dma_wait3A_20 = tpu.memref_slice %arg4[%mul3A_2, %dma_wait3A_19] : memref<10240x32xf32, #tpu.memory_space<hbm>> -> memref<640x32xf32, #tpu.memory_space<hbm>>
      tpu.wait_dma2 semaphore(%run_scoped3A : memref<!tpu.dma_semaphore, #tpu.memory_space<semaphore_mem>>) src(%dma_wait3A_20 : memref<640x32xf32, #tpu.memory_space<hbm>>) dst(%dma_wait3A_18 : memref<640x32xf32, #tpu.memory_space<vmem_shared>>)
      tpu.yield
    }) : () -> ()
    %barrier3A = arith.constant 0 : index
    tpu.barrier barrier_id(%barrier3A)
    %scan3A = arith.constant 0 : i32
    %scan3A_5 = arith.constant 0 : i32
    %scan3A_6 = arith.constant 5 : i32
    %scan3A_7 = arith.addi %scan3A_5, %scan3A_6 : i32
    %scan3A_8 = arith.constant 1 : i32
    scf.for %scan3A_15 = %scan3A_5 to %scan3A_7 step %scan3A_8  : i32 {
      %mul3A_16 = arith.constant 5 : i32
      %mul3A_17 = arith.muli %add3A, %mul3A_16 : i32
      %add3A_18 = arith.addi %mul3A_17, %scan3A_15 : i32
      %mul3A_19 = arith.constant 16 : i32
      %mul3A_20 = arith.muli %add3A_18, %mul3A_19 : i32
      %mul3A_21 = arith.constant 5 : i32
      %mul3A_22 = arith.muli %add3A, %mul3A_21 : i32
      %add3A_23 = arith.addi %mul3A_22, %scan3A_15 : i32
      %mul3A_24 = arith.constant 2048 : i32
      %mul3A_25 = arith.muli %add3A_23, %mul3A_24 : i32
      "tpu.region"() ({
        %run_scoped3A_41 = tpu.sem_alloc : memref<!tpu.dma_semaphore, #tpu.memory_space<semaphore_mem>>
        %dma_start3A = arith.constant 0 : i32
        %dma_start3A_42 = tpu.memref_slice %arg3[%mul3A_20, %dma_start3A] : memref<2560x128xi32, #tpu.memory_space<hbm>> -> memref<16x128xi32, #tpu.memory_space<hbm>>
        %dma_start3A_43 = arith.constant 0 : i32
        %dma_start3A_44 = tpu.memref_slice %arg3[%mul3A_20, %dma_start3A_43] : memref<2560x128xi32, #tpu.memory_space<hbm>> -> memref<16x128xi32, #tpu.memory_space<hbm>>
        tpu.enqueue_dma source(%dma_start3A_44 : memref<16x128xi32, #tpu.memory_space<hbm>>) target(%arg6 : memref<16x128xi32, #tpu.memory_space<vmem>>) target_semaphore(%run_scoped3A_41 : memref<!tpu.dma_semaphore, #tpu.memory_space<semaphore_mem>>)
        %dma_wait3A = arith.constant 0 : i32
        %dma_wait3A_45 = tpu.memref_slice %arg3[%mul3A_20, %dma_wait3A] : memref<2560x128xi32, #tpu.memory_space<hbm>> -> memref<16x128xi32, #tpu.memory_space<hbm>>
        %dma_wait3A_46 = arith.constant 0 : i32
        %dma_wait3A_47 = tpu.memref_slice %arg3[%mul3A_20, %dma_wait3A_46] : memref<2560x128xi32, #tpu.memory_space<hbm>> -> memref<16x128xi32, #tpu.memory_space<hbm>>
        tpu.wait_dma2 semaphore(%run_scoped3A_41 : memref<!tpu.dma_semaphore, #tpu.memory_space<semaphore_mem>>) src(%dma_wait3A_47 : memref<16x128xi32, #tpu.memory_space<hbm>>) dst(%arg6 : memref<16x128xi32, #tpu.memory_space<vmem>>)
        tpu.yield
      }) : () -> ()
      "tpu.region"() ({
        %run_scoped3A_41 = tpu.sem_alloc : memref<!tpu.dma_semaphore, #tpu.memory_space<semaphore_mem>>
        %dma_start3A = arith.constant 0 : i32
        %dma_start3A_42 = tpu.memref_slice %arg2[%mul3A_25, %dma_start3A] : memref<327680x32xf32, #tpu.memory_space<hbm>> -> memref<2048x32xf32, #tpu.memory_space<hbm>>
        %dma_start3A_43 = arith.constant 0 : i32
        %dma_start3A_44 = tpu.memref_slice %arg2[%mul3A_25, %dma_start3A_43] : memref<327680x32xf32, #tpu.memory_space<hbm>> -> memref<2048x32xf32, #tpu.memory_space<hbm>>
        tpu.enqueue_dma source(%dma_start3A_44 : memref<2048x32xf32, #tpu.memory_space<hbm>>) target(%arg7 : memref<2048x32xf32, #tpu.memory_space<vmem>>) target_semaphore(%run_scoped3A_41 : memref<!tpu.dma_semaphore, #tpu.memory_space<semaphore_mem>>)
        %dma_wait3A = arith.constant 0 : i32
        %dma_wait3A_45 = tpu.memref_slice %arg2[%mul3A_25, %dma_wait3A] : memref<327680x32xf32, #tpu.memory_space<hbm>> -> memref<2048x32xf32, #tpu.memory_space<hbm>>
        %dma_wait3A_46 = arith.constant 0 : i32
        %dma_wait3A_47 = tpu.memref_slice %arg2[%mul3A_25, %dma_wait3A_46] : memref<327680x32xf32, #tpu.memory_space<hbm>> -> memref<2048x32xf32, #tpu.memory_space<hbm>>
        tpu.wait_dma2 semaphore(%run_scoped3A_41 : memref<!tpu.dma_semaphore, #tpu.memory_space<semaphore_mem>>) src(%dma_wait3A_47 : memref<2048x32xf32, #tpu.memory_space<hbm>>) dst(%arg7 : memref<2048x32xf32, #tpu.memory_space<vmem>>)
        tpu.yield
      }) : () -> ()
      %run_scoped3A = arith.constant 0 : i32
      "tpu.region"() ({
        %run_scoped3A_41 = tpu.sem_alloc : memref<!tpu.dma_semaphore, #tpu.memory_space<semaphore_mem>>
        %dma_start3A = arith.constant 0 : i32
        %dma_start3A_42 = arith.constant 0 : i32
        %dma_start3A_43 = tpu.memref_slice %arg7[%dma_start3A, %dma_start3A_42] : memref<2048x32xf32, #tpu.memory_space<vmem>> -> memref<128x32xf32, #tpu.memory_space<vmem>>
        %dma_start3A_44 = arith.constant 0 : i32
        %dma_start3A_45 = tpu.memref_slice %arg6[%run_scoped3A, %dma_start3A_44] : memref<16x128xi32, #tpu.memory_space<vmem>> -> memref<1x128xi32, #tpu.memory_space<vmem>>
        %dma_start3A_46 = tpu.memref_squeeze %dma_start3A_45 : memref<1x128xi32, #tpu.memory_space<vmem>> -> memref<128xi32, #tpu.memory_space<vmem>>
        %dma_start3A_47 = arith.constant 0 : i32
        %dma_start3A_48 = arith.constant 0 : i32
        %dma_start3A_49 = tpu.memref_slice %arg8[%dma_start3A_47, %dma_start3A_48] : memref<10240x32xf32, #tpu.memory_space<vmem_shared>> -> memref<10240x32xf32, #tpu.memory_space<vmem_shared>>
        tpu.enqueue_indirect_dma source(%dma_start3A_43 : memref<128x32xf32, #tpu.memory_space<vmem>>) target(%dma_start3A_49 : memref<10240x32xf32, #tpu.memory_space<vmem_shared>>) offsets(%dma_start3A_46 : memref<128xi32, #tpu.memory_space<vmem>>) semaphore(%run_scoped3A_41 : memref<!tpu.dma_semaphore, #tpu.memory_space<semaphore_mem>>) {add = true}
        %dma_wait3A = arith.constant 0 : i32
        %dma_wait3A_50 = arith.constant 0 : i32
        %dma_wait3A_51 = tpu.memref_slice %arg7[%dma_wait3A, %dma_wait3A_50] : memref<2048x32xf32, #tpu.memory_space<vmem>> -> memref<128x32xf32, #tpu.memory_space<vmem>>
        %dma_wait3A_52 = arith.constant 0 : i32
        %dma_wait3A_53 = tpu.memref_slice %arg6[%run_scoped3A, %dma_wait3A_52] : memref<16x128xi32, #tpu.memory_space<vmem>> -> memref<1x128xi32, #tpu.memory_space<vmem>>
        %dma_wait3A_54 = tpu.memref_squeeze %dma_wait3A_53 : memref<1x128xi32, #tpu.memory_space<vmem>> -> memref<128xi32, #tpu.memory_space<vmem>>
        %dma_wait3A_55 = arith.constant 0 : i32
        %dma_wait3A_56 = arith.constant 0 : i32
        %dma_wait3A_57 = tpu.memref_slice %arg8[%dma_wait3A_55, %dma_wait3A_56] : memref<10240x32xf32, #tpu.memory_space<vmem_shared>> -> memref<10240x32xf32, #tpu.memory_space<vmem_shared>>
        tpu.wait_indirect_dma semaphore(%run_scoped3A_41 : memref<!tpu.dma_semaphore, #tpu.memory_space<semaphore_mem>>) src(%dma_wait3A_51 : memref<128x32xf32, #tpu.memory_space<vmem>>) dst(%dma_wait3A_57 : memref<10240x32xf32, #tpu.memory_space<vmem_shared>>)
        tpu.yield
      }) : () -> ()
      %run_scoped3A_26 = arith.constant 1 : i32
      "tpu.region"() ({
        %run_scoped3A_41 = tpu.sem_alloc : memref<!tpu.dma_semaphore, #tpu.memory_space<semaphore_mem>>
        %dma_start3A = arith.constant 128 : i32
        %dma_start3A_42 = arith.constant 0 : i32
        %dma_start3A_43 = tpu.memref_slice %arg7[%dma_start3A, %dma_start3A_42] : memref<2048x32xf32, #tpu.memory_space<vmem>> -> memref<128x32xf32, #tpu.memory_space<vmem>>
        %dma_start3A_44 = arith.constant 0 : i32
        %dma_start3A_45 = tpu.memref_slice %arg6[%run_scoped3A_26, %dma_start3A_44] : memref<16x128xi32, #tpu.memory_space<vmem>> -> memref<1x128xi32, #tpu.memory_space<vmem>>
        %dma_start3A_46 = tpu.memref_squeeze %dma_start3A_45 : memref<1x128xi32, #tpu.memory_space<vmem>> -> memref<128xi32, #tpu.memory_space<vmem>>
        %dma_start3A_47 = arith.constant 0 : i32
        %dma_start3A_48 = arith.constant 0 : i32
        %dma_start3A_49 = tpu.memref_slice %arg8[%dma_start3A_47, %dma_start3A_48] : memref<10240x32xf32, #tpu.memory_space<vmem_shared>> -> memref<10240x32xf32, #tpu.memory_space<vmem_shared>>
        tpu.enqueue_indirect_dma source(%dma_start3A_43 : memref<128x32xf32, #tpu.memory_space<vmem>>) target(%dma_start3A_49 : memref<10240x32xf32, #tpu.memory_space<vmem_shared>>) offsets(%dma_start3A_46 : memref<128xi32, #tpu.memory_space<vmem>>) semaphore(%run_scoped3A_41 : memref<!tpu.dma_semaphore, #tpu.memory_space<semaphore_mem>>) {add = true}
        %dma_wait3A = arith.constant 128 : i32
        %dma_wait3A_50 = arith.constant 0 : i32
        %dma_wait3A_51 = tpu.memref_slice %arg7[%dma_wait3A, %dma_wait3A_50] : memref<2048x32xf32, #tpu.memory_space<vmem>> -> memref<128x32xf32, #tpu.memory_space<vmem>>
        %dma_wait3A_52 = arith.constant 0 : i32
        %dma_wait3A_53 = tpu.memref_slice %arg6[%run_scoped3A_26, %dma_wait3A_52] : memref<16x128xi32, #tpu.memory_space<vmem>> -> memref<1x128xi32, #tpu.memory_space<vmem>>
        %dma_wait3A_54 = tpu.memref_squeeze %dma_wait3A_53 : memref<1x128xi32, #tpu.memory_space<vmem>> -> memref<128xi32, #tpu.memory_space<vmem>>
        %dma_wait3A_55 = arith.constant 0 : i32
        %dma_wait3A_56 = arith.constant 0 : i32
        %dma_wait3A_57 = tpu.memref_slice %arg8[%dma_wait3A_55, %dma_wait3A_56] : memref<10240x32xf32, #tpu.memory_space<vmem_shared>> -> memref<10240x32xf32, #tpu.memory_space<vmem_shared>>
        tpu.wait_indirect_dma semaphore(%run_scoped3A_41 : memref<!tpu.dma_semaphore, #tpu.memory_space<semaphore_mem>>) src(%dma_wait3A_51 : memref<128x32xf32, #tpu.memory_space<vmem>>) dst(%dma_wait3A_57 : memref<10240x32xf32, #tpu.memory_space<vmem_shared>>)
        tpu.yield
      }) : () -> ()
      %run_scoped3A_27 = arith.constant 2 : i32
      "tpu.region"() ({
        %run_scoped3A_41 = tpu.sem_alloc : memref<!tpu.dma_semaphore, #tpu.memory_space<semaphore_mem>>
        %dma_start3A = arith.constant 256 : i32
        %dma_start3A_42 = arith.constant 0 : i32
        %dma_start3A_43 = tpu.memref_slice %arg7[%dma_start3A, %dma_start3A_42] : memref<2048x32xf32, #tpu.memory_space<vmem>> -> memref<128x32xf32, #tpu.memory_space<vmem>>
        %dma_start3A_44 = arith.constant 0 : i32
        %dma_start3A_45 = tpu.memref_slice %arg6[%run_scoped3A_27, %dma_start3A_44] : memref<16x128xi32, #tpu.memory_space<vmem>> -> memref<1x128xi32, #tpu.memory_space<vmem>>
        %dma_start3A_46 = tpu.memref_squeeze %dma_start3A_45 : memref<1x128xi32, #tpu.memory_space<vmem>> -> memref<128xi32, #tpu.memory_space<vmem>>
        %dma_start3A_47 = arith.constant 0 : i32
        %dma_start3A_48 = arith.constant 0 : i32
        %dma_start3A_49 = tpu.memref_slice %arg8[%dma_start3A_47, %dma_start3A_48] : memref<10240x32xf32, #tpu.memory_space<vmem_shared>> -> memref<10240x32xf32, #tpu.memory_space<vmem_shared>>
        tpu.enqueue_indirect_dma source(%dma_start3A_43 : memref<128x32xf32, #tpu.memory_space<vmem>>) target(%dma_start3A_49 : memref<10240x32xf32, #tpu.memory_space<vmem_shared>>) offsets(%dma_start3A_46 : memref<128xi32, #tpu.memory_space<vmem>>) semaphore(%run_scoped3A_41 : memref<!tpu.dma_semaphore, #tpu.memory_space<semaphore_mem>>) {add = true}
        %dma_wait3A = arith.constant 256 : i32
        %dma_wait3A_50 = arith.constant 0 : i32
        %dma_wait3A_51 = tpu.memref_slice %arg7[%dma_wait3A, %dma_wait3A_50] : memref<2048x32xf32, #tpu.memory_space<vmem>> -> memref<128x32xf32, #tpu.memory_space<vmem>>
        %dma_wait3A_52 = arith.constant 0 : i32
        %dma_wait3A_53 = tpu.memref_slice %arg6[%run_scoped3A_27, %dma_wait3A_52] : memref<16x128xi32, #tpu.memory_space<vmem>> -> memref<1x128xi32, #tpu.memory_space<vmem>>
        %dma_wait3A_54 = tpu.memref_squeeze %dma_wait3A_53 : memref<1x128xi32, #tpu.memory_space<vmem>> -> memref<128xi32, #tpu.memory_space<vmem>>
        %dma_wait3A_55 = arith.constant 0 : i32
        %dma_wait3A_56 = arith.constant 0 : i32
        %dma_wait3A_57 = tpu.memref_slice %arg8[%dma_wait3A_55, %dma_wait3A_56] : memref<10240x32xf32, #tpu.memory_space<vmem_shared>> -> memref<10240x32xf32, #tpu.memory_space<vmem_shared>>
        tpu.wait_indirect_dma semaphore(%run_scoped3A_41 : memref<!tpu.dma_semaphore, #tpu.memory_space<semaphore_mem>>) src(%dma_wait3A_51 : memref<128x32xf32, #tpu.memory_space<vmem>>) dst(%dma_wait3A_57 : memref<10240x32xf32, #tpu.memory_space<vmem_shared>>)
        tpu.yield
      }) : () -> ()
      %run_scoped3A_28 = arith.constant 3 : i32
      "tpu.region"() ({
        %run_scoped3A_41 = tpu.sem_alloc : memref<!tpu.dma_semaphore, #tpu.memory_space<semaphore_mem>>
        %dma_start3A = arith.constant 384 : i32
        %dma_start3A_42 = arith.constant 0 : i32
        %dma_start3A_43 = tpu.memref_slice %arg7[%dma_start3A, %dma_start3A_42] : memref<2048x32xf32, #tpu.memory_space<vmem>> -> memref<128x32xf32, #tpu.memory_space<vmem>>
        %dma_start3A_44 = arith.constant 0 : i32
        %dma_start3A_45 = tpu.memref_slice %arg6[%run_scoped3A_28, %dma_start3A_44] : memref<16x128xi32, #tpu.memory_space<vmem>> -> memref<1x128xi32, #tpu.memory_space<vmem>>
        %dma_start3A_46 = tpu.memref_squeeze %dma_start3A_45 : memref<1x128xi32, #tpu.memory_space<vmem>> -> memref<128xi32, #tpu.memory_space<vmem>>
        %dma_start3A_47 = arith.constant 0 : i32
        %dma_start3A_48 = arith.constant 0 : i32
        %dma_start3A_49 = tpu.memref_slice %arg8[%dma_start3A_47, %dma_start3A_48] : memref<10240x32xf32, #tpu.memory_space<vmem_shared>> -> memref<10240x32xf32, #tpu.memory_space<vmem_shared>>
        tpu.enqueue_indirect_dma source(%dma_start3A_43 : memref<128x32xf32, #tpu.memory_space<vmem>>) target(%dma_start3A_49 : memref<10240x32xf32, #tpu.memory_space<vmem_shared>>) offsets(%dma_start3A_46 : memref<128xi32, #tpu.memory_space<vmem>>) semaphore(%run_scoped3A_41 : memref<!tpu.dma_semaphore, #tpu.memory_space<semaphore_mem>>) {add = true}
        %dma_wait3A = arith.constant 384 : i32
        %dma_wait3A_50 = arith.constant 0 : i32
        %dma_wait3A_51 = tpu.memref_slice %arg7[%dma_wait3A, %dma_wait3A_50] : memref<2048x32xf32, #tpu.memory_space<vmem>> -> memref<128x32xf32, #tpu.memory_space<vmem>>
        %dma_wait3A_52 = arith.constant 0 : i32
        %dma_wait3A_53 = tpu.memref_slice %arg6[%run_scoped3A_28, %dma_wait3A_52] : memref<16x128xi32, #tpu.memory_space<vmem>> -> memref<1x128xi32, #tpu.memory_space<vmem>>
        %dma_wait3A_54 = tpu.memref_squeeze %dma_wait3A_53 : memref<1x128xi32, #tpu.memory_space<vmem>> -> memref<128xi32, #tpu.memory_space<vmem>>
        %dma_wait3A_55 = arith.constant 0 : i32
        %dma_wait3A_56 = arith.constant 0 : i32
        %dma_wait3A_57 = tpu.memref_slice %arg8[%dma_wait3A_55, %dma_wait3A_56] : memref<10240x32xf32, #tpu.memory_space<vmem_shared>> -> memref<10240x32xf32, #tpu.memory_space<vmem_shared>>
        tpu.wait_indirect_dma semaphore(%run_scoped3A_41 : memref<!tpu.dma_semaphore, #tpu.memory_space<semaphore_mem>>) src(%dma_wait3A_51 : memref<128x32xf32, #tpu.memory_space<vmem>>) dst(%dma_wait3A_57 : memref<10240x32xf32, #tpu.memory_space<vmem_shared>>)
        tpu.yield
      }) : () -> ()
      %run_scoped3A_29 = arith.constant 4 : i32
      "tpu.region"() ({
        %run_scoped3A_41 = tpu.sem_alloc : memref<!tpu.dma_semaphore, #tpu.memory_space<semaphore_mem>>
        %dma_start3A = arith.constant 512 : i32
        %dma_start3A_42 = arith.constant 0 : i32
        %dma_start3A_43 = tpu.memref_slice %arg7[%dma_start3A, %dma_start3A_42] : memref<2048x32xf32, #tpu.memory_space<vmem>> -> memref<128x32xf32, #tpu.memory_space<vmem>>
        %dma_start3A_44 = arith.constant 0 : i32
        %dma_start3A_45 = tpu.memref_slice %arg6[%run_scoped3A_29, %dma_start3A_44] : memref<16x128xi32, #tpu.memory_space<vmem>> -> memref<1x128xi32, #tpu.memory_space<vmem>>
        %dma_start3A_46 = tpu.memref_squeeze %dma_start3A_45 : memref<1x128xi32, #tpu.memory_space<vmem>> -> memref<128xi32, #tpu.memory_space<vmem>>
        %dma_start3A_47 = arith.constant 0 : i32
        %dma_start3A_48 = arith.constant 0 : i32
        %dma_start3A_49 = tpu.memref_slice %arg8[%dma_start3A_47, %dma_start3A_48] : memref<10240x32xf32, #tpu.memory_space<vmem_shared>> -> memref<10240x32xf32, #tpu.memory_space<vmem_shared>>
        tpu.enqueue_indirect_dma source(%dma_start3A_43 : memref<128x32xf32, #tpu.memory_space<vmem>>) target(%dma_start3A_49 : memref<10240x32xf32, #tpu.memory_space<vmem_shared>>) offsets(%dma_start3A_46 : memref<128xi32, #tpu.memory_space<vmem>>) semaphore(%run_scoped3A_41 : memref<!tpu.dma_semaphore, #tpu.memory_space<semaphore_mem>>) {add = true}
        %dma_wait3A = arith.constant 512 : i32
        %dma_wait3A_50 = arith.constant 0 : i32
        %dma_wait3A_51 = tpu.memref_slice %arg7[%dma_wait3A, %dma_wait3A_50] : memref<2048x32xf32, #tpu.memory_space<vmem>> -> memref<128x32xf32, #tpu.memory_space<vmem>>
        %dma_wait3A_52 = arith.constant 0 : i32
        %dma_wait3A_53 = tpu.memref_slice %arg6[%run_scoped3A_29, %dma_wait3A_52] : memref<16x128xi32, #tpu.memory_space<vmem>> -> memref<1x128xi32, #tpu.memory_space<vmem>>
        %dma_wait3A_54 = tpu.memref_squeeze %dma_wait3A_53 : memref<1x128xi32, #tpu.memory_space<vmem>> -> memref<128xi32, #tpu.memory_space<vmem>>
        %dma_wait3A_55 = arith.constant 0 : i32
        %dma_wait3A_56 = arith.constant 0 : i32
        %dma_wait3A_57 = tpu.memref_slice %arg8[%dma_wait3A_55, %dma_wait3A_56] : memref<10240x32xf32, #tpu.memory_space<vmem_shared>> -> memref<10240x32xf32, #tpu.memory_space<vmem_shared>>
        tpu.wait_indirect_dma semaphore(%run_scoped3A_41 : memref<!tpu.dma_semaphore, #tpu.memory_space<semaphore_mem>>) src(%dma_wait3A_51 : memref<128x32xf32, #tpu.memory_space<vmem>>) dst(%dma_wait3A_57 : memref<10240x32xf32, #tpu.memory_space<vmem_shared>>)
        tpu.yield
      }) : () -> ()
      %run_scoped3A_30 = arith.constant 5 : i32
      "tpu.region"() ({
        %run_scoped3A_41 = tpu.sem_alloc : memref<!tpu.dma_semaphore, #tpu.memory_space<semaphore_mem>>
        %dma_start3A = arith.constant 640 : i32
        %dma_start3A_42 = arith.constant 0 : i32
        %dma_start3A_43 = tpu.memref_slice %arg7[%dma_start3A, %dma_start3A_42] : memref<2048x32xf32, #tpu.memory_space<vmem>> -> memref<128x32xf32, #tpu.memory_space<vmem>>
        %dma_start3A_44 = arith.constant 0 : i32
        %dma_start3A_45 = tpu.memref_slice %arg6[%run_scoped3A_30, %dma_start3A_44] : memref<16x128xi32, #tpu.memory_space<vmem>> -> memref<1x128xi32, #tpu.memory_space<vmem>>
        %dma_start3A_46 = tpu.memref_squeeze %dma_start3A_45 : memref<1x128xi32, #tpu.memory_space<vmem>> -> memref<128xi32, #tpu.memory_space<vmem>>
        %dma_start3A_47 = arith.constant 0 : i32
        %dma_start3A_48 = arith.constant 0 : i32
        %dma_start3A_49 = tpu.memref_slice %arg8[%dma_start3A_47, %dma_start3A_48] : memref<10240x32xf32, #tpu.memory_space<vmem_shared>> -> memref<10240x32xf32, #tpu.memory_space<vmem_shared>>
        tpu.enqueue_indirect_dma source(%dma_start3A_43 : memref<128x32xf32, #tpu.memory_space<vmem>>) target(%dma_start3A_49 : memref<10240x32xf32, #tpu.memory_space<vmem_shared>>) offsets(%dma_start3A_46 : memref<128xi32, #tpu.memory_space<vmem>>) semaphore(%run_scoped3A_41 : memref<!tpu.dma_semaphore, #tpu.memory_space<semaphore_mem>>) {add = true}
        %dma_wait3A = arith.constant 640 : i32
        %dma_wait3A_50 = arith.constant 0 : i32
        %dma_wait3A_51 = tpu.memref_slice %arg7[%dma_wait3A, %dma_wait3A_50] : memref<2048x32xf32, #tpu.memory_space<vmem>> -> memref<128x32xf32, #tpu.memory_space<vmem>>
        %dma_wait3A_52 = arith.constant 0 : i32
        %dma_wait3A_53 = tpu.memref_slice %arg6[%run_scoped3A_30, %dma_wait3A_52] : memref<16x128xi32, #tpu.memory_space<vmem>> -> memref<1x128xi32, #tpu.memory_space<vmem>>
        %dma_wait3A_54 = tpu.memref_squeeze %dma_wait3A_53 : memref<1x128xi32, #tpu.memory_space<vmem>> -> memref<128xi32, #tpu.memory_space<vmem>>
        %dma_wait3A_55 = arith.constant 0 : i32
        %dma_wait3A_56 = arith.constant 0 : i32
        %dma_wait3A_57 = tpu.memref_slice %arg8[%dma_wait3A_55, %dma_wait3A_56] : memref<10240x32xf32, #tpu.memory_space<vmem_shared>> -> memref<10240x32xf32, #tpu.memory_space<vmem_shared>>
        tpu.wait_indirect_dma semaphore(%run_scoped3A_41 : memref<!tpu.dma_semaphore, #tpu.memory_space<semaphore_mem>>) src(%dma_wait3A_51 : memref<128x32xf32, #tpu.memory_space<vmem>>) dst(%dma_wait3A_57 : memref<10240x32xf32, #tpu.memory_space<vmem_shared>>)
        tpu.yield
      }) : () -> ()
      %run_scoped3A_31 = arith.constant 6 : i32
      "tpu.region"() ({
        %run_scoped3A_41 = tpu.sem_alloc : memref<!tpu.dma_semaphore, #tpu.memory_space<semaphore_mem>>
        %dma_start3A = arith.constant 768 : i32
        %dma_start3A_42 = arith.constant 0 : i32
        %dma_start3A_43 = tpu.memref_slice %arg7[%dma_start3A, %dma_start3A_42] : memref<2048x32xf32, #tpu.memory_space<vmem>> -> memref<128x32xf32, #tpu.memory_space<vmem>>
        %dma_start3A_44 = arith.constant 0 : i32
        %dma_start3A_45 = tpu.memref_slice %arg6[%run_scoped3A_31, %dma_start3A_44] : memref<16x128xi32, #tpu.memory_space<vmem>> -> memref<1x128xi32, #tpu.memory_space<vmem>>
        %dma_start3A_46 = tpu.memref_squeeze %dma_start3A_45 : memref<1x128xi32, #tpu.memory_space<vmem>> -> memref<128xi32, #tpu.memory_space<vmem>>
        %dma_start3A_47 = arith.constant 0 : i32
        %dma_start3A_48 = arith.constant 0 : i32
        %dma_start3A_49 = tpu.memref_slice %arg8[%dma_start3A_47, %dma_start3A_48] : memref<10240x32xf32, #tpu.memory_space<vmem_shared>> -> memref<10240x32xf32, #tpu.memory_space<vmem_shared>>
        tpu.enqueue_indirect_dma source(%dma_start3A_43 : memref<128x32xf32, #tpu.memory_space<vmem>>) target(%dma_start3A_49 : memref<10240x32xf32, #tpu.memory_space<vmem_shared>>) offsets(%dma_start3A_46 : memref<128xi32, #tpu.memory_space<vmem>>) semaphore(%run_scoped3A_41 : memref<!tpu.dma_semaphore, #tpu.memory_space<semaphore_mem>>) {add = true}
        %dma_wait3A = arith.constant 768 : i32
        %dma_wait3A_50 = arith.constant 0 : i32
        %dma_wait3A_51 = tpu.memref_slice %arg7[%dma_wait3A, %dma_wait3A_50] : memref<2048x32xf32, #tpu.memory_space<vmem>> -> memref<128x32xf32, #tpu.memory_space<vmem>>
        %dma_wait3A_52 = arith.constant 0 : i32
        %dma_wait3A_53 = tpu.memref_slice %arg6[%run_scoped3A_31, %dma_wait3A_52] : memref<16x128xi32, #tpu.memory_space<vmem>> -> memref<1x128xi32, #tpu.memory_space<vmem>>
        %dma_wait3A_54 = tpu.memref_squeeze %dma_wait3A_53 : memref<1x128xi32, #tpu.memory_space<vmem>> -> memref<128xi32, #tpu.memory_space<vmem>>
        %dma_wait3A_55 = arith.constant 0 : i32
        %dma_wait3A_56 = arith.constant 0 : i32
        %dma_wait3A_57 = tpu.memref_slice %arg8[%dma_wait3A_55, %dma_wait3A_56] : memref<10240x32xf32, #tpu.memory_space<vmem_shared>> -> memref<10240x32xf32, #tpu.memory_space<vmem_shared>>
        tpu.wait_indirect_dma semaphore(%run_scoped3A_41 : memref<!tpu.dma_semaphore, #tpu.memory_space<semaphore_mem>>) src(%dma_wait3A_51 : memref<128x32xf32, #tpu.memory_space<vmem>>) dst(%dma_wait3A_57 : memref<10240x32xf32, #tpu.memory_space<vmem_shared>>)
        tpu.yield
      }) : () -> ()
      %run_scoped3A_32 = arith.constant 7 : i32
      "tpu.region"() ({
        %run_scoped3A_41 = tpu.sem_alloc : memref<!tpu.dma_semaphore, #tpu.memory_space<semaphore_mem>>
        %dma_start3A = arith.constant 896 : i32
        %dma_start3A_42 = arith.constant 0 : i32
        %dma_start3A_43 = tpu.memref_slice %arg7[%dma_start3A, %dma_start3A_42] : memref<2048x32xf32, #tpu.memory_space<vmem>> -> memref<128x32xf32, #tpu.memory_space<vmem>>
        %dma_start3A_44 = arith.constant 0 : i32
        %dma_start3A_45 = tpu.memref_slice %arg6[%run_scoped3A_32, %dma_start3A_44] : memref<16x128xi32, #tpu.memory_space<vmem>> -> memref<1x128xi32, #tpu.memory_space<vmem>>
        %dma_start3A_46 = tpu.memref_squeeze %dma_start3A_45 : memref<1x128xi32, #tpu.memory_space<vmem>> -> memref<128xi32, #tpu.memory_space<vmem>>
        %dma_start3A_47 = arith.constant 0 : i32
        %dma_start3A_48 = arith.constant 0 : i32
        %dma_start3A_49 = tpu.memref_slice %arg8[%dma_start3A_47, %dma_start3A_48] : memref<10240x32xf32, #tpu.memory_space<vmem_shared>> -> memref<10240x32xf32, #tpu.memory_space<vmem_shared>>
        tpu.enqueue_indirect_dma source(%dma_start3A_43 : memref<128x32xf32, #tpu.memory_space<vmem>>) target(%dma_start3A_49 : memref<10240x32xf32, #tpu.memory_space<vmem_shared>>) offsets(%dma_start3A_46 : memref<128xi32, #tpu.memory_space<vmem>>) semaphore(%run_scoped3A_41 : memref<!tpu.dma_semaphore, #tpu.memory_space<semaphore_mem>>) {add = true}
        %dma_wait3A = arith.constant 896 : i32
        %dma_wait3A_50 = arith.constant 0 : i32
        %dma_wait3A_51 = tpu.memref_slice %arg7[%dma_wait3A, %dma_wait3A_50] : memref<2048x32xf32, #tpu.memory_space<vmem>> -> memref<128x32xf32, #tpu.memory_space<vmem>>
        %dma_wait3A_52 = arith.constant 0 : i32
        %dma_wait3A_53 = tpu.memref_slice %arg6[%run_scoped3A_32, %dma_wait3A_52] : memref<16x128xi32, #tpu.memory_space<vmem>> -> memref<1x128xi32, #tpu.memory_space<vmem>>
        %dma_wait3A_54 = tpu.memref_squeeze %dma_wait3A_53 : memref<1x128xi32, #tpu.memory_space<vmem>> -> memref<128xi32, #tpu.memory_space<vmem>>
        %dma_wait3A_55 = arith.constant 0 : i32
        %dma_wait3A_56 = arith.constant 0 : i32
        %dma_wait3A_57 = tpu.memref_slice %arg8[%dma_wait3A_55, %dma_wait3A_56] : memref<10240x32xf32, #tpu.memory_space<vmem_shared>> -> memref<10240x32xf32, #tpu.memory_space<vmem_shared>>
        tpu.wait_indirect_dma semaphore(%run_scoped3A_41 : memref<!tpu.dma_semaphore, #tpu.memory_space<semaphore_mem>>) src(%dma_wait3A_51 : memref<128x32xf32, #tpu.memory_space<vmem>>) dst(%dma_wait3A_57 : memref<10240x32xf32, #tpu.memory_space<vmem_shared>>)
        tpu.yield
      }) : () -> ()
      %run_scoped3A_33 = arith.constant 8 : i32
      "tpu.region"() ({
        %run_scoped3A_41 = tpu.sem_alloc : memref<!tpu.dma_semaphore, #tpu.memory_space<semaphore_mem>>
        %dma_start3A = arith.constant 1024 : i32
        %dma_start3A_42 = arith.constant 0 : i32
        %dma_start3A_43 = tpu.memref_slice %arg7[%dma_start3A, %dma_start3A_42] : memref<2048x32xf32, #tpu.memory_space<vmem>> -> memref<128x32xf32, #tpu.memory_space<vmem>>
        %dma_start3A_44 = arith.constant 0 : i32
        %dma_start3A_45 = tpu.memref_slice %arg6[%run_scoped3A_33, %dma_start3A_44] : memref<16x128xi32, #tpu.memory_space<vmem>> -> memref<1x128xi32, #tpu.memory_space<vmem>>
        %dma_start3A_46 = tpu.memref_squeeze %dma_start3A_45 : memref<1x128xi32, #tpu.memory_space<vmem>> -> memref<128xi32, #tpu.memory_space<vmem>>
        %dma_start3A_47 = arith.constant 0 : i32
        %dma_start3A_48 = arith.constant 0 : i32
        %dma_start3A_49 = tpu.memref_slice %arg8[%dma_start3A_47, %dma_start3A_48] : memref<10240x32xf32, #tpu.memory_space<vmem_shared>> -> memref<10240x32xf32, #tpu.memory_space<vmem_shared>>
        tpu.enqueue_indirect_dma source(%dma_start3A_43 : memref<128x32xf32, #tpu.memory_space<vmem>>) target(%dma_start3A_49 : memref<10240x32xf32, #tpu.memory_space<vmem_shared>>) offsets(%dma_start3A_46 : memref<128xi32, #tpu.memory_space<vmem>>) semaphore(%run_scoped3A_41 : memref<!tpu.dma_semaphore, #tpu.memory_space<semaphore_mem>>) {add = true}
        %dma_wait3A = arith.constant 1024 : i32
        %dma_wait3A_50 = arith.constant 0 : i32
        %dma_wait3A_51 = tpu.memref_slice %arg7[%dma_wait3A, %dma_wait3A_50] : memref<2048x32xf32, #tpu.memory_space<vmem>> -> memref<128x32xf32, #tpu.memory_space<vmem>>
        %dma_wait3A_52 = arith.constant 0 : i32
        %dma_wait3A_53 = tpu.memref_slice %arg6[%run_scoped3A_33, %dma_wait3A_52] : memref<16x128xi32, #tpu.memory_space<vmem>> -> memref<1x128xi32, #tpu.memory_space<vmem>>
        %dma_wait3A_54 = tpu.memref_squeeze %dma_wait3A_53 : memref<1x128xi32, #tpu.memory_space<vmem>> -> memref<128xi32, #tpu.memory_space<vmem>>
        %dma_wait3A_55 = arith.constant 0 : i32
        %dma_wait3A_56 = arith.constant 0 : i32
        %dma_wait3A_57 = tpu.memref_slice %arg8[%dma_wait3A_55, %dma_wait3A_56] : memref<10240x32xf32, #tpu.memory_space<vmem_shared>> -> memref<10240x32xf32, #tpu.memory_space<vmem_shared>>
        tpu.wait_indirect_dma semaphore(%run_scoped3A_41 : memref<!tpu.dma_semaphore, #tpu.memory_space<semaphore_mem>>) src(%dma_wait3A_51 : memref<128x32xf32, #tpu.memory_space<vmem>>) dst(%dma_wait3A_57 : memref<10240x32xf32, #tpu.memory_space<vmem_shared>>)
        tpu.yield
      }) : () -> ()
      %run_scoped3A_34 = arith.constant 9 : i32
      "tpu.region"() ({
        %run_scoped3A_41 = tpu.sem_alloc : memref<!tpu.dma_semaphore, #tpu.memory_space<semaphore_mem>>
        %dma_start3A = arith.constant 1152 : i32
        %dma_start3A_42 = arith.constant 0 : i32
        %dma_start3A_43 = tpu.memref_slice %arg7[%dma_start3A, %dma_start3A_42] : memref<2048x32xf32, #tpu.memory_space<vmem>> -> memref<128x32xf32, #tpu.memory_space<vmem>>
        %dma_start3A_44 = arith.constant 0 : i32
        %dma_start3A_45 = tpu.memref_slice %arg6[%run_scoped3A_34, %dma_start3A_44] : memref<16x128xi32, #tpu.memory_space<vmem>> -> memref<1x128xi32, #tpu.memory_space<vmem>>
        %dma_start3A_46 = tpu.memref_squeeze %dma_start3A_45 : memref<1x128xi32, #tpu.memory_space<vmem>> -> memref<128xi32, #tpu.memory_space<vmem>>
        %dma_start3A_47 = arith.constant 0 : i32
        %dma_start3A_48 = arith.constant 0 : i32
        %dma_start3A_49 = tpu.memref_slice %arg8[%dma_start3A_47, %dma_start3A_48] : memref<10240x32xf32, #tpu.memory_space<vmem_shared>> -> memref<10240x32xf32, #tpu.memory_space<vmem_shared>>
        tpu.enqueue_indirect_dma source(%dma_start3A_43 : memref<128x32xf32, #tpu.memory_space<vmem>>) target(%dma_start3A_49 : memref<10240x32xf32, #tpu.memory_space<vmem_shared>>) offsets(%dma_start3A_46 : memref<128xi32, #tpu.memory_space<vmem>>) semaphore(%run_scoped3A_41 : memref<!tpu.dma_semaphore, #tpu.memory_space<semaphore_mem>>) {add = true}
        %dma_wait3A = arith.constant 1152 : i32
        %dma_wait3A_50 = arith.constant 0 : i32
        %dma_wait3A_51 = tpu.memref_slice %arg7[%dma_wait3A, %dma_wait3A_50] : memref<2048x32xf32, #tpu.memory_space<vmem>> -> memref<128x32xf32, #tpu.memory_space<vmem>>
        %dma_wait3A_52 = arith.constant 0 : i32
        %dma_wait3A_53 = tpu.memref_slice %arg6[%run_scoped3A_34, %dma_wait3A_52] : memref<16x128xi32, #tpu.memory_space<vmem>> -> memref<1x128xi32, #tpu.memory_space<vmem>>
        %dma_wait3A_54 = tpu.memref_squeeze %dma_wait3A_53 : memref<1x128xi32, #tpu.memory_space<vmem>> -> memref<128xi32, #tpu.memory_space<vmem>>
        %dma_wait3A_55 = arith.constant 0 : i32
        %dma_wait3A_56 = arith.constant 0 : i32
        %dma_wait3A_57 = tpu.memref_slice %arg8[%dma_wait3A_55, %dma_wait3A_56] : memref<10240x32xf32, #tpu.memory_space<vmem_shared>> -> memref<10240x32xf32, #tpu.memory_space<vmem_shared>>
        tpu.wait_indirect_dma semaphore(%run_scoped3A_41 : memref<!tpu.dma_semaphore, #tpu.memory_space<semaphore_mem>>) src(%dma_wait3A_51 : memref<128x32xf32, #tpu.memory_space<vmem>>) dst(%dma_wait3A_57 : memref<10240x32xf32, #tpu.memory_space<vmem_shared>>)
        tpu.yield
      }) : () -> ()
      %run_scoped3A_35 = arith.constant 10 : i32
      "tpu.region"() ({
        %run_scoped3A_41 = tpu.sem_alloc : memref<!tpu.dma_semaphore, #tpu.memory_space<semaphore_mem>>
        %dma_start3A = arith.constant 1280 : i32
        %dma_start3A_42 = arith.constant 0 : i32
        %dma_start3A_43 = tpu.memref_slice %arg7[%dma_start3A, %dma_start3A_42] : memref<2048x32xf32, #tpu.memory_space<vmem>> -> memref<128x32xf32, #tpu.memory_space<vmem>>
        %dma_start3A_44 = arith.constant 0 : i32
        %dma_start3A_45 = tpu.memref_slice %arg6[%run_scoped3A_35, %dma_start3A_44] : memref<16x128xi32, #tpu.memory_space<vmem>> -> memref<1x128xi32, #tpu.memory_space<vmem>>
        %dma_start3A_46 = tpu.memref_squeeze %dma_start3A_45 : memref<1x128xi32, #tpu.memory_space<vmem>> -> memref<128xi32, #tpu.memory_space<vmem>>
        %dma_start3A_47 = arith.constant 0 : i32
        %dma_start3A_48 = arith.constant 0 : i32
        %dma_start3A_49 = tpu.memref_slice %arg8[%dma_start3A_47, %dma_start3A_48] : memref<10240x32xf32, #tpu.memory_space<vmem_shared>> -> memref<10240x32xf32, #tpu.memory_space<vmem_shared>>
        tpu.enqueue_indirect_dma source(%dma_start3A_43 : memref<128x32xf32, #tpu.memory_space<vmem>>) target(%dma_start3A_49 : memref<10240x32xf32, #tpu.memory_space<vmem_shared>>) offsets(%dma_start3A_46 : memref<128xi32, #tpu.memory_space<vmem>>) semaphore(%run_scoped3A_41 : memref<!tpu.dma_semaphore, #tpu.memory_space<semaphore_mem>>) {add = true}
        %dma_wait3A = arith.constant 1280 : i32
        %dma_wait3A_50 = arith.constant 0 : i32
        %dma_wait3A_51 = tpu.memref_slice %arg7[%dma_wait3A, %dma_wait3A_50] : memref<2048x32xf32, #tpu.memory_space<vmem>> -> memref<128x32xf32, #tpu.memory_space<vmem>>
        %dma_wait3A_52 = arith.constant 0 : i32
        %dma_wait3A_53 = tpu.memref_slice %arg6[%run_scoped3A_35, %dma_wait3A_52] : memref<16x128xi32, #tpu.memory_space<vmem>> -> memref<1x128xi32, #tpu.memory_space<vmem>>
        %dma_wait3A_54 = tpu.memref_squeeze %dma_wait3A_53 : memref<1x128xi32, #tpu.memory_space<vmem>> -> memref<128xi32, #tpu.memory_space<vmem>>
        %dma_wait3A_55 = arith.constant 0 : i32
        %dma_wait3A_56 = arith.constant 0 : i32
        %dma_wait3A_57 = tpu.memref_slice %arg8[%dma_wait3A_55, %dma_wait3A_56] : memref<10240x32xf32, #tpu.memory_space<vmem_shared>> -> memref<10240x32xf32, #tpu.memory_space<vmem_shared>>
        tpu.wait_indirect_dma semaphore(%run_scoped3A_41 : memref<!tpu.dma_semaphore, #tpu.memory_space<semaphore_mem>>) src(%dma_wait3A_51 : memref<128x32xf32, #tpu.memory_space<vmem>>) dst(%dma_wait3A_57 : memref<10240x32xf32, #tpu.memory_space<vmem_shared>>)
        tpu.yield
      }) : () -> ()
      %run_scoped3A_36 = arith.constant 11 : i32
      "tpu.region"() ({
        %run_scoped3A_41 = tpu.sem_alloc : memref<!tpu.dma_semaphore, #tpu.memory_space<semaphore_mem>>
        %dma_start3A = arith.constant 1408 : i32
        %dma_start3A_42 = arith.constant 0 : i32
        %dma_start3A_43 = tpu.memref_slice %arg7[%dma_start3A, %dma_start3A_42] : memref<2048x32xf32, #tpu.memory_space<vmem>> -> memref<128x32xf32, #tpu.memory_space<vmem>>
        %dma_start3A_44 = arith.constant 0 : i32
        %dma_start3A_45 = tpu.memref_slice %arg6[%run_scoped3A_36, %dma_start3A_44] : memref<16x128xi32, #tpu.memory_space<vmem>> -> memref<1x128xi32, #tpu.memory_space<vmem>>
        %dma_start3A_46 = tpu.memref_squeeze %dma_start3A_45 : memref<1x128xi32, #tpu.memory_space<vmem>> -> memref<128xi32, #tpu.memory_space<vmem>>
        %dma_start3A_47 = arith.constant 0 : i32
        %dma_start3A_48 = arith.constant 0 : i32
        %dma_start3A_49 = tpu.memref_slice %arg8[%dma_start3A_47, %dma_start3A_48] : memref<10240x32xf32, #tpu.memory_space<vmem_shared>> -> memref<10240x32xf32, #tpu.memory_space<vmem_shared>>
        tpu.enqueue_indirect_dma source(%dma_start3A_43 : memref<128x32xf32, #tpu.memory_space<vmem>>) target(%dma_start3A_49 : memref<10240x32xf32, #tpu.memory_space<vmem_shared>>) offsets(%dma_start3A_46 : memref<128xi32, #tpu.memory_space<vmem>>) semaphore(%run_scoped3A_41 : memref<!tpu.dma_semaphore, #tpu.memory_space<semaphore_mem>>) {add = true}
        %dma_wait3A = arith.constant 1408 : i32
        %dma_wait3A_50 = arith.constant 0 : i32
        %dma_wait3A_51 = tpu.memref_slice %arg7[%dma_wait3A, %dma_wait3A_50] : memref<2048x32xf32, #tpu.memory_space<vmem>> -> memref<128x32xf32, #tpu.memory_space<vmem>>
        %dma_wait3A_52 = arith.constant 0 : i32
        %dma_wait3A_53 = tpu.memref_slice %arg6[%run_scoped3A_36, %dma_wait3A_52] : memref<16x128xi32, #tpu.memory_space<vmem>> -> memref<1x128xi32, #tpu.memory_space<vmem>>
        %dma_wait3A_54 = tpu.memref_squeeze %dma_wait3A_53 : memref<1x128xi32, #tpu.memory_space<vmem>> -> memref<128xi32, #tpu.memory_space<vmem>>
        %dma_wait3A_55 = arith.constant 0 : i32
        %dma_wait3A_56 = arith.constant 0 : i32
        %dma_wait3A_57 = tpu.memref_slice %arg8[%dma_wait3A_55, %dma_wait3A_56] : memref<10240x32xf32, #tpu.memory_space<vmem_shared>> -> memref<10240x32xf32, #tpu.memory_space<vmem_shared>>
        tpu.wait_indirect_dma semaphore(%run_scoped3A_41 : memref<!tpu.dma_semaphore, #tpu.memory_space<semaphore_mem>>) src(%dma_wait3A_51 : memref<128x32xf32, #tpu.memory_space<vmem>>) dst(%dma_wait3A_57 : memref<10240x32xf32, #tpu.memory_space<vmem_shared>>)
        tpu.yield
      }) : () -> ()
      %run_scoped3A_37 = arith.constant 12 : i32
      "tpu.region"() ({
        %run_scoped3A_41 = tpu.sem_alloc : memref<!tpu.dma_semaphore, #tpu.memory_space<semaphore_mem>>
        %dma_start3A = arith.constant 1536 : i32
        %dma_start3A_42 = arith.constant 0 : i32
        %dma_start3A_43 = tpu.memref_slice %arg7[%dma_start3A, %dma_start3A_42] : memref<2048x32xf32, #tpu.memory_space<vmem>> -> memref<128x32xf32, #tpu.memory_space<vmem>>
        %dma_start3A_44 = arith.constant 0 : i32
        %dma_start3A_45 = tpu.memref_slice %arg6[%run_scoped3A_37, %dma_start3A_44] : memref<16x128xi32, #tpu.memory_space<vmem>> -> memref<1x128xi32, #tpu.memory_space<vmem>>
        %dma_start3A_46 = tpu.memref_squeeze %dma_start3A_45 : memref<1x128xi32, #tpu.memory_space<vmem>> -> memref<128xi32, #tpu.memory_space<vmem>>
        %dma_start3A_47 = arith.constant 0 : i32
        %dma_start3A_48 = arith.constant 0 : i32
        %dma_start3A_49 = tpu.memref_slice %arg8[%dma_start3A_47, %dma_start3A_48] : memref<10240x32xf32, #tpu.memory_space<vmem_shared>> -> memref<10240x32xf32, #tpu.memory_space<vmem_shared>>
        tpu.enqueue_indirect_dma source(%dma_start3A_43 : memref<128x32xf32, #tpu.memory_space<vmem>>) target(%dma_start3A_49 : memref<10240x32xf32, #tpu.memory_space<vmem_shared>>) offsets(%dma_start3A_46 : memref<128xi32, #tpu.memory_space<vmem>>) semaphore(%run_scoped3A_41 : memref<!tpu.dma_semaphore, #tpu.memory_space<semaphore_mem>>) {add = true}
        %dma_wait3A = arith.constant 1536 : i32
        %dma_wait3A_50 = arith.constant 0 : i32
        %dma_wait3A_51 = tpu.memref_slice %arg7[%dma_wait3A, %dma_wait3A_50] : memref<2048x32xf32, #tpu.memory_space<vmem>> -> memref<128x32xf32, #tpu.memory_space<vmem>>
        %dma_wait3A_52 = arith.constant 0 : i32
        %dma_wait3A_53 = tpu.memref_slice %arg6[%run_scoped3A_37, %dma_wait3A_52] : memref<16x128xi32, #tpu.memory_space<vmem>> -> memref<1x128xi32, #tpu.memory_space<vmem>>
        %dma_wait3A_54 = tpu.memref_squeeze %dma_wait3A_53 : memref<1x128xi32, #tpu.memory_space<vmem>> -> memref<128xi32, #tpu.memory_space<vmem>>
        %dma_wait3A_55 = arith.constant 0 : i32
        %dma_wait3A_56 = arith.constant 0 : i32
        %dma_wait3A_57 = tpu.memref_slice %arg8[%dma_wait3A_55, %dma_wait3A_56] : memref<10240x32xf32, #tpu.memory_space<vmem_shared>> -> memref<10240x32xf32, #tpu.memory_space<vmem_shared>>
        tpu.wait_indirect_dma semaphore(%run_scoped3A_41 : memref<!tpu.dma_semaphore, #tpu.memory_space<semaphore_mem>>) src(%dma_wait3A_51 : memref<128x32xf32, #tpu.memory_space<vmem>>) dst(%dma_wait3A_57 : memref<10240x32xf32, #tpu.memory_space<vmem_shared>>)
        tpu.yield
      }) : () -> ()
      %run_scoped3A_38 = arith.constant 13 : i32
      "tpu.region"() ({
        %run_scoped3A_41 = tpu.sem_alloc : memref<!tpu.dma_semaphore, #tpu.memory_space<semaphore_mem>>
        %dma_start3A = arith.constant 1664 : i32
        %dma_start3A_42 = arith.constant 0 : i32
        %dma_start3A_43 = tpu.memref_slice %arg7[%dma_start3A, %dma_start3A_42] : memref<2048x32xf32, #tpu.memory_space<vmem>> -> memref<128x32xf32, #tpu.memory_space<vmem>>
        %dma_start3A_44 = arith.constant 0 : i32
        %dma_start3A_45 = tpu.memref_slice %arg6[%run_scoped3A_38, %dma_start3A_44] : memref<16x128xi32, #tpu.memory_space<vmem>> -> memref<1x128xi32, #tpu.memory_space<vmem>>
        %dma_start3A_46 = tpu.memref_squeeze %dma_start3A_45 : memref<1x128xi32, #tpu.memory_space<vmem>> -> memref<128xi32, #tpu.memory_space<vmem>>
        %dma_start3A_47 = arith.constant 0 : i32
        %dma_start3A_48 = arith.constant 0 : i32
        %dma_start3A_49 = tpu.memref_slice %arg8[%dma_start3A_47, %dma_start3A_48] : memref<10240x32xf32, #tpu.memory_space<vmem_shared>> -> memref<10240x32xf32, #tpu.memory_space<vmem_shared>>
        tpu.enqueue_indirect_dma source(%dma_start3A_43 : memref<128x32xf32, #tpu.memory_space<vmem>>) target(%dma_start3A_49 : memref<10240x32xf32, #tpu.memory_space<vmem_shared>>) offsets(%dma_start3A_46 : memref<128xi32, #tpu.memory_space<vmem>>) semaphore(%run_scoped3A_41 : memref<!tpu.dma_semaphore, #tpu.memory_space<semaphore_mem>>) {add = true}
        %dma_wait3A = arith.constant 1664 : i32
        %dma_wait3A_50 = arith.constant 0 : i32
        %dma_wait3A_51 = tpu.memref_slice %arg7[%dma_wait3A, %dma_wait3A_50] : memref<2048x32xf32, #tpu.memory_space<vmem>> -> memref<128x32xf32, #tpu.memory_space<vmem>>
        %dma_wait3A_52 = arith.constant 0 : i32
        %dma_wait3A_53 = tpu.memref_slice %arg6[%run_scoped3A_38, %dma_wait3A_52] : memref<16x128xi32, #tpu.memory_space<vmem>> -> memref<1x128xi32, #tpu.memory_space<vmem>>
        %dma_wait3A_54 = tpu.memref_squeeze %dma_wait3A_53 : memref<1x128xi32, #tpu.memory_space<vmem>> -> memref<128xi32, #tpu.memory_space<vmem>>
        %dma_wait3A_55 = arith.constant 0 : i32
        %dma_wait3A_56 = arith.constant 0 : i32
        %dma_wait3A_57 = tpu.memref_slice %arg8[%dma_wait3A_55, %dma_wait3A_56] : memref<10240x32xf32, #tpu.memory_space<vmem_shared>> -> memref<10240x32xf32, #tpu.memory_space<vmem_shared>>
        tpu.wait_indirect_dma semaphore(%run_scoped3A_41 : memref<!tpu.dma_semaphore, #tpu.memory_space<semaphore_mem>>) src(%dma_wait3A_51 : memref<128x32xf32, #tpu.memory_space<vmem>>) dst(%dma_wait3A_57 : memref<10240x32xf32, #tpu.memory_space<vmem_shared>>)
        tpu.yield
      }) : () -> ()
      %run_scoped3A_39 = arith.constant 14 : i32
      "tpu.region"() ({
        %run_scoped3A_41 = tpu.sem_alloc : memref<!tpu.dma_semaphore, #tpu.memory_space<semaphore_mem>>
        %dma_start3A = arith.constant 1792 : i32
        %dma_start3A_42 = arith.constant 0 : i32
        %dma_start3A_43 = tpu.memref_slice %arg7[%dma_start3A, %dma_start3A_42] : memref<2048x32xf32, #tpu.memory_space<vmem>> -> memref<128x32xf32, #tpu.memory_space<vmem>>
        %dma_start3A_44 = arith.constant 0 : i32
        %dma_start3A_45 = tpu.memref_slice %arg6[%run_scoped3A_39, %dma_start3A_44] : memref<16x128xi32, #tpu.memory_space<vmem>> -> memref<1x128xi32, #tpu.memory_space<vmem>>
        %dma_start3A_46 = tpu.memref_squeeze %dma_start3A_45 : memref<1x128xi32, #tpu.memory_space<vmem>> -> memref<128xi32, #tpu.memory_space<vmem>>
        %dma_start3A_47 = arith.constant 0 : i32
        %dma_start3A_48 = arith.constant 0 : i32
        %dma_start3A_49 = tpu.memref_slice %arg8[%dma_start3A_47, %dma_start3A_48] : memref<10240x32xf32, #tpu.memory_space<vmem_shared>> -> memref<10240x32xf32, #tpu.memory_space<vmem_shared>>
        tpu.enqueue_indirect_dma source(%dma_start3A_43 : memref<128x32xf32, #tpu.memory_space<vmem>>) target(%dma_start3A_49 : memref<10240x32xf32, #tpu.memory_space<vmem_shared>>) offsets(%dma_start3A_46 : memref<128xi32, #tpu.memory_space<vmem>>) semaphore(%run_scoped3A_41 : memref<!tpu.dma_semaphore, #tpu.memory_space<semaphore_mem>>) {add = true}
        %dma_wait3A = arith.constant 1792 : i32
        %dma_wait3A_50 = arith.constant 0 : i32
        %dma_wait3A_51 = tpu.memref_slice %arg7[%dma_wait3A, %dma_wait3A_50] : memref<2048x32xf32, #tpu.memory_space<vmem>> -> memref<128x32xf32, #tpu.memory_space<vmem>>
        %dma_wait3A_52 = arith.constant 0 : i32
        %dma_wait3A_53 = tpu.memref_slice %arg6[%run_scoped3A_39, %dma_wait3A_52] : memref<16x128xi32, #tpu.memory_space<vmem>> -> memref<1x128xi32, #tpu.memory_space<vmem>>
        %dma_wait3A_54 = tpu.memref_squeeze %dma_wait3A_53 : memref<1x128xi32, #tpu.memory_space<vmem>> -> memref<128xi32, #tpu.memory_space<vmem>>
        %dma_wait3A_55 = arith.constant 0 : i32
        %dma_wait3A_56 = arith.constant 0 : i32
        %dma_wait3A_57 = tpu.memref_slice %arg8[%dma_wait3A_55, %dma_wait3A_56] : memref<10240x32xf32, #tpu.memory_space<vmem_shared>> -> memref<10240x32xf32, #tpu.memory_space<vmem_shared>>
        tpu.wait_indirect_dma semaphore(%run_scoped3A_41 : memref<!tpu.dma_semaphore, #tpu.memory_space<semaphore_mem>>) src(%dma_wait3A_51 : memref<128x32xf32, #tpu.memory_space<vmem>>) dst(%dma_wait3A_57 : memref<10240x32xf32, #tpu.memory_space<vmem_shared>>)
        tpu.yield
      }) : () -> ()
      %run_scoped3A_40 = arith.constant 15 : i32
      "tpu.region"() ({
        %run_scoped3A_41 = tpu.sem_alloc : memref<!tpu.dma_semaphore, #tpu.memory_space<semaphore_mem>>
        %dma_start3A = arith.constant 1920 : i32
        %dma_start3A_42 = arith.constant 0 : i32
        %dma_start3A_43 = tpu.memref_slice %arg7[%dma_start3A, %dma_start3A_42] : memref<2048x32xf32, #tpu.memory_space<vmem>> -> memref<128x32xf32, #tpu.memory_space<vmem>>
        %dma_start3A_44 = arith.constant 0 : i32
        %dma_start3A_45 = tpu.memref_slice %arg6[%run_scoped3A_40, %dma_start3A_44] : memref<16x128xi32, #tpu.memory_space<vmem>> -> memref<1x128xi32, #tpu.memory_space<vmem>>
        %dma_start3A_46 = tpu.memref_squeeze %dma_start3A_45 : memref<1x128xi32, #tpu.memory_space<vmem>> -> memref<128xi32, #tpu.memory_space<vmem>>
        %dma_start3A_47 = arith.constant 0 : i32
        %dma_start3A_48 = arith.constant 0 : i32
        %dma_start3A_49 = tpu.memref_slice %arg8[%dma_start3A_47, %dma_start3A_48] : memref<10240x32xf32, #tpu.memory_space<vmem_shared>> -> memref<10240x32xf32, #tpu.memory_space<vmem_shared>>
        tpu.enqueue_indirect_dma source(%dma_start3A_43 : memref<128x32xf32, #tpu.memory_space<vmem>>) target(%dma_start3A_49 : memref<10240x32xf32, #tpu.memory_space<vmem_shared>>) offsets(%dma_start3A_46 : memref<128xi32, #tpu.memory_space<vmem>>) semaphore(%run_scoped3A_41 : memref<!tpu.dma_semaphore, #tpu.memory_space<semaphore_mem>>) {add = true}
        %dma_wait3A = arith.constant 1920 : i32
        %dma_wait3A_50 = arith.constant 0 : i32
        %dma_wait3A_51 = tpu.memref_slice %arg7[%dma_wait3A, %dma_wait3A_50] : memref<2048x32xf32, #tpu.memory_space<vmem>> -> memref<128x32xf32, #tpu.memory_space<vmem>>
        %dma_wait3A_52 = arith.constant 0 : i32
        %dma_wait3A_53 = tpu.memref_slice %arg6[%run_scoped3A_40, %dma_wait3A_52] : memref<16x128xi32, #tpu.memory_space<vmem>> -> memref<1x128xi32, #tpu.memory_space<vmem>>
        %dma_wait3A_54 = tpu.memref_squeeze %dma_wait3A_53 : memref<1x128xi32, #tpu.memory_space<vmem>> -> memref<128xi32, #tpu.memory_space<vmem>>
        %dma_wait3A_55 = arith.constant 0 : i32
        %dma_wait3A_56 = arith.constant 0 : i32
        %dma_wait3A_57 = tpu.memref_slice %arg8[%dma_wait3A_55, %dma_wait3A_56] : memref<10240x32xf32, #tpu.memory_space<vmem_shared>> -> memref<10240x32xf32, #tpu.memory_space<vmem_shared>>
        tpu.wait_indirect_dma semaphore(%run_scoped3A_41 : memref<!tpu.dma_semaphore, #tpu.memory_space<semaphore_mem>>) src(%dma_wait3A_51 : memref<128x32xf32, #tpu.memory_space<vmem>>) dst(%dma_wait3A_57 : memref<10240x32xf32, #tpu.memory_space<vmem_shared>>)
        tpu.yield
      }) : () -> ()
    }
    %scan3A_9 = arith.constant 5 : i32
    %barrier3A_10 = arith.constant 0 : index
    tpu.barrier barrier_id(%barrier3A_10)
    %mul3A_11 = arith.constant 640 : i32
    %mul3A_12 = arith.muli %arg1, %mul3A_11 : i32
    %mul3A_13 = arith.constant 640 : i32
    %mul3A_14 = arith.muli %arg1, %mul3A_13 : i32
    "tpu.region"() ({
      %run_scoped3A = tpu.sem_alloc : memref<!tpu.dma_semaphore, #tpu.memory_space<semaphore_mem>>
      %dma_start3A = arith.constant 0 : i32
      %dma_start3A_15 = arith.constant 0 : i32
      %dma_start3A_16 = tpu.memref_slice %arg5[%arg0, %dma_start3A, %dma_start3A_15] : memref<2x10240x32xf32, #tpu.memory_space<hbm>> -> memref<1x10240x32xf32, #tpu.memory_space<hbm>>
      %dma_start3A_17 = tpu.memref_squeeze %dma_start3A_16 : memref<1x10240x32xf32, #tpu.memory_space<hbm>> -> memref<10240x32xf32, #tpu.memory_space<hbm>>
      %dma_start3A_18 = arith.constant 0 : i32
      %dma_start3A_19 = tpu.memref_slice %dma_start3A_17[%mul3A_14, %dma_start3A_18] : memref<10240x32xf32, #tpu.memory_space<hbm>> -> memref<640x32xf32, #tpu.memory_space<hbm>>
      %dma_start3A_20 = arith.constant 0 : i32
      %dma_start3A_21 = tpu.memref_slice %arg8[%mul3A_12, %dma_start3A_20] : memref<10240x32xf32, #tpu.memory_space<vmem_shared>> -> memref<640x32xf32, #tpu.memory_space<vmem_shared>>
      tpu.enqueue_dma source(%dma_start3A_21 : memref<640x32xf32, #tpu.memory_space<vmem_shared>>) target(%dma_start3A_19 : memref<640x32xf32, #tpu.memory_space<hbm>>) target_semaphore(%run_scoped3A : memref<!tpu.dma_semaphore, #tpu.memory_space<semaphore_mem>>)
      %dma_wait3A = arith.constant 0 : i32
      %dma_wait3A_22 = arith.constant 0 : i32
      %dma_wait3A_23 = tpu.memref_slice %arg5[%arg0, %dma_wait3A, %dma_wait3A_22] : memref<2x10240x32xf32, #tpu.memory_space<hbm>> -> memref<1x10240x32xf32, #tpu.memory_space<hbm>>
      %dma_wait3A_24 = tpu.memref_squeeze %dma_wait3A_23 : memref<1x10240x32xf32, #tpu.memory_space<hbm>> -> memref<10240x32xf32, #tpu.memory_space<hbm>>
      %dma_wait3A_25 = arith.constant 0 : i32
      %dma_wait3A_26 = tpu.memref_slice %dma_wait3A_24[%mul3A_14, %dma_wait3A_25] : memref<10240x32xf32, #tpu.memory_space<hbm>> -> memref<640x32xf32, #tpu.memory_space<hbm>>
      %dma_wait3A_27 = arith.constant 0 : i32
      %dma_wait3A_28 = tpu.memref_slice %arg8[%mul3A_12, %dma_wait3A_27] : memref<10240x32xf32, #tpu.memory_space<vmem_shared>> -> memref<640x32xf32, #tpu.memory_space<vmem_shared>>
      tpu.wait_dma2 semaphore(%run_scoped3A : memref<!tpu.dma_semaphore, #tpu.memory_space<semaphore_mem>>) src(%dma_wait3A_28 : memref<640x32xf32, #tpu.memory_space<vmem_shared>>) dst(%dma_wait3A_26 : memref<640x32xf32, #tpu.memory_space<hbm>>)
      tpu.yield
    }) : () -> ()
    return
  }
}

#map = affine_map<(d0, d1) -> (0, 0)>
#map1 = affine_map<(d0, d1) -> (0, 0, 0)>
module attributes {stable_mosaic.version = 14 : i64} {
  func.func @sc_scatter_msg0(%arg0: i32, %arg1: i32, %arg2: memref<327680x32xf32, #tpu.memory_space<hbm>>, %arg3: memref<2560x128xi32, #tpu.memory_space<hbm>>, %arg4: memref<10240x32xf32, #tpu.memory_space<hbm>>, %arg5: memref<2x10240x32xf32, #tpu.memory_space<hbm>>, %arg6: memref<16x128xi32, #tpu.memory_space<vmem>>, %arg7: memref<2048x32xf32, #tpu.memory_space<vmem>>, %arg8: memref<10240x32xf32, #tpu.memory_space<vmem_shared>>, %arg9: memref<!tpu.dma_semaphore, #tpu.memory_space<semaphore_mem>>) attributes {dimension_semantics = [#tpu.dimension_semantics<core_parallel>, #tpu.dimension_semantics<subcore_parallel>], iteration_bounds = array<i64: 2, 16>, scalar_prefetch = 0 : i64, scratch_operands = 4 : i64, tpu.core_type = #tpu.core_type<sc_vector_subcore>, window_params = [{transform_indices = #map}, {transform_indices = #map}, {transform_indices = #map}, {transform_indices = #map1}]} {
    %mul3A = arith.constant 2 : i32
    %mul3A_0 = arith.muli %arg1, %mul3A : i32
    %add3A = arith.addi %mul3A_0, %arg0 : i32
    %mul3A_1 = arith.constant 640 : i32
    %mul3A_2 = arith.muli %arg1, %mul3A_1 : i32
    %mul3A_3 = arith.constant 640 : i32
    %mul3A_4 = arith.muli %arg1, %mul3A_3 : i32
    "tpu.region"() ({
      %run_scoped3A = tpu.sem_alloc : memref<!tpu.dma_semaphore, #tpu.memory_space<semaphore_mem>>
      %dma_start3A = arith.constant 0 : i32
      %dma_start3A_15 = tpu.memref_slice %arg8[%mul3A_4, %dma_start3A] : memref<10240x32xf32, #tpu.memory_space<vmem_shared>> -> memref<640x32xf32, #tpu.memory_space<vmem_shared>>
      %dma_start3A_16 = arith.constant 0 : i32
      %dma_start3A_17 = tpu.memref_slice %arg4[%mul3A_2, %dma_start3A_16] : memref<10240x32xf32, #tpu.memory_space<hbm>> -> memref<640x32xf32, #tpu.memory_space<hbm>>
      tpu.enqueue_dma source(%dma_start3A_17 : memref<640x32xf32, #tpu.memory_space<hbm>>) target(%dma_start3A_15 : memref<640x32xf32, #tpu.memory_space<vmem_shared>>) target_semaphore(%run_scoped3A : memref<!tpu.dma_semaphore, #tpu.memory_space<semaphore_mem>>)
      %dma_wait3A = arith.constant 0 : i32
      %dma_wait3A_18 = tpu.memref_slice %arg8[%mul3A_4, %dma_wait3A] : memref<10240x32xf32, #tpu.memory_space<vmem_shared>> -> memref<640x32xf32, #tpu.memory_space<vmem_shared>>
      %dma_wait3A_19 = arith.constant 0 : i32
      %dma_wait3A_20 = tpu.memref_slice %arg4[%mul3A_2, %dma_wait3A_19] : memref<10240x32xf32, #tpu.memory_space<hbm>> -> memref<640x32xf32, #tpu.memory_space<hbm>>
      tpu.wait_dma2 semaphore(%run_scoped3A : memref<!tpu.dma_semaphore, #tpu.memory_space<semaphore_mem>>) src(%dma_wait3A_20 : memref<640x32xf32, #tpu.memory_space<hbm>>) dst(%dma_wait3A_18 : memref<640x32xf32, #tpu.memory_space<vmem_shared>>)
      tpu.yield
    }) : () -> ()
    %barrier3A = arith.constant 0 : index
    tpu.barrier barrier_id(%barrier3A)
    %scan3A = arith.constant 0 : i32
    %scan3A_5 = arith.constant 0 : i32
    %scan3A_6 = arith.constant 5 : i32
    %scan3A_7 = arith.addi %scan3A_5, %scan3A_6 : i32
    %scan3A_8 = arith.constant 1 : i32
    scf.for %scan3A_15 = %scan3A_5 to %scan3A_7 step %scan3A_8  : i32 {
      %mul3A_16 = arith.constant 5 : i32
      %mul3A_17 = arith.muli %add3A, %mul3A_16 : i32
      %add3A_18 = arith.addi %mul3A_17, %scan3A_15 : i32
      %mul3A_19 = arith.constant 16 : i32
      %mul3A_20 = arith.muli %add3A_18, %mul3A_19 : i32
      %mul3A_21 = arith.constant 5 : i32
      %mul3A_22 = arith.muli %add3A, %mul3A_21 : i32
      %add3A_23 = arith.addi %mul3A_22, %scan3A_15 : i32
      %mul3A_24 = arith.constant 2048 : i32
      %mul3A_25 = arith.muli %add3A_23, %mul3A_24 : i32
      "tpu.region"() ({
        %run_scoped3A_41 = tpu.sem_alloc : memref<!tpu.dma_semaphore, #tpu.memory_space<semaphore_mem>>
        %dma_start3A = arith.constant 0 : i32
        %dma_start3A_42 = tpu.memref_slice %arg3[%mul3A_20, %dma_start3A] : memref<2560x128xi32, #tpu.memory_space<hbm>> -> memref<16x128xi32, #tpu.memory_space<hbm>>
        %dma_start3A_43 = arith.constant 0 : i32
        %dma_start3A_44 = tpu.memref_slice %arg3[%mul3A_20, %dma_start3A_43] : memref<2560x128xi32, #tpu.memory_space<hbm>> -> memref<16x128xi32, #tpu.memory_space<hbm>>
        tpu.enqueue_dma source(%dma_start3A_44 : memref<16x128xi32, #tpu.memory_space<hbm>>) target(%arg6 : memref<16x128xi32, #tpu.memory_space<vmem>>) target_semaphore(%run_scoped3A_41 : memref<!tpu.dma_semaphore, #tpu.memory_space<semaphore_mem>>)
        %dma_wait3A = arith.constant 0 : i32
        %dma_wait3A_45 = tpu.memref_slice %arg3[%mul3A_20, %dma_wait3A] : memref<2560x128xi32, #tpu.memory_space<hbm>> -> memref<16x128xi32, #tpu.memory_space<hbm>>
        %dma_wait3A_46 = arith.constant 0 : i32
        %dma_wait3A_47 = tpu.memref_slice %arg3[%mul3A_20, %dma_wait3A_46] : memref<2560x128xi32, #tpu.memory_space<hbm>> -> memref<16x128xi32, #tpu.memory_space<hbm>>
        tpu.wait_dma2 semaphore(%run_scoped3A_41 : memref<!tpu.dma_semaphore, #tpu.memory_space<semaphore_mem>>) src(%dma_wait3A_47 : memref<16x128xi32, #tpu.memory_space<hbm>>) dst(%arg6 : memref<16x128xi32, #tpu.memory_space<vmem>>)
        tpu.yield
      }) : () -> ()
      "tpu.region"() ({
        %run_scoped3A_41 = tpu.sem_alloc : memref<!tpu.dma_semaphore, #tpu.memory_space<semaphore_mem>>
        %dma_start3A = arith.constant 0 : i32
        %dma_start3A_42 = tpu.memref_slice %arg2[%mul3A_25, %dma_start3A] : memref<327680x32xf32, #tpu.memory_space<hbm>> -> memref<2048x32xf32, #tpu.memory_space<hbm>>
        %dma_start3A_43 = arith.constant 0 : i32
        %dma_start3A_44 = tpu.memref_slice %arg2[%mul3A_25, %dma_start3A_43] : memref<327680x32xf32, #tpu.memory_space<hbm>> -> memref<2048x32xf32, #tpu.memory_space<hbm>>
        tpu.enqueue_dma source(%dma_start3A_44 : memref<2048x32xf32, #tpu.memory_space<hbm>>) target(%arg7 : memref<2048x32xf32, #tpu.memory_space<vmem>>) target_semaphore(%run_scoped3A_41 : memref<!tpu.dma_semaphore, #tpu.memory_space<semaphore_mem>>)
        %dma_wait3A = arith.constant 0 : i32
        %dma_wait3A_45 = tpu.memref_slice %arg2[%mul3A_25, %dma_wait3A] : memref<327680x32xf32, #tpu.memory_space<hbm>> -> memref<2048x32xf32, #tpu.memory_space<hbm>>
        %dma_wait3A_46 = arith.constant 0 : i32
        %dma_wait3A_47 = tpu.memref_slice %arg2[%mul3A_25, %dma_wait3A_46] : memref<327680x32xf32, #tpu.memory_space<hbm>> -> memref<2048x32xf32, #tpu.memory_space<hbm>>
        tpu.wait_dma2 semaphore(%run_scoped3A_41 : memref<!tpu.dma_semaphore, #tpu.memory_space<semaphore_mem>>) src(%dma_wait3A_47 : memref<2048x32xf32, #tpu.memory_space<hbm>>) dst(%arg7 : memref<2048x32xf32, #tpu.memory_space<vmem>>)
        tpu.yield
      }) : () -> ()
      %run_scoped3A = arith.constant 0 : i32
      "tpu.region"() ({
        %run_scoped3A_41 = tpu.sem_alloc : memref<!tpu.dma_semaphore, #tpu.memory_space<semaphore_mem>>
        %dma_start3A = arith.constant 0 : i32
        %dma_start3A_42 = arith.constant 0 : i32
        %dma_start3A_43 = tpu.memref_slice %arg7[%dma_start3A, %dma_start3A_42] : memref<2048x32xf32, #tpu.memory_space<vmem>> -> memref<128x32xf32, #tpu.memory_space<vmem>>
        %dma_start3A_44 = arith.constant 0 : i32
        %dma_start3A_45 = tpu.memref_slice %arg6[%run_scoped3A, %dma_start3A_44] : memref<16x128xi32, #tpu.memory_space<vmem>> -> memref<1x128xi32, #tpu.memory_space<vmem>>
        %dma_start3A_46 = tpu.memref_squeeze %dma_start3A_45 : memref<1x128xi32, #tpu.memory_space<vmem>> -> memref<128xi32, #tpu.memory_space<vmem>>
        %dma_start3A_47 = arith.constant 0 : i32
        %dma_start3A_48 = arith.constant 0 : i32
        %dma_start3A_49 = tpu.memref_slice %arg8[%dma_start3A_47, %dma_start3A_48] : memref<10240x32xf32, #tpu.memory_space<vmem_shared>> -> memref<10240x32xf32, #tpu.memory_space<vmem_shared>>
        tpu.enqueue_indirect_dma source(%dma_start3A_43 : memref<128x32xf32, #tpu.memory_space<vmem>>) target(%dma_start3A_49 : memref<10240x32xf32, #tpu.memory_space<vmem_shared>>) offsets(%dma_start3A_46 : memref<128xi32, #tpu.memory_space<vmem>>) semaphore(%run_scoped3A_41 : memref<!tpu.dma_semaphore, #tpu.memory_space<semaphore_mem>>) {add = true}
        %dma_wait3A = arith.constant 0 : i32
        %dma_wait3A_50 = arith.constant 0 : i32
        %dma_wait3A_51 = tpu.memref_slice %arg7[%dma_wait3A, %dma_wait3A_50] : memref<2048x32xf32, #tpu.memory_space<vmem>> -> memref<128x32xf32, #tpu.memory_space<vmem>>
        %dma_wait3A_52 = arith.constant 0 : i32
        %dma_wait3A_53 = tpu.memref_slice %arg6[%run_scoped3A, %dma_wait3A_52] : memref<16x128xi32, #tpu.memory_space<vmem>> -> memref<1x128xi32, #tpu.memory_space<vmem>>
        %dma_wait3A_54 = tpu.memref_squeeze %dma_wait3A_53 : memref<1x128xi32, #tpu.memory_space<vmem>> -> memref<128xi32, #tpu.memory_space<vmem>>
        %dma_wait3A_55 = arith.constant 0 : i32
        %dma_wait3A_56 = arith.constant 0 : i32
        %dma_wait3A_57 = tpu.memref_slice %arg8[%dma_wait3A_55, %dma_wait3A_56] : memref<10240x32xf32, #tpu.memory_space<vmem_shared>> -> memref<10240x32xf32, #tpu.memory_space<vmem_shared>>
        tpu.wait_indirect_dma semaphore(%run_scoped3A_41 : memref<!tpu.dma_semaphore, #tpu.memory_space<semaphore_mem>>) src(%dma_wait3A_51 : memref<128x32xf32, #tpu.memory_space<vmem>>) dst(%dma_wait3A_57 : memref<10240x32xf32, #tpu.memory_space<vmem_shared>>)
        tpu.yield
      }) : () -> ()
      %run_scoped3A_26 = arith.constant 1 : i32
      "tpu.region"() ({
        %run_scoped3A_41 = tpu.sem_alloc : memref<!tpu.dma_semaphore, #tpu.memory_space<semaphore_mem>>
        %dma_start3A = arith.constant 128 : i32
        %dma_start3A_42 = arith.constant 0 : i32
        %dma_start3A_43 = tpu.memref_slice %arg7[%dma_start3A, %dma_start3A_42] : memref<2048x32xf32, #tpu.memory_space<vmem>> -> memref<128x32xf32, #tpu.memory_space<vmem>>
        %dma_start3A_44 = arith.constant 0 : i32
        %dma_start3A_45 = tpu.memref_slice %arg6[%run_scoped3A_26, %dma_start3A_44] : memref<16x128xi32, #tpu.memory_space<vmem>> -> memref<1x128xi32, #tpu.memory_space<vmem>>
        %dma_start3A_46 = tpu.memref_squeeze %dma_start3A_45 : memref<1x128xi32, #tpu.memory_space<vmem>> -> memref<128xi32, #tpu.memory_space<vmem>>
        %dma_start3A_47 = arith.constant 0 : i32
        %dma_start3A_48 = arith.constant 0 : i32
        %dma_start3A_49 = tpu.memref_slice %arg8[%dma_start3A_47, %dma_start3A_48] : memref<10240x32xf32, #tpu.memory_space<vmem_shared>> -> memref<10240x32xf32, #tpu.memory_space<vmem_shared>>
        tpu.enqueue_indirect_dma source(%dma_start3A_43 : memref<128x32xf32, #tpu.memory_space<vmem>>) target(%dma_start3A_49 : memref<10240x32xf32, #tpu.memory_space<vmem_shared>>) offsets(%dma_start3A_46 : memref<128xi32, #tpu.memory_space<vmem>>) semaphore(%run_scoped3A_41 : memref<!tpu.dma_semaphore, #tpu.memory_space<semaphore_mem>>) {add = true}
        %dma_wait3A = arith.constant 128 : i32
        %dma_wait3A_50 = arith.constant 0 : i32
        %dma_wait3A_51 = tpu.memref_slice %arg7[%dma_wait3A, %dma_wait3A_50] : memref<2048x32xf32, #tpu.memory_space<vmem>> -> memref<128x32xf32, #tpu.memory_space<vmem>>
        %dma_wait3A_52 = arith.constant 0 : i32
        %dma_wait3A_53 = tpu.memref_slice %arg6[%run_scoped3A_26, %dma_wait3A_52] : memref<16x128xi32, #tpu.memory_space<vmem>> -> memref<1x128xi32, #tpu.memory_space<vmem>>
        %dma_wait3A_54 = tpu.memref_squeeze %dma_wait3A_53 : memref<1x128xi32, #tpu.memory_space<vmem>> -> memref<128xi32, #tpu.memory_space<vmem>>
        %dma_wait3A_55 = arith.constant 0 : i32
        %dma_wait3A_56 = arith.constant 0 : i32
        %dma_wait3A_57 = tpu.memref_slice %arg8[%dma_wait3A_55, %dma_wait3A_56] : memref<10240x32xf32, #tpu.memory_space<vmem_shared>> -> memref<10240x32xf32, #tpu.memory_space<vmem_shared>>
        tpu.wait_indirect_dma semaphore(%run_scoped3A_41 : memref<!tpu.dma_semaphore, #tpu.memory_space<semaphore_mem>>) src(%dma_wait3A_51 : memref<128x32xf32, #tpu.memory_space<vmem>>) dst(%dma_wait3A_57 : memref<10240x32xf32, #tpu.memory_space<vmem_shared>>)
        tpu.yield
      }) : () -> ()
      %run_scoped3A_27 = arith.constant 2 : i32
      "tpu.region"() ({
        %run_scoped3A_41 = tpu.sem_alloc : memref<!tpu.dma_semaphore, #tpu.memory_space<semaphore_mem>>
        %dma_start3A = arith.constant 256 : i32
        %dma_start3A_42 = arith.constant 0 : i32
        %dma_start3A_43 = tpu.memref_slice %arg7[%dma_start3A, %dma_start3A_42] : memref<2048x32xf32, #tpu.memory_space<vmem>> -> memref<128x32xf32, #tpu.memory_space<vmem>>
        %dma_start3A_44 = arith.constant 0 : i32
        %dma_start3A_45 = tpu.memref_slice %arg6[%run_scoped3A_27, %dma_start3A_44] : memref<16x128xi32, #tpu.memory_space<vmem>> -> memref<1x128xi32, #tpu.memory_space<vmem>>
        %dma_start3A_46 = tpu.memref_squeeze %dma_start3A_45 : memref<1x128xi32, #tpu.memory_space<vmem>> -> memref<128xi32, #tpu.memory_space<vmem>>
        %dma_start3A_47 = arith.constant 0 : i32
        %dma_start3A_48 = arith.constant 0 : i32
        %dma_start3A_49 = tpu.memref_slice %arg8[%dma_start3A_47, %dma_start3A_48] : memref<10240x32xf32, #tpu.memory_space<vmem_shared>> -> memref<10240x32xf32, #tpu.memory_space<vmem_shared>>
        tpu.enqueue_indirect_dma source(%dma_start3A_43 : memref<128x32xf32, #tpu.memory_space<vmem>>) target(%dma_start3A_49 : memref<10240x32xf32, #tpu.memory_space<vmem_shared>>) offsets(%dma_start3A_46 : memref<128xi32, #tpu.memory_space<vmem>>) semaphore(%run_scoped3A_41 : memref<!tpu.dma_semaphore, #tpu.memory_space<semaphore_mem>>) {add = true}
        %dma_wait3A = arith.constant 256 : i32
        %dma_wait3A_50 = arith.constant 0 : i32
        %dma_wait3A_51 = tpu.memref_slice %arg7[%dma_wait3A, %dma_wait3A_50] : memref<2048x32xf32, #tpu.memory_space<vmem>> -> memref<128x32xf32, #tpu.memory_space<vmem>>
        %dma_wait3A_52 = arith.constant 0 : i32
        %dma_wait3A_53 = tpu.memref_slice %arg6[%run_scoped3A_27, %dma_wait3A_52] : memref<16x128xi32, #tpu.memory_space<vmem>> -> memref<1x128xi32, #tpu.memory_space<vmem>>
        %dma_wait3A_54 = tpu.memref_squeeze %dma_wait3A_53 : memref<1x128xi32, #tpu.memory_space<vmem>> -> memref<128xi32, #tpu.memory_space<vmem>>
        %dma_wait3A_55 = arith.constant 0 : i32
        %dma_wait3A_56 = arith.constant 0 : i32
        %dma_wait3A_57 = tpu.memref_slice %arg8[%dma_wait3A_55, %dma_wait3A_56] : memref<10240x32xf32, #tpu.memory_space<vmem_shared>> -> memref<10240x32xf32, #tpu.memory_space<vmem_shared>>
        tpu.wait_indirect_dma semaphore(%run_scoped3A_41 : memref<!tpu.dma_semaphore, #tpu.memory_space<semaphore_mem>>) src(%dma_wait3A_51 : memref<128x32xf32, #tpu.memory_space<vmem>>) dst(%dma_wait3A_57 : memref<10240x32xf32, #tpu.memory_space<vmem_shared>>)
        tpu.yield
      }) : () -> ()
      %run_scoped3A_28 = arith.constant 3 : i32
      "tpu.region"() ({
        %run_scoped3A_41 = tpu.sem_alloc : memref<!tpu.dma_semaphore, #tpu.memory_space<semaphore_mem>>
        %dma_start3A = arith.constant 384 : i32
        %dma_start3A_42 = arith.constant 0 : i32
        %dma_start3A_43 = tpu.memref_slice %arg7[%dma_start3A, %dma_start3A_42] : memref<2048x32xf32, #tpu.memory_space<vmem>> -> memref<128x32xf32, #tpu.memory_space<vmem>>
        %dma_start3A_44 = arith.constant 0 : i32
        %dma_start3A_45 = tpu.memref_slice %arg6[%run_scoped3A_28, %dma_start3A_44] : memref<16x128xi32, #tpu.memory_space<vmem>> -> memref<1x128xi32, #tpu.memory_space<vmem>>
        %dma_start3A_46 = tpu.memref_squeeze %dma_start3A_45 : memref<1x128xi32, #tpu.memory_space<vmem>> -> memref<128xi32, #tpu.memory_space<vmem>>
        %dma_start3A_47 = arith.constant 0 : i32
        %dma_start3A_48 = arith.constant 0 : i32
        %dma_start3A_49 = tpu.memref_slice %arg8[%dma_start3A_47, %dma_start3A_48] : memref<10240x32xf32, #tpu.memory_space<vmem_shared>> -> memref<10240x32xf32, #tpu.memory_space<vmem_shared>>
        tpu.enqueue_indirect_dma source(%dma_start3A_43 : memref<128x32xf32, #tpu.memory_space<vmem>>) target(%dma_start3A_49 : memref<10240x32xf32, #tpu.memory_space<vmem_shared>>) offsets(%dma_start3A_46 : memref<128xi32, #tpu.memory_space<vmem>>) semaphore(%run_scoped3A_41 : memref<!tpu.dma_semaphore, #tpu.memory_space<semaphore_mem>>) {add = true}
        %dma_wait3A = arith.constant 384 : i32
        %dma_wait3A_50 = arith.constant 0 : i32
        %dma_wait3A_51 = tpu.memref_slice %arg7[%dma_wait3A, %dma_wait3A_50] : memref<2048x32xf32, #tpu.memory_space<vmem>> -> memref<128x32xf32, #tpu.memory_space<vmem>>
        %dma_wait3A_52 = arith.constant 0 : i32
        %dma_wait3A_53 = tpu.memref_slice %arg6[%run_scoped3A_28, %dma_wait3A_52] : memref<16x128xi32, #tpu.memory_space<vmem>> -> memref<1x128xi32, #tpu.memory_space<vmem>>
        %dma_wait3A_54 = tpu.memref_squeeze %dma_wait3A_53 : memref<1x128xi32, #tpu.memory_space<vmem>> -> memref<128xi32, #tpu.memory_space<vmem>>
        %dma_wait3A_55 = arith.constant 0 : i32
        %dma_wait3A_56 = arith.constant 0 : i32
        %dma_wait3A_57 = tpu.memref_slice %arg8[%dma_wait3A_55, %dma_wait3A_56] : memref<10240x32xf32, #tpu.memory_space<vmem_shared>> -> memref<10240x32xf32, #tpu.memory_space<vmem_shared>>
        tpu.wait_indirect_dma semaphore(%run_scoped3A_41 : memref<!tpu.dma_semaphore, #tpu.memory_space<semaphore_mem>>) src(%dma_wait3A_51 : memref<128x32xf32, #tpu.memory_space<vmem>>) dst(%dma_wait3A_57 : memref<10240x32xf32, #tpu.memory_space<vmem_shared>>)
        tpu.yield
      }) : () -> ()
      %run_scoped3A_29 = arith.constant 4 : i32
      "tpu.region"() ({
        %run_scoped3A_41 = tpu.sem_alloc : memref<!tpu.dma_semaphore, #tpu.memory_space<semaphore_mem>>
        %dma_start3A = arith.constant 512 : i32
        %dma_start3A_42 = arith.constant 0 : i32
        %dma_start3A_43 = tpu.memref_slice %arg7[%dma_start3A, %dma_start3A_42] : memref<2048x32xf32, #tpu.memory_space<vmem>> -> memref<128x32xf32, #tpu.memory_space<vmem>>
        %dma_start3A_44 = arith.constant 0 : i32
        %dma_start3A_45 = tpu.memref_slice %arg6[%run_scoped3A_29, %dma_start3A_44] : memref<16x128xi32, #tpu.memory_space<vmem>> -> memref<1x128xi32, #tpu.memory_space<vmem>>
        %dma_start3A_46 = tpu.memref_squeeze %dma_start3A_45 : memref<1x128xi32, #tpu.memory_space<vmem>> -> memref<128xi32, #tpu.memory_space<vmem>>
        %dma_start3A_47 = arith.constant 0 : i32
        %dma_start3A_48 = arith.constant 0 : i32
        %dma_start3A_49 = tpu.memref_slice %arg8[%dma_start3A_47, %dma_start3A_48] : memref<10240x32xf32, #tpu.memory_space<vmem_shared>> -> memref<10240x32xf32, #tpu.memory_space<vmem_shared>>
        tpu.enqueue_indirect_dma source(%dma_start3A_43 : memref<128x32xf32, #tpu.memory_space<vmem>>) target(%dma_start3A_49 : memref<10240x32xf32, #tpu.memory_space<vmem_shared>>) offsets(%dma_start3A_46 : memref<128xi32, #tpu.memory_space<vmem>>) semaphore(%run_scoped3A_41 : memref<!tpu.dma_semaphore, #tpu.memory_space<semaphore_mem>>) {add = true}
        %dma_wait3A = arith.constant 512 : i32
        %dma_wait3A_50 = arith.constant 0 : i32
        %dma_wait3A_51 = tpu.memref_slice %arg7[%dma_wait3A, %dma_wait3A_50] : memref<2048x32xf32, #tpu.memory_space<vmem>> -> memref<128x32xf32, #tpu.memory_space<vmem>>
        %dma_wait3A_52 = arith.constant 0 : i32
        %dma_wait3A_53 = tpu.memref_slice %arg6[%run_scoped3A_29, %dma_wait3A_52] : memref<16x128xi32, #tpu.memory_space<vmem>> -> memref<1x128xi32, #tpu.memory_space<vmem>>
        %dma_wait3A_54 = tpu.memref_squeeze %dma_wait3A_53 : memref<1x128xi32, #tpu.memory_space<vmem>> -> memref<128xi32, #tpu.memory_space<vmem>>
        %dma_wait3A_55 = arith.constant 0 : i32
        %dma_wait3A_56 = arith.constant 0 : i32
        %dma_wait3A_57 = tpu.memref_slice %arg8[%dma_wait3A_55, %dma_wait3A_56] : memref<10240x32xf32, #tpu.memory_space<vmem_shared>> -> memref<10240x32xf32, #tpu.memory_space<vmem_shared>>
        tpu.wait_indirect_dma semaphore(%run_scoped3A_41 : memref<!tpu.dma_semaphore, #tpu.memory_space<semaphore_mem>>) src(%dma_wait3A_51 : memref<128x32xf32, #tpu.memory_space<vmem>>) dst(%dma_wait3A_57 : memref<10240x32xf32, #tpu.memory_space<vmem_shared>>)
        tpu.yield
      }) : () -> ()
      %run_scoped3A_30 = arith.constant 5 : i32
      "tpu.region"() ({
        %run_scoped3A_41 = tpu.sem_alloc : memref<!tpu.dma_semaphore, #tpu.memory_space<semaphore_mem>>
        %dma_start3A = arith.constant 640 : i32
        %dma_start3A_42 = arith.constant 0 : i32
        %dma_start3A_43 = tpu.memref_slice %arg7[%dma_start3A, %dma_start3A_42] : memref<2048x32xf32, #tpu.memory_space<vmem>> -> memref<128x32xf32, #tpu.memory_space<vmem>>
        %dma_start3A_44 = arith.constant 0 : i32
        %dma_start3A_45 = tpu.memref_slice %arg6[%run_scoped3A_30, %dma_start3A_44] : memref<16x128xi32, #tpu.memory_space<vmem>> -> memref<1x128xi32, #tpu.memory_space<vmem>>
        %dma_start3A_46 = tpu.memref_squeeze %dma_start3A_45 : memref<1x128xi32, #tpu.memory_space<vmem>> -> memref<128xi32, #tpu.memory_space<vmem>>
        %dma_start3A_47 = arith.constant 0 : i32
        %dma_start3A_48 = arith.constant 0 : i32
        %dma_start3A_49 = tpu.memref_slice %arg8[%dma_start3A_47, %dma_start3A_48] : memref<10240x32xf32, #tpu.memory_space<vmem_shared>> -> memref<10240x32xf32, #tpu.memory_space<vmem_shared>>
        tpu.enqueue_indirect_dma source(%dma_start3A_43 : memref<128x32xf32, #tpu.memory_space<vmem>>) target(%dma_start3A_49 : memref<10240x32xf32, #tpu.memory_space<vmem_shared>>) offsets(%dma_start3A_46 : memref<128xi32, #tpu.memory_space<vmem>>) semaphore(%run_scoped3A_41 : memref<!tpu.dma_semaphore, #tpu.memory_space<semaphore_mem>>) {add = true}
        %dma_wait3A = arith.constant 640 : i32
        %dma_wait3A_50 = arith.constant 0 : i32
        %dma_wait3A_51 = tpu.memref_slice %arg7[%dma_wait3A, %dma_wait3A_50] : memref<2048x32xf32, #tpu.memory_space<vmem>> -> memref<128x32xf32, #tpu.memory_space<vmem>>
        %dma_wait3A_52 = arith.constant 0 : i32
        %dma_wait3A_53 = tpu.memref_slice %arg6[%run_scoped3A_30, %dma_wait3A_52] : memref<16x128xi32, #tpu.memory_space<vmem>> -> memref<1x128xi32, #tpu.memory_space<vmem>>
        %dma_wait3A_54 = tpu.memref_squeeze %dma_wait3A_53 : memref<1x128xi32, #tpu.memory_space<vmem>> -> memref<128xi32, #tpu.memory_space<vmem>>
        %dma_wait3A_55 = arith.constant 0 : i32
        %dma_wait3A_56 = arith.constant 0 : i32
        %dma_wait3A_57 = tpu.memref_slice %arg8[%dma_wait3A_55, %dma_wait3A_56] : memref<10240x32xf32, #tpu.memory_space<vmem_shared>> -> memref<10240x32xf32, #tpu.memory_space<vmem_shared>>
        tpu.wait_indirect_dma semaphore(%run_scoped3A_41 : memref<!tpu.dma_semaphore, #tpu.memory_space<semaphore_mem>>) src(%dma_wait3A_51 : memref<128x32xf32, #tpu.memory_space<vmem>>) dst(%dma_wait3A_57 : memref<10240x32xf32, #tpu.memory_space<vmem_shared>>)
        tpu.yield
      }) : () -> ()
      %run_scoped3A_31 = arith.constant 6 : i32
      "tpu.region"() ({
        %run_scoped3A_41 = tpu.sem_alloc : memref<!tpu.dma_semaphore, #tpu.memory_space<semaphore_mem>>
        %dma_start3A = arith.constant 768 : i32
        %dma_start3A_42 = arith.constant 0 : i32
        %dma_start3A_43 = tpu.memref_slice %arg7[%dma_start3A, %dma_start3A_42] : memref<2048x32xf32, #tpu.memory_space<vmem>> -> memref<128x32xf32, #tpu.memory_space<vmem>>
        %dma_start3A_44 = arith.constant 0 : i32
        %dma_start3A_45 = tpu.memref_slice %arg6[%run_scoped3A_31, %dma_start3A_44] : memref<16x128xi32, #tpu.memory_space<vmem>> -> memref<1x128xi32, #tpu.memory_space<vmem>>
        %dma_start3A_46 = tpu.memref_squeeze %dma_start3A_45 : memref<1x128xi32, #tpu.memory_space<vmem>> -> memref<128xi32, #tpu.memory_space<vmem>>
        %dma_start3A_47 = arith.constant 0 : i32
        %dma_start3A_48 = arith.constant 0 : i32
        %dma_start3A_49 = tpu.memref_slice %arg8[%dma_start3A_47, %dma_start3A_48] : memref<10240x32xf32, #tpu.memory_space<vmem_shared>> -> memref<10240x32xf32, #tpu.memory_space<vmem_shared>>
        tpu.enqueue_indirect_dma source(%dma_start3A_43 : memref<128x32xf32, #tpu.memory_space<vmem>>) target(%dma_start3A_49 : memref<10240x32xf32, #tpu.memory_space<vmem_shared>>) offsets(%dma_start3A_46 : memref<128xi32, #tpu.memory_space<vmem>>) semaphore(%run_scoped3A_41 : memref<!tpu.dma_semaphore, #tpu.memory_space<semaphore_mem>>) {add = true}
        %dma_wait3A = arith.constant 768 : i32
        %dma_wait3A_50 = arith.constant 0 : i32
        %dma_wait3A_51 = tpu.memref_slice %arg7[%dma_wait3A, %dma_wait3A_50] : memref<2048x32xf32, #tpu.memory_space<vmem>> -> memref<128x32xf32, #tpu.memory_space<vmem>>
        %dma_wait3A_52 = arith.constant 0 : i32
        %dma_wait3A_53 = tpu.memref_slice %arg6[%run_scoped3A_31, %dma_wait3A_52] : memref<16x128xi32, #tpu.memory_space<vmem>> -> memref<1x128xi32, #tpu.memory_space<vmem>>
        %dma_wait3A_54 = tpu.memref_squeeze %dma_wait3A_53 : memref<1x128xi32, #tpu.memory_space<vmem>> -> memref<128xi32, #tpu.memory_space<vmem>>
        %dma_wait3A_55 = arith.constant 0 : i32
        %dma_wait3A_56 = arith.constant 0 : i32
        %dma_wait3A_57 = tpu.memref_slice %arg8[%dma_wait3A_55, %dma_wait3A_56] : memref<10240x32xf32, #tpu.memory_space<vmem_shared>> -> memref<10240x32xf32, #tpu.memory_space<vmem_shared>>
        tpu.wait_indirect_dma semaphore(%run_scoped3A_41 : memref<!tpu.dma_semaphore, #tpu.memory_space<semaphore_mem>>) src(%dma_wait3A_51 : memref<128x32xf32, #tpu.memory_space<vmem>>) dst(%dma_wait3A_57 : memref<10240x32xf32, #tpu.memory_space<vmem_shared>>)
        tpu.yield
      }) : () -> ()
      %run_scoped3A_32 = arith.constant 7 : i32
      "tpu.region"() ({
        %run_scoped3A_41 = tpu.sem_alloc : memref<!tpu.dma_semaphore, #tpu.memory_space<semaphore_mem>>
        %dma_start3A = arith.constant 896 : i32
        %dma_start3A_42 = arith.constant 0 : i32
        %dma_start3A_43 = tpu.memref_slice %arg7[%dma_start3A, %dma_start3A_42] : memref<2048x32xf32, #tpu.memory_space<vmem>> -> memref<128x32xf32, #tpu.memory_space<vmem>>
        %dma_start3A_44 = arith.constant 0 : i32
        %dma_start3A_45 = tpu.memref_slice %arg6[%run_scoped3A_32, %dma_start3A_44] : memref<16x128xi32, #tpu.memory_space<vmem>> -> memref<1x128xi32, #tpu.memory_space<vmem>>
        %dma_start3A_46 = tpu.memref_squeeze %dma_start3A_45 : memref<1x128xi32, #tpu.memory_space<vmem>> -> memref<128xi32, #tpu.memory_space<vmem>>
        %dma_start3A_47 = arith.constant 0 : i32
        %dma_start3A_48 = arith.constant 0 : i32
        %dma_start3A_49 = tpu.memref_slice %arg8[%dma_start3A_47, %dma_start3A_48] : memref<10240x32xf32, #tpu.memory_space<vmem_shared>> -> memref<10240x32xf32, #tpu.memory_space<vmem_shared>>
        tpu.enqueue_indirect_dma source(%dma_start3A_43 : memref<128x32xf32, #tpu.memory_space<vmem>>) target(%dma_start3A_49 : memref<10240x32xf32, #tpu.memory_space<vmem_shared>>) offsets(%dma_start3A_46 : memref<128xi32, #tpu.memory_space<vmem>>) semaphore(%run_scoped3A_41 : memref<!tpu.dma_semaphore, #tpu.memory_space<semaphore_mem>>) {add = true}
        %dma_wait3A = arith.constant 896 : i32
        %dma_wait3A_50 = arith.constant 0 : i32
        %dma_wait3A_51 = tpu.memref_slice %arg7[%dma_wait3A, %dma_wait3A_50] : memref<2048x32xf32, #tpu.memory_space<vmem>> -> memref<128x32xf32, #tpu.memory_space<vmem>>
        %dma_wait3A_52 = arith.constant 0 : i32
        %dma_wait3A_53 = tpu.memref_slice %arg6[%run_scoped3A_32, %dma_wait3A_52] : memref<16x128xi32, #tpu.memory_space<vmem>> -> memref<1x128xi32, #tpu.memory_space<vmem>>
        %dma_wait3A_54 = tpu.memref_squeeze %dma_wait3A_53 : memref<1x128xi32, #tpu.memory_space<vmem>> -> memref<128xi32, #tpu.memory_space<vmem>>
        %dma_wait3A_55 = arith.constant 0 : i32
        %dma_wait3A_56 = arith.constant 0 : i32
        %dma_wait3A_57 = tpu.memref_slice %arg8[%dma_wait3A_55, %dma_wait3A_56] : memref<10240x32xf32, #tpu.memory_space<vmem_shared>> -> memref<10240x32xf32, #tpu.memory_space<vmem_shared>>
        tpu.wait_indirect_dma semaphore(%run_scoped3A_41 : memref<!tpu.dma_semaphore, #tpu.memory_space<semaphore_mem>>) src(%dma_wait3A_51 : memref<128x32xf32, #tpu.memory_space<vmem>>) dst(%dma_wait3A_57 : memref<10240x32xf32, #tpu.memory_space<vmem_shared>>)
        tpu.yield
      }) : () -> ()
      %run_scoped3A_33 = arith.constant 8 : i32
      "tpu.region"() ({
        %run_scoped3A_41 = tpu.sem_alloc : memref<!tpu.dma_semaphore, #tpu.memory_space<semaphore_mem>>
        %dma_start3A = arith.constant 1024 : i32
        %dma_start3A_42 = arith.constant 0 : i32
        %dma_start3A_43 = tpu.memref_slice %arg7[%dma_start3A, %dma_start3A_42] : memref<2048x32xf32, #tpu.memory_space<vmem>> -> memref<128x32xf32, #tpu.memory_space<vmem>>
        %dma_start3A_44 = arith.constant 0 : i32
        %dma_start3A_45 = tpu.memref_slice %arg6[%run_scoped3A_33, %dma_start3A_44] : memref<16x128xi32, #tpu.memory_space<vmem>> -> memref<1x128xi32, #tpu.memory_space<vmem>>
        %dma_start3A_46 = tpu.memref_squeeze %dma_start3A_45 : memref<1x128xi32, #tpu.memory_space<vmem>> -> memref<128xi32, #tpu.memory_space<vmem>>
        %dma_start3A_47 = arith.constant 0 : i32
        %dma_start3A_48 = arith.constant 0 : i32
        %dma_start3A_49 = tpu.memref_slice %arg8[%dma_start3A_47, %dma_start3A_48] : memref<10240x32xf32, #tpu.memory_space<vmem_shared>> -> memref<10240x32xf32, #tpu.memory_space<vmem_shared>>
        tpu.enqueue_indirect_dma source(%dma_start3A_43 : memref<128x32xf32, #tpu.memory_space<vmem>>) target(%dma_start3A_49 : memref<10240x32xf32, #tpu.memory_space<vmem_shared>>) offsets(%dma_start3A_46 : memref<128xi32, #tpu.memory_space<vmem>>) semaphore(%run_scoped3A_41 : memref<!tpu.dma_semaphore, #tpu.memory_space<semaphore_mem>>) {add = true}
        %dma_wait3A = arith.constant 1024 : i32
        %dma_wait3A_50 = arith.constant 0 : i32
        %dma_wait3A_51 = tpu.memref_slice %arg7[%dma_wait3A, %dma_wait3A_50] : memref<2048x32xf32, #tpu.memory_space<vmem>> -> memref<128x32xf32, #tpu.memory_space<vmem>>
        %dma_wait3A_52 = arith.constant 0 : i32
        %dma_wait3A_53 = tpu.memref_slice %arg6[%run_scoped3A_33, %dma_wait3A_52] : memref<16x128xi32, #tpu.memory_space<vmem>> -> memref<1x128xi32, #tpu.memory_space<vmem>>
        %dma_wait3A_54 = tpu.memref_squeeze %dma_wait3A_53 : memref<1x128xi32, #tpu.memory_space<vmem>> -> memref<128xi32, #tpu.memory_space<vmem>>
        %dma_wait3A_55 = arith.constant 0 : i32
        %dma_wait3A_56 = arith.constant 0 : i32
        %dma_wait3A_57 = tpu.memref_slice %arg8[%dma_wait3A_55, %dma_wait3A_56] : memref<10240x32xf32, #tpu.memory_space<vmem_shared>> -> memref<10240x32xf32, #tpu.memory_space<vmem_shared>>
        tpu.wait_indirect_dma semaphore(%run_scoped3A_41 : memref<!tpu.dma_semaphore, #tpu.memory_space<semaphore_mem>>) src(%dma_wait3A_51 : memref<128x32xf32, #tpu.memory_space<vmem>>) dst(%dma_wait3A_57 : memref<10240x32xf32, #tpu.memory_space<vmem_shared>>)
        tpu.yield
      }) : () -> ()
      %run_scoped3A_34 = arith.constant 9 : i32
      "tpu.region"() ({
        %run_scoped3A_41 = tpu.sem_alloc : memref<!tpu.dma_semaphore, #tpu.memory_space<semaphore_mem>>
        %dma_start3A = arith.constant 1152 : i32
        %dma_start3A_42 = arith.constant 0 : i32
        %dma_start3A_43 = tpu.memref_slice %arg7[%dma_start3A, %dma_start3A_42] : memref<2048x32xf32, #tpu.memory_space<vmem>> -> memref<128x32xf32, #tpu.memory_space<vmem>>
        %dma_start3A_44 = arith.constant 0 : i32
        %dma_start3A_45 = tpu.memref_slice %arg6[%run_scoped3A_34, %dma_start3A_44] : memref<16x128xi32, #tpu.memory_space<vmem>> -> memref<1x128xi32, #tpu.memory_space<vmem>>
        %dma_start3A_46 = tpu.memref_squeeze %dma_start3A_45 : memref<1x128xi32, #tpu.memory_space<vmem>> -> memref<128xi32, #tpu.memory_space<vmem>>
        %dma_start3A_47 = arith.constant 0 : i32
        %dma_start3A_48 = arith.constant 0 : i32
        %dma_start3A_49 = tpu.memref_slice %arg8[%dma_start3A_47, %dma_start3A_48] : memref<10240x32xf32, #tpu.memory_space<vmem_shared>> -> memref<10240x32xf32, #tpu.memory_space<vmem_shared>>
        tpu.enqueue_indirect_dma source(%dma_start3A_43 : memref<128x32xf32, #tpu.memory_space<vmem>>) target(%dma_start3A_49 : memref<10240x32xf32, #tpu.memory_space<vmem_shared>>) offsets(%dma_start3A_46 : memref<128xi32, #tpu.memory_space<vmem>>) semaphore(%run_scoped3A_41 : memref<!tpu.dma_semaphore, #tpu.memory_space<semaphore_mem>>) {add = true}
        %dma_wait3A = arith.constant 1152 : i32
        %dma_wait3A_50 = arith.constant 0 : i32
        %dma_wait3A_51 = tpu.memref_slice %arg7[%dma_wait3A, %dma_wait3A_50] : memref<2048x32xf32, #tpu.memory_space<vmem>> -> memref<128x32xf32, #tpu.memory_space<vmem>>
        %dma_wait3A_52 = arith.constant 0 : i32
        %dma_wait3A_53 = tpu.memref_slice %arg6[%run_scoped3A_34, %dma_wait3A_52] : memref<16x128xi32, #tpu.memory_space<vmem>> -> memref<1x128xi32, #tpu.memory_space<vmem>>
        %dma_wait3A_54 = tpu.memref_squeeze %dma_wait3A_53 : memref<1x128xi32, #tpu.memory_space<vmem>> -> memref<128xi32, #tpu.memory_space<vmem>>
        %dma_wait3A_55 = arith.constant 0 : i32
        %dma_wait3A_56 = arith.constant 0 : i32
        %dma_wait3A_57 = tpu.memref_slice %arg8[%dma_wait3A_55, %dma_wait3A_56] : memref<10240x32xf32, #tpu.memory_space<vmem_shared>> -> memref<10240x32xf32, #tpu.memory_space<vmem_shared>>
        tpu.wait_indirect_dma semaphore(%run_scoped3A_41 : memref<!tpu.dma_semaphore, #tpu.memory_space<semaphore_mem>>) src(%dma_wait3A_51 : memref<128x32xf32, #tpu.memory_space<vmem>>) dst(%dma_wait3A_57 : memref<10240x32xf32, #tpu.memory_space<vmem_shared>>)
        tpu.yield
      }) : () -> ()
      %run_scoped3A_35 = arith.constant 10 : i32
      "tpu.region"() ({
        %run_scoped3A_41 = tpu.sem_alloc : memref<!tpu.dma_semaphore, #tpu.memory_space<semaphore_mem>>
        %dma_start3A = arith.constant 1280 : i32
        %dma_start3A_42 = arith.constant 0 : i32
        %dma_start3A_43 = tpu.memref_slice %arg7[%dma_start3A, %dma_start3A_42] : memref<2048x32xf32, #tpu.memory_space<vmem>> -> memref<128x32xf32, #tpu.memory_space<vmem>>
        %dma_start3A_44 = arith.constant 0 : i32
        %dma_start3A_45 = tpu.memref_slice %arg6[%run_scoped3A_35, %dma_start3A_44] : memref<16x128xi32, #tpu.memory_space<vmem>> -> memref<1x128xi32, #tpu.memory_space<vmem>>
        %dma_start3A_46 = tpu.memref_squeeze %dma_start3A_45 : memref<1x128xi32, #tpu.memory_space<vmem>> -> memref<128xi32, #tpu.memory_space<vmem>>
        %dma_start3A_47 = arith.constant 0 : i32
        %dma_start3A_48 = arith.constant 0 : i32
        %dma_start3A_49 = tpu.memref_slice %arg8[%dma_start3A_47, %dma_start3A_48] : memref<10240x32xf32, #tpu.memory_space<vmem_shared>> -> memref<10240x32xf32, #tpu.memory_space<vmem_shared>>
        tpu.enqueue_indirect_dma source(%dma_start3A_43 : memref<128x32xf32, #tpu.memory_space<vmem>>) target(%dma_start3A_49 : memref<10240x32xf32, #tpu.memory_space<vmem_shared>>) offsets(%dma_start3A_46 : memref<128xi32, #tpu.memory_space<vmem>>) semaphore(%run_scoped3A_41 : memref<!tpu.dma_semaphore, #tpu.memory_space<semaphore_mem>>) {add = true}
        %dma_wait3A = arith.constant 1280 : i32
        %dma_wait3A_50 = arith.constant 0 : i32
        %dma_wait3A_51 = tpu.memref_slice %arg7[%dma_wait3A, %dma_wait3A_50] : memref<2048x32xf32, #tpu.memory_space<vmem>> -> memref<128x32xf32, #tpu.memory_space<vmem>>
        %dma_wait3A_52 = arith.constant 0 : i32
        %dma_wait3A_53 = tpu.memref_slice %arg6[%run_scoped3A_35, %dma_wait3A_52] : memref<16x128xi32, #tpu.memory_space<vmem>> -> memref<1x128xi32, #tpu.memory_space<vmem>>
        %dma_wait3A_54 = tpu.memref_squeeze %dma_wait3A_53 : memref<1x128xi32, #tpu.memory_space<vmem>> -> memref<128xi32, #tpu.memory_space<vmem>>
        %dma_wait3A_55 = arith.constant 0 : i32
        %dma_wait3A_56 = arith.constant 0 : i32
        %dma_wait3A_57 = tpu.memref_slice %arg8[%dma_wait3A_55, %dma_wait3A_56] : memref<10240x32xf32, #tpu.memory_space<vmem_shared>> -> memref<10240x32xf32, #tpu.memory_space<vmem_shared>>
        tpu.wait_indirect_dma semaphore(%run_scoped3A_41 : memref<!tpu.dma_semaphore, #tpu.memory_space<semaphore_mem>>) src(%dma_wait3A_51 : memref<128x32xf32, #tpu.memory_space<vmem>>) dst(%dma_wait3A_57 : memref<10240x32xf32, #tpu.memory_space<vmem_shared>>)
        tpu.yield
      }) : () -> ()
      %run_scoped3A_36 = arith.constant 11 : i32
      "tpu.region"() ({
        %run_scoped3A_41 = tpu.sem_alloc : memref<!tpu.dma_semaphore, #tpu.memory_space<semaphore_mem>>
        %dma_start3A = arith.constant 1408 : i32
        %dma_start3A_42 = arith.constant 0 : i32
        %dma_start3A_43 = tpu.memref_slice %arg7[%dma_start3A, %dma_start3A_42] : memref<2048x32xf32, #tpu.memory_space<vmem>> -> memref<128x32xf32, #tpu.memory_space<vmem>>
        %dma_start3A_44 = arith.constant 0 : i32
        %dma_start3A_45 = tpu.memref_slice %arg6[%run_scoped3A_36, %dma_start3A_44] : memref<16x128xi32, #tpu.memory_space<vmem>> -> memref<1x128xi32, #tpu.memory_space<vmem>>
        %dma_start3A_46 = tpu.memref_squeeze %dma_start3A_45 : memref<1x128xi32, #tpu.memory_space<vmem>> -> memref<128xi32, #tpu.memory_space<vmem>>
        %dma_start3A_47 = arith.constant 0 : i32
        %dma_start3A_48 = arith.constant 0 : i32
        %dma_start3A_49 = tpu.memref_slice %arg8[%dma_start3A_47, %dma_start3A_48] : memref<10240x32xf32, #tpu.memory_space<vmem_shared>> -> memref<10240x32xf32, #tpu.memory_space<vmem_shared>>
        tpu.enqueue_indirect_dma source(%dma_start3A_43 : memref<128x32xf32, #tpu.memory_space<vmem>>) target(%dma_start3A_49 : memref<10240x32xf32, #tpu.memory_space<vmem_shared>>) offsets(%dma_start3A_46 : memref<128xi32, #tpu.memory_space<vmem>>) semaphore(%run_scoped3A_41 : memref<!tpu.dma_semaphore, #tpu.memory_space<semaphore_mem>>) {add = true}
        %dma_wait3A = arith.constant 1408 : i32
        %dma_wait3A_50 = arith.constant 0 : i32
        %dma_wait3A_51 = tpu.memref_slice %arg7[%dma_wait3A, %dma_wait3A_50] : memref<2048x32xf32, #tpu.memory_space<vmem>> -> memref<128x32xf32, #tpu.memory_space<vmem>>
        %dma_wait3A_52 = arith.constant 0 : i32
        %dma_wait3A_53 = tpu.memref_slice %arg6[%run_scoped3A_36, %dma_wait3A_52] : memref<16x128xi32, #tpu.memory_space<vmem>> -> memref<1x128xi32, #tpu.memory_space<vmem>>
        %dma_wait3A_54 = tpu.memref_squeeze %dma_wait3A_53 : memref<1x128xi32, #tpu.memory_space<vmem>> -> memref<128xi32, #tpu.memory_space<vmem>>
        %dma_wait3A_55 = arith.constant 0 : i32
        %dma_wait3A_56 = arith.constant 0 : i32
        %dma_wait3A_57 = tpu.memref_slice %arg8[%dma_wait3A_55, %dma_wait3A_56] : memref<10240x32xf32, #tpu.memory_space<vmem_shared>> -> memref<10240x32xf32, #tpu.memory_space<vmem_shared>>
        tpu.wait_indirect_dma semaphore(%run_scoped3A_41 : memref<!tpu.dma_semaphore, #tpu.memory_space<semaphore_mem>>) src(%dma_wait3A_51 : memref<128x32xf32, #tpu.memory_space<vmem>>) dst(%dma_wait3A_57 : memref<10240x32xf32, #tpu.memory_space<vmem_shared>>)
        tpu.yield
      }) : () -> ()
      %run_scoped3A_37 = arith.constant 12 : i32
      "tpu.region"() ({
        %run_scoped3A_41 = tpu.sem_alloc : memref<!tpu.dma_semaphore, #tpu.memory_space<semaphore_mem>>
        %dma_start3A = arith.constant 1536 : i32
        %dma_start3A_42 = arith.constant 0 : i32
        %dma_start3A_43 = tpu.memref_slice %arg7[%dma_start3A, %dma_start3A_42] : memref<2048x32xf32, #tpu.memory_space<vmem>> -> memref<128x32xf32, #tpu.memory_space<vmem>>
        %dma_start3A_44 = arith.constant 0 : i32
        %dma_start3A_45 = tpu.memref_slice %arg6[%run_scoped3A_37, %dma_start3A_44] : memref<16x128xi32, #tpu.memory_space<vmem>> -> memref<1x128xi32, #tpu.memory_space<vmem>>
        %dma_start3A_46 = tpu.memref_squeeze %dma_start3A_45 : memref<1x128xi32, #tpu.memory_space<vmem>> -> memref<128xi32, #tpu.memory_space<vmem>>
        %dma_start3A_47 = arith.constant 0 : i32
        %dma_start3A_48 = arith.constant 0 : i32
        %dma_start3A_49 = tpu.memref_slice %arg8[%dma_start3A_47, %dma_start3A_48] : memref<10240x32xf32, #tpu.memory_space<vmem_shared>> -> memref<10240x32xf32, #tpu.memory_space<vmem_shared>>
        tpu.enqueue_indirect_dma source(%dma_start3A_43 : memref<128x32xf32, #tpu.memory_space<vmem>>) target(%dma_start3A_49 : memref<10240x32xf32, #tpu.memory_space<vmem_shared>>) offsets(%dma_start3A_46 : memref<128xi32, #tpu.memory_space<vmem>>) semaphore(%run_scoped3A_41 : memref<!tpu.dma_semaphore, #tpu.memory_space<semaphore_mem>>) {add = true}
        %dma_wait3A = arith.constant 1536 : i32
        %dma_wait3A_50 = arith.constant 0 : i32
        %dma_wait3A_51 = tpu.memref_slice %arg7[%dma_wait3A, %dma_wait3A_50] : memref<2048x32xf32, #tpu.memory_space<vmem>> -> memref<128x32xf32, #tpu.memory_space<vmem>>
        %dma_wait3A_52 = arith.constant 0 : i32
        %dma_wait3A_53 = tpu.memref_slice %arg6[%run_scoped3A_37, %dma_wait3A_52] : memref<16x128xi32, #tpu.memory_space<vmem>> -> memref<1x128xi32, #tpu.memory_space<vmem>>
        %dma_wait3A_54 = tpu.memref_squeeze %dma_wait3A_53 : memref<1x128xi32, #tpu.memory_space<vmem>> -> memref<128xi32, #tpu.memory_space<vmem>>
        %dma_wait3A_55 = arith.constant 0 : i32
        %dma_wait3A_56 = arith.constant 0 : i32
        %dma_wait3A_57 = tpu.memref_slice %arg8[%dma_wait3A_55, %dma_wait3A_56] : memref<10240x32xf32, #tpu.memory_space<vmem_shared>> -> memref<10240x32xf32, #tpu.memory_space<vmem_shared>>
        tpu.wait_indirect_dma semaphore(%run_scoped3A_41 : memref<!tpu.dma_semaphore, #tpu.memory_space<semaphore_mem>>) src(%dma_wait3A_51 : memref<128x32xf32, #tpu.memory_space<vmem>>) dst(%dma_wait3A_57 : memref<10240x32xf32, #tpu.memory_space<vmem_shared>>)
        tpu.yield
      }) : () -> ()
      %run_scoped3A_38 = arith.constant 13 : i32
      "tpu.region"() ({
        %run_scoped3A_41 = tpu.sem_alloc : memref<!tpu.dma_semaphore, #tpu.memory_space<semaphore_mem>>
        %dma_start3A = arith.constant 1664 : i32
        %dma_start3A_42 = arith.constant 0 : i32
        %dma_start3A_43 = tpu.memref_slice %arg7[%dma_start3A, %dma_start3A_42] : memref<2048x32xf32, #tpu.memory_space<vmem>> -> memref<128x32xf32, #tpu.memory_space<vmem>>
        %dma_start3A_44 = arith.constant 0 : i32
        %dma_start3A_45 = tpu.memref_slice %arg6[%run_scoped3A_38, %dma_start3A_44] : memref<16x128xi32, #tpu.memory_space<vmem>> -> memref<1x128xi32, #tpu.memory_space<vmem>>
        %dma_start3A_46 = tpu.memref_squeeze %dma_start3A_45 : memref<1x128xi32, #tpu.memory_space<vmem>> -> memref<128xi32, #tpu.memory_space<vmem>>
        %dma_start3A_47 = arith.constant 0 : i32
        %dma_start3A_48 = arith.constant 0 : i32
        %dma_start3A_49 = tpu.memref_slice %arg8[%dma_start3A_47, %dma_start3A_48] : memref<10240x32xf32, #tpu.memory_space<vmem_shared>> -> memref<10240x32xf32, #tpu.memory_space<vmem_shared>>
        tpu.enqueue_indirect_dma source(%dma_start3A_43 : memref<128x32xf32, #tpu.memory_space<vmem>>) target(%dma_start3A_49 : memref<10240x32xf32, #tpu.memory_space<vmem_shared>>) offsets(%dma_start3A_46 : memref<128xi32, #tpu.memory_space<vmem>>) semaphore(%run_scoped3A_41 : memref<!tpu.dma_semaphore, #tpu.memory_space<semaphore_mem>>) {add = true}
        %dma_wait3A = arith.constant 1664 : i32
        %dma_wait3A_50 = arith.constant 0 : i32
        %dma_wait3A_51 = tpu.memref_slice %arg7[%dma_wait3A, %dma_wait3A_50] : memref<2048x32xf32, #tpu.memory_space<vmem>> -> memref<128x32xf32, #tpu.memory_space<vmem>>
        %dma_wait3A_52 = arith.constant 0 : i32
        %dma_wait3A_53 = tpu.memref_slice %arg6[%run_scoped3A_38, %dma_wait3A_52] : memref<16x128xi32, #tpu.memory_space<vmem>> -> memref<1x128xi32, #tpu.memory_space<vmem>>
        %dma_wait3A_54 = tpu.memref_squeeze %dma_wait3A_53 : memref<1x128xi32, #tpu.memory_space<vmem>> -> memref<128xi32, #tpu.memory_space<vmem>>
        %dma_wait3A_55 = arith.constant 0 : i32
        %dma_wait3A_56 = arith.constant 0 : i32
        %dma_wait3A_57 = tpu.memref_slice %arg8[%dma_wait3A_55, %dma_wait3A_56] : memref<10240x32xf32, #tpu.memory_space<vmem_shared>> -> memref<10240x32xf32, #tpu.memory_space<vmem_shared>>
        tpu.wait_indirect_dma semaphore(%run_scoped3A_41 : memref<!tpu.dma_semaphore, #tpu.memory_space<semaphore_mem>>) src(%dma_wait3A_51 : memref<128x32xf32, #tpu.memory_space<vmem>>) dst(%dma_wait3A_57 : memref<10240x32xf32, #tpu.memory_space<vmem_shared>>)
        tpu.yield
      }) : () -> ()
      %run_scoped3A_39 = arith.constant 14 : i32
      "tpu.region"() ({
        %run_scoped3A_41 = tpu.sem_alloc : memref<!tpu.dma_semaphore, #tpu.memory_space<semaphore_mem>>
        %dma_start3A = arith.constant 1792 : i32
        %dma_start3A_42 = arith.constant 0 : i32
        %dma_start3A_43 = tpu.memref_slice %arg7[%dma_start3A, %dma_start3A_42] : memref<2048x32xf32, #tpu.memory_space<vmem>> -> memref<128x32xf32, #tpu.memory_space<vmem>>
        %dma_start3A_44 = arith.constant 0 : i32
        %dma_start3A_45 = tpu.memref_slice %arg6[%run_scoped3A_39, %dma_start3A_44] : memref<16x128xi32, #tpu.memory_space<vmem>> -> memref<1x128xi32, #tpu.memory_space<vmem>>
        %dma_start3A_46 = tpu.memref_squeeze %dma_start3A_45 : memref<1x128xi32, #tpu.memory_space<vmem>> -> memref<128xi32, #tpu.memory_space<vmem>>
        %dma_start3A_47 = arith.constant 0 : i32
        %dma_start3A_48 = arith.constant 0 : i32
        %dma_start3A_49 = tpu.memref_slice %arg8[%dma_start3A_47, %dma_start3A_48] : memref<10240x32xf32, #tpu.memory_space<vmem_shared>> -> memref<10240x32xf32, #tpu.memory_space<vmem_shared>>
        tpu.enqueue_indirect_dma source(%dma_start3A_43 : memref<128x32xf32, #tpu.memory_space<vmem>>) target(%dma_start3A_49 : memref<10240x32xf32, #tpu.memory_space<vmem_shared>>) offsets(%dma_start3A_46 : memref<128xi32, #tpu.memory_space<vmem>>) semaphore(%run_scoped3A_41 : memref<!tpu.dma_semaphore, #tpu.memory_space<semaphore_mem>>) {add = true}
        %dma_wait3A = arith.constant 1792 : i32
        %dma_wait3A_50 = arith.constant 0 : i32
        %dma_wait3A_51 = tpu.memref_slice %arg7[%dma_wait3A, %dma_wait3A_50] : memref<2048x32xf32, #tpu.memory_space<vmem>> -> memref<128x32xf32, #tpu.memory_space<vmem>>
        %dma_wait3A_52 = arith.constant 0 : i32
        %dma_wait3A_53 = tpu.memref_slice %arg6[%run_scoped3A_39, %dma_wait3A_52] : memref<16x128xi32, #tpu.memory_space<vmem>> -> memref<1x128xi32, #tpu.memory_space<vmem>>
        %dma_wait3A_54 = tpu.memref_squeeze %dma_wait3A_53 : memref<1x128xi32, #tpu.memory_space<vmem>> -> memref<128xi32, #tpu.memory_space<vmem>>
        %dma_wait3A_55 = arith.constant 0 : i32
        %dma_wait3A_56 = arith.constant 0 : i32
        %dma_wait3A_57 = tpu.memref_slice %arg8[%dma_wait3A_55, %dma_wait3A_56] : memref<10240x32xf32, #tpu.memory_space<vmem_shared>> -> memref<10240x32xf32, #tpu.memory_space<vmem_shared>>
        tpu.wait_indirect_dma semaphore(%run_scoped3A_41 : memref<!tpu.dma_semaphore, #tpu.memory_space<semaphore_mem>>) src(%dma_wait3A_51 : memref<128x32xf32, #tpu.memory_space<vmem>>) dst(%dma_wait3A_57 : memref<10240x32xf32, #tpu.memory_space<vmem_shared>>)
        tpu.yield
      }) : () -> ()
      %run_scoped3A_40 = arith.constant 15 : i32
      "tpu.region"() ({
        %run_scoped3A_41 = tpu.sem_alloc : memref<!tpu.dma_semaphore, #tpu.memory_space<semaphore_mem>>
        %dma_start3A = arith.constant 1920 : i32
        %dma_start3A_42 = arith.constant 0 : i32
        %dma_start3A_43 = tpu.memref_slice %arg7[%dma_start3A, %dma_start3A_42] : memref<2048x32xf32, #tpu.memory_space<vmem>> -> memref<128x32xf32, #tpu.memory_space<vmem>>
        %dma_start3A_44 = arith.constant 0 : i32
        %dma_start3A_45 = tpu.memref_slice %arg6[%run_scoped3A_40, %dma_start3A_44] : memref<16x128xi32, #tpu.memory_space<vmem>> -> memref<1x128xi32, #tpu.memory_space<vmem>>
        %dma_start3A_46 = tpu.memref_squeeze %dma_start3A_45 : memref<1x128xi32, #tpu.memory_space<vmem>> -> memref<128xi32, #tpu.memory_space<vmem>>
        %dma_start3A_47 = arith.constant 0 : i32
        %dma_start3A_48 = arith.constant 0 : i32
        %dma_start3A_49 = tpu.memref_slice %arg8[%dma_start3A_47, %dma_start3A_48] : memref<10240x32xf32, #tpu.memory_space<vmem_shared>> -> memref<10240x32xf32, #tpu.memory_space<vmem_shared>>
        tpu.enqueue_indirect_dma source(%dma_start3A_43 : memref<128x32xf32, #tpu.memory_space<vmem>>) target(%dma_start3A_49 : memref<10240x32xf32, #tpu.memory_space<vmem_shared>>) offsets(%dma_start3A_46 : memref<128xi32, #tpu.memory_space<vmem>>) semaphore(%run_scoped3A_41 : memref<!tpu.dma_semaphore, #tpu.memory_space<semaphore_mem>>) {add = true}
        %dma_wait3A = arith.constant 1920 : i32
        %dma_wait3A_50 = arith.constant 0 : i32
        %dma_wait3A_51 = tpu.memref_slice %arg7[%dma_wait3A, %dma_wait3A_50] : memref<2048x32xf32, #tpu.memory_space<vmem>> -> memref<128x32xf32, #tpu.memory_space<vmem>>
        %dma_wait3A_52 = arith.constant 0 : i32
        %dma_wait3A_53 = tpu.memref_slice %arg6[%run_scoped3A_40, %dma_wait3A_52] : memref<16x128xi32, #tpu.memory_space<vmem>> -> memref<1x128xi32, #tpu.memory_space<vmem>>
        %dma_wait3A_54 = tpu.memref_squeeze %dma_wait3A_53 : memref<1x128xi32, #tpu.memory_space<vmem>> -> memref<128xi32, #tpu.memory_space<vmem>>
        %dma_wait3A_55 = arith.constant 0 : i32
        %dma_wait3A_56 = arith.constant 0 : i32
        %dma_wait3A_57 = tpu.memref_slice %arg8[%dma_wait3A_55, %dma_wait3A_56] : memref<10240x32xf32, #tpu.memory_space<vmem_shared>> -> memref<10240x32xf32, #tpu.memory_space<vmem_shared>>
        tpu.wait_indirect_dma semaphore(%run_scoped3A_41 : memref<!tpu.dma_semaphore, #tpu.memory_space<semaphore_mem>>) src(%dma_wait3A_51 : memref<128x32xf32, #tpu.memory_space<vmem>>) dst(%dma_wait3A_57 : memref<10240x32xf32, #tpu.memory_space<vmem_shared>>)
        tpu.yield
      }) : () -> ()
    }
    %scan3A_9 = arith.constant 5 : i32
    %barrier3A_10 = arith.constant 0 : index
    tpu.barrier barrier_id(%barrier3A_10)
    %mul3A_11 = arith.constant 640 : i32
    %mul3A_12 = arith.muli %arg1, %mul3A_11 : i32
    %mul3A_13 = arith.constant 640 : i32
    %mul3A_14 = arith.muli %arg1, %mul3A_13 : i32
    "tpu.region"() ({
      %run_scoped3A = tpu.sem_alloc : memref<!tpu.dma_semaphore, #tpu.memory_space<semaphore_mem>>
      %dma_start3A = arith.constant 0 : i32
      %dma_start3A_15 = arith.constant 0 : i32
      %dma_start3A_16 = tpu.memref_slice %arg5[%arg0, %dma_start3A, %dma_start3A_15] : memref<2x10240x32xf32, #tpu.memory_space<hbm>> -> memref<1x10240x32xf32, #tpu.memory_space<hbm>>
      %dma_start3A_17 = tpu.memref_squeeze %dma_start3A_16 : memref<1x10240x32xf32, #tpu.memory_space<hbm>> -> memref<10240x32xf32, #tpu.memory_space<hbm>>
      %dma_start3A_18 = arith.constant 0 : i32
      %dma_start3A_19 = tpu.memref_slice %dma_start3A_17[%mul3A_14, %dma_start3A_18] : memref<10240x32xf32, #tpu.memory_space<hbm>> -> memref<640x32xf32, #tpu.memory_space<hbm>>
      %dma_start3A_20 = arith.constant 0 : i32
      %dma_start3A_21 = tpu.memref_slice %arg8[%mul3A_12, %dma_start3A_20] : memref<10240x32xf32, #tpu.memory_space<vmem_shared>> -> memref<640x32xf32, #tpu.memory_space<vmem_shared>>
      tpu.enqueue_dma source(%dma_start3A_21 : memref<640x32xf32, #tpu.memory_space<vmem_shared>>) target(%dma_start3A_19 : memref<640x32xf32, #tpu.memory_space<hbm>>) target_semaphore(%run_scoped3A : memref<!tpu.dma_semaphore, #tpu.memory_space<semaphore_mem>>)
      %dma_wait3A = arith.constant 0 : i32
      %dma_wait3A_22 = arith.constant 0 : i32
      %dma_wait3A_23 = tpu.memref_slice %arg5[%arg0, %dma_wait3A, %dma_wait3A_22] : memref<2x10240x32xf32, #tpu.memory_space<hbm>> -> memref<1x10240x32xf32, #tpu.memory_space<hbm>>
      %dma_wait3A_24 = tpu.memref_squeeze %dma_wait3A_23 : memref<1x10240x32xf32, #tpu.memory_space<hbm>> -> memref<10240x32xf32, #tpu.memory_space<hbm>>
      %dma_wait3A_25 = arith.constant 0 : i32
      %dma_wait3A_26 = tpu.memref_slice %dma_wait3A_24[%mul3A_14, %dma_wait3A_25] : memref<10240x32xf32, #tpu.memory_space<hbm>> -> memref<640x32xf32, #tpu.memory_space<hbm>>
      %dma_wait3A_27 = arith.constant 0 : i32
      %dma_wait3A_28 = tpu.memref_slice %arg8[%mul3A_12, %dma_wait3A_27] : memref<10240x32xf32, #tpu.memory_space<vmem_shared>> -> memref<640x32xf32, #tpu.memory_space<vmem_shared>>
      tpu.wait_dma2 semaphore(%run_scoped3A : memref<!tpu.dma_semaphore, #tpu.memory_space<semaphore_mem>>) src(%dma_wait3A_28 : memref<640x32xf32, #tpu.memory_space<vmem_shared>>) dst(%dma_wait3A_26 : memref<640x32xf32, #tpu.memory_space<hbm>>)
      tpu.yield
    }) : () -> ()
    return
  }
}

#map = affine_map<(d0, d1) -> (0, 0)>
module attributes {stable_mosaic.version = 14 : i64} {
  func.func @sc_gather_feats(%arg0: i32, %arg1: i32, %arg2: memref<10240x32xf32, #tpu.memory_space<hbm>>, %arg3: memref<2560x128xi32, #tpu.memory_space<hbm>>, %arg4: memref<327680x32xf32, #tpu.memory_space<hbm>>, %arg5: memref<16x128xi32, #tpu.memory_space<vmem>>, %arg6: memref<2048x32xf32, #tpu.memory_space<vmem>>, %arg7: memref<10240x32xf32, #tpu.memory_space<vmem_shared>>, %arg8: memref<!tpu.dma_semaphore, #tpu.memory_space<semaphore_mem>>) attributes {dimension_semantics = [#tpu.dimension_semantics<core_parallel>, #tpu.dimension_semantics<subcore_parallel>], iteration_bounds = array<i64: 2, 16>, scalar_prefetch = 0 : i64, scratch_operands = 4 : i64, tpu.core_type = #tpu.core_type<sc_vector_subcore>, window_params = [{transform_indices = #map}, {transform_indices = #map}, {transform_indices = #map}]} {
    %mul3A = arith.constant 2 : i32
    %mul3A_0 = arith.muli %arg1, %mul3A : i32
    %add3A = arith.addi %mul3A_0, %arg0 : i32
    %mul3A_1 = arith.constant 640 : i32
    %mul3A_2 = arith.muli %arg1, %mul3A_1 : i32
    %mul3A_3 = arith.constant 640 : i32
    %mul3A_4 = arith.muli %arg1, %mul3A_3 : i32
    "tpu.region"() ({
      %run_scoped3A = tpu.sem_alloc : memref<!tpu.dma_semaphore, #tpu.memory_space<semaphore_mem>>
      %dma_start3A = arith.constant 0 : i32
      %dma_start3A_10 = tpu.memref_slice %arg7[%mul3A_4, %dma_start3A] : memref<10240x32xf32, #tpu.memory_space<vmem_shared>> -> memref<640x32xf32, #tpu.memory_space<vmem_shared>>
      %dma_start3A_11 = arith.constant 0 : i32
      %dma_start3A_12 = tpu.memref_slice %arg2[%mul3A_2, %dma_start3A_11] : memref<10240x32xf32, #tpu.memory_space<hbm>> -> memref<640x32xf32, #tpu.memory_space<hbm>>
      tpu.enqueue_dma source(%dma_start3A_12 : memref<640x32xf32, #tpu.memory_space<hbm>>) target(%dma_start3A_10 : memref<640x32xf32, #tpu.memory_space<vmem_shared>>) target_semaphore(%run_scoped3A : memref<!tpu.dma_semaphore, #tpu.memory_space<semaphore_mem>>)
      %dma_wait3A = arith.constant 0 : i32
      %dma_wait3A_13 = tpu.memref_slice %arg7[%mul3A_4, %dma_wait3A] : memref<10240x32xf32, #tpu.memory_space<vmem_shared>> -> memref<640x32xf32, #tpu.memory_space<vmem_shared>>
      %dma_wait3A_14 = arith.constant 0 : i32
      %dma_wait3A_15 = tpu.memref_slice %arg2[%mul3A_2, %dma_wait3A_14] : memref<10240x32xf32, #tpu.memory_space<hbm>> -> memref<640x32xf32, #tpu.memory_space<hbm>>
      tpu.wait_dma2 semaphore(%run_scoped3A : memref<!tpu.dma_semaphore, #tpu.memory_space<semaphore_mem>>) src(%dma_wait3A_15 : memref<640x32xf32, #tpu.memory_space<hbm>>) dst(%dma_wait3A_13 : memref<640x32xf32, #tpu.memory_space<vmem_shared>>)
      tpu.yield
    }) : () -> ()
    %barrier3A = arith.constant 0 : index
    tpu.barrier barrier_id(%barrier3A)
    %scan3A = arith.constant 0 : i32
    %scan3A_5 = arith.constant 0 : i32
    %scan3A_6 = arith.constant 5 : i32
    %scan3A_7 = arith.addi %scan3A_5, %scan3A_6 : i32
    %scan3A_8 = arith.constant 1 : i32
    scf.for %scan3A_10 = %scan3A_5 to %scan3A_7 step %scan3A_8  : i32 {
      %mul3A_11 = arith.constant 5 : i32
      %mul3A_12 = arith.muli %add3A, %mul3A_11 : i32
      %add3A_13 = arith.addi %mul3A_12, %scan3A_10 : i32
      %mul3A_14 = arith.constant 16 : i32
      %mul3A_15 = arith.muli %add3A_13, %mul3A_14 : i32
      %mul3A_16 = arith.constant 5 : i32
      %mul3A_17 = arith.muli %add3A, %mul3A_16 : i32
      %add3A_18 = arith.addi %mul3A_17, %scan3A_10 : i32
      %mul3A_19 = arith.constant 2048 : i32
      %mul3A_20 = arith.muli %add3A_18, %mul3A_19 : i32
      "tpu.region"() ({
        %run_scoped3A = tpu.sem_alloc : memref<!tpu.dma_semaphore, #tpu.memory_space<semaphore_mem>>
        %dma_start3A_339 = arith.constant 0 : i32
        %dma_start3A_340 = tpu.memref_slice %arg3[%mul3A_15, %dma_start3A_339] : memref<2560x128xi32, #tpu.memory_space<hbm>> -> memref<16x128xi32, #tpu.memory_space<hbm>>
        %dma_start3A_341 = arith.constant 0 : i32
        %dma_start3A_342 = tpu.memref_slice %arg3[%mul3A_15, %dma_start3A_341] : memref<2560x128xi32, #tpu.memory_space<hbm>> -> memref<16x128xi32, #tpu.memory_space<hbm>>
        tpu.enqueue_dma source(%dma_start3A_342 : memref<16x128xi32, #tpu.memory_space<hbm>>) target(%arg5 : memref<16x128xi32, #tpu.memory_space<vmem>>) target_semaphore(%run_scoped3A : memref<!tpu.dma_semaphore, #tpu.memory_space<semaphore_mem>>)
        %dma_wait3A_343 = arith.constant 0 : i32
        %dma_wait3A_344 = tpu.memref_slice %arg3[%mul3A_15, %dma_wait3A_343] : memref<2560x128xi32, #tpu.memory_space<hbm>> -> memref<16x128xi32, #tpu.memory_space<hbm>>
        %dma_wait3A_345 = arith.constant 0 : i32
        %dma_wait3A_346 = tpu.memref_slice %arg3[%mul3A_15, %dma_wait3A_345] : memref<2560x128xi32, #tpu.memory_space<hbm>> -> memref<16x128xi32, #tpu.memory_space<hbm>>
        tpu.wait_dma2 semaphore(%run_scoped3A : memref<!tpu.dma_semaphore, #tpu.memory_space<semaphore_mem>>) src(%dma_wait3A_346 : memref<16x128xi32, #tpu.memory_space<hbm>>) dst(%arg5 : memref<16x128xi32, #tpu.memory_space<vmem>>)
        tpu.yield
      }) : () -> ()
      %dma_start3A = arith.constant 0 : i32
      %dma_start3A_21 = arith.constant 0 : i32
      %dma_start3A_22 = arith.constant 0 : i32
      %dma_start3A_23 = tpu.memref_slice %arg6[%dma_start3A_21, %dma_start3A_22] : memref<2048x32xf32, #tpu.memory_space<vmem>> -> memref<128x32xf32, #tpu.memory_space<vmem>>
      %dma_start3A_24 = arith.constant 0 : i32
      %dma_start3A_25 = tpu.memref_slice %arg5[%dma_start3A, %dma_start3A_24] : memref<16x128xi32, #tpu.memory_space<vmem>> -> memref<1x128xi32, #tpu.memory_space<vmem>>
      %dma_start3A_26 = tpu.memref_squeeze %dma_start3A_25 : memref<1x128xi32, #tpu.memory_space<vmem>> -> memref<128xi32, #tpu.memory_space<vmem>>
      %dma_start3A_27 = arith.constant 0 : i32
      %dma_start3A_28 = arith.constant 0 : i32
      %dma_start3A_29 = tpu.memref_slice %arg7[%dma_start3A_27, %dma_start3A_28] : memref<10240x32xf32, #tpu.memory_space<vmem_shared>> -> memref<10240x32xf32, #tpu.memory_space<vmem_shared>>
      tpu.enqueue_indirect_dma source(%dma_start3A_29 : memref<10240x32xf32, #tpu.memory_space<vmem_shared>>) target(%dma_start3A_23 : memref<128x32xf32, #tpu.memory_space<vmem>>) offsets(%dma_start3A_26 : memref<128xi32, #tpu.memory_space<vmem>>) semaphore(%arg8 : memref<!tpu.dma_semaphore, #tpu.memory_space<semaphore_mem>>)
      %dma_start3A_30 = arith.constant 1 : i32
      %dma_start3A_31 = arith.constant 128 : i32
      %dma_start3A_32 = arith.constant 0 : i32
      %dma_start3A_33 = tpu.memref_slice %arg6[%dma_start3A_31, %dma_start3A_32] : memref<2048x32xf32, #tpu.memory_space<vmem>> -> memref<128x32xf32, #tpu.memory_space<vmem>>
      %dma_start3A_34 = arith.constant 0 : i32
      %dma_start3A_35 = tpu.memref_slice %arg5[%dma_start3A_30, %dma_start3A_34] : memref<16x128xi32, #tpu.memory_space<vmem>> -> memref<1x128xi32, #tpu.memory_space<vmem>>
      %dma_start3A_36 = tpu.memref_squeeze %dma_start3A_35 : memref<1x128xi32, #tpu.memory_space<vmem>> -> memref<128xi32, #tpu.memory_space<vmem>>
      %dma_start3A_37 = arith.constant 0 : i32
      %dma_start3A_38 = arith.constant 0 : i32
      %dma_start3A_39 = tpu.memref_slice %arg7[%dma_start3A_37, %dma_start3A_38] : memref<10240x32xf32, #tpu.memory_space<vmem_shared>> -> memref<10240x32xf32, #tpu.memory_space<vmem_shared>>
      tpu.enqueue_indirect_dma source(%dma_start3A_39 : memref<10240x32xf32, #tpu.memory_space<vmem_shared>>) target(%dma_start3A_33 : memref<128x32xf32, #tpu.memory_space<vmem>>) offsets(%dma_start3A_36 : memref<128xi32, #tpu.memory_space<vmem>>) semaphore(%arg8 : memref<!tpu.dma_semaphore, #tpu.memory_space<semaphore_mem>>)
      %dma_start3A_40 = arith.constant 2 : i32
      %dma_start3A_41 = arith.constant 256 : i32
      %dma_start3A_42 = arith.constant 0 : i32
      %dma_start3A_43 = tpu.memref_slice %arg6[%dma_start3A_41, %dma_start3A_42] : memref<2048x32xf32, #tpu.memory_space<vmem>> -> memref<128x32xf32, #tpu.memory_space<vmem>>
      %dma_start3A_44 = arith.constant 0 : i32
      %dma_start3A_45 = tpu.memref_slice %arg5[%dma_start3A_40, %dma_start3A_44] : memref<16x128xi32, #tpu.memory_space<vmem>> -> memref<1x128xi32, #tpu.memory_space<vmem>>
      %dma_start3A_46 = tpu.memref_squeeze %dma_start3A_45 : memref<1x128xi32, #tpu.memory_space<vmem>> -> memref<128xi32, #tpu.memory_space<vmem>>
      %dma_start3A_47 = arith.constant 0 : i32
      %dma_start3A_48 = arith.constant 0 : i32
      %dma_start3A_49 = tpu.memref_slice %arg7[%dma_start3A_47, %dma_start3A_48] : memref<10240x32xf32, #tpu.memory_space<vmem_shared>> -> memref<10240x32xf32, #tpu.memory_space<vmem_shared>>
      tpu.enqueue_indirect_dma source(%dma_start3A_49 : memref<10240x32xf32, #tpu.memory_space<vmem_shared>>) target(%dma_start3A_43 : memref<128x32xf32, #tpu.memory_space<vmem>>) offsets(%dma_start3A_46 : memref<128xi32, #tpu.memory_space<vmem>>) semaphore(%arg8 : memref<!tpu.dma_semaphore, #tpu.memory_space<semaphore_mem>>)
      %dma_start3A_50 = arith.constant 3 : i32
      %dma_start3A_51 = arith.constant 384 : i32
      %dma_start3A_52 = arith.constant 0 : i32
      %dma_start3A_53 = tpu.memref_slice %arg6[%dma_start3A_51, %dma_start3A_52] : memref<2048x32xf32, #tpu.memory_space<vmem>> -> memref<128x32xf32, #tpu.memory_space<vmem>>
      %dma_start3A_54 = arith.constant 0 : i32
      %dma_start3A_55 = tpu.memref_slice %arg5[%dma_start3A_50, %dma_start3A_54] : memref<16x128xi32, #tpu.memory_space<vmem>> -> memref<1x128xi32, #tpu.memory_space<vmem>>
      %dma_start3A_56 = tpu.memref_squeeze %dma_start3A_55 : memref<1x128xi32, #tpu.memory_space<vmem>> -> memref<128xi32, #tpu.memory_space<vmem>>
      %dma_start3A_57 = arith.constant 0 : i32
      %dma_start3A_58 = arith.constant 0 : i32
      %dma_start3A_59 = tpu.memref_slice %arg7[%dma_start3A_57, %dma_start3A_58] : memref<10240x32xf32, #tpu.memory_space<vmem_shared>> -> memref<10240x32xf32, #tpu.memory_space<vmem_shared>>
      tpu.enqueue_indirect_dma source(%dma_start3A_59 : memref<10240x32xf32, #tpu.memory_space<vmem_shared>>) target(%dma_start3A_53 : memref<128x32xf32, #tpu.memory_space<vmem>>) offsets(%dma_start3A_56 : memref<128xi32, #tpu.memory_space<vmem>>) semaphore(%arg8 : memref<!tpu.dma_semaphore, #tpu.memory_space<semaphore_mem>>)
      %dma_start3A_60 = arith.constant 4 : i32
      %dma_start3A_61 = arith.constant 512 : i32
      %dma_start3A_62 = arith.constant 0 : i32
      %dma_start3A_63 = tpu.memref_slice %arg6[%dma_start3A_61, %dma_start3A_62] : memref<2048x32xf32, #tpu.memory_space<vmem>> -> memref<128x32xf32, #tpu.memory_space<vmem>>
      %dma_start3A_64 = arith.constant 0 : i32
      %dma_start3A_65 = tpu.memref_slice %arg5[%dma_start3A_60, %dma_start3A_64] : memref<16x128xi32, #tpu.memory_space<vmem>> -> memref<1x128xi32, #tpu.memory_space<vmem>>
      %dma_start3A_66 = tpu.memref_squeeze %dma_start3A_65 : memref<1x128xi32, #tpu.memory_space<vmem>> -> memref<128xi32, #tpu.memory_space<vmem>>
      %dma_start3A_67 = arith.constant 0 : i32
      %dma_start3A_68 = arith.constant 0 : i32
      %dma_start3A_69 = tpu.memref_slice %arg7[%dma_start3A_67, %dma_start3A_68] : memref<10240x32xf32, #tpu.memory_space<vmem_shared>> -> memref<10240x32xf32, #tpu.memory_space<vmem_shared>>
      tpu.enqueue_indirect_dma source(%dma_start3A_69 : memref<10240x32xf32, #tpu.memory_space<vmem_shared>>) target(%dma_start3A_63 : memref<128x32xf32, #tpu.memory_space<vmem>>) offsets(%dma_start3A_66 : memref<128xi32, #tpu.memory_space<vmem>>) semaphore(%arg8 : memref<!tpu.dma_semaphore, #tpu.memory_space<semaphore_mem>>)
      %dma_start3A_70 = arith.constant 5 : i32
      %dma_start3A_71 = arith.constant 640 : i32
      %dma_start3A_72 = arith.constant 0 : i32
      %dma_start3A_73 = tpu.memref_slice %arg6[%dma_start3A_71, %dma_start3A_72] : memref<2048x32xf32, #tpu.memory_space<vmem>> -> memref<128x32xf32, #tpu.memory_space<vmem>>
      %dma_start3A_74 = arith.constant 0 : i32
      %dma_start3A_75 = tpu.memref_slice %arg5[%dma_start3A_70, %dma_start3A_74] : memref<16x128xi32, #tpu.memory_space<vmem>> -> memref<1x128xi32, #tpu.memory_space<vmem>>
      %dma_start3A_76 = tpu.memref_squeeze %dma_start3A_75 : memref<1x128xi32, #tpu.memory_space<vmem>> -> memref<128xi32, #tpu.memory_space<vmem>>
      %dma_start3A_77 = arith.constant 0 : i32
      %dma_start3A_78 = arith.constant 0 : i32
      %dma_start3A_79 = tpu.memref_slice %arg7[%dma_start3A_77, %dma_start3A_78] : memref<10240x32xf32, #tpu.memory_space<vmem_shared>> -> memref<10240x32xf32, #tpu.memory_space<vmem_shared>>
      tpu.enqueue_indirect_dma source(%dma_start3A_79 : memref<10240x32xf32, #tpu.memory_space<vmem_shared>>) target(%dma_start3A_73 : memref<128x32xf32, #tpu.memory_space<vmem>>) offsets(%dma_start3A_76 : memref<128xi32, #tpu.memory_space<vmem>>) semaphore(%arg8 : memref<!tpu.dma_semaphore, #tpu.memory_space<semaphore_mem>>)
      %dma_start3A_80 = arith.constant 6 : i32
      %dma_start3A_81 = arith.constant 768 : i32
      %dma_start3A_82 = arith.constant 0 : i32
      %dma_start3A_83 = tpu.memref_slice %arg6[%dma_start3A_81, %dma_start3A_82] : memref<2048x32xf32, #tpu.memory_space<vmem>> -> memref<128x32xf32, #tpu.memory_space<vmem>>
      %dma_start3A_84 = arith.constant 0 : i32
      %dma_start3A_85 = tpu.memref_slice %arg5[%dma_start3A_80, %dma_start3A_84] : memref<16x128xi32, #tpu.memory_space<vmem>> -> memref<1x128xi32, #tpu.memory_space<vmem>>
      %dma_start3A_86 = tpu.memref_squeeze %dma_start3A_85 : memref<1x128xi32, #tpu.memory_space<vmem>> -> memref<128xi32, #tpu.memory_space<vmem>>
      %dma_start3A_87 = arith.constant 0 : i32
      %dma_start3A_88 = arith.constant 0 : i32
      %dma_start3A_89 = tpu.memref_slice %arg7[%dma_start3A_87, %dma_start3A_88] : memref<10240x32xf32, #tpu.memory_space<vmem_shared>> -> memref<10240x32xf32, #tpu.memory_space<vmem_shared>>
      tpu.enqueue_indirect_dma source(%dma_start3A_89 : memref<10240x32xf32, #tpu.memory_space<vmem_shared>>) target(%dma_start3A_83 : memref<128x32xf32, #tpu.memory_space<vmem>>) offsets(%dma_start3A_86 : memref<128xi32, #tpu.memory_space<vmem>>) semaphore(%arg8 : memref<!tpu.dma_semaphore, #tpu.memory_space<semaphore_mem>>)
      %dma_start3A_90 = arith.constant 7 : i32
      %dma_start3A_91 = arith.constant 896 : i32
      %dma_start3A_92 = arith.constant 0 : i32
      %dma_start3A_93 = tpu.memref_slice %arg6[%dma_start3A_91, %dma_start3A_92] : memref<2048x32xf32, #tpu.memory_space<vmem>> -> memref<128x32xf32, #tpu.memory_space<vmem>>
      %dma_start3A_94 = arith.constant 0 : i32
      %dma_start3A_95 = tpu.memref_slice %arg5[%dma_start3A_90, %dma_start3A_94] : memref<16x128xi32, #tpu.memory_space<vmem>> -> memref<1x128xi32, #tpu.memory_space<vmem>>
      %dma_start3A_96 = tpu.memref_squeeze %dma_start3A_95 : memref<1x128xi32, #tpu.memory_space<vmem>> -> memref<128xi32, #tpu.memory_space<vmem>>
      %dma_start3A_97 = arith.constant 0 : i32
      %dma_start3A_98 = arith.constant 0 : i32
      %dma_start3A_99 = tpu.memref_slice %arg7[%dma_start3A_97, %dma_start3A_98] : memref<10240x32xf32, #tpu.memory_space<vmem_shared>> -> memref<10240x32xf32, #tpu.memory_space<vmem_shared>>
      tpu.enqueue_indirect_dma source(%dma_start3A_99 : memref<10240x32xf32, #tpu.memory_space<vmem_shared>>) target(%dma_start3A_93 : memref<128x32xf32, #tpu.memory_space<vmem>>) offsets(%dma_start3A_96 : memref<128xi32, #tpu.memory_space<vmem>>) semaphore(%arg8 : memref<!tpu.dma_semaphore, #tpu.memory_space<semaphore_mem>>)
      %dma_start3A_100 = arith.constant 8 : i32
      %dma_start3A_101 = arith.constant 1024 : i32
      %dma_start3A_102 = arith.constant 0 : i32
      %dma_start3A_103 = tpu.memref_slice %arg6[%dma_start3A_101, %dma_start3A_102] : memref<2048x32xf32, #tpu.memory_space<vmem>> -> memref<128x32xf32, #tpu.memory_space<vmem>>
      %dma_start3A_104 = arith.constant 0 : i32
      %dma_start3A_105 = tpu.memref_slice %arg5[%dma_start3A_100, %dma_start3A_104] : memref<16x128xi32, #tpu.memory_space<vmem>> -> memref<1x128xi32, #tpu.memory_space<vmem>>
      %dma_start3A_106 = tpu.memref_squeeze %dma_start3A_105 : memref<1x128xi32, #tpu.memory_space<vmem>> -> memref<128xi32, #tpu.memory_space<vmem>>
      %dma_start3A_107 = arith.constant 0 : i32
      %dma_start3A_108 = arith.constant 0 : i32
      %dma_start3A_109 = tpu.memref_slice %arg7[%dma_start3A_107, %dma_start3A_108] : memref<10240x32xf32, #tpu.memory_space<vmem_shared>> -> memref<10240x32xf32, #tpu.memory_space<vmem_shared>>
      tpu.enqueue_indirect_dma source(%dma_start3A_109 : memref<10240x32xf32, #tpu.memory_space<vmem_shared>>) target(%dma_start3A_103 : memref<128x32xf32, #tpu.memory_space<vmem>>) offsets(%dma_start3A_106 : memref<128xi32, #tpu.memory_space<vmem>>) semaphore(%arg8 : memref<!tpu.dma_semaphore, #tpu.memory_space<semaphore_mem>>)
      %dma_start3A_110 = arith.constant 9 : i32
      %dma_start3A_111 = arith.constant 1152 : i32
      %dma_start3A_112 = arith.constant 0 : i32
      %dma_start3A_113 = tpu.memref_slice %arg6[%dma_start3A_111, %dma_start3A_112] : memref<2048x32xf32, #tpu.memory_space<vmem>> -> memref<128x32xf32, #tpu.memory_space<vmem>>
      %dma_start3A_114 = arith.constant 0 : i32
      %dma_start3A_115 = tpu.memref_slice %arg5[%dma_start3A_110, %dma_start3A_114] : memref<16x128xi32, #tpu.memory_space<vmem>> -> memref<1x128xi32, #tpu.memory_space<vmem>>
      %dma_start3A_116 = tpu.memref_squeeze %dma_start3A_115 : memref<1x128xi32, #tpu.memory_space<vmem>> -> memref<128xi32, #tpu.memory_space<vmem>>
      %dma_start3A_117 = arith.constant 0 : i32
      %dma_start3A_118 = arith.constant 0 : i32
      %dma_start3A_119 = tpu.memref_slice %arg7[%dma_start3A_117, %dma_start3A_118] : memref<10240x32xf32, #tpu.memory_space<vmem_shared>> -> memref<10240x32xf32, #tpu.memory_space<vmem_shared>>
      tpu.enqueue_indirect_dma source(%dma_start3A_119 : memref<10240x32xf32, #tpu.memory_space<vmem_shared>>) target(%dma_start3A_113 : memref<128x32xf32, #tpu.memory_space<vmem>>) offsets(%dma_start3A_116 : memref<128xi32, #tpu.memory_space<vmem>>) semaphore(%arg8 : memref<!tpu.dma_semaphore, #tpu.memory_space<semaphore_mem>>)
      %dma_start3A_120 = arith.constant 10 : i32
      %dma_start3A_121 = arith.constant 1280 : i32
      %dma_start3A_122 = arith.constant 0 : i32
      %dma_start3A_123 = tpu.memref_slice %arg6[%dma_start3A_121, %dma_start3A_122] : memref<2048x32xf32, #tpu.memory_space<vmem>> -> memref<128x32xf32, #tpu.memory_space<vmem>>
      %dma_start3A_124 = arith.constant 0 : i32
      %dma_start3A_125 = tpu.memref_slice %arg5[%dma_start3A_120, %dma_start3A_124] : memref<16x128xi32, #tpu.memory_space<vmem>> -> memref<1x128xi32, #tpu.memory_space<vmem>>
      %dma_start3A_126 = tpu.memref_squeeze %dma_start3A_125 : memref<1x128xi32, #tpu.memory_space<vmem>> -> memref<128xi32, #tpu.memory_space<vmem>>
      %dma_start3A_127 = arith.constant 0 : i32
      %dma_start3A_128 = arith.constant 0 : i32
      %dma_start3A_129 = tpu.memref_slice %arg7[%dma_start3A_127, %dma_start3A_128] : memref<10240x32xf32, #tpu.memory_space<vmem_shared>> -> memref<10240x32xf32, #tpu.memory_space<vmem_shared>>
      tpu.enqueue_indirect_dma source(%dma_start3A_129 : memref<10240x32xf32, #tpu.memory_space<vmem_shared>>) target(%dma_start3A_123 : memref<128x32xf32, #tpu.memory_space<vmem>>) offsets(%dma_start3A_126 : memref<128xi32, #tpu.memory_space<vmem>>) semaphore(%arg8 : memref<!tpu.dma_semaphore, #tpu.memory_space<semaphore_mem>>)
      %dma_start3A_130 = arith.constant 11 : i32
      %dma_start3A_131 = arith.constant 1408 : i32
      %dma_start3A_132 = arith.constant 0 : i32
      %dma_start3A_133 = tpu.memref_slice %arg6[%dma_start3A_131, %dma_start3A_132] : memref<2048x32xf32, #tpu.memory_space<vmem>> -> memref<128x32xf32, #tpu.memory_space<vmem>>
      %dma_start3A_134 = arith.constant 0 : i32
      %dma_start3A_135 = tpu.memref_slice %arg5[%dma_start3A_130, %dma_start3A_134] : memref<16x128xi32, #tpu.memory_space<vmem>> -> memref<1x128xi32, #tpu.memory_space<vmem>>
      %dma_start3A_136 = tpu.memref_squeeze %dma_start3A_135 : memref<1x128xi32, #tpu.memory_space<vmem>> -> memref<128xi32, #tpu.memory_space<vmem>>
      %dma_start3A_137 = arith.constant 0 : i32
      %dma_start3A_138 = arith.constant 0 : i32
      %dma_start3A_139 = tpu.memref_slice %arg7[%dma_start3A_137, %dma_start3A_138] : memref<10240x32xf32, #tpu.memory_space<vmem_shared>> -> memref<10240x32xf32, #tpu.memory_space<vmem_shared>>
      tpu.enqueue_indirect_dma source(%dma_start3A_139 : memref<10240x32xf32, #tpu.memory_space<vmem_shared>>) target(%dma_start3A_133 : memref<128x32xf32, #tpu.memory_space<vmem>>) offsets(%dma_start3A_136 : memref<128xi32, #tpu.memory_space<vmem>>) semaphore(%arg8 : memref<!tpu.dma_semaphore, #tpu.memory_space<semaphore_mem>>)
      %dma_start3A_140 = arith.constant 12 : i32
      %dma_start3A_141 = arith.constant 1536 : i32
      %dma_start3A_142 = arith.constant 0 : i32
      %dma_start3A_143 = tpu.memref_slice %arg6[%dma_start3A_141, %dma_start3A_142] : memref<2048x32xf32, #tpu.memory_space<vmem>> -> memref<128x32xf32, #tpu.memory_space<vmem>>
      %dma_start3A_144 = arith.constant 0 : i32
      %dma_start3A_145 = tpu.memref_slice %arg5[%dma_start3A_140, %dma_start3A_144] : memref<16x128xi32, #tpu.memory_space<vmem>> -> memref<1x128xi32, #tpu.memory_space<vmem>>
      %dma_start3A_146 = tpu.memref_squeeze %dma_start3A_145 : memref<1x128xi32, #tpu.memory_space<vmem>> -> memref<128xi32, #tpu.memory_space<vmem>>
      %dma_start3A_147 = arith.constant 0 : i32
      %dma_start3A_148 = arith.constant 0 : i32
      %dma_start3A_149 = tpu.memref_slice %arg7[%dma_start3A_147, %dma_start3A_148] : memref<10240x32xf32, #tpu.memory_space<vmem_shared>> -> memref<10240x32xf32, #tpu.memory_space<vmem_shared>>
      tpu.enqueue_indirect_dma source(%dma_start3A_149 : memref<10240x32xf32, #tpu.memory_space<vmem_shared>>) target(%dma_start3A_143 : memref<128x32xf32, #tpu.memory_space<vmem>>) offsets(%dma_start3A_146 : memref<128xi32, #tpu.memory_space<vmem>>) semaphore(%arg8 : memref<!tpu.dma_semaphore, #tpu.memory_space<semaphore_mem>>)
      %dma_start3A_150 = arith.constant 13 : i32
      %dma_start3A_151 = arith.constant 1664 : i32
      %dma_start3A_152 = arith.constant 0 : i32
      %dma_start3A_153 = tpu.memref_slice %arg6[%dma_start3A_151, %dma_start3A_152] : memref<2048x32xf32, #tpu.memory_space<vmem>> -> memref<128x32xf32, #tpu.memory_space<vmem>>
      %dma_start3A_154 = arith.constant 0 : i32
      %dma_start3A_155 = tpu.memref_slice %arg5[%dma_start3A_150, %dma_start3A_154] : memref<16x128xi32, #tpu.memory_space<vmem>> -> memref<1x128xi32, #tpu.memory_space<vmem>>
      %dma_start3A_156 = tpu.memref_squeeze %dma_start3A_155 : memref<1x128xi32, #tpu.memory_space<vmem>> -> memref<128xi32, #tpu.memory_space<vmem>>
      %dma_start3A_157 = arith.constant 0 : i32
      %dma_start3A_158 = arith.constant 0 : i32
      %dma_start3A_159 = tpu.memref_slice %arg7[%dma_start3A_157, %dma_start3A_158] : memref<10240x32xf32, #tpu.memory_space<vmem_shared>> -> memref<10240x32xf32, #tpu.memory_space<vmem_shared>>
      tpu.enqueue_indirect_dma source(%dma_start3A_159 : memref<10240x32xf32, #tpu.memory_space<vmem_shared>>) target(%dma_start3A_153 : memref<128x32xf32, #tpu.memory_space<vmem>>) offsets(%dma_start3A_156 : memref<128xi32, #tpu.memory_space<vmem>>) semaphore(%arg8 : memref<!tpu.dma_semaphore, #tpu.memory_space<semaphore_mem>>)
      %dma_start3A_160 = arith.constant 14 : i32
      %dma_start3A_161 = arith.constant 1792 : i32
      %dma_start3A_162 = arith.constant 0 : i32
      %dma_start3A_163 = tpu.memref_slice %arg6[%dma_start3A_161, %dma_start3A_162] : memref<2048x32xf32, #tpu.memory_space<vmem>> -> memref<128x32xf32, #tpu.memory_space<vmem>>
      %dma_start3A_164 = arith.constant 0 : i32
      %dma_start3A_165 = tpu.memref_slice %arg5[%dma_start3A_160, %dma_start3A_164] : memref<16x128xi32, #tpu.memory_space<vmem>> -> memref<1x128xi32, #tpu.memory_space<vmem>>
      %dma_start3A_166 = tpu.memref_squeeze %dma_start3A_165 : memref<1x128xi32, #tpu.memory_space<vmem>> -> memref<128xi32, #tpu.memory_space<vmem>>
      %dma_start3A_167 = arith.constant 0 : i32
      %dma_start3A_168 = arith.constant 0 : i32
      %dma_start3A_169 = tpu.memref_slice %arg7[%dma_start3A_167, %dma_start3A_168] : memref<10240x32xf32, #tpu.memory_space<vmem_shared>> -> memref<10240x32xf32, #tpu.memory_space<vmem_shared>>
      tpu.enqueue_indirect_dma source(%dma_start3A_169 : memref<10240x32xf32, #tpu.memory_space<vmem_shared>>) target(%dma_start3A_163 : memref<128x32xf32, #tpu.memory_space<vmem>>) offsets(%dma_start3A_166 : memref<128xi32, #tpu.memory_space<vmem>>) semaphore(%arg8 : memref<!tpu.dma_semaphore, #tpu.memory_space<semaphore_mem>>)
      %dma_start3A_170 = arith.constant 15 : i32
      %dma_start3A_171 = arith.constant 1920 : i32
      %dma_start3A_172 = arith.constant 0 : i32
      %dma_start3A_173 = tpu.memref_slice %arg6[%dma_start3A_171, %dma_start3A_172] : memref<2048x32xf32, #tpu.memory_space<vmem>> -> memref<128x32xf32, #tpu.memory_space<vmem>>
      %dma_start3A_174 = arith.constant 0 : i32
      %dma_start3A_175 = tpu.memref_slice %arg5[%dma_start3A_170, %dma_start3A_174] : memref<16x128xi32, #tpu.memory_space<vmem>> -> memref<1x128xi32, #tpu.memory_space<vmem>>
      %dma_start3A_176 = tpu.memref_squeeze %dma_start3A_175 : memref<1x128xi32, #tpu.memory_space<vmem>> -> memref<128xi32, #tpu.memory_space<vmem>>
      %dma_start3A_177 = arith.constant 0 : i32
      %dma_start3A_178 = arith.constant 0 : i32
      %dma_start3A_179 = tpu.memref_slice %arg7[%dma_start3A_177, %dma_start3A_178] : memref<10240x32xf32, #tpu.memory_space<vmem_shared>> -> memref<10240x32xf32, #tpu.memory_space<vmem_shared>>
      tpu.enqueue_indirect_dma source(%dma_start3A_179 : memref<10240x32xf32, #tpu.memory_space<vmem_shared>>) target(%dma_start3A_173 : memref<128x32xf32, #tpu.memory_space<vmem>>) offsets(%dma_start3A_176 : memref<128xi32, #tpu.memory_space<vmem>>) semaphore(%arg8 : memref<!tpu.dma_semaphore, #tpu.memory_space<semaphore_mem>>)
      %dma_wait3A = arith.constant 0 : i32
      %dma_wait3A_180 = arith.constant 0 : i32
      %dma_wait3A_181 = arith.constant 0 : i32
      %dma_wait3A_182 = tpu.memref_slice %arg6[%dma_wait3A_180, %dma_wait3A_181] : memref<2048x32xf32, #tpu.memory_space<vmem>> -> memref<128x32xf32, #tpu.memory_space<vmem>>
      %dma_wait3A_183 = arith.constant 0 : i32
      %dma_wait3A_184 = tpu.memref_slice %arg5[%dma_wait3A, %dma_wait3A_183] : memref<16x128xi32, #tpu.memory_space<vmem>> -> memref<1x128xi32, #tpu.memory_space<vmem>>
      %dma_wait3A_185 = tpu.memref_squeeze %dma_wait3A_184 : memref<1x128xi32, #tpu.memory_space<vmem>> -> memref<128xi32, #tpu.memory_space<vmem>>
      %dma_wait3A_186 = arith.constant 0 : i32
      %dma_wait3A_187 = arith.constant 0 : i32
      %dma_wait3A_188 = tpu.memref_slice %arg7[%dma_wait3A_186, %dma_wait3A_187] : memref<10240x32xf32, #tpu.memory_space<vmem_shared>> -> memref<10240x32xf32, #tpu.memory_space<vmem_shared>>
      tpu.wait_indirect_dma semaphore(%arg8 : memref<!tpu.dma_semaphore, #tpu.memory_space<semaphore_mem>>) src(%dma_wait3A_188 : memref<10240x32xf32, #tpu.memory_space<vmem_shared>>) dst(%dma_wait3A_182 : memref<128x32xf32, #tpu.memory_space<vmem>>)
      %dma_wait3A_189 = arith.constant 1 : i32
      %dma_wait3A_190 = arith.constant 128 : i32
      %dma_wait3A_191 = arith.constant 0 : i32
      %dma_wait3A_192 = tpu.memref_slice %arg6[%dma_wait3A_190, %dma_wait3A_191] : memref<2048x32xf32, #tpu.memory_space<vmem>> -> memref<128x32xf32, #tpu.memory_space<vmem>>
      %dma_wait3A_193 = arith.constant 0 : i32
      %dma_wait3A_194 = tpu.memref_slice %arg5[%dma_wait3A_189, %dma_wait3A_193] : memref<16x128xi32, #tpu.memory_space<vmem>> -> memref<1x128xi32, #tpu.memory_space<vmem>>
      %dma_wait3A_195 = tpu.memref_squeeze %dma_wait3A_194 : memref<1x128xi32, #tpu.memory_space<vmem>> -> memref<128xi32, #tpu.memory_space<vmem>>
      %dma_wait3A_196 = arith.constant 0 : i32
      %dma_wait3A_197 = arith.constant 0 : i32
      %dma_wait3A_198 = tpu.memref_slice %arg7[%dma_wait3A_196, %dma_wait3A_197] : memref<10240x32xf32, #tpu.memory_space<vmem_shared>> -> memref<10240x32xf32, #tpu.memory_space<vmem_shared>>
      tpu.wait_indirect_dma semaphore(%arg8 : memref<!tpu.dma_semaphore, #tpu.memory_space<semaphore_mem>>) src(%dma_wait3A_198 : memref<10240x32xf32, #tpu.memory_space<vmem_shared>>) dst(%dma_wait3A_192 : memref<128x32xf32, #tpu.memory_space<vmem>>)
      %dma_wait3A_199 = arith.constant 2 : i32
      %dma_wait3A_200 = arith.constant 256 : i32
      %dma_wait3A_201 = arith.constant 0 : i32
      %dma_wait3A_202 = tpu.memref_slice %arg6[%dma_wait3A_200, %dma_wait3A_201] : memref<2048x32xf32, #tpu.memory_space<vmem>> -> memref<128x32xf32, #tpu.memory_space<vmem>>
      %dma_wait3A_203 = arith.constant 0 : i32
      %dma_wait3A_204 = tpu.memref_slice %arg5[%dma_wait3A_199, %dma_wait3A_203] : memref<16x128xi32, #tpu.memory_space<vmem>> -> memref<1x128xi32, #tpu.memory_space<vmem>>
      %dma_wait3A_205 = tpu.memref_squeeze %dma_wait3A_204 : memref<1x128xi32, #tpu.memory_space<vmem>> -> memref<128xi32, #tpu.memory_space<vmem>>
      %dma_wait3A_206 = arith.constant 0 : i32
      %dma_wait3A_207 = arith.constant 0 : i32
      %dma_wait3A_208 = tpu.memref_slice %arg7[%dma_wait3A_206, %dma_wait3A_207] : memref<10240x32xf32, #tpu.memory_space<vmem_shared>> -> memref<10240x32xf32, #tpu.memory_space<vmem_shared>>
      tpu.wait_indirect_dma semaphore(%arg8 : memref<!tpu.dma_semaphore, #tpu.memory_space<semaphore_mem>>) src(%dma_wait3A_208 : memref<10240x32xf32, #tpu.memory_space<vmem_shared>>) dst(%dma_wait3A_202 : memref<128x32xf32, #tpu.memory_space<vmem>>)
      %dma_wait3A_209 = arith.constant 3 : i32
      %dma_wait3A_210 = arith.constant 384 : i32
      %dma_wait3A_211 = arith.constant 0 : i32
      %dma_wait3A_212 = tpu.memref_slice %arg6[%dma_wait3A_210, %dma_wait3A_211] : memref<2048x32xf32, #tpu.memory_space<vmem>> -> memref<128x32xf32, #tpu.memory_space<vmem>>
      %dma_wait3A_213 = arith.constant 0 : i32
      %dma_wait3A_214 = tpu.memref_slice %arg5[%dma_wait3A_209, %dma_wait3A_213] : memref<16x128xi32, #tpu.memory_space<vmem>> -> memref<1x128xi32, #tpu.memory_space<vmem>>
      %dma_wait3A_215 = tpu.memref_squeeze %dma_wait3A_214 : memref<1x128xi32, #tpu.memory_space<vmem>> -> memref<128xi32, #tpu.memory_space<vmem>>
      %dma_wait3A_216 = arith.constant 0 : i32
      %dma_wait3A_217 = arith.constant 0 : i32
      %dma_wait3A_218 = tpu.memref_slice %arg7[%dma_wait3A_216, %dma_wait3A_217] : memref<10240x32xf32, #tpu.memory_space<vmem_shared>> -> memref<10240x32xf32, #tpu.memory_space<vmem_shared>>
      tpu.wait_indirect_dma semaphore(%arg8 : memref<!tpu.dma_semaphore, #tpu.memory_space<semaphore_mem>>) src(%dma_wait3A_218 : memref<10240x32xf32, #tpu.memory_space<vmem_shared>>) dst(%dma_wait3A_212 : memref<128x32xf32, #tpu.memory_space<vmem>>)
      %dma_wait3A_219 = arith.constant 4 : i32
      %dma_wait3A_220 = arith.constant 512 : i32
      %dma_wait3A_221 = arith.constant 0 : i32
      %dma_wait3A_222 = tpu.memref_slice %arg6[%dma_wait3A_220, %dma_wait3A_221] : memref<2048x32xf32, #tpu.memory_space<vmem>> -> memref<128x32xf32, #tpu.memory_space<vmem>>
      %dma_wait3A_223 = arith.constant 0 : i32
      %dma_wait3A_224 = tpu.memref_slice %arg5[%dma_wait3A_219, %dma_wait3A_223] : memref<16x128xi32, #tpu.memory_space<vmem>> -> memref<1x128xi32, #tpu.memory_space<vmem>>
      %dma_wait3A_225 = tpu.memref_squeeze %dma_wait3A_224 : memref<1x128xi32, #tpu.memory_space<vmem>> -> memref<128xi32, #tpu.memory_space<vmem>>
      %dma_wait3A_226 = arith.constant 0 : i32
      %dma_wait3A_227 = arith.constant 0 : i32
      %dma_wait3A_228 = tpu.memref_slice %arg7[%dma_wait3A_226, %dma_wait3A_227] : memref<10240x32xf32, #tpu.memory_space<vmem_shared>> -> memref<10240x32xf32, #tpu.memory_space<vmem_shared>>
      tpu.wait_indirect_dma semaphore(%arg8 : memref<!tpu.dma_semaphore, #tpu.memory_space<semaphore_mem>>) src(%dma_wait3A_228 : memref<10240x32xf32, #tpu.memory_space<vmem_shared>>) dst(%dma_wait3A_222 : memref<128x32xf32, #tpu.memory_space<vmem>>)
      %dma_wait3A_229 = arith.constant 5 : i32
      %dma_wait3A_230 = arith.constant 640 : i32
      %dma_wait3A_231 = arith.constant 0 : i32
      %dma_wait3A_232 = tpu.memref_slice %arg6[%dma_wait3A_230, %dma_wait3A_231] : memref<2048x32xf32, #tpu.memory_space<vmem>> -> memref<128x32xf32, #tpu.memory_space<vmem>>
      %dma_wait3A_233 = arith.constant 0 : i32
      %dma_wait3A_234 = tpu.memref_slice %arg5[%dma_wait3A_229, %dma_wait3A_233] : memref<16x128xi32, #tpu.memory_space<vmem>> -> memref<1x128xi32, #tpu.memory_space<vmem>>
      %dma_wait3A_235 = tpu.memref_squeeze %dma_wait3A_234 : memref<1x128xi32, #tpu.memory_space<vmem>> -> memref<128xi32, #tpu.memory_space<vmem>>
      %dma_wait3A_236 = arith.constant 0 : i32
      %dma_wait3A_237 = arith.constant 0 : i32
      %dma_wait3A_238 = tpu.memref_slice %arg7[%dma_wait3A_236, %dma_wait3A_237] : memref<10240x32xf32, #tpu.memory_space<vmem_shared>> -> memref<10240x32xf32, #tpu.memory_space<vmem_shared>>
      tpu.wait_indirect_dma semaphore(%arg8 : memref<!tpu.dma_semaphore, #tpu.memory_space<semaphore_mem>>) src(%dma_wait3A_238 : memref<10240x32xf32, #tpu.memory_space<vmem_shared>>) dst(%dma_wait3A_232 : memref<128x32xf32, #tpu.memory_space<vmem>>)
      %dma_wait3A_239 = arith.constant 6 : i32
      %dma_wait3A_240 = arith.constant 768 : i32
      %dma_wait3A_241 = arith.constant 0 : i32
      %dma_wait3A_242 = tpu.memref_slice %arg6[%dma_wait3A_240, %dma_wait3A_241] : memref<2048x32xf32, #tpu.memory_space<vmem>> -> memref<128x32xf32, #tpu.memory_space<vmem>>
      %dma_wait3A_243 = arith.constant 0 : i32
      %dma_wait3A_244 = tpu.memref_slice %arg5[%dma_wait3A_239, %dma_wait3A_243] : memref<16x128xi32, #tpu.memory_space<vmem>> -> memref<1x128xi32, #tpu.memory_space<vmem>>
      %dma_wait3A_245 = tpu.memref_squeeze %dma_wait3A_244 : memref<1x128xi32, #tpu.memory_space<vmem>> -> memref<128xi32, #tpu.memory_space<vmem>>
      %dma_wait3A_246 = arith.constant 0 : i32
      %dma_wait3A_247 = arith.constant 0 : i32
      %dma_wait3A_248 = tpu.memref_slice %arg7[%dma_wait3A_246, %dma_wait3A_247] : memref<10240x32xf32, #tpu.memory_space<vmem_shared>> -> memref<10240x32xf32, #tpu.memory_space<vmem_shared>>
      tpu.wait_indirect_dma semaphore(%arg8 : memref<!tpu.dma_semaphore, #tpu.memory_space<semaphore_mem>>) src(%dma_wait3A_248 : memref<10240x32xf32, #tpu.memory_space<vmem_shared>>) dst(%dma_wait3A_242 : memref<128x32xf32, #tpu.memory_space<vmem>>)
      %dma_wait3A_249 = arith.constant 7 : i32
      %dma_wait3A_250 = arith.constant 896 : i32
      %dma_wait3A_251 = arith.constant 0 : i32
      %dma_wait3A_252 = tpu.memref_slice %arg6[%dma_wait3A_250, %dma_wait3A_251] : memref<2048x32xf32, #tpu.memory_space<vmem>> -> memref<128x32xf32, #tpu.memory_space<vmem>>
      %dma_wait3A_253 = arith.constant 0 : i32
      %dma_wait3A_254 = tpu.memref_slice %arg5[%dma_wait3A_249, %dma_wait3A_253] : memref<16x128xi32, #tpu.memory_space<vmem>> -> memref<1x128xi32, #tpu.memory_space<vmem>>
      %dma_wait3A_255 = tpu.memref_squeeze %dma_wait3A_254 : memref<1x128xi32, #tpu.memory_space<vmem>> -> memref<128xi32, #tpu.memory_space<vmem>>
      %dma_wait3A_256 = arith.constant 0 : i32
      %dma_wait3A_257 = arith.constant 0 : i32
      %dma_wait3A_258 = tpu.memref_slice %arg7[%dma_wait3A_256, %dma_wait3A_257] : memref<10240x32xf32, #tpu.memory_space<vmem_shared>> -> memref<10240x32xf32, #tpu.memory_space<vmem_shared>>
      tpu.wait_indirect_dma semaphore(%arg8 : memref<!tpu.dma_semaphore, #tpu.memory_space<semaphore_mem>>) src(%dma_wait3A_258 : memref<10240x32xf32, #tpu.memory_space<vmem_shared>>) dst(%dma_wait3A_252 : memref<128x32xf32, #tpu.memory_space<vmem>>)
      %dma_wait3A_259 = arith.constant 8 : i32
      %dma_wait3A_260 = arith.constant 1024 : i32
      %dma_wait3A_261 = arith.constant 0 : i32
      %dma_wait3A_262 = tpu.memref_slice %arg6[%dma_wait3A_260, %dma_wait3A_261] : memref<2048x32xf32, #tpu.memory_space<vmem>> -> memref<128x32xf32, #tpu.memory_space<vmem>>
      %dma_wait3A_263 = arith.constant 0 : i32
      %dma_wait3A_264 = tpu.memref_slice %arg5[%dma_wait3A_259, %dma_wait3A_263] : memref<16x128xi32, #tpu.memory_space<vmem>> -> memref<1x128xi32, #tpu.memory_space<vmem>>
      %dma_wait3A_265 = tpu.memref_squeeze %dma_wait3A_264 : memref<1x128xi32, #tpu.memory_space<vmem>> -> memref<128xi32, #tpu.memory_space<vmem>>
      %dma_wait3A_266 = arith.constant 0 : i32
      %dma_wait3A_267 = arith.constant 0 : i32
      %dma_wait3A_268 = tpu.memref_slice %arg7[%dma_wait3A_266, %dma_wait3A_267] : memref<10240x32xf32, #tpu.memory_space<vmem_shared>> -> memref<10240x32xf32, #tpu.memory_space<vmem_shared>>
      tpu.wait_indirect_dma semaphore(%arg8 : memref<!tpu.dma_semaphore, #tpu.memory_space<semaphore_mem>>) src(%dma_wait3A_268 : memref<10240x32xf32, #tpu.memory_space<vmem_shared>>) dst(%dma_wait3A_262 : memref<128x32xf32, #tpu.memory_space<vmem>>)
      %dma_wait3A_269 = arith.constant 9 : i32
      %dma_wait3A_270 = arith.constant 1152 : i32
      %dma_wait3A_271 = arith.constant 0 : i32
      %dma_wait3A_272 = tpu.memref_slice %arg6[%dma_wait3A_270, %dma_wait3A_271] : memref<2048x32xf32, #tpu.memory_space<vmem>> -> memref<128x32xf32, #tpu.memory_space<vmem>>
      %dma_wait3A_273 = arith.constant 0 : i32
      %dma_wait3A_274 = tpu.memref_slice %arg5[%dma_wait3A_269, %dma_wait3A_273] : memref<16x128xi32, #tpu.memory_space<vmem>> -> memref<1x128xi32, #tpu.memory_space<vmem>>
      %dma_wait3A_275 = tpu.memref_squeeze %dma_wait3A_274 : memref<1x128xi32, #tpu.memory_space<vmem>> -> memref<128xi32, #tpu.memory_space<vmem>>
      %dma_wait3A_276 = arith.constant 0 : i32
      %dma_wait3A_277 = arith.constant 0 : i32
      %dma_wait3A_278 = tpu.memref_slice %arg7[%dma_wait3A_276, %dma_wait3A_277] : memref<10240x32xf32, #tpu.memory_space<vmem_shared>> -> memref<10240x32xf32, #tpu.memory_space<vmem_shared>>
      tpu.wait_indirect_dma semaphore(%arg8 : memref<!tpu.dma_semaphore, #tpu.memory_space<semaphore_mem>>) src(%dma_wait3A_278 : memref<10240x32xf32, #tpu.memory_space<vmem_shared>>) dst(%dma_wait3A_272 : memref<128x32xf32, #tpu.memory_space<vmem>>)
      %dma_wait3A_279 = arith.constant 10 : i32
      %dma_wait3A_280 = arith.constant 1280 : i32
      %dma_wait3A_281 = arith.constant 0 : i32
      %dma_wait3A_282 = tpu.memref_slice %arg6[%dma_wait3A_280, %dma_wait3A_281] : memref<2048x32xf32, #tpu.memory_space<vmem>> -> memref<128x32xf32, #tpu.memory_space<vmem>>
      %dma_wait3A_283 = arith.constant 0 : i32
      %dma_wait3A_284 = tpu.memref_slice %arg5[%dma_wait3A_279, %dma_wait3A_283] : memref<16x128xi32, #tpu.memory_space<vmem>> -> memref<1x128xi32, #tpu.memory_space<vmem>>
      %dma_wait3A_285 = tpu.memref_squeeze %dma_wait3A_284 : memref<1x128xi32, #tpu.memory_space<vmem>> -> memref<128xi32, #tpu.memory_space<vmem>>
      %dma_wait3A_286 = arith.constant 0 : i32
      %dma_wait3A_287 = arith.constant 0 : i32
      %dma_wait3A_288 = tpu.memref_slice %arg7[%dma_wait3A_286, %dma_wait3A_287] : memref<10240x32xf32, #tpu.memory_space<vmem_shared>> -> memref<10240x32xf32, #tpu.memory_space<vmem_shared>>
      tpu.wait_indirect_dma semaphore(%arg8 : memref<!tpu.dma_semaphore, #tpu.memory_space<semaphore_mem>>) src(%dma_wait3A_288 : memref<10240x32xf32, #tpu.memory_space<vmem_shared>>) dst(%dma_wait3A_282 : memref<128x32xf32, #tpu.memory_space<vmem>>)
      %dma_wait3A_289 = arith.constant 11 : i32
      %dma_wait3A_290 = arith.constant 1408 : i32
      %dma_wait3A_291 = arith.constant 0 : i32
      %dma_wait3A_292 = tpu.memref_slice %arg6[%dma_wait3A_290, %dma_wait3A_291] : memref<2048x32xf32, #tpu.memory_space<vmem>> -> memref<128x32xf32, #tpu.memory_space<vmem>>
      %dma_wait3A_293 = arith.constant 0 : i32
      %dma_wait3A_294 = tpu.memref_slice %arg5[%dma_wait3A_289, %dma_wait3A_293] : memref<16x128xi32, #tpu.memory_space<vmem>> -> memref<1x128xi32, #tpu.memory_space<vmem>>
      %dma_wait3A_295 = tpu.memref_squeeze %dma_wait3A_294 : memref<1x128xi32, #tpu.memory_space<vmem>> -> memref<128xi32, #tpu.memory_space<vmem>>
      %dma_wait3A_296 = arith.constant 0 : i32
      %dma_wait3A_297 = arith.constant 0 : i32
      %dma_wait3A_298 = tpu.memref_slice %arg7[%dma_wait3A_296, %dma_wait3A_297] : memref<10240x32xf32, #tpu.memory_space<vmem_shared>> -> memref<10240x32xf32, #tpu.memory_space<vmem_shared>>
      tpu.wait_indirect_dma semaphore(%arg8 : memref<!tpu.dma_semaphore, #tpu.memory_space<semaphore_mem>>) src(%dma_wait3A_298 : memref<10240x32xf32, #tpu.memory_space<vmem_shared>>) dst(%dma_wait3A_292 : memref<128x32xf32, #tpu.memory_space<vmem>>)
      %dma_wait3A_299 = arith.constant 12 : i32
      %dma_wait3A_300 = arith.constant 1536 : i32
      %dma_wait3A_301 = arith.constant 0 : i32
      %dma_wait3A_302 = tpu.memref_slice %arg6[%dma_wait3A_300, %dma_wait3A_301] : memref<2048x32xf32, #tpu.memory_space<vmem>> -> memref<128x32xf32, #tpu.memory_space<vmem>>
      %dma_wait3A_303 = arith.constant 0 : i32
      %dma_wait3A_304 = tpu.memref_slice %arg5[%dma_wait3A_299, %dma_wait3A_303] : memref<16x128xi32, #tpu.memory_space<vmem>> -> memref<1x128xi32, #tpu.memory_space<vmem>>
      %dma_wait3A_305 = tpu.memref_squeeze %dma_wait3A_304 : memref<1x128xi32, #tpu.memory_space<vmem>> -> memref<128xi32, #tpu.memory_space<vmem>>
      %dma_wait3A_306 = arith.constant 0 : i32
      %dma_wait3A_307 = arith.constant 0 : i32
      %dma_wait3A_308 = tpu.memref_slice %arg7[%dma_wait3A_306, %dma_wait3A_307] : memref<10240x32xf32, #tpu.memory_space<vmem_shared>> -> memref<10240x32xf32, #tpu.memory_space<vmem_shared>>
      tpu.wait_indirect_dma semaphore(%arg8 : memref<!tpu.dma_semaphore, #tpu.memory_space<semaphore_mem>>) src(%dma_wait3A_308 : memref<10240x32xf32, #tpu.memory_space<vmem_shared>>) dst(%dma_wait3A_302 : memref<128x32xf32, #tpu.memory_space<vmem>>)
      %dma_wait3A_309 = arith.constant 13 : i32
      %dma_wait3A_310 = arith.constant 1664 : i32
      %dma_wait3A_311 = arith.constant 0 : i32
      %dma_wait3A_312 = tpu.memref_slice %arg6[%dma_wait3A_310, %dma_wait3A_311] : memref<2048x32xf32, #tpu.memory_space<vmem>> -> memref<128x32xf32, #tpu.memory_space<vmem>>
      %dma_wait3A_313 = arith.constant 0 : i32
      %dma_wait3A_314 = tpu.memref_slice %arg5[%dma_wait3A_309, %dma_wait3A_313] : memref<16x128xi32, #tpu.memory_space<vmem>> -> memref<1x128xi32, #tpu.memory_space<vmem>>
      %dma_wait3A_315 = tpu.memref_squeeze %dma_wait3A_314 : memref<1x128xi32, #tpu.memory_space<vmem>> -> memref<128xi32, #tpu.memory_space<vmem>>
      %dma_wait3A_316 = arith.constant 0 : i32
      %dma_wait3A_317 = arith.constant 0 : i32
      %dma_wait3A_318 = tpu.memref_slice %arg7[%dma_wait3A_316, %dma_wait3A_317] : memref<10240x32xf32, #tpu.memory_space<vmem_shared>> -> memref<10240x32xf32, #tpu.memory_space<vmem_shared>>
      tpu.wait_indirect_dma semaphore(%arg8 : memref<!tpu.dma_semaphore, #tpu.memory_space<semaphore_mem>>) src(%dma_wait3A_318 : memref<10240x32xf32, #tpu.memory_space<vmem_shared>>) dst(%dma_wait3A_312 : memref<128x32xf32, #tpu.memory_space<vmem>>)
      %dma_wait3A_319 = arith.constant 14 : i32
      %dma_wait3A_320 = arith.constant 1792 : i32
      %dma_wait3A_321 = arith.constant 0 : i32
      %dma_wait3A_322 = tpu.memref_slice %arg6[%dma_wait3A_320, %dma_wait3A_321] : memref<2048x32xf32, #tpu.memory_space<vmem>> -> memref<128x32xf32, #tpu.memory_space<vmem>>
      %dma_wait3A_323 = arith.constant 0 : i32
      %dma_wait3A_324 = tpu.memref_slice %arg5[%dma_wait3A_319, %dma_wait3A_323] : memref<16x128xi32, #tpu.memory_space<vmem>> -> memref<1x128xi32, #tpu.memory_space<vmem>>
      %dma_wait3A_325 = tpu.memref_squeeze %dma_wait3A_324 : memref<1x128xi32, #tpu.memory_space<vmem>> -> memref<128xi32, #tpu.memory_space<vmem>>
      %dma_wait3A_326 = arith.constant 0 : i32
      %dma_wait3A_327 = arith.constant 0 : i32
      %dma_wait3A_328 = tpu.memref_slice %arg7[%dma_wait3A_326, %dma_wait3A_327] : memref<10240x32xf32, #tpu.memory_space<vmem_shared>> -> memref<10240x32xf32, #tpu.memory_space<vmem_shared>>
      tpu.wait_indirect_dma semaphore(%arg8 : memref<!tpu.dma_semaphore, #tpu.memory_space<semaphore_mem>>) src(%dma_wait3A_328 : memref<10240x32xf32, #tpu.memory_space<vmem_shared>>) dst(%dma_wait3A_322 : memref<128x32xf32, #tpu.memory_space<vmem>>)
      %dma_wait3A_329 = arith.constant 15 : i32
      %dma_wait3A_330 = arith.constant 1920 : i32
      %dma_wait3A_331 = arith.constant 0 : i32
      %dma_wait3A_332 = tpu.memref_slice %arg6[%dma_wait3A_330, %dma_wait3A_331] : memref<2048x32xf32, #tpu.memory_space<vmem>> -> memref<128x32xf32, #tpu.memory_space<vmem>>
      %dma_wait3A_333 = arith.constant 0 : i32
      %dma_wait3A_334 = tpu.memref_slice %arg5[%dma_wait3A_329, %dma_wait3A_333] : memref<16x128xi32, #tpu.memory_space<vmem>> -> memref<1x128xi32, #tpu.memory_space<vmem>>
      %dma_wait3A_335 = tpu.memref_squeeze %dma_wait3A_334 : memref<1x128xi32, #tpu.memory_space<vmem>> -> memref<128xi32, #tpu.memory_space<vmem>>
      %dma_wait3A_336 = arith.constant 0 : i32
      %dma_wait3A_337 = arith.constant 0 : i32
      %dma_wait3A_338 = tpu.memref_slice %arg7[%dma_wait3A_336, %dma_wait3A_337] : memref<10240x32xf32, #tpu.memory_space<vmem_shared>> -> memref<10240x32xf32, #tpu.memory_space<vmem_shared>>
      tpu.wait_indirect_dma semaphore(%arg8 : memref<!tpu.dma_semaphore, #tpu.memory_space<semaphore_mem>>) src(%dma_wait3A_338 : memref<10240x32xf32, #tpu.memory_space<vmem_shared>>) dst(%dma_wait3A_332 : memref<128x32xf32, #tpu.memory_space<vmem>>)
      "tpu.region"() ({
        %run_scoped3A = tpu.sem_alloc : memref<!tpu.dma_semaphore, #tpu.memory_space<semaphore_mem>>
        %dma_start3A_339 = arith.constant 0 : i32
        %dma_start3A_340 = tpu.memref_slice %arg4[%mul3A_20, %dma_start3A_339] : memref<327680x32xf32, #tpu.memory_space<hbm>> -> memref<2048x32xf32, #tpu.memory_space<hbm>>
        %dma_start3A_341 = arith.constant 0 : i32
        %dma_start3A_342 = tpu.memref_slice %arg4[%mul3A_20, %dma_start3A_341] : memref<327680x32xf32, #tpu.memory_space<hbm>> -> memref<2048x32xf32, #tpu.memory_space<hbm>>
        tpu.enqueue_dma source(%arg6 : memref<2048x32xf32, #tpu.memory_space<vmem>>) target(%dma_start3A_342 : memref<2048x32xf32, #tpu.memory_space<hbm>>) target_semaphore(%run_scoped3A : memref<!tpu.dma_semaphore, #tpu.memory_space<semaphore_mem>>)
        %dma_wait3A_343 = arith.constant 0 : i32
        %dma_wait3A_344 = tpu.memref_slice %arg4[%mul3A_20, %dma_wait3A_343] : memref<327680x32xf32, #tpu.memory_space<hbm>> -> memref<2048x32xf32, #tpu.memory_space<hbm>>
        %dma_wait3A_345 = arith.constant 0 : i32
        %dma_wait3A_346 = tpu.memref_slice %arg4[%mul3A_20, %dma_wait3A_345] : memref<327680x32xf32, #tpu.memory_space<hbm>> -> memref<2048x32xf32, #tpu.memory_space<hbm>>
        tpu.wait_dma2 semaphore(%run_scoped3A : memref<!tpu.dma_semaphore, #tpu.memory_space<semaphore_mem>>) src(%arg6 : memref<2048x32xf32, #tpu.memory_space<vmem>>) dst(%dma_wait3A_346 : memref<2048x32xf32, #tpu.memory_space<hbm>>)
        tpu.yield
      }) : () -> ()
    }
    %scan3A_9 = arith.constant 5 : i32
    return
  }
}

#map = affine_map<(d0, d1) -> (0, 0)>
module attributes {stable_mosaic.version = 14 : i64} {
  func.func @sc_gather_edges(%arg0: i32, %arg1: i32, %arg2: memref<10240x32xf32, #tpu.memory_space<hbm>>, %arg3: memref<2560x128xi32, #tpu.memory_space<hbm>>, %arg4: memref<2560x128xi32, #tpu.memory_space<hbm>>, %arg5: memref<327680x32xf32, #tpu.memory_space<hbm>>, %arg6: memref<327680x32xf32, #tpu.memory_space<hbm>>, %arg7: memref<8x128xi32, #tpu.memory_space<vmem>>, %arg8: memref<8x128xi32, #tpu.memory_space<vmem>>, %arg9: memref<1024x32xf32, #tpu.memory_space<vmem>>, %arg10: memref<1024x32xf32, #tpu.memory_space<vmem>>, %arg11: memref<10240x32xf32, #tpu.memory_space<vmem_shared>>, %arg12: memref<!tpu.dma_semaphore, #tpu.memory_space<semaphore_mem>>, %arg13: memref<!tpu.dma_semaphore, #tpu.memory_space<semaphore_mem>>) attributes {dimension_semantics = [#tpu.dimension_semantics<core_parallel>, #tpu.dimension_semantics<subcore_parallel>], iteration_bounds = array<i64: 2, 16>, scalar_prefetch = 0 : i64, scratch_operands = 7 : i64, tpu.core_type = #tpu.core_type<sc_vector_subcore>, window_params = [{transform_indices = #map}, {transform_indices = #map}, {transform_indices = #map}, {transform_indices = #map}, {transform_indices = #map}]} {
    %mul3A = arith.constant 2 : i32
    %mul3A_0 = arith.muli %arg1, %mul3A : i32
    %add3A = arith.addi %mul3A_0, %arg0 : i32
    %mul3A_1 = arith.constant 640 : i32
    %mul3A_2 = arith.muli %arg1, %mul3A_1 : i32
    %mul3A_3 = arith.constant 640 : i32
    %mul3A_4 = arith.muli %arg1, %mul3A_3 : i32
    "tpu.region"() ({
      %run_scoped3A = tpu.sem_alloc : memref<!tpu.dma_semaphore, #tpu.memory_space<semaphore_mem>>
      %dma_start3A = arith.constant 0 : i32
      %dma_start3A_10 = tpu.memref_slice %arg11[%mul3A_4, %dma_start3A] : memref<10240x32xf32, #tpu.memory_space<vmem_shared>> -> memref<640x32xf32, #tpu.memory_space<vmem_shared>>
      %dma_start3A_11 = arith.constant 0 : i32
      %dma_start3A_12 = tpu.memref_slice %arg2[%mul3A_2, %dma_start3A_11] : memref<10240x32xf32, #tpu.memory_space<hbm>> -> memref<640x32xf32, #tpu.memory_space<hbm>>
      tpu.enqueue_dma source(%dma_start3A_12 : memref<640x32xf32, #tpu.memory_space<hbm>>) target(%dma_start3A_10 : memref<640x32xf32, #tpu.memory_space<vmem_shared>>) target_semaphore(%run_scoped3A : memref<!tpu.dma_semaphore, #tpu.memory_space<semaphore_mem>>)
      %dma_wait3A = arith.constant 0 : i32
      %dma_wait3A_13 = tpu.memref_slice %arg11[%mul3A_4, %dma_wait3A] : memref<10240x32xf32, #tpu.memory_space<vmem_shared>> -> memref<640x32xf32, #tpu.memory_space<vmem_shared>>
      %dma_wait3A_14 = arith.constant 0 : i32
      %dma_wait3A_15 = tpu.memref_slice %arg2[%mul3A_2, %dma_wait3A_14] : memref<10240x32xf32, #tpu.memory_space<hbm>> -> memref<640x32xf32, #tpu.memory_space<hbm>>
      tpu.wait_dma2 semaphore(%run_scoped3A : memref<!tpu.dma_semaphore, #tpu.memory_space<semaphore_mem>>) src(%dma_wait3A_15 : memref<640x32xf32, #tpu.memory_space<hbm>>) dst(%dma_wait3A_13 : memref<640x32xf32, #tpu.memory_space<vmem_shared>>)
      tpu.yield
    }) : () -> ()
    %barrier3A = arith.constant 0 : index
    tpu.barrier barrier_id(%barrier3A)
    %scan3A = arith.constant 0 : i32
    %scan3A_5 = arith.constant 0 : i32
    %scan3A_6 = arith.constant 10 : i32
    %scan3A_7 = arith.addi %scan3A_5, %scan3A_6 : i32
    %scan3A_8 = arith.constant 1 : i32
    scf.for %scan3A_10 = %scan3A_5 to %scan3A_7 step %scan3A_8  : i32 {
      %mul3A_11 = arith.constant 10 : i32
      %mul3A_12 = arith.muli %add3A, %mul3A_11 : i32
      %add3A_13 = arith.addi %mul3A_12, %scan3A_10 : i32
      %mul3A_14 = arith.constant 8 : i32
      %mul3A_15 = arith.muli %add3A_13, %mul3A_14 : i32
      %mul3A_16 = arith.constant 10 : i32
      %mul3A_17 = arith.muli %add3A, %mul3A_16 : i32
      %add3A_18 = arith.addi %mul3A_17, %scan3A_10 : i32
      %mul3A_19 = arith.constant 1024 : i32
      %mul3A_20 = arith.muli %add3A_18, %mul3A_19 : i32
      "tpu.region"() ({
        %run_scoped3A = tpu.sem_alloc : memref<!tpu.dma_semaphore, #tpu.memory_space<semaphore_mem>>
        %dma_start3A_339 = arith.constant 0 : i32
        %dma_start3A_340 = tpu.memref_slice %arg3[%mul3A_15, %dma_start3A_339] : memref<2560x128xi32, #tpu.memory_space<hbm>> -> memref<8x128xi32, #tpu.memory_space<hbm>>
        %dma_start3A_341 = arith.constant 0 : i32
        %dma_start3A_342 = tpu.memref_slice %arg3[%mul3A_15, %dma_start3A_341] : memref<2560x128xi32, #tpu.memory_space<hbm>> -> memref<8x128xi32, #tpu.memory_space<hbm>>
        tpu.enqueue_dma source(%dma_start3A_342 : memref<8x128xi32, #tpu.memory_space<hbm>>) target(%arg7 : memref<8x128xi32, #tpu.memory_space<vmem>>) target_semaphore(%run_scoped3A : memref<!tpu.dma_semaphore, #tpu.memory_space<semaphore_mem>>)
        %dma_wait3A_343 = arith.constant 0 : i32
        %dma_wait3A_344 = tpu.memref_slice %arg3[%mul3A_15, %dma_wait3A_343] : memref<2560x128xi32, #tpu.memory_space<hbm>> -> memref<8x128xi32, #tpu.memory_space<hbm>>
        %dma_wait3A_345 = arith.constant 0 : i32
        %dma_wait3A_346 = tpu.memref_slice %arg3[%mul3A_15, %dma_wait3A_345] : memref<2560x128xi32, #tpu.memory_space<hbm>> -> memref<8x128xi32, #tpu.memory_space<hbm>>
        tpu.wait_dma2 semaphore(%run_scoped3A : memref<!tpu.dma_semaphore, #tpu.memory_space<semaphore_mem>>) src(%dma_wait3A_346 : memref<8x128xi32, #tpu.memory_space<hbm>>) dst(%arg7 : memref<8x128xi32, #tpu.memory_space<vmem>>)
        tpu.yield
      }) : () -> ()
      "tpu.region"() ({
        %run_scoped3A = tpu.sem_alloc : memref<!tpu.dma_semaphore, #tpu.memory_space<semaphore_mem>>
        %dma_start3A_339 = arith.constant 0 : i32
        %dma_start3A_340 = tpu.memref_slice %arg4[%mul3A_15, %dma_start3A_339] : memref<2560x128xi32, #tpu.memory_space<hbm>> -> memref<8x128xi32, #tpu.memory_space<hbm>>
        %dma_start3A_341 = arith.constant 0 : i32
        %dma_start3A_342 = tpu.memref_slice %arg4[%mul3A_15, %dma_start3A_341] : memref<2560x128xi32, #tpu.memory_space<hbm>> -> memref<8x128xi32, #tpu.memory_space<hbm>>
        tpu.enqueue_dma source(%dma_start3A_342 : memref<8x128xi32, #tpu.memory_space<hbm>>) target(%arg8 : memref<8x128xi32, #tpu.memory_space<vmem>>) target_semaphore(%run_scoped3A : memref<!tpu.dma_semaphore, #tpu.memory_space<semaphore_mem>>)
        %dma_wait3A_343 = arith.constant 0 : i32
        %dma_wait3A_344 = tpu.memref_slice %arg4[%mul3A_15, %dma_wait3A_343] : memref<2560x128xi32, #tpu.memory_space<hbm>> -> memref<8x128xi32, #tpu.memory_space<hbm>>
        %dma_wait3A_345 = arith.constant 0 : i32
        %dma_wait3A_346 = tpu.memref_slice %arg4[%mul3A_15, %dma_wait3A_345] : memref<2560x128xi32, #tpu.memory_space<hbm>> -> memref<8x128xi32, #tpu.memory_space<hbm>>
        tpu.wait_dma2 semaphore(%run_scoped3A : memref<!tpu.dma_semaphore, #tpu.memory_space<semaphore_mem>>) src(%dma_wait3A_346 : memref<8x128xi32, #tpu.memory_space<hbm>>) dst(%arg8 : memref<8x128xi32, #tpu.memory_space<vmem>>)
        tpu.yield
      }) : () -> ()
      %dma_start3A = arith.constant 0 : i32
      %dma_start3A_21 = arith.constant 0 : i32
      %dma_start3A_22 = arith.constant 0 : i32
      %dma_start3A_23 = tpu.memref_slice %arg9[%dma_start3A_21, %dma_start3A_22] : memref<1024x32xf32, #tpu.memory_space<vmem>> -> memref<128x32xf32, #tpu.memory_space<vmem>>
      %dma_start3A_24 = arith.constant 0 : i32
      %dma_start3A_25 = tpu.memref_slice %arg7[%dma_start3A, %dma_start3A_24] : memref<8x128xi32, #tpu.memory_space<vmem>> -> memref<1x128xi32, #tpu.memory_space<vmem>>
      %dma_start3A_26 = tpu.memref_squeeze %dma_start3A_25 : memref<1x128xi32, #tpu.memory_space<vmem>> -> memref<128xi32, #tpu.memory_space<vmem>>
      %dma_start3A_27 = arith.constant 0 : i32
      %dma_start3A_28 = arith.constant 0 : i32
      %dma_start3A_29 = tpu.memref_slice %arg11[%dma_start3A_27, %dma_start3A_28] : memref<10240x32xf32, #tpu.memory_space<vmem_shared>> -> memref<10240x32xf32, #tpu.memory_space<vmem_shared>>
      tpu.enqueue_indirect_dma source(%dma_start3A_29 : memref<10240x32xf32, #tpu.memory_space<vmem_shared>>) target(%dma_start3A_23 : memref<128x32xf32, #tpu.memory_space<vmem>>) offsets(%dma_start3A_26 : memref<128xi32, #tpu.memory_space<vmem>>) semaphore(%arg12 : memref<!tpu.dma_semaphore, #tpu.memory_space<semaphore_mem>>)
      %dma_start3A_30 = arith.constant 1 : i32
      %dma_start3A_31 = arith.constant 128 : i32
      %dma_start3A_32 = arith.constant 0 : i32
      %dma_start3A_33 = tpu.memref_slice %arg9[%dma_start3A_31, %dma_start3A_32] : memref<1024x32xf32, #tpu.memory_space<vmem>> -> memref<128x32xf32, #tpu.memory_space<vmem>>
      %dma_start3A_34 = arith.constant 0 : i32
      %dma_start3A_35 = tpu.memref_slice %arg7[%dma_start3A_30, %dma_start3A_34] : memref<8x128xi32, #tpu.memory_space<vmem>> -> memref<1x128xi32, #tpu.memory_space<vmem>>
      %dma_start3A_36 = tpu.memref_squeeze %dma_start3A_35 : memref<1x128xi32, #tpu.memory_space<vmem>> -> memref<128xi32, #tpu.memory_space<vmem>>
      %dma_start3A_37 = arith.constant 0 : i32
      %dma_start3A_38 = arith.constant 0 : i32
      %dma_start3A_39 = tpu.memref_slice %arg11[%dma_start3A_37, %dma_start3A_38] : memref<10240x32xf32, #tpu.memory_space<vmem_shared>> -> memref<10240x32xf32, #tpu.memory_space<vmem_shared>>
      tpu.enqueue_indirect_dma source(%dma_start3A_39 : memref<10240x32xf32, #tpu.memory_space<vmem_shared>>) target(%dma_start3A_33 : memref<128x32xf32, #tpu.memory_space<vmem>>) offsets(%dma_start3A_36 : memref<128xi32, #tpu.memory_space<vmem>>) semaphore(%arg12 : memref<!tpu.dma_semaphore, #tpu.memory_space<semaphore_mem>>)
      %dma_start3A_40 = arith.constant 2 : i32
      %dma_start3A_41 = arith.constant 256 : i32
      %dma_start3A_42 = arith.constant 0 : i32
      %dma_start3A_43 = tpu.memref_slice %arg9[%dma_start3A_41, %dma_start3A_42] : memref<1024x32xf32, #tpu.memory_space<vmem>> -> memref<128x32xf32, #tpu.memory_space<vmem>>
      %dma_start3A_44 = arith.constant 0 : i32
      %dma_start3A_45 = tpu.memref_slice %arg7[%dma_start3A_40, %dma_start3A_44] : memref<8x128xi32, #tpu.memory_space<vmem>> -> memref<1x128xi32, #tpu.memory_space<vmem>>
      %dma_start3A_46 = tpu.memref_squeeze %dma_start3A_45 : memref<1x128xi32, #tpu.memory_space<vmem>> -> memref<128xi32, #tpu.memory_space<vmem>>
      %dma_start3A_47 = arith.constant 0 : i32
      %dma_start3A_48 = arith.constant 0 : i32
      %dma_start3A_49 = tpu.memref_slice %arg11[%dma_start3A_47, %dma_start3A_48] : memref<10240x32xf32, #tpu.memory_space<vmem_shared>> -> memref<10240x32xf32, #tpu.memory_space<vmem_shared>>
      tpu.enqueue_indirect_dma source(%dma_start3A_49 : memref<10240x32xf32, #tpu.memory_space<vmem_shared>>) target(%dma_start3A_43 : memref<128x32xf32, #tpu.memory_space<vmem>>) offsets(%dma_start3A_46 : memref<128xi32, #tpu.memory_space<vmem>>) semaphore(%arg12 : memref<!tpu.dma_semaphore, #tpu.memory_space<semaphore_mem>>)
      %dma_start3A_50 = arith.constant 3 : i32
      %dma_start3A_51 = arith.constant 384 : i32
      %dma_start3A_52 = arith.constant 0 : i32
      %dma_start3A_53 = tpu.memref_slice %arg9[%dma_start3A_51, %dma_start3A_52] : memref<1024x32xf32, #tpu.memory_space<vmem>> -> memref<128x32xf32, #tpu.memory_space<vmem>>
      %dma_start3A_54 = arith.constant 0 : i32
      %dma_start3A_55 = tpu.memref_slice %arg7[%dma_start3A_50, %dma_start3A_54] : memref<8x128xi32, #tpu.memory_space<vmem>> -> memref<1x128xi32, #tpu.memory_space<vmem>>
      %dma_start3A_56 = tpu.memref_squeeze %dma_start3A_55 : memref<1x128xi32, #tpu.memory_space<vmem>> -> memref<128xi32, #tpu.memory_space<vmem>>
      %dma_start3A_57 = arith.constant 0 : i32
      %dma_start3A_58 = arith.constant 0 : i32
      %dma_start3A_59 = tpu.memref_slice %arg11[%dma_start3A_57, %dma_start3A_58] : memref<10240x32xf32, #tpu.memory_space<vmem_shared>> -> memref<10240x32xf32, #tpu.memory_space<vmem_shared>>
      tpu.enqueue_indirect_dma source(%dma_start3A_59 : memref<10240x32xf32, #tpu.memory_space<vmem_shared>>) target(%dma_start3A_53 : memref<128x32xf32, #tpu.memory_space<vmem>>) offsets(%dma_start3A_56 : memref<128xi32, #tpu.memory_space<vmem>>) semaphore(%arg12 : memref<!tpu.dma_semaphore, #tpu.memory_space<semaphore_mem>>)
      %dma_start3A_60 = arith.constant 4 : i32
      %dma_start3A_61 = arith.constant 512 : i32
      %dma_start3A_62 = arith.constant 0 : i32
      %dma_start3A_63 = tpu.memref_slice %arg9[%dma_start3A_61, %dma_start3A_62] : memref<1024x32xf32, #tpu.memory_space<vmem>> -> memref<128x32xf32, #tpu.memory_space<vmem>>
      %dma_start3A_64 = arith.constant 0 : i32
      %dma_start3A_65 = tpu.memref_slice %arg7[%dma_start3A_60, %dma_start3A_64] : memref<8x128xi32, #tpu.memory_space<vmem>> -> memref<1x128xi32, #tpu.memory_space<vmem>>
      %dma_start3A_66 = tpu.memref_squeeze %dma_start3A_65 : memref<1x128xi32, #tpu.memory_space<vmem>> -> memref<128xi32, #tpu.memory_space<vmem>>
      %dma_start3A_67 = arith.constant 0 : i32
      %dma_start3A_68 = arith.constant 0 : i32
      %dma_start3A_69 = tpu.memref_slice %arg11[%dma_start3A_67, %dma_start3A_68] : memref<10240x32xf32, #tpu.memory_space<vmem_shared>> -> memref<10240x32xf32, #tpu.memory_space<vmem_shared>>
      tpu.enqueue_indirect_dma source(%dma_start3A_69 : memref<10240x32xf32, #tpu.memory_space<vmem_shared>>) target(%dma_start3A_63 : memref<128x32xf32, #tpu.memory_space<vmem>>) offsets(%dma_start3A_66 : memref<128xi32, #tpu.memory_space<vmem>>) semaphore(%arg12 : memref<!tpu.dma_semaphore, #tpu.memory_space<semaphore_mem>>)
      %dma_start3A_70 = arith.constant 5 : i32
      %dma_start3A_71 = arith.constant 640 : i32
      %dma_start3A_72 = arith.constant 0 : i32
      %dma_start3A_73 = tpu.memref_slice %arg9[%dma_start3A_71, %dma_start3A_72] : memref<1024x32xf32, #tpu.memory_space<vmem>> -> memref<128x32xf32, #tpu.memory_space<vmem>>
      %dma_start3A_74 = arith.constant 0 : i32
      %dma_start3A_75 = tpu.memref_slice %arg7[%dma_start3A_70, %dma_start3A_74] : memref<8x128xi32, #tpu.memory_space<vmem>> -> memref<1x128xi32, #tpu.memory_space<vmem>>
      %dma_start3A_76 = tpu.memref_squeeze %dma_start3A_75 : memref<1x128xi32, #tpu.memory_space<vmem>> -> memref<128xi32, #tpu.memory_space<vmem>>
      %dma_start3A_77 = arith.constant 0 : i32
      %dma_start3A_78 = arith.constant 0 : i32
      %dma_start3A_79 = tpu.memref_slice %arg11[%dma_start3A_77, %dma_start3A_78] : memref<10240x32xf32, #tpu.memory_space<vmem_shared>> -> memref<10240x32xf32, #tpu.memory_space<vmem_shared>>
      tpu.enqueue_indirect_dma source(%dma_start3A_79 : memref<10240x32xf32, #tpu.memory_space<vmem_shared>>) target(%dma_start3A_73 : memref<128x32xf32, #tpu.memory_space<vmem>>) offsets(%dma_start3A_76 : memref<128xi32, #tpu.memory_space<vmem>>) semaphore(%arg12 : memref<!tpu.dma_semaphore, #tpu.memory_space<semaphore_mem>>)
      %dma_start3A_80 = arith.constant 6 : i32
      %dma_start3A_81 = arith.constant 768 : i32
      %dma_start3A_82 = arith.constant 0 : i32
      %dma_start3A_83 = tpu.memref_slice %arg9[%dma_start3A_81, %dma_start3A_82] : memref<1024x32xf32, #tpu.memory_space<vmem>> -> memref<128x32xf32, #tpu.memory_space<vmem>>
      %dma_start3A_84 = arith.constant 0 : i32
      %dma_start3A_85 = tpu.memref_slice %arg7[%dma_start3A_80, %dma_start3A_84] : memref<8x128xi32, #tpu.memory_space<vmem>> -> memref<1x128xi32, #tpu.memory_space<vmem>>
      %dma_start3A_86 = tpu.memref_squeeze %dma_start3A_85 : memref<1x128xi32, #tpu.memory_space<vmem>> -> memref<128xi32, #tpu.memory_space<vmem>>
      %dma_start3A_87 = arith.constant 0 : i32
      %dma_start3A_88 = arith.constant 0 : i32
      %dma_start3A_89 = tpu.memref_slice %arg11[%dma_start3A_87, %dma_start3A_88] : memref<10240x32xf32, #tpu.memory_space<vmem_shared>> -> memref<10240x32xf32, #tpu.memory_space<vmem_shared>>
      tpu.enqueue_indirect_dma source(%dma_start3A_89 : memref<10240x32xf32, #tpu.memory_space<vmem_shared>>) target(%dma_start3A_83 : memref<128x32xf32, #tpu.memory_space<vmem>>) offsets(%dma_start3A_86 : memref<128xi32, #tpu.memory_space<vmem>>) semaphore(%arg12 : memref<!tpu.dma_semaphore, #tpu.memory_space<semaphore_mem>>)
      %dma_start3A_90 = arith.constant 7 : i32
      %dma_start3A_91 = arith.constant 896 : i32
      %dma_start3A_92 = arith.constant 0 : i32
      %dma_start3A_93 = tpu.memref_slice %arg9[%dma_start3A_91, %dma_start3A_92] : memref<1024x32xf32, #tpu.memory_space<vmem>> -> memref<128x32xf32, #tpu.memory_space<vmem>>
      %dma_start3A_94 = arith.constant 0 : i32
      %dma_start3A_95 = tpu.memref_slice %arg7[%dma_start3A_90, %dma_start3A_94] : memref<8x128xi32, #tpu.memory_space<vmem>> -> memref<1x128xi32, #tpu.memory_space<vmem>>
      %dma_start3A_96 = tpu.memref_squeeze %dma_start3A_95 : memref<1x128xi32, #tpu.memory_space<vmem>> -> memref<128xi32, #tpu.memory_space<vmem>>
      %dma_start3A_97 = arith.constant 0 : i32
      %dma_start3A_98 = arith.constant 0 : i32
      %dma_start3A_99 = tpu.memref_slice %arg11[%dma_start3A_97, %dma_start3A_98] : memref<10240x32xf32, #tpu.memory_space<vmem_shared>> -> memref<10240x32xf32, #tpu.memory_space<vmem_shared>>
      tpu.enqueue_indirect_dma source(%dma_start3A_99 : memref<10240x32xf32, #tpu.memory_space<vmem_shared>>) target(%dma_start3A_93 : memref<128x32xf32, #tpu.memory_space<vmem>>) offsets(%dma_start3A_96 : memref<128xi32, #tpu.memory_space<vmem>>) semaphore(%arg12 : memref<!tpu.dma_semaphore, #tpu.memory_space<semaphore_mem>>)
      %dma_start3A_100 = arith.constant 0 : i32
      %dma_start3A_101 = arith.constant 0 : i32
      %dma_start3A_102 = arith.constant 0 : i32
      %dma_start3A_103 = tpu.memref_slice %arg10[%dma_start3A_101, %dma_start3A_102] : memref<1024x32xf32, #tpu.memory_space<vmem>> -> memref<128x32xf32, #tpu.memory_space<vmem>>
      %dma_start3A_104 = arith.constant 0 : i32
      %dma_start3A_105 = tpu.memref_slice %arg8[%dma_start3A_100, %dma_start3A_104] : memref<8x128xi32, #tpu.memory_space<vmem>> -> memref<1x128xi32, #tpu.memory_space<vmem>>
      %dma_start3A_106 = tpu.memref_squeeze %dma_start3A_105 : memref<1x128xi32, #tpu.memory_space<vmem>> -> memref<128xi32, #tpu.memory_space<vmem>>
      %dma_start3A_107 = arith.constant 0 : i32
      %dma_start3A_108 = arith.constant 0 : i32
      %dma_start3A_109 = tpu.memref_slice %arg11[%dma_start3A_107, %dma_start3A_108] : memref<10240x32xf32, #tpu.memory_space<vmem_shared>> -> memref<10240x32xf32, #tpu.memory_space<vmem_shared>>
      tpu.enqueue_indirect_dma source(%dma_start3A_109 : memref<10240x32xf32, #tpu.memory_space<vmem_shared>>) target(%dma_start3A_103 : memref<128x32xf32, #tpu.memory_space<vmem>>) offsets(%dma_start3A_106 : memref<128xi32, #tpu.memory_space<vmem>>) semaphore(%arg13 : memref<!tpu.dma_semaphore, #tpu.memory_space<semaphore_mem>>)
      %dma_start3A_110 = arith.constant 1 : i32
      %dma_start3A_111 = arith.constant 128 : i32
      %dma_start3A_112 = arith.constant 0 : i32
      %dma_start3A_113 = tpu.memref_slice %arg10[%dma_start3A_111, %dma_start3A_112] : memref<1024x32xf32, #tpu.memory_space<vmem>> -> memref<128x32xf32, #tpu.memory_space<vmem>>
      %dma_start3A_114 = arith.constant 0 : i32
      %dma_start3A_115 = tpu.memref_slice %arg8[%dma_start3A_110, %dma_start3A_114] : memref<8x128xi32, #tpu.memory_space<vmem>> -> memref<1x128xi32, #tpu.memory_space<vmem>>
      %dma_start3A_116 = tpu.memref_squeeze %dma_start3A_115 : memref<1x128xi32, #tpu.memory_space<vmem>> -> memref<128xi32, #tpu.memory_space<vmem>>
      %dma_start3A_117 = arith.constant 0 : i32
      %dma_start3A_118 = arith.constant 0 : i32
      %dma_start3A_119 = tpu.memref_slice %arg11[%dma_start3A_117, %dma_start3A_118] : memref<10240x32xf32, #tpu.memory_space<vmem_shared>> -> memref<10240x32xf32, #tpu.memory_space<vmem_shared>>
      tpu.enqueue_indirect_dma source(%dma_start3A_119 : memref<10240x32xf32, #tpu.memory_space<vmem_shared>>) target(%dma_start3A_113 : memref<128x32xf32, #tpu.memory_space<vmem>>) offsets(%dma_start3A_116 : memref<128xi32, #tpu.memory_space<vmem>>) semaphore(%arg13 : memref<!tpu.dma_semaphore, #tpu.memory_space<semaphore_mem>>)
      %dma_start3A_120 = arith.constant 2 : i32
      %dma_start3A_121 = arith.constant 256 : i32
      %dma_start3A_122 = arith.constant 0 : i32
      %dma_start3A_123 = tpu.memref_slice %arg10[%dma_start3A_121, %dma_start3A_122] : memref<1024x32xf32, #tpu.memory_space<vmem>> -> memref<128x32xf32, #tpu.memory_space<vmem>>
      %dma_start3A_124 = arith.constant 0 : i32
      %dma_start3A_125 = tpu.memref_slice %arg8[%dma_start3A_120, %dma_start3A_124] : memref<8x128xi32, #tpu.memory_space<vmem>> -> memref<1x128xi32, #tpu.memory_space<vmem>>
      %dma_start3A_126 = tpu.memref_squeeze %dma_start3A_125 : memref<1x128xi32, #tpu.memory_space<vmem>> -> memref<128xi32, #tpu.memory_space<vmem>>
      %dma_start3A_127 = arith.constant 0 : i32
      %dma_start3A_128 = arith.constant 0 : i32
      %dma_start3A_129 = tpu.memref_slice %arg11[%dma_start3A_127, %dma_start3A_128] : memref<10240x32xf32, #tpu.memory_space<vmem_shared>> -> memref<10240x32xf32, #tpu.memory_space<vmem_shared>>
      tpu.enqueue_indirect_dma source(%dma_start3A_129 : memref<10240x32xf32, #tpu.memory_space<vmem_shared>>) target(%dma_start3A_123 : memref<128x32xf32, #tpu.memory_space<vmem>>) offsets(%dma_start3A_126 : memref<128xi32, #tpu.memory_space<vmem>>) semaphore(%arg13 : memref<!tpu.dma_semaphore, #tpu.memory_space<semaphore_mem>>)
      %dma_start3A_130 = arith.constant 3 : i32
      %dma_start3A_131 = arith.constant 384 : i32
      %dma_start3A_132 = arith.constant 0 : i32
      %dma_start3A_133 = tpu.memref_slice %arg10[%dma_start3A_131, %dma_start3A_132] : memref<1024x32xf32, #tpu.memory_space<vmem>> -> memref<128x32xf32, #tpu.memory_space<vmem>>
      %dma_start3A_134 = arith.constant 0 : i32
      %dma_start3A_135 = tpu.memref_slice %arg8[%dma_start3A_130, %dma_start3A_134] : memref<8x128xi32, #tpu.memory_space<vmem>> -> memref<1x128xi32, #tpu.memory_space<vmem>>
      %dma_start3A_136 = tpu.memref_squeeze %dma_start3A_135 : memref<1x128xi32, #tpu.memory_space<vmem>> -> memref<128xi32, #tpu.memory_space<vmem>>
      %dma_start3A_137 = arith.constant 0 : i32
      %dma_start3A_138 = arith.constant 0 : i32
      %dma_start3A_139 = tpu.memref_slice %arg11[%dma_start3A_137, %dma_start3A_138] : memref<10240x32xf32, #tpu.memory_space<vmem_shared>> -> memref<10240x32xf32, #tpu.memory_space<vmem_shared>>
      tpu.enqueue_indirect_dma source(%dma_start3A_139 : memref<10240x32xf32, #tpu.memory_space<vmem_shared>>) target(%dma_start3A_133 : memref<128x32xf32, #tpu.memory_space<vmem>>) offsets(%dma_start3A_136 : memref<128xi32, #tpu.memory_space<vmem>>) semaphore(%arg13 : memref<!tpu.dma_semaphore, #tpu.memory_space<semaphore_mem>>)
      %dma_start3A_140 = arith.constant 4 : i32
      %dma_start3A_141 = arith.constant 512 : i32
      %dma_start3A_142 = arith.constant 0 : i32
      %dma_start3A_143 = tpu.memref_slice %arg10[%dma_start3A_141, %dma_start3A_142] : memref<1024x32xf32, #tpu.memory_space<vmem>> -> memref<128x32xf32, #tpu.memory_space<vmem>>
      %dma_start3A_144 = arith.constant 0 : i32
      %dma_start3A_145 = tpu.memref_slice %arg8[%dma_start3A_140, %dma_start3A_144] : memref<8x128xi32, #tpu.memory_space<vmem>> -> memref<1x128xi32, #tpu.memory_space<vmem>>
      %dma_start3A_146 = tpu.memref_squeeze %dma_start3A_145 : memref<1x128xi32, #tpu.memory_space<vmem>> -> memref<128xi32, #tpu.memory_space<vmem>>
      %dma_start3A_147 = arith.constant 0 : i32
      %dma_start3A_148 = arith.constant 0 : i32
      %dma_start3A_149 = tpu.memref_slice %arg11[%dma_start3A_147, %dma_start3A_148] : memref<10240x32xf32, #tpu.memory_space<vmem_shared>> -> memref<10240x32xf32, #tpu.memory_space<vmem_shared>>
      tpu.enqueue_indirect_dma source(%dma_start3A_149 : memref<10240x32xf32, #tpu.memory_space<vmem_shared>>) target(%dma_start3A_143 : memref<128x32xf32, #tpu.memory_space<vmem>>) offsets(%dma_start3A_146 : memref<128xi32, #tpu.memory_space<vmem>>) semaphore(%arg13 : memref<!tpu.dma_semaphore, #tpu.memory_space<semaphore_mem>>)
      %dma_start3A_150 = arith.constant 5 : i32
      %dma_start3A_151 = arith.constant 640 : i32
      %dma_start3A_152 = arith.constant 0 : i32
      %dma_start3A_153 = tpu.memref_slice %arg10[%dma_start3A_151, %dma_start3A_152] : memref<1024x32xf32, #tpu.memory_space<vmem>> -> memref<128x32xf32, #tpu.memory_space<vmem>>
      %dma_start3A_154 = arith.constant 0 : i32
      %dma_start3A_155 = tpu.memref_slice %arg8[%dma_start3A_150, %dma_start3A_154] : memref<8x128xi32, #tpu.memory_space<vmem>> -> memref<1x128xi32, #tpu.memory_space<vmem>>
      %dma_start3A_156 = tpu.memref_squeeze %dma_start3A_155 : memref<1x128xi32, #tpu.memory_space<vmem>> -> memref<128xi32, #tpu.memory_space<vmem>>
      %dma_start3A_157 = arith.constant 0 : i32
      %dma_start3A_158 = arith.constant 0 : i32
      %dma_start3A_159 = tpu.memref_slice %arg11[%dma_start3A_157, %dma_start3A_158] : memref<10240x32xf32, #tpu.memory_space<vmem_shared>> -> memref<10240x32xf32, #tpu.memory_space<vmem_shared>>
      tpu.enqueue_indirect_dma source(%dma_start3A_159 : memref<10240x32xf32, #tpu.memory_space<vmem_shared>>) target(%dma_start3A_153 : memref<128x32xf32, #tpu.memory_space<vmem>>) offsets(%dma_start3A_156 : memref<128xi32, #tpu.memory_space<vmem>>) semaphore(%arg13 : memref<!tpu.dma_semaphore, #tpu.memory_space<semaphore_mem>>)
      %dma_start3A_160 = arith.constant 6 : i32
      %dma_start3A_161 = arith.constant 768 : i32
      %dma_start3A_162 = arith.constant 0 : i32
      %dma_start3A_163 = tpu.memref_slice %arg10[%dma_start3A_161, %dma_start3A_162] : memref<1024x32xf32, #tpu.memory_space<vmem>> -> memref<128x32xf32, #tpu.memory_space<vmem>>
      %dma_start3A_164 = arith.constant 0 : i32
      %dma_start3A_165 = tpu.memref_slice %arg8[%dma_start3A_160, %dma_start3A_164] : memref<8x128xi32, #tpu.memory_space<vmem>> -> memref<1x128xi32, #tpu.memory_space<vmem>>
      %dma_start3A_166 = tpu.memref_squeeze %dma_start3A_165 : memref<1x128xi32, #tpu.memory_space<vmem>> -> memref<128xi32, #tpu.memory_space<vmem>>
      %dma_start3A_167 = arith.constant 0 : i32
      %dma_start3A_168 = arith.constant 0 : i32
      %dma_start3A_169 = tpu.memref_slice %arg11[%dma_start3A_167, %dma_start3A_168] : memref<10240x32xf32, #tpu.memory_space<vmem_shared>> -> memref<10240x32xf32, #tpu.memory_space<vmem_shared>>
      tpu.enqueue_indirect_dma source(%dma_start3A_169 : memref<10240x32xf32, #tpu.memory_space<vmem_shared>>) target(%dma_start3A_163 : memref<128x32xf32, #tpu.memory_space<vmem>>) offsets(%dma_start3A_166 : memref<128xi32, #tpu.memory_space<vmem>>) semaphore(%arg13 : memref<!tpu.dma_semaphore, #tpu.memory_space<semaphore_mem>>)
      %dma_start3A_170 = arith.constant 7 : i32
      %dma_start3A_171 = arith.constant 896 : i32
      %dma_start3A_172 = arith.constant 0 : i32
      %dma_start3A_173 = tpu.memref_slice %arg10[%dma_start3A_171, %dma_start3A_172] : memref<1024x32xf32, #tpu.memory_space<vmem>> -> memref<128x32xf32, #tpu.memory_space<vmem>>
      %dma_start3A_174 = arith.constant 0 : i32
      %dma_start3A_175 = tpu.memref_slice %arg8[%dma_start3A_170, %dma_start3A_174] : memref<8x128xi32, #tpu.memory_space<vmem>> -> memref<1x128xi32, #tpu.memory_space<vmem>>
      %dma_start3A_176 = tpu.memref_squeeze %dma_start3A_175 : memref<1x128xi32, #tpu.memory_space<vmem>> -> memref<128xi32, #tpu.memory_space<vmem>>
      %dma_start3A_177 = arith.constant 0 : i32
      %dma_start3A_178 = arith.constant 0 : i32
      %dma_start3A_179 = tpu.memref_slice %arg11[%dma_start3A_177, %dma_start3A_178] : memref<10240x32xf32, #tpu.memory_space<vmem_shared>> -> memref<10240x32xf32, #tpu.memory_space<vmem_shared>>
      tpu.enqueue_indirect_dma source(%dma_start3A_179 : memref<10240x32xf32, #tpu.memory_space<vmem_shared>>) target(%dma_start3A_173 : memref<128x32xf32, #tpu.memory_space<vmem>>) offsets(%dma_start3A_176 : memref<128xi32, #tpu.memory_space<vmem>>) semaphore(%arg13 : memref<!tpu.dma_semaphore, #tpu.memory_space<semaphore_mem>>)
      %dma_wait3A = arith.constant 0 : i32
      %dma_wait3A_180 = arith.constant 0 : i32
      %dma_wait3A_181 = arith.constant 0 : i32
      %dma_wait3A_182 = tpu.memref_slice %arg9[%dma_wait3A_180, %dma_wait3A_181] : memref<1024x32xf32, #tpu.memory_space<vmem>> -> memref<128x32xf32, #tpu.memory_space<vmem>>
      %dma_wait3A_183 = arith.constant 0 : i32
      %dma_wait3A_184 = tpu.memref_slice %arg7[%dma_wait3A, %dma_wait3A_183] : memref<8x128xi32, #tpu.memory_space<vmem>> -> memref<1x128xi32, #tpu.memory_space<vmem>>
      %dma_wait3A_185 = tpu.memref_squeeze %dma_wait3A_184 : memref<1x128xi32, #tpu.memory_space<vmem>> -> memref<128xi32, #tpu.memory_space<vmem>>
      %dma_wait3A_186 = arith.constant 0 : i32
      %dma_wait3A_187 = arith.constant 0 : i32
      %dma_wait3A_188 = tpu.memref_slice %arg11[%dma_wait3A_186, %dma_wait3A_187] : memref<10240x32xf32, #tpu.memory_space<vmem_shared>> -> memref<10240x32xf32, #tpu.memory_space<vmem_shared>>
      tpu.wait_indirect_dma semaphore(%arg12 : memref<!tpu.dma_semaphore, #tpu.memory_space<semaphore_mem>>) src(%dma_wait3A_188 : memref<10240x32xf32, #tpu.memory_space<vmem_shared>>) dst(%dma_wait3A_182 : memref<128x32xf32, #tpu.memory_space<vmem>>)
      %dma_wait3A_189 = arith.constant 1 : i32
      %dma_wait3A_190 = arith.constant 128 : i32
      %dma_wait3A_191 = arith.constant 0 : i32
      %dma_wait3A_192 = tpu.memref_slice %arg9[%dma_wait3A_190, %dma_wait3A_191] : memref<1024x32xf32, #tpu.memory_space<vmem>> -> memref<128x32xf32, #tpu.memory_space<vmem>>
      %dma_wait3A_193 = arith.constant 0 : i32
      %dma_wait3A_194 = tpu.memref_slice %arg7[%dma_wait3A_189, %dma_wait3A_193] : memref<8x128xi32, #tpu.memory_space<vmem>> -> memref<1x128xi32, #tpu.memory_space<vmem>>
      %dma_wait3A_195 = tpu.memref_squeeze %dma_wait3A_194 : memref<1x128xi32, #tpu.memory_space<vmem>> -> memref<128xi32, #tpu.memory_space<vmem>>
      %dma_wait3A_196 = arith.constant 0 : i32
      %dma_wait3A_197 = arith.constant 0 : i32
      %dma_wait3A_198 = tpu.memref_slice %arg11[%dma_wait3A_196, %dma_wait3A_197] : memref<10240x32xf32, #tpu.memory_space<vmem_shared>> -> memref<10240x32xf32, #tpu.memory_space<vmem_shared>>
      tpu.wait_indirect_dma semaphore(%arg12 : memref<!tpu.dma_semaphore, #tpu.memory_space<semaphore_mem>>) src(%dma_wait3A_198 : memref<10240x32xf32, #tpu.memory_space<vmem_shared>>) dst(%dma_wait3A_192 : memref<128x32xf32, #tpu.memory_space<vmem>>)
      %dma_wait3A_199 = arith.constant 2 : i32
      %dma_wait3A_200 = arith.constant 256 : i32
      %dma_wait3A_201 = arith.constant 0 : i32
      %dma_wait3A_202 = tpu.memref_slice %arg9[%dma_wait3A_200, %dma_wait3A_201] : memref<1024x32xf32, #tpu.memory_space<vmem>> -> memref<128x32xf32, #tpu.memory_space<vmem>>
      %dma_wait3A_203 = arith.constant 0 : i32
      %dma_wait3A_204 = tpu.memref_slice %arg7[%dma_wait3A_199, %dma_wait3A_203] : memref<8x128xi32, #tpu.memory_space<vmem>> -> memref<1x128xi32, #tpu.memory_space<vmem>>
      %dma_wait3A_205 = tpu.memref_squeeze %dma_wait3A_204 : memref<1x128xi32, #tpu.memory_space<vmem>> -> memref<128xi32, #tpu.memory_space<vmem>>
      %dma_wait3A_206 = arith.constant 0 : i32
      %dma_wait3A_207 = arith.constant 0 : i32
      %dma_wait3A_208 = tpu.memref_slice %arg11[%dma_wait3A_206, %dma_wait3A_207] : memref<10240x32xf32, #tpu.memory_space<vmem_shared>> -> memref<10240x32xf32, #tpu.memory_space<vmem_shared>>
      tpu.wait_indirect_dma semaphore(%arg12 : memref<!tpu.dma_semaphore, #tpu.memory_space<semaphore_mem>>) src(%dma_wait3A_208 : memref<10240x32xf32, #tpu.memory_space<vmem_shared>>) dst(%dma_wait3A_202 : memref<128x32xf32, #tpu.memory_space<vmem>>)
      %dma_wait3A_209 = arith.constant 3 : i32
      %dma_wait3A_210 = arith.constant 384 : i32
      %dma_wait3A_211 = arith.constant 0 : i32
      %dma_wait3A_212 = tpu.memref_slice %arg9[%dma_wait3A_210, %dma_wait3A_211] : memref<1024x32xf32, #tpu.memory_space<vmem>> -> memref<128x32xf32, #tpu.memory_space<vmem>>
      %dma_wait3A_213 = arith.constant 0 : i32
      %dma_wait3A_214 = tpu.memref_slice %arg7[%dma_wait3A_209, %dma_wait3A_213] : memref<8x128xi32, #tpu.memory_space<vmem>> -> memref<1x128xi32, #tpu.memory_space<vmem>>
      %dma_wait3A_215 = tpu.memref_squeeze %dma_wait3A_214 : memref<1x128xi32, #tpu.memory_space<vmem>> -> memref<128xi32, #tpu.memory_space<vmem>>
      %dma_wait3A_216 = arith.constant 0 : i32
      %dma_wait3A_217 = arith.constant 0 : i32
      %dma_wait3A_218 = tpu.memref_slice %arg11[%dma_wait3A_216, %dma_wait3A_217] : memref<10240x32xf32, #tpu.memory_space<vmem_shared>> -> memref<10240x32xf32, #tpu.memory_space<vmem_shared>>
      tpu.wait_indirect_dma semaphore(%arg12 : memref<!tpu.dma_semaphore, #tpu.memory_space<semaphore_mem>>) src(%dma_wait3A_218 : memref<10240x32xf32, #tpu.memory_space<vmem_shared>>) dst(%dma_wait3A_212 : memref<128x32xf32, #tpu.memory_space<vmem>>)
      %dma_wait3A_219 = arith.constant 4 : i32
      %dma_wait3A_220 = arith.constant 512 : i32
      %dma_wait3A_221 = arith.constant 0 : i32
      %dma_wait3A_222 = tpu.memref_slice %arg9[%dma_wait3A_220, %dma_wait3A_221] : memref<1024x32xf32, #tpu.memory_space<vmem>> -> memref<128x32xf32, #tpu.memory_space<vmem>>
      %dma_wait3A_223 = arith.constant 0 : i32
      %dma_wait3A_224 = tpu.memref_slice %arg7[%dma_wait3A_219, %dma_wait3A_223] : memref<8x128xi32, #tpu.memory_space<vmem>> -> memref<1x128xi32, #tpu.memory_space<vmem>>
      %dma_wait3A_225 = tpu.memref_squeeze %dma_wait3A_224 : memref<1x128xi32, #tpu.memory_space<vmem>> -> memref<128xi32, #tpu.memory_space<vmem>>
      %dma_wait3A_226 = arith.constant 0 : i32
      %dma_wait3A_227 = arith.constant 0 : i32
      %dma_wait3A_228 = tpu.memref_slice %arg11[%dma_wait3A_226, %dma_wait3A_227] : memref<10240x32xf32, #tpu.memory_space<vmem_shared>> -> memref<10240x32xf32, #tpu.memory_space<vmem_shared>>
      tpu.wait_indirect_dma semaphore(%arg12 : memref<!tpu.dma_semaphore, #tpu.memory_space<semaphore_mem>>) src(%dma_wait3A_228 : memref<10240x32xf32, #tpu.memory_space<vmem_shared>>) dst(%dma_wait3A_222 : memref<128x32xf32, #tpu.memory_space<vmem>>)
      %dma_wait3A_229 = arith.constant 5 : i32
      %dma_wait3A_230 = arith.constant 640 : i32
      %dma_wait3A_231 = arith.constant 0 : i32
      %dma_wait3A_232 = tpu.memref_slice %arg9[%dma_wait3A_230, %dma_wait3A_231] : memref<1024x32xf32, #tpu.memory_space<vmem>> -> memref<128x32xf32, #tpu.memory_space<vmem>>
      %dma_wait3A_233 = arith.constant 0 : i32
      %dma_wait3A_234 = tpu.memref_slice %arg7[%dma_wait3A_229, %dma_wait3A_233] : memref<8x128xi32, #tpu.memory_space<vmem>> -> memref<1x128xi32, #tpu.memory_space<vmem>>
      %dma_wait3A_235 = tpu.memref_squeeze %dma_wait3A_234 : memref<1x128xi32, #tpu.memory_space<vmem>> -> memref<128xi32, #tpu.memory_space<vmem>>
      %dma_wait3A_236 = arith.constant 0 : i32
      %dma_wait3A_237 = arith.constant 0 : i32
      %dma_wait3A_238 = tpu.memref_slice %arg11[%dma_wait3A_236, %dma_wait3A_237] : memref<10240x32xf32, #tpu.memory_space<vmem_shared>> -> memref<10240x32xf32, #tpu.memory_space<vmem_shared>>
      tpu.wait_indirect_dma semaphore(%arg12 : memref<!tpu.dma_semaphore, #tpu.memory_space<semaphore_mem>>) src(%dma_wait3A_238 : memref<10240x32xf32, #tpu.memory_space<vmem_shared>>) dst(%dma_wait3A_232 : memref<128x32xf32, #tpu.memory_space<vmem>>)
      %dma_wait3A_239 = arith.constant 6 : i32
      %dma_wait3A_240 = arith.constant 768 : i32
      %dma_wait3A_241 = arith.constant 0 : i32
      %dma_wait3A_242 = tpu.memref_slice %arg9[%dma_wait3A_240, %dma_wait3A_241] : memref<1024x32xf32, #tpu.memory_space<vmem>> -> memref<128x32xf32, #tpu.memory_space<vmem>>
      %dma_wait3A_243 = arith.constant 0 : i32
      %dma_wait3A_244 = tpu.memref_slice %arg7[%dma_wait3A_239, %dma_wait3A_243] : memref<8x128xi32, #tpu.memory_space<vmem>> -> memref<1x128xi32, #tpu.memory_space<vmem>>
      %dma_wait3A_245 = tpu.memref_squeeze %dma_wait3A_244 : memref<1x128xi32, #tpu.memory_space<vmem>> -> memref<128xi32, #tpu.memory_space<vmem>>
      %dma_wait3A_246 = arith.constant 0 : i32
      %dma_wait3A_247 = arith.constant 0 : i32
      %dma_wait3A_248 = tpu.memref_slice %arg11[%dma_wait3A_246, %dma_wait3A_247] : memref<10240x32xf32, #tpu.memory_space<vmem_shared>> -> memref<10240x32xf32, #tpu.memory_space<vmem_shared>>
      tpu.wait_indirect_dma semaphore(%arg12 : memref<!tpu.dma_semaphore, #tpu.memory_space<semaphore_mem>>) src(%dma_wait3A_248 : memref<10240x32xf32, #tpu.memory_space<vmem_shared>>) dst(%dma_wait3A_242 : memref<128x32xf32, #tpu.memory_space<vmem>>)
      %dma_wait3A_249 = arith.constant 7 : i32
      %dma_wait3A_250 = arith.constant 896 : i32
      %dma_wait3A_251 = arith.constant 0 : i32
      %dma_wait3A_252 = tpu.memref_slice %arg9[%dma_wait3A_250, %dma_wait3A_251] : memref<1024x32xf32, #tpu.memory_space<vmem>> -> memref<128x32xf32, #tpu.memory_space<vmem>>
      %dma_wait3A_253 = arith.constant 0 : i32
      %dma_wait3A_254 = tpu.memref_slice %arg7[%dma_wait3A_249, %dma_wait3A_253] : memref<8x128xi32, #tpu.memory_space<vmem>> -> memref<1x128xi32, #tpu.memory_space<vmem>>
      %dma_wait3A_255 = tpu.memref_squeeze %dma_wait3A_254 : memref<1x128xi32, #tpu.memory_space<vmem>> -> memref<128xi32, #tpu.memory_space<vmem>>
      %dma_wait3A_256 = arith.constant 0 : i32
      %dma_wait3A_257 = arith.constant 0 : i32
      %dma_wait3A_258 = tpu.memref_slice %arg11[%dma_wait3A_256, %dma_wait3A_257] : memref<10240x32xf32, #tpu.memory_space<vmem_shared>> -> memref<10240x32xf32, #tpu.memory_space<vmem_shared>>
      tpu.wait_indirect_dma semaphore(%arg12 : memref<!tpu.dma_semaphore, #tpu.memory_space<semaphore_mem>>) src(%dma_wait3A_258 : memref<10240x32xf32, #tpu.memory_space<vmem_shared>>) dst(%dma_wait3A_252 : memref<128x32xf32, #tpu.memory_space<vmem>>)
      %dma_wait3A_259 = arith.constant 0 : i32
      %dma_wait3A_260 = arith.constant 0 : i32
      %dma_wait3A_261 = arith.constant 0 : i32
      %dma_wait3A_262 = tpu.memref_slice %arg10[%dma_wait3A_260, %dma_wait3A_261] : memref<1024x32xf32, #tpu.memory_space<vmem>> -> memref<128x32xf32, #tpu.memory_space<vmem>>
      %dma_wait3A_263 = arith.constant 0 : i32
      %dma_wait3A_264 = tpu.memref_slice %arg8[%dma_wait3A_259, %dma_wait3A_263] : memref<8x128xi32, #tpu.memory_space<vmem>> -> memref<1x128xi32, #tpu.memory_space<vmem>>
      %dma_wait3A_265 = tpu.memref_squeeze %dma_wait3A_264 : memref<1x128xi32, #tpu.memory_space<vmem>> -> memref<128xi32, #tpu.memory_space<vmem>>
      %dma_wait3A_266 = arith.constant 0 : i32
      %dma_wait3A_267 = arith.constant 0 : i32
      %dma_wait3A_268 = tpu.memref_slice %arg11[%dma_wait3A_266, %dma_wait3A_267] : memref<10240x32xf32, #tpu.memory_space<vmem_shared>> -> memref<10240x32xf32, #tpu.memory_space<vmem_shared>>
      tpu.wait_indirect_dma semaphore(%arg13 : memref<!tpu.dma_semaphore, #tpu.memory_space<semaphore_mem>>) src(%dma_wait3A_268 : memref<10240x32xf32, #tpu.memory_space<vmem_shared>>) dst(%dma_wait3A_262 : memref<128x32xf32, #tpu.memory_space<vmem>>)
      %dma_wait3A_269 = arith.constant 1 : i32
      %dma_wait3A_270 = arith.constant 128 : i32
      %dma_wait3A_271 = arith.constant 0 : i32
      %dma_wait3A_272 = tpu.memref_slice %arg10[%dma_wait3A_270, %dma_wait3A_271] : memref<1024x32xf32, #tpu.memory_space<vmem>> -> memref<128x32xf32, #tpu.memory_space<vmem>>
      %dma_wait3A_273 = arith.constant 0 : i32
      %dma_wait3A_274 = tpu.memref_slice %arg8[%dma_wait3A_269, %dma_wait3A_273] : memref<8x128xi32, #tpu.memory_space<vmem>> -> memref<1x128xi32, #tpu.memory_space<vmem>>
      %dma_wait3A_275 = tpu.memref_squeeze %dma_wait3A_274 : memref<1x128xi32, #tpu.memory_space<vmem>> -> memref<128xi32, #tpu.memory_space<vmem>>
      %dma_wait3A_276 = arith.constant 0 : i32
      %dma_wait3A_277 = arith.constant 0 : i32
      %dma_wait3A_278 = tpu.memref_slice %arg11[%dma_wait3A_276, %dma_wait3A_277] : memref<10240x32xf32, #tpu.memory_space<vmem_shared>> -> memref<10240x32xf32, #tpu.memory_space<vmem_shared>>
      tpu.wait_indirect_dma semaphore(%arg13 : memref<!tpu.dma_semaphore, #tpu.memory_space<semaphore_mem>>) src(%dma_wait3A_278 : memref<10240x32xf32, #tpu.memory_space<vmem_shared>>) dst(%dma_wait3A_272 : memref<128x32xf32, #tpu.memory_space<vmem>>)
      %dma_wait3A_279 = arith.constant 2 : i32
      %dma_wait3A_280 = arith.constant 256 : i32
      %dma_wait3A_281 = arith.constant 0 : i32
      %dma_wait3A_282 = tpu.memref_slice %arg10[%dma_wait3A_280, %dma_wait3A_281] : memref<1024x32xf32, #tpu.memory_space<vmem>> -> memref<128x32xf32, #tpu.memory_space<vmem>>
      %dma_wait3A_283 = arith.constant 0 : i32
      %dma_wait3A_284 = tpu.memref_slice %arg8[%dma_wait3A_279, %dma_wait3A_283] : memref<8x128xi32, #tpu.memory_space<vmem>> -> memref<1x128xi32, #tpu.memory_space<vmem>>
      %dma_wait3A_285 = tpu.memref_squeeze %dma_wait3A_284 : memref<1x128xi32, #tpu.memory_space<vmem>> -> memref<128xi32, #tpu.memory_space<vmem>>
      %dma_wait3A_286 = arith.constant 0 : i32
      %dma_wait3A_287 = arith.constant 0 : i32
      %dma_wait3A_288 = tpu.memref_slice %arg11[%dma_wait3A_286, %dma_wait3A_287] : memref<10240x32xf32, #tpu.memory_space<vmem_shared>> -> memref<10240x32xf32, #tpu.memory_space<vmem_shared>>
      tpu.wait_indirect_dma semaphore(%arg13 : memref<!tpu.dma_semaphore, #tpu.memory_space<semaphore_mem>>) src(%dma_wait3A_288 : memref<10240x32xf32, #tpu.memory_space<vmem_shared>>) dst(%dma_wait3A_282 : memref<128x32xf32, #tpu.memory_space<vmem>>)
      %dma_wait3A_289 = arith.constant 3 : i32
      %dma_wait3A_290 = arith.constant 384 : i32
      %dma_wait3A_291 = arith.constant 0 : i32
      %dma_wait3A_292 = tpu.memref_slice %arg10[%dma_wait3A_290, %dma_wait3A_291] : memref<1024x32xf32, #tpu.memory_space<vmem>> -> memref<128x32xf32, #tpu.memory_space<vmem>>
      %dma_wait3A_293 = arith.constant 0 : i32
      %dma_wait3A_294 = tpu.memref_slice %arg8[%dma_wait3A_289, %dma_wait3A_293] : memref<8x128xi32, #tpu.memory_space<vmem>> -> memref<1x128xi32, #tpu.memory_space<vmem>>
      %dma_wait3A_295 = tpu.memref_squeeze %dma_wait3A_294 : memref<1x128xi32, #tpu.memory_space<vmem>> -> memref<128xi32, #tpu.memory_space<vmem>>
      %dma_wait3A_296 = arith.constant 0 : i32
      %dma_wait3A_297 = arith.constant 0 : i32
      %dma_wait3A_298 = tpu.memref_slice %arg11[%dma_wait3A_296, %dma_wait3A_297] : memref<10240x32xf32, #tpu.memory_space<vmem_shared>> -> memref<10240x32xf32, #tpu.memory_space<vmem_shared>>
      tpu.wait_indirect_dma semaphore(%arg13 : memref<!tpu.dma_semaphore, #tpu.memory_space<semaphore_mem>>) src(%dma_wait3A_298 : memref<10240x32xf32, #tpu.memory_space<vmem_shared>>) dst(%dma_wait3A_292 : memref<128x32xf32, #tpu.memory_space<vmem>>)
      %dma_wait3A_299 = arith.constant 4 : i32
      %dma_wait3A_300 = arith.constant 512 : i32
      %dma_wait3A_301 = arith.constant 0 : i32
      %dma_wait3A_302 = tpu.memref_slice %arg10[%dma_wait3A_300, %dma_wait3A_301] : memref<1024x32xf32, #tpu.memory_space<vmem>> -> memref<128x32xf32, #tpu.memory_space<vmem>>
      %dma_wait3A_303 = arith.constant 0 : i32
      %dma_wait3A_304 = tpu.memref_slice %arg8[%dma_wait3A_299, %dma_wait3A_303] : memref<8x128xi32, #tpu.memory_space<vmem>> -> memref<1x128xi32, #tpu.memory_space<vmem>>
      %dma_wait3A_305 = tpu.memref_squeeze %dma_wait3A_304 : memref<1x128xi32, #tpu.memory_space<vmem>> -> memref<128xi32, #tpu.memory_space<vmem>>
      %dma_wait3A_306 = arith.constant 0 : i32
      %dma_wait3A_307 = arith.constant 0 : i32
      %dma_wait3A_308 = tpu.memref_slice %arg11[%dma_wait3A_306, %dma_wait3A_307] : memref<10240x32xf32, #tpu.memory_space<vmem_shared>> -> memref<10240x32xf32, #tpu.memory_space<vmem_shared>>
      tpu.wait_indirect_dma semaphore(%arg13 : memref<!tpu.dma_semaphore, #tpu.memory_space<semaphore_mem>>) src(%dma_wait3A_308 : memref<10240x32xf32, #tpu.memory_space<vmem_shared>>) dst(%dma_wait3A_302 : memref<128x32xf32, #tpu.memory_space<vmem>>)
      %dma_wait3A_309 = arith.constant 5 : i32
      %dma_wait3A_310 = arith.constant 640 : i32
      %dma_wait3A_311 = arith.constant 0 : i32
      %dma_wait3A_312 = tpu.memref_slice %arg10[%dma_wait3A_310, %dma_wait3A_311] : memref<1024x32xf32, #tpu.memory_space<vmem>> -> memref<128x32xf32, #tpu.memory_space<vmem>>
      %dma_wait3A_313 = arith.constant 0 : i32
      %dma_wait3A_314 = tpu.memref_slice %arg8[%dma_wait3A_309, %dma_wait3A_313] : memref<8x128xi32, #tpu.memory_space<vmem>> -> memref<1x128xi32, #tpu.memory_space<vmem>>
      %dma_wait3A_315 = tpu.memref_squeeze %dma_wait3A_314 : memref<1x128xi32, #tpu.memory_space<vmem>> -> memref<128xi32, #tpu.memory_space<vmem>>
      %dma_wait3A_316 = arith.constant 0 : i32
      %dma_wait3A_317 = arith.constant 0 : i32
      %dma_wait3A_318 = tpu.memref_slice %arg11[%dma_wait3A_316, %dma_wait3A_317] : memref<10240x32xf32, #tpu.memory_space<vmem_shared>> -> memref<10240x32xf32, #tpu.memory_space<vmem_shared>>
      tpu.wait_indirect_dma semaphore(%arg13 : memref<!tpu.dma_semaphore, #tpu.memory_space<semaphore_mem>>) src(%dma_wait3A_318 : memref<10240x32xf32, #tpu.memory_space<vmem_shared>>) dst(%dma_wait3A_312 : memref<128x32xf32, #tpu.memory_space<vmem>>)
      %dma_wait3A_319 = arith.constant 6 : i32
      %dma_wait3A_320 = arith.constant 768 : i32
      %dma_wait3A_321 = arith.constant 0 : i32
      %dma_wait3A_322 = tpu.memref_slice %arg10[%dma_wait3A_320, %dma_wait3A_321] : memref<1024x32xf32, #tpu.memory_space<vmem>> -> memref<128x32xf32, #tpu.memory_space<vmem>>
      %dma_wait3A_323 = arith.constant 0 : i32
      %dma_wait3A_324 = tpu.memref_slice %arg8[%dma_wait3A_319, %dma_wait3A_323] : memref<8x128xi32, #tpu.memory_space<vmem>> -> memref<1x128xi32, #tpu.memory_space<vmem>>
      %dma_wait3A_325 = tpu.memref_squeeze %dma_wait3A_324 : memref<1x128xi32, #tpu.memory_space<vmem>> -> memref<128xi32, #tpu.memory_space<vmem>>
      %dma_wait3A_326 = arith.constant 0 : i32
      %dma_wait3A_327 = arith.constant 0 : i32
      %dma_wait3A_328 = tpu.memref_slice %arg11[%dma_wait3A_326, %dma_wait3A_327] : memref<10240x32xf32, #tpu.memory_space<vmem_shared>> -> memref<10240x32xf32, #tpu.memory_space<vmem_shared>>
      tpu.wait_indirect_dma semaphore(%arg13 : memref<!tpu.dma_semaphore, #tpu.memory_space<semaphore_mem>>) src(%dma_wait3A_328 : memref<10240x32xf32, #tpu.memory_space<vmem_shared>>) dst(%dma_wait3A_322 : memref<128x32xf32, #tpu.memory_space<vmem>>)
      %dma_wait3A_329 = arith.constant 7 : i32
      %dma_wait3A_330 = arith.constant 896 : i32
      %dma_wait3A_331 = arith.constant 0 : i32
      %dma_wait3A_332 = tpu.memref_slice %arg10[%dma_wait3A_330, %dma_wait3A_331] : memref<1024x32xf32, #tpu.memory_space<vmem>> -> memref<128x32xf32, #tpu.memory_space<vmem>>
      %dma_wait3A_333 = arith.constant 0 : i32
      %dma_wait3A_334 = tpu.memref_slice %arg8[%dma_wait3A_329, %dma_wait3A_333] : memref<8x128xi32, #tpu.memory_space<vmem>> -> memref<1x128xi32, #tpu.memory_space<vmem>>
      %dma_wait3A_335 = tpu.memref_squeeze %dma_wait3A_334 : memref<1x128xi32, #tpu.memory_space<vmem>> -> memref<128xi32, #tpu.memory_space<vmem>>
      %dma_wait3A_336 = arith.constant 0 : i32
      %dma_wait3A_337 = arith.constant 0 : i32
      %dma_wait3A_338 = tpu.memref_slice %arg11[%dma_wait3A_336, %dma_wait3A_337] : memref<10240x32xf32, #tpu.memory_space<vmem_shared>> -> memref<10240x32xf32, #tpu.memory_space<vmem_shared>>
      tpu.wait_indirect_dma semaphore(%arg13 : memref<!tpu.dma_semaphore, #tpu.memory_space<semaphore_mem>>) src(%dma_wait3A_338 : memref<10240x32xf32, #tpu.memory_space<vmem_shared>>) dst(%dma_wait3A_332 : memref<128x32xf32, #tpu.memory_space<vmem>>)
      "tpu.region"() ({
        %run_scoped3A = tpu.sem_alloc : memref<!tpu.dma_semaphore, #tpu.memory_space<semaphore_mem>>
        %dma_start3A_339 = arith.constant 0 : i32
        %dma_start3A_340 = tpu.memref_slice %arg5[%mul3A_20, %dma_start3A_339] : memref<327680x32xf32, #tpu.memory_space<hbm>> -> memref<1024x32xf32, #tpu.memory_space<hbm>>
        %dma_start3A_341 = arith.constant 0 : i32
        %dma_start3A_342 = tpu.memref_slice %arg5[%mul3A_20, %dma_start3A_341] : memref<327680x32xf32, #tpu.memory_space<hbm>> -> memref<1024x32xf32, #tpu.memory_space<hbm>>
        tpu.enqueue_dma source(%arg9 : memref<1024x32xf32, #tpu.memory_space<vmem>>) target(%dma_start3A_342 : memref<1024x32xf32, #tpu.memory_space<hbm>>) target_semaphore(%run_scoped3A : memref<!tpu.dma_semaphore, #tpu.memory_space<semaphore_mem>>)
        %dma_wait3A_343 = arith.constant 0 : i32
        %dma_wait3A_344 = tpu.memref_slice %arg5[%mul3A_20, %dma_wait3A_343] : memref<327680x32xf32, #tpu.memory_space<hbm>> -> memref<1024x32xf32, #tpu.memory_space<hbm>>
        %dma_wait3A_345 = arith.constant 0 : i32
        %dma_wait3A_346 = tpu.memref_slice %arg5[%mul3A_20, %dma_wait3A_345] : memref<327680x32xf32, #tpu.memory_space<hbm>> -> memref<1024x32xf32, #tpu.memory_space<hbm>>
        tpu.wait_dma2 semaphore(%run_scoped3A : memref<!tpu.dma_semaphore, #tpu.memory_space<semaphore_mem>>) src(%arg9 : memref<1024x32xf32, #tpu.memory_space<vmem>>) dst(%dma_wait3A_346 : memref<1024x32xf32, #tpu.memory_space<hbm>>)
        tpu.yield
      }) : () -> ()
      "tpu.region"() ({
        %run_scoped3A = tpu.sem_alloc : memref<!tpu.dma_semaphore, #tpu.memory_space<semaphore_mem>>
        %dma_start3A_339 = arith.constant 0 : i32
        %dma_start3A_340 = tpu.memref_slice %arg6[%mul3A_20, %dma_start3A_339] : memref<327680x32xf32, #tpu.memory_space<hbm>> -> memref<1024x32xf32, #tpu.memory_space<hbm>>
        %dma_start3A_341 = arith.constant 0 : i32
        %dma_start3A_342 = tpu.memref_slice %arg6[%mul3A_20, %dma_start3A_341] : memref<327680x32xf32, #tpu.memory_space<hbm>> -> memref<1024x32xf32, #tpu.memory_space<hbm>>
        tpu.enqueue_dma source(%arg10 : memref<1024x32xf32, #tpu.memory_space<vmem>>) target(%dma_start3A_342 : memref<1024x32xf32, #tpu.memory_space<hbm>>) target_semaphore(%run_scoped3A : memref<!tpu.dma_semaphore, #tpu.memory_space<semaphore_mem>>)
        %dma_wait3A_343 = arith.constant 0 : i32
        %dma_wait3A_344 = tpu.memref_slice %arg6[%mul3A_20, %dma_wait3A_343] : memref<327680x32xf32, #tpu.memory_space<hbm>> -> memref<1024x32xf32, #tpu.memory_space<hbm>>
        %dma_wait3A_345 = arith.constant 0 : i32
        %dma_wait3A_346 = tpu.memref_slice %arg6[%mul3A_20, %dma_wait3A_345] : memref<327680x32xf32, #tpu.memory_space<hbm>> -> memref<1024x32xf32, #tpu.memory_space<hbm>>
        tpu.wait_dma2 semaphore(%run_scoped3A : memref<!tpu.dma_semaphore, #tpu.memory_space<semaphore_mem>>) src(%arg10 : memref<1024x32xf32, #tpu.memory_space<vmem>>) dst(%dma_wait3A_346 : memref<1024x32xf32, #tpu.memory_space<hbm>>)
        tpu.yield
      }) : () -> ()
    }
    %scan3A_9 = arith.constant 10 : i32
    return
  }
}

module attributes {stable_mosaic.version = 14 : i64} {
  func.func @tc_edge0(%arg0: i32, %arg1: memref<2048x128xf32, #tpu.memory_space<vmem>>, %arg2: memref<2048x128xf32, #tpu.memory_space<vmem>>, %arg3: memref<2x32xf32, #tpu.memory_space<vmem>>, %arg4: memref<1x32xf32, #tpu.memory_space<vmem>>, %arg5: memref<2x32xf32, #tpu.memory_space<vmem>>, %arg6: memref<1x32xf32, #tpu.memory_space<vmem>>, %arg7: memref<32x32xf32, #tpu.memory_space<vmem>>, %arg8: memref<1x32xf32, #tpu.memory_space<vmem>>, %arg9: memref<32x224xf32, #tpu.memory_space<vmem>>, %arg10: memref<7x224xf32, #tpu.memory_space<vmem>>, %arg11: memref<224x32xf32, #tpu.memory_space<vmem>>, %arg12: memref<7x32xf32, #tpu.memory_space<vmem>>, %arg13: memref<2048x128xf32, #tpu.memory_space<vmem>>, %arg14: memref<2048x128xf32, #tpu.memory_space<vmem>>) attributes {dimension_semantics = [#tpu.dimension_semantics<arbitrary>], iteration_bounds = array<i64: 40>, scalar_prefetch = 0 : i64, scratch_operands = 0 : i64, tpu.core_type = #tpu.core_type<tc>, window_params = [{transform_indices = @transform_0, window_bounds = array<i64: 2048, 128>}, {transform_indices = @transform_1, window_bounds = array<i64: 2048, 128>}, {pipeline_mode = #tpu.pipeline_mode<synchronous>, transform_indices = @transform_2, window_bounds = array<i64: 2, 32>}, {pipeline_mode = #tpu.pipeline_mode<synchronous>, transform_indices = @transform_3, window_bounds = array<i64: 1, 32>}, {pipeline_mode = #tpu.pipeline_mode<synchronous>, transform_indices = @transform_4, window_bounds = array<i64: 2, 32>}, {pipeline_mode = #tpu.pipeline_mode<synchronous>, transform_indices = @transform_5, window_bounds = array<i64: 1, 32>}, {pipeline_mode = #tpu.pipeline_mode<synchronous>, transform_indices = @transform_6, window_bounds = array<i64: 32, 32>}, {pipeline_mode = #tpu.pipeline_mode<synchronous>, transform_indices = @transform_7, window_bounds = array<i64: 1, 32>}, {pipeline_mode = #tpu.pipeline_mode<synchronous>, transform_indices = @transform_8, window_bounds = array<i64: 32, 224>}, {pipeline_mode = #tpu.pipeline_mode<synchronous>, transform_indices = @transform_9, window_bounds = array<i64: 7, 224>}, {pipeline_mode = #tpu.pipeline_mode<synchronous>, transform_indices = @transform_10, window_bounds = array<i64: 224, 32>}, {pipeline_mode = #tpu.pipeline_mode<synchronous>, transform_indices = @transform_11, window_bounds = array<i64: 7, 32>}, {transform_indices = @transform_12, window_bounds = array<i64: 2048, 128>}, {transform_indices = @transform_13, window_bounds = array<i64: 2048, 128>}]} {
    %get3A = arith.constant 0 : index
    %get3A_0 = arith.constant 0 : index
    %get3A_1 = vector.load %arg1[%get3A, %get3A_0] : memref<2048x128xf32, #tpu.memory_space<vmem>>, vector<2048x128xf32>
    %get3A_2 = arith.constant 0 : index
    %get3A_3 = arith.constant 0 : index
    %get3A_4 = vector.load %arg2[%get3A_2, %get3A_3] : memref<2048x128xf32, #tpu.memory_space<vmem>>, vector<2048x128xf32>
    %slice3A = vector.extract_strided_slice %get3A_1 {offsets = [0, 0], sizes = [2048, 32], strides = [1, 1]} : vector<2048x128xf32> to vector<2048x32xf32>
    %slice3A_5 = vector.extract_strided_slice %get3A_4 {offsets = [0, 0], sizes = [2048, 32], strides = [1, 1]} : vector<2048x128xf32> to vector<2048x32xf32>
    %slice3A_6 = vector.extract_strided_slice %slice3A {offsets = [0, 7], sizes = [2048, 2], strides = [1, 1]} : vector<2048x32xf32> to vector<2048x2xf32>
    %slice3A_7 = vector.extract_strided_slice %slice3A_5 {offsets = [0, 7], sizes = [2048, 2], strides = [1, 1]} : vector<2048x32xf32> to vector<2048x2xf32>
    %sub3A = arith.subf %slice3A_6, %slice3A_7 : vector<2048x2xf32>
    %get3A_8 = arith.constant 0 : index
    %get3A_9 = arith.constant 0 : index
    %get3A_10 = vector.load %arg3[%get3A_8, %get3A_9] : memref<2x32xf32, #tpu.memory_space<vmem>>, vector<2x32xf32>
    %dot_general3A = arith.constant dense<0.000000e+00> : vector<2048x32xf32>
    %dot_general3A_11 = tpu.matmul %sub3A, %get3A_10, %dot_general3A {dimension_numbers = #tpu.dot_dimension_numbers<[1], [0], [0], [1], [0, 0, 1, 1], [], []>, transpose_lhs_hint = false} : vector<2048x2xf32>, vector<2x32xf32>, vector<2048x32xf32> -> vector<2048x32xf32>
    %get3A_12 = arith.constant 0 : index
    %get3A_13 = arith.constant 0 : index
    %get3A_14 = vector.load %arg4[%get3A_12, %get3A_13] : memref<1x32xf32, #tpu.memory_space<vmem>>, vector<1x32xf32>
    %add3A = vector.broadcast %get3A_14 : vector<1x32xf32> to vector<2048x32xf32>
    %add3A_15 = arith.addf %dot_general3A_11, %add3A : vector<2048x32xf32>
    %tanh3A = math.tanh %add3A_15 : vector<2048x32xf32>
    %get3A_16 = arith.constant 0 : index
    %get3A_17 = arith.constant 0 : index
    %get3A_18 = vector.load %arg9[%get3A_16, %get3A_17] : memref<32x224xf32, #tpu.memory_space<vmem>>, vector<32x224xf32>
    %dot_general3A_19 = arith.constant dense<0.000000e+00> : vector<2048x224xf32>
    %dot_general3A_20 = tpu.matmul %tanh3A, %get3A_18, %dot_general3A_19 {dimension_numbers = #tpu.dot_dimension_numbers<[1], [0], [0], [1], [0, 0, 1, 1], [], []>, transpose_lhs_hint = false} : vector<2048x32xf32>, vector<32x224xf32>, vector<2048x224xf32> -> vector<2048x224xf32>
    %slice3A_21 = vector.extract_strided_slice %slice3A {offsets = [0, 0], sizes = [2048, 7], strides = [1, 1]} : vector<2048x32xf32> to vector<2048x7xf32>
    %get3A_22 = arith.constant 0 : index
    %get3A_23 = arith.constant 0 : index
    %get3A_24 = vector.load %arg10[%get3A_22, %get3A_23] : memref<7x224xf32, #tpu.memory_space<vmem>>, vector<7x224xf32>
    %dot_general3A_25 = arith.constant dense<0.000000e+00> : vector<2048x224xf32>
    %dot_general3A_26 = tpu.matmul %slice3A_21, %get3A_24, %dot_general3A_25 {dimension_numbers = #tpu.dot_dimension_numbers<[1], [0], [0], [1], [0, 0, 1, 1], [], []>, transpose_lhs_hint = false} : vector<2048x7xf32>, vector<7x224xf32>, vector<2048x224xf32> -> vector<2048x224xf32>
    %mul3A = arith.mulf %dot_general3A_20, %dot_general3A_26 : vector<2048x224xf32>
    %get3A_27 = arith.constant 0 : index
    %get3A_28 = arith.constant 0 : index
    %get3A_29 = vector.load %arg11[%get3A_27, %get3A_28] : memref<224x32xf32, #tpu.memory_space<vmem>>, vector<224x32xf32>
    %dot_general3A_30 = arith.constant dense<0.000000e+00> : vector<2048x32xf32>
    %dot_general3A_31 = tpu.matmul %mul3A, %get3A_29, %dot_general3A_30 {dimension_numbers = #tpu.dot_dimension_numbers<[1], [0], [0], [1], [0, 0, 1, 1], [], []>, transpose_lhs_hint = false} : vector<2048x224xf32>, vector<224x32xf32>, vector<2048x32xf32> -> vector<2048x32xf32>
    %get3A_32 = arith.constant 0 : index
    %get3A_33 = arith.constant 0 : index
    %get3A_34 = vector.load %arg12[%get3A_32, %get3A_33] : memref<7x32xf32, #tpu.memory_space<vmem>>, vector<7x32xf32>
    %dot_general3A_35 = arith.constant dense<0.000000e+00> : vector<2048x32xf32>
    %dot_general3A_36 = tpu.matmul %slice3A_21, %get3A_34, %dot_general3A_35 {dimension_numbers = #tpu.dot_dimension_numbers<[1], [0], [0], [1], [0, 0, 1, 1], [], []>, transpose_lhs_hint = false} : vector<2048x7xf32>, vector<7x32xf32>, vector<2048x32xf32> -> vector<2048x32xf32>
    %add3A_37 = arith.addf %dot_general3A_31, %dot_general3A_36 : vector<2048x32xf32>
    %get3A_38 = arith.constant 0 : index
    %get3A_39 = arith.constant 0 : index
    %get3A_40 = vector.load %arg5[%get3A_38, %get3A_39] : memref<2x32xf32, #tpu.memory_space<vmem>>, vector<2x32xf32>
    %dot_general3A_41 = arith.constant dense<0.000000e+00> : vector<2048x32xf32>
    %dot_general3A_42 = tpu.matmul %sub3A, %get3A_40, %dot_general3A_41 {dimension_numbers = #tpu.dot_dimension_numbers<[1], [0], [0], [1], [0, 0, 1, 1], [], []>, transpose_lhs_hint = false} : vector<2048x2xf32>, vector<2x32xf32>, vector<2048x32xf32> -> vector<2048x32xf32>
    %get3A_43 = arith.constant 0 : index
    %get3A_44 = arith.constant 0 : index
    %get3A_45 = vector.load %arg6[%get3A_43, %get3A_44] : memref<1x32xf32, #tpu.memory_space<vmem>>, vector<1x32xf32>
    %add3A_46 = vector.broadcast %get3A_45 : vector<1x32xf32> to vector<2048x32xf32>
    %add3A_47 = arith.addf %dot_general3A_42, %add3A_46 : vector<2048x32xf32>
    %tanh3A_48 = math.tanh %add3A_47 : vector<2048x32xf32>
    %get3A_49 = arith.constant 0 : index
    %get3A_50 = arith.constant 0 : index
    %get3A_51 = vector.load %arg7[%get3A_49, %get3A_50] : memref<32x32xf32, #tpu.memory_space<vmem>>, vector<32x32xf32>
    %dot_general3A_52 = arith.constant dense<0.000000e+00> : vector<2048x32xf32>
    %dot_general3A_53 = tpu.matmul %tanh3A_48, %get3A_51, %dot_general3A_52 {dimension_numbers = #tpu.dot_dimension_numbers<[1], [0], [0], [1], [0, 0, 1, 1], [], []>, transpose_lhs_hint = false} : vector<2048x32xf32>, vector<32x32xf32>, vector<2048x32xf32> -> vector<2048x32xf32>
    %get3A_54 = arith.constant 0 : index
    %get3A_55 = arith.constant 0 : index
    %get3A_56 = vector.load %arg8[%get3A_54, %get3A_55] : memref<1x32xf32, #tpu.memory_space<vmem>>, vector<1x32xf32>
    %add3A_57 = vector.broadcast %get3A_56 : vector<1x32xf32> to vector<2048x32xf32>
    %add3A_58 = arith.addf %dot_general3A_53, %add3A_57 : vector<2048x32xf32>
    %swap3A = arith.constant 0 : index
    %swap3A_59 = arith.constant 0 : index
    %swap3A_60 = vector.load %arg13[%swap3A, %swap3A_59] : memref<2048x128xf32, #tpu.memory_space<vmem>>, vector<2048x32xf32>
    tpu.vector_store %arg13[%swap3A, %swap3A_59], %add3A_37 {strides = array<i32>} : memref<2048x128xf32, #tpu.memory_space<vmem>>, vector<2048x32xf32>,
    %swap3A_61 = arith.constant 0 : index
    %swap3A_62 = arith.constant 0 : index
    %swap3A_63 = vector.load %arg14[%swap3A_61, %swap3A_62] : memref<2048x128xf32, #tpu.memory_space<vmem>>, vector<2048x32xf32>
    tpu.vector_store %arg14[%swap3A_61, %swap3A_62], %add3A_58 {strides = array<i32>} : memref<2048x128xf32, #tpu.memory_space<vmem>>, vector<2048x32xf32>,
    %slice3A_64 = vector.extract_strided_slice %get3A_1 {offsets = [0, 32], sizes = [2048, 32], strides = [1, 1]} : vector<2048x128xf32> to vector<2048x32xf32>
    %slice3A_65 = vector.extract_strided_slice %get3A_4 {offsets = [0, 32], sizes = [2048, 32], strides = [1, 1]} : vector<2048x128xf32> to vector<2048x32xf32>
    %slice3A_66 = vector.extract_strided_slice %slice3A_64 {offsets = [0, 7], sizes = [2048, 2], strides = [1, 1]} : vector<2048x32xf32> to vector<2048x2xf32>
    %slice3A_67 = vector.extract_strided_slice %slice3A_65 {offsets = [0, 7], sizes = [2048, 2], strides = [1, 1]} : vector<2048x32xf32> to vector<2048x2xf32>
    %sub3A_68 = arith.subf %slice3A_66, %slice3A_67 : vector<2048x2xf32>
    %get3A_69 = arith.constant 0 : index
    %get3A_70 = arith.constant 0 : index
    %get3A_71 = vector.load %arg3[%get3A_69, %get3A_70] : memref<2x32xf32, #tpu.memory_space<vmem>>, vector<2x32xf32>
    %dot_general3A_72 = arith.constant dense<0.000000e+00> : vector<2048x32xf32>
    %dot_general3A_73 = tpu.matmul %sub3A_68, %get3A_71, %dot_general3A_72 {dimension_numbers = #tpu.dot_dimension_numbers<[1], [0], [0], [1], [0, 0, 1, 1], [], []>, transpose_lhs_hint = false} : vector<2048x2xf32>, vector<2x32xf32>, vector<2048x32xf32> -> vector<2048x32xf32>
    %get3A_74 = arith.constant 0 : index
    %get3A_75 = arith.constant 0 : index
    %get3A_76 = vector.load %arg4[%get3A_74, %get3A_75] : memref<1x32xf32, #tpu.memory_space<vmem>>, vector<1x32xf32>
    %add3A_77 = vector.broadcast %get3A_76 : vector<1x32xf32> to vector<2048x32xf32>
    %add3A_78 = arith.addf %dot_general3A_73, %add3A_77 : vector<2048x32xf32>
    %tanh3A_79 = math.tanh %add3A_78 : vector<2048x32xf32>
    %get3A_80 = arith.constant 0 : index
    %get3A_81 = arith.constant 0 : index
    %get3A_82 = vector.load %arg9[%get3A_80, %get3A_81] : memref<32x224xf32, #tpu.memory_space<vmem>>, vector<32x224xf32>
    %dot_general3A_83 = arith.constant dense<0.000000e+00> : vector<2048x224xf32>
    %dot_general3A_84 = tpu.matmul %tanh3A_79, %get3A_82, %dot_general3A_83 {dimension_numbers = #tpu.dot_dimension_numbers<[1], [0], [0], [1], [0, 0, 1, 1], [], []>, transpose_lhs_hint = false} : vector<2048x32xf32>, vector<32x224xf32>, vector<2048x224xf32> -> vector<2048x224xf32>
    %slice3A_85 = vector.extract_strided_slice %slice3A_64 {offsets = [0, 0], sizes = [2048, 7], strides = [1, 1]} : vector<2048x32xf32> to vector<2048x7xf32>
    %get3A_86 = arith.constant 0 : index
    %get3A_87 = arith.constant 0 : index
    %get3A_88 = vector.load %arg10[%get3A_86, %get3A_87] : memref<7x224xf32, #tpu.memory_space<vmem>>, vector<7x224xf32>
    %dot_general3A_89 = arith.constant dense<0.000000e+00> : vector<2048x224xf32>
    %dot_general3A_90 = tpu.matmul %slice3A_85, %get3A_88, %dot_general3A_89 {dimension_numbers = #tpu.dot_dimension_numbers<[1], [0], [0], [1], [0, 0, 1, 1], [], []>, transpose_lhs_hint = false} : vector<2048x7xf32>, vector<7x224xf32>, vector<2048x224xf32> -> vector<2048x224xf32>
    %mul3A_91 = arith.mulf %dot_general3A_84, %dot_general3A_90 : vector<2048x224xf32>
    %get3A_92 = arith.constant 0 : index
    %get3A_93 = arith.constant 0 : index
    %get3A_94 = vector.load %arg11[%get3A_92, %get3A_93] : memref<224x32xf32, #tpu.memory_space<vmem>>, vector<224x32xf32>
    %dot_general3A_95 = arith.constant dense<0.000000e+00> : vector<2048x32xf32>
    %dot_general3A_96 = tpu.matmul %mul3A_91, %get3A_94, %dot_general3A_95 {dimension_numbers = #tpu.dot_dimension_numbers<[1], [0], [0], [1], [0, 0, 1, 1], [], []>, transpose_lhs_hint = false} : vector<2048x224xf32>, vector<224x32xf32>, vector<2048x32xf32> -> vector<2048x32xf32>
    %get3A_97 = arith.constant 0 : index
    %get3A_98 = arith.constant 0 : index
    %get3A_99 = vector.load %arg12[%get3A_97, %get3A_98] : memref<7x32xf32, #tpu.memory_space<vmem>>, vector<7x32xf32>
    %dot_general3A_100 = arith.constant dense<0.000000e+00> : vector<2048x32xf32>
    %dot_general3A_101 = tpu.matmul %slice3A_85, %get3A_99, %dot_general3A_100 {dimension_numbers = #tpu.dot_dimension_numbers<[1], [0], [0], [1], [0, 0, 1, 1], [], []>, transpose_lhs_hint = false} : vector<2048x7xf32>, vector<7x32xf32>, vector<2048x32xf32> -> vector<2048x32xf32>
    %add3A_102 = arith.addf %dot_general3A_96, %dot_general3A_101 : vector<2048x32xf32>
    %get3A_103 = arith.constant 0 : index
    %get3A_104 = arith.constant 0 : index
    %get3A_105 = vector.load %arg5[%get3A_103, %get3A_104] : memref<2x32xf32, #tpu.memory_space<vmem>>, vector<2x32xf32>
    %dot_general3A_106 = arith.constant dense<0.000000e+00> : vector<2048x32xf32>
    %dot_general3A_107 = tpu.matmul %sub3A_68, %get3A_105, %dot_general3A_106 {dimension_numbers = #tpu.dot_dimension_numbers<[1], [0], [0], [1], [0, 0, 1, 1], [], []>, transpose_lhs_hint = false} : vector<2048x2xf32>, vector<2x32xf32>, vector<2048x32xf32> -> vector<2048x32xf32>
    %get3A_108 = arith.constant 0 : index
    %get3A_109 = arith.constant 0 : index
    %get3A_110 = vector.load %arg6[%get3A_108, %get3A_109] : memref<1x32xf32, #tpu.memory_space<vmem>>, vector<1x32xf32>
    %add3A_111 = vector.broadcast %get3A_110 : vector<1x32xf32> to vector<2048x32xf32>
    %add3A_112 = arith.addf %dot_general3A_107, %add3A_111 : vector<2048x32xf32>
    %tanh3A_113 = math.tanh %add3A_112 : vector<2048x32xf32>
    %get3A_114 = arith.constant 0 : index
    %get3A_115 = arith.constant 0 : index
    %get3A_116 = vector.load %arg7[%get3A_114, %get3A_115] : memref<32x32xf32, #tpu.memory_space<vmem>>, vector<32x32xf32>
    %dot_general3A_117 = arith.constant dense<0.000000e+00> : vector<2048x32xf32>
    %dot_general3A_118 = tpu.matmul %tanh3A_113, %get3A_116, %dot_general3A_117 {dimension_numbers = #tpu.dot_dimension_numbers<[1], [0], [0], [1], [0, 0, 1, 1], [], []>, transpose_lhs_hint = false} : vector<2048x32xf32>, vector<32x32xf32>, vector<2048x32xf32> -> vector<2048x32xf32>
    %get3A_119 = arith.constant 0 : index
    %get3A_120 = arith.constant 0 : index
    %get3A_121 = vector.load %arg8[%get3A_119, %get3A_120] : memref<1x32xf32, #tpu.memory_space<vmem>>, vector<1x32xf32>
    %add3A_122 = vector.broadcast %get3A_121 : vector<1x32xf32> to vector<2048x32xf32>
    %add3A_123 = arith.addf %dot_general3A_118, %add3A_122 : vector<2048x32xf32>
    %swap3A_124 = arith.constant 0 : index
    %swap3A_125 = arith.constant 32 : index
    %swap3A_126 = vector.load %arg13[%swap3A_124, %swap3A_125] : memref<2048x128xf32, #tpu.memory_space<vmem>>, vector<2048x32xf32>
    tpu.vector_store %arg13[%swap3A_124, %swap3A_125], %add3A_102 {strides = array<i32>} : memref<2048x128xf32, #tpu.memory_space<vmem>>, vector<2048x32xf32>,
    %swap3A_127 = arith.constant 0 : index
    %swap3A_128 = arith.constant 32 : index
    %swap3A_129 = vector.load %arg14[%swap3A_127, %swap3A_128] : memref<2048x128xf32, #tpu.memory_space<vmem>>, vector<2048x32xf32>
    tpu.vector_store %arg14[%swap3A_127, %swap3A_128], %add3A_123 {strides = array<i32>} : memref<2048x128xf32, #tpu.memory_space<vmem>>, vector<2048x32xf32>,
    %slice3A_130 = vector.extract_strided_slice %get3A_1 {offsets = [0, 64], sizes = [2048, 32], strides = [1, 1]} : vector<2048x128xf32> to vector<2048x32xf32>
    %slice3A_131 = vector.extract_strided_slice %get3A_4 {offsets = [0, 64], sizes = [2048, 32], strides = [1, 1]} : vector<2048x128xf32> to vector<2048x32xf32>
    %slice3A_132 = vector.extract_strided_slice %slice3A_130 {offsets = [0, 7], sizes = [2048, 2], strides = [1, 1]} : vector<2048x32xf32> to vector<2048x2xf32>
    %slice3A_133 = vector.extract_strided_slice %slice3A_131 {offsets = [0, 7], sizes = [2048, 2], strides = [1, 1]} : vector<2048x32xf32> to vector<2048x2xf32>
    %sub3A_134 = arith.subf %slice3A_132, %slice3A_133 : vector<2048x2xf32>
    %get3A_135 = arith.constant 0 : index
    %get3A_136 = arith.constant 0 : index
    %get3A_137 = vector.load %arg3[%get3A_135, %get3A_136] : memref<2x32xf32, #tpu.memory_space<vmem>>, vector<2x32xf32>
    %dot_general3A_138 = arith.constant dense<0.000000e+00> : vector<2048x32xf32>
    %dot_general3A_139 = tpu.matmul %sub3A_134, %get3A_137, %dot_general3A_138 {dimension_numbers = #tpu.dot_dimension_numbers<[1], [0], [0], [1], [0, 0, 1, 1], [], []>, transpose_lhs_hint = false} : vector<2048x2xf32>, vector<2x32xf32>, vector<2048x32xf32> -> vector<2048x32xf32>
    %get3A_140 = arith.constant 0 : index
    %get3A_141 = arith.constant 0 : index
    %get3A_142 = vector.load %arg4[%get3A_140, %get3A_141] : memref<1x32xf32, #tpu.memory_space<vmem>>, vector<1x32xf32>
    %add3A_143 = vector.broadcast %get3A_142 : vector<1x32xf32> to vector<2048x32xf32>
    %add3A_144 = arith.addf %dot_general3A_139, %add3A_143 : vector<2048x32xf32>
    %tanh3A_145 = math.tanh %add3A_144 : vector<2048x32xf32>
    %get3A_146 = arith.constant 0 : index
    %get3A_147 = arith.constant 0 : index
    %get3A_148 = vector.load %arg9[%get3A_146, %get3A_147] : memref<32x224xf32, #tpu.memory_space<vmem>>, vector<32x224xf32>
    %dot_general3A_149 = arith.constant dense<0.000000e+00> : vector<2048x224xf32>
    %dot_general3A_150 = tpu.matmul %tanh3A_145, %get3A_148, %dot_general3A_149 {dimension_numbers = #tpu.dot_dimension_numbers<[1], [0], [0], [1], [0, 0, 1, 1], [], []>, transpose_lhs_hint = false} : vector<2048x32xf32>, vector<32x224xf32>, vector<2048x224xf32> -> vector<2048x224xf32>
    %slice3A_151 = vector.extract_strided_slice %slice3A_130 {offsets = [0, 0], sizes = [2048, 7], strides = [1, 1]} : vector<2048x32xf32> to vector<2048x7xf32>
    %get3A_152 = arith.constant 0 : index
    %get3A_153 = arith.constant 0 : index
    %get3A_154 = vector.load %arg10[%get3A_152, %get3A_153] : memref<7x224xf32, #tpu.memory_space<vmem>>, vector<7x224xf32>
    %dot_general3A_155 = arith.constant dense<0.000000e+00> : vector<2048x224xf32>
    %dot_general3A_156 = tpu.matmul %slice3A_151, %get3A_154, %dot_general3A_155 {dimension_numbers = #tpu.dot_dimension_numbers<[1], [0], [0], [1], [0, 0, 1, 1], [], []>, transpose_lhs_hint = false} : vector<2048x7xf32>, vector<7x224xf32>, vector<2048x224xf32> -> vector<2048x224xf32>
    %mul3A_157 = arith.mulf %dot_general3A_150, %dot_general3A_156 : vector<2048x224xf32>
    %get3A_158 = arith.constant 0 : index
    %get3A_159 = arith.constant 0 : index
    %get3A_160 = vector.load %arg11[%get3A_158, %get3A_159] : memref<224x32xf32, #tpu.memory_space<vmem>>, vector<224x32xf32>
    %dot_general3A_161 = arith.constant dense<0.000000e+00> : vector<2048x32xf32>
    %dot_general3A_162 = tpu.matmul %mul3A_157, %get3A_160, %dot_general3A_161 {dimension_numbers = #tpu.dot_dimension_numbers<[1], [0], [0], [1], [0, 0, 1, 1], [], []>, transpose_lhs_hint = false} : vector<2048x224xf32>, vector<224x32xf32>, vector<2048x32xf32> -> vector<2048x32xf32>
    %get3A_163 = arith.constant 0 : index
    %get3A_164 = arith.constant 0 : index
    %get3A_165 = vector.load %arg12[%get3A_163, %get3A_164] : memref<7x32xf32, #tpu.memory_space<vmem>>, vector<7x32xf32>
    %dot_general3A_166 = arith.constant dense<0.000000e+00> : vector<2048x32xf32>
    %dot_general3A_167 = tpu.matmul %slice3A_151, %get3A_165, %dot_general3A_166 {dimension_numbers = #tpu.dot_dimension_numbers<[1], [0], [0], [1], [0, 0, 1, 1], [], []>, transpose_lhs_hint = false} : vector<2048x7xf32>, vector<7x32xf32>, vector<2048x32xf32> -> vector<2048x32xf32>
    %add3A_168 = arith.addf %dot_general3A_162, %dot_general3A_167 : vector<2048x32xf32>
    %get3A_169 = arith.constant 0 : index
    %get3A_170 = arith.constant 0 : index
    %get3A_171 = vector.load %arg5[%get3A_169, %get3A_170] : memref<2x32xf32, #tpu.memory_space<vmem>>, vector<2x32xf32>
    %dot_general3A_172 = arith.constant dense<0.000000e+00> : vector<2048x32xf32>
    %dot_general3A_173 = tpu.matmul %sub3A_134, %get3A_171, %dot_general3A_172 {dimension_numbers = #tpu.dot_dimension_numbers<[1], [0], [0], [1], [0, 0, 1, 1], [], []>, transpose_lhs_hint = false} : vector<2048x2xf32>, vector<2x32xf32>, vector<2048x32xf32> -> vector<2048x32xf32>
    %get3A_174 = arith.constant 0 : index
    %get3A_175 = arith.constant 0 : index
    %get3A_176 = vector.load %arg6[%get3A_174, %get3A_175] : memref<1x32xf32, #tpu.memory_space<vmem>>, vector<1x32xf32>
    %add3A_177 = vector.broadcast %get3A_176 : vector<1x32xf32> to vector<2048x32xf32>
    %add3A_178 = arith.addf %dot_general3A_173, %add3A_177 : vector<2048x32xf32>
    %tanh3A_179 = math.tanh %add3A_178 : vector<2048x32xf32>
    %get3A_180 = arith.constant 0 : index
    %get3A_181 = arith.constant 0 : index
    %get3A_182 = vector.load %arg7[%get3A_180, %get3A_181] : memref<32x32xf32, #tpu.memory_space<vmem>>, vector<32x32xf32>
    %dot_general3A_183 = arith.constant dense<0.000000e+00> : vector<2048x32xf32>
    %dot_general3A_184 = tpu.matmul %tanh3A_179, %get3A_182, %dot_general3A_183 {dimension_numbers = #tpu.dot_dimension_numbers<[1], [0], [0], [1], [0, 0, 1, 1], [], []>, transpose_lhs_hint = false} : vector<2048x32xf32>, vector<32x32xf32>, vector<2048x32xf32> -> vector<2048x32xf32>
    %get3A_185 = arith.constant 0 : index
    %get3A_186 = arith.constant 0 : index
    %get3A_187 = vector.load %arg8[%get3A_185, %get3A_186] : memref<1x32xf32, #tpu.memory_space<vmem>>, vector<1x32xf32>
    %add3A_188 = vector.broadcast %get3A_187 : vector<1x32xf32> to vector<2048x32xf32>
    %add3A_189 = arith.addf %dot_general3A_184, %add3A_188 : vector<2048x32xf32>
    %swap3A_190 = arith.constant 0 : index
    %swap3A_191 = arith.constant 64 : index
    %swap3A_192 = vector.load %arg13[%swap3A_190, %swap3A_191] : memref<2048x128xf32, #tpu.memory_space<vmem>>, vector<2048x32xf32>
    tpu.vector_store %arg13[%swap3A_190, %swap3A_191], %add3A_168 {strides = array<i32>} : memref<2048x128xf32, #tpu.memory_space<vmem>>, vector<2048x32xf32>,
    %swap3A_193 = arith.constant 0 : index
    %swap3A_194 = arith.constant 64 : index
    %swap3A_195 = vector.load %arg14[%swap3A_193, %swap3A_194] : memref<2048x128xf32, #tpu.memory_space<vmem>>, vector<2048x32xf32>
    tpu.vector_store %arg14[%swap3A_193, %swap3A_194], %add3A_189 {strides = array<i32>} : memref<2048x128xf32, #tpu.memory_space<vmem>>, vector<2048x32xf32>,
    %slice3A_196 = vector.extract_strided_slice %get3A_1 {offsets = [0, 96], sizes = [2048, 32], strides = [1, 1]} : vector<2048x128xf32> to vector<2048x32xf32>
    %slice3A_197 = vector.extract_strided_slice %get3A_4 {offsets = [0, 96], sizes = [2048, 32], strides = [1, 1]} : vector<2048x128xf32> to vector<2048x32xf32>
    %slice3A_198 = vector.extract_strided_slice %slice3A_196 {offsets = [0, 7], sizes = [2048, 2], strides = [1, 1]} : vector<2048x32xf32> to vector<2048x2xf32>
    %slice3A_199 = vector.extract_strided_slice %slice3A_197 {offsets = [0, 7], sizes = [2048, 2], strides = [1, 1]} : vector<2048x32xf32> to vector<2048x2xf32>
    %sub3A_200 = arith.subf %slice3A_198, %slice3A_199 : vector<2048x2xf32>
    %get3A_201 = arith.constant 0 : index
    %get3A_202 = arith.constant 0 : index
    %get3A_203 = vector.load %arg3[%get3A_201, %get3A_202] : memref<2x32xf32, #tpu.memory_space<vmem>>, vector<2x32xf32>
    %dot_general3A_204 = arith.constant dense<0.000000e+00> : vector<2048x32xf32>
    %dot_general3A_205 = tpu.matmul %sub3A_200, %get3A_203, %dot_general3A_204 {dimension_numbers = #tpu.dot_dimension_numbers<[1], [0], [0], [1], [0, 0, 1, 1], [], []>, transpose_lhs_hint = false} : vector<2048x2xf32>, vector<2x32xf32>, vector<2048x32xf32> -> vector<2048x32xf32>
    %get3A_206 = arith.constant 0 : index
    %get3A_207 = arith.constant 0 : index
    %get3A_208 = vector.load %arg4[%get3A_206, %get3A_207] : memref<1x32xf32, #tpu.memory_space<vmem>>, vector<1x32xf32>
    %add3A_209 = vector.broadcast %get3A_208 : vector<1x32xf32> to vector<2048x32xf32>
    %add3A_210 = arith.addf %dot_general3A_205, %add3A_209 : vector<2048x32xf32>
    %tanh3A_211 = math.tanh %add3A_210 : vector<2048x32xf32>
    %get3A_212 = arith.constant 0 : index
    %get3A_213 = arith.constant 0 : index
    %get3A_214 = vector.load %arg9[%get3A_212, %get3A_213] : memref<32x224xf32, #tpu.memory_space<vmem>>, vector<32x224xf32>
    %dot_general3A_215 = arith.constant dense<0.000000e+00> : vector<2048x224xf32>
    %dot_general3A_216 = tpu.matmul %tanh3A_211, %get3A_214, %dot_general3A_215 {dimension_numbers = #tpu.dot_dimension_numbers<[1], [0], [0], [1], [0, 0, 1, 1], [], []>, transpose_lhs_hint = false} : vector<2048x32xf32>, vector<32x224xf32>, vector<2048x224xf32> -> vector<2048x224xf32>
    %slice3A_217 = vector.extract_strided_slice %slice3A_196 {offsets = [0, 0], sizes = [2048, 7], strides = [1, 1]} : vector<2048x32xf32> to vector<2048x7xf32>
    %get3A_218 = arith.constant 0 : index
    %get3A_219 = arith.constant 0 : index
    %get3A_220 = vector.load %arg10[%get3A_218, %get3A_219] : memref<7x224xf32, #tpu.memory_space<vmem>>, vector<7x224xf32>
    %dot_general3A_221 = arith.constant dense<0.000000e+00> : vector<2048x224xf32>
    %dot_general3A_222 = tpu.matmul %slice3A_217, %get3A_220, %dot_general3A_221 {dimension_numbers = #tpu.dot_dimension_numbers<[1], [0], [0], [1], [0, 0, 1, 1], [], []>, transpose_lhs_hint = false} : vector<2048x7xf32>, vector<7x224xf32>, vector<2048x224xf32> -> vector<2048x224xf32>
    %mul3A_223 = arith.mulf %dot_general3A_216, %dot_general3A_222 : vector<2048x224xf32>
    %get3A_224 = arith.constant 0 : index
    %get3A_225 = arith.constant 0 : index
    %get3A_226 = vector.load %arg11[%get3A_224, %get3A_225] : memref<224x32xf32, #tpu.memory_space<vmem>>, vector<224x32xf32>
    %dot_general3A_227 = arith.constant dense<0.000000e+00> : vector<2048x32xf32>
    %dot_general3A_228 = tpu.matmul %mul3A_223, %get3A_226, %dot_general3A_227 {dimension_numbers = #tpu.dot_dimension_numbers<[1], [0], [0], [1], [0, 0, 1, 1], [], []>, transpose_lhs_hint = false} : vector<2048x224xf32>, vector<224x32xf32>, vector<2048x32xf32> -> vector<2048x32xf32>
    %get3A_229 = arith.constant 0 : index
    %get3A_230 = arith.constant 0 : index
    %get3A_231 = vector.load %arg12[%get3A_229, %get3A_230] : memref<7x32xf32, #tpu.memory_space<vmem>>, vector<7x32xf32>
    %dot_general3A_232 = arith.constant dense<0.000000e+00> : vector<2048x32xf32>
    %dot_general3A_233 = tpu.matmul %slice3A_217, %get3A_231, %dot_general3A_232 {dimension_numbers = #tpu.dot_dimension_numbers<[1], [0], [0], [1], [0, 0, 1, 1], [], []>, transpose_lhs_hint = false} : vector<2048x7xf32>, vector<7x32xf32>, vector<2048x32xf32> -> vector<2048x32xf32>
    %add3A_234 = arith.addf %dot_general3A_228, %dot_general3A_233 : vector<2048x32xf32>
    %get3A_235 = arith.constant 0 : index
    %get3A_236 = arith.constant 0 : index
    %get3A_237 = vector.load %arg5[%get3A_235, %get3A_236] : memref<2x32xf32, #tpu.memory_space<vmem>>, vector<2x32xf32>
    %dot_general3A_238 = arith.constant dense<0.000000e+00> : vector<2048x32xf32>
    %dot_general3A_239 = tpu.matmul %sub3A_200, %get3A_237, %dot_general3A_238 {dimension_numbers = #tpu.dot_dimension_numbers<[1], [0], [0], [1], [0, 0, 1, 1], [], []>, transpose_lhs_hint = false} : vector<2048x2xf32>, vector<2x32xf32>, vector<2048x32xf32> -> vector<2048x32xf32>
    %get3A_240 = arith.constant 0 : index
    %get3A_241 = arith.constant 0 : index
    %get3A_242 = vector.load %arg6[%get3A_240, %get3A_241] : memref<1x32xf32, #tpu.memory_space<vmem>>, vector<1x32xf32>
    %add3A_243 = vector.broadcast %get3A_242 : vector<1x32xf32> to vector<2048x32xf32>
    %add3A_244 = arith.addf %dot_general3A_239, %add3A_243 : vector<2048x32xf32>
    %tanh3A_245 = math.tanh %add3A_244 : vector<2048x32xf32>
    %get3A_246 = arith.constant 0 : index
    %get3A_247 = arith.constant 0 : index
    %get3A_248 = vector.load %arg7[%get3A_246, %get3A_247] : memref<32x32xf32, #tpu.memory_space<vmem>>, vector<32x32xf32>
    %dot_general3A_249 = arith.constant dense<0.000000e+00> : vector<2048x32xf32>
    %dot_general3A_250 = tpu.matmul %tanh3A_245, %get3A_248, %dot_general3A_249 {dimension_numbers = #tpu.dot_dimension_numbers<[1], [0], [0], [1], [0, 0, 1, 1], [], []>, transpose_lhs_hint = false} : vector<2048x32xf32>, vector<32x32xf32>, vector<2048x32xf32> -> vector<2048x32xf32>
    %get3A_251 = arith.constant 0 : index
    %get3A_252 = arith.constant 0 : index
    %get3A_253 = vector.load %arg8[%get3A_251, %get3A_252] : memref<1x32xf32, #tpu.memory_space<vmem>>, vector<1x32xf32>
    %add3A_254 = vector.broadcast %get3A_253 : vector<1x32xf32> to vector<2048x32xf32>
    %add3A_255 = arith.addf %dot_general3A_250, %add3A_254 : vector<2048x32xf32>
    %swap3A_256 = arith.constant 0 : index
    %swap3A_257 = arith.constant 96 : index
    %swap3A_258 = vector.load %arg13[%swap3A_256, %swap3A_257] : memref<2048x128xf32, #tpu.memory_space<vmem>>, vector<2048x32xf32>
    tpu.vector_store %arg13[%swap3A_256, %swap3A_257], %add3A_234 {strides = array<i32>} : memref<2048x128xf32, #tpu.memory_space<vmem>>, vector<2048x32xf32>,
    %swap3A_259 = arith.constant 0 : index
    %swap3A_260 = arith.constant 96 : index
    %swap3A_261 = vector.load %arg14[%swap3A_259, %swap3A_260] : memref<2048x128xf32, #tpu.memory_space<vmem>>, vector<2048x32xf32>
    tpu.vector_store %arg14[%swap3A_259, %swap3A_260], %add3A_255 {strides = array<i32>} : memref<2048x128xf32, #tpu.memory_space<vmem>>, vector<2048x32xf32>,
    return
  }
  func.func @transform_0(%arg0: i32) -> (i32, i32) {
    %c0_i32 = arith.constant 0 : i32
    %c0_i32_0 = arith.constant 0 : i32
    return %arg0, %c0_i32 : i32, i32
  }
  func.func @transform_1(%arg0: i32) -> (i32, i32) {
    %c0_i32 = arith.constant 0 : i32
    %c0_i32_0 = arith.constant 0 : i32
    return %arg0, %c0_i32 : i32, i32
  }
  func.func @transform_2(%arg0: i32) -> (i32, i32) {
    %c0_i32 = arith.constant 0 : i32
    %c0_i32_0 = arith.constant 0 : i32
    %c0_i32_1 = arith.constant 0 : i32
    return %c0_i32, %c0_i32_0 : i32, i32
  }
  func.func @transform_3(%arg0: i32) -> (i32, i32) {
    %c0_i32 = arith.constant 0 : i32
    %c0_i32_0 = arith.constant 0 : i32
    %c0_i32_1 = arith.constant 0 : i32
    return %c0_i32, %c0_i32_0 : i32, i32
  }
  func.func @transform_4(%arg0: i32) -> (i32, i32) {
    %c0_i32 = arith.constant 0 : i32
    %c0_i32_0 = arith.constant 0 : i32
    %c0_i32_1 = arith.constant 0 : i32
    return %c0_i32, %c0_i32_0 : i32, i32
  }
  func.func @transform_5(%arg0: i32) -> (i32, i32) {
    %c0_i32 = arith.constant 0 : i32
    %c0_i32_0 = arith.constant 0 : i32
    %c0_i32_1 = arith.constant 0 : i32
    return %c0_i32, %c0_i32_0 : i32, i32
  }
  func.func @transform_6(%arg0: i32) -> (i32, i32) {
    %c0_i32 = arith.constant 0 : i32
    %c0_i32_0 = arith.constant 0 : i32
    %c0_i32_1 = arith.constant 0 : i32
    return %c0_i32, %c0_i32_0 : i32, i32
  }
  func.func @transform_7(%arg0: i32) -> (i32, i32) {
    %c0_i32 = arith.constant 0 : i32
    %c0_i32_0 = arith.constant 0 : i32
    %c0_i32_1 = arith.constant 0 : i32
    return %c0_i32, %c0_i32_0 : i32, i32
  }
  func.func @transform_8(%arg0: i32) -> (i32, i32) {
    %c0_i32 = arith.constant 0 : i32
    %c0_i32_0 = arith.constant 0 : i32
    %c0_i32_1 = arith.constant 0 : i32
    return %c0_i32, %c0_i32_0 : i32, i32
  }
  func.func @transform_9(%arg0: i32) -> (i32, i32) {
    %c0_i32 = arith.constant 0 : i32
    %c0_i32_0 = arith.constant 0 : i32
    %c0_i32_1 = arith.constant 0 : i32
    return %c0_i32, %c0_i32_0 : i32, i32
  }
  func.func @transform_10(%arg0: i32) -> (i32, i32) {
    %c0_i32 = arith.constant 0 : i32
    %c0_i32_0 = arith.constant 0 : i32
    %c0_i32_1 = arith.constant 0 : i32
    return %c0_i32, %c0_i32_0 : i32, i32
  }
  func.func @transform_11(%arg0: i32) -> (i32, i32) {
    %c0_i32 = arith.constant 0 : i32
    %c0_i32_0 = arith.constant 0 : i32
    %c0_i32_1 = arith.constant 0 : i32
    return %c0_i32, %c0_i32_0 : i32, i32
  }
  func.func @transform_12(%arg0: i32) -> (i32, i32) {
    %c0_i32 = arith.constant 0 : i32
    %c0_i32_0 = arith.constant 0 : i32
    return %arg0, %c0_i32 : i32, i32
  }
  func.func @transform_13(%arg0: i32) -> (i32, i32) {
    %c0_i32 = arith.constant 0 : i32
    %c0_i32_0 = arith.constant 0 : i32
    return %arg0, %c0_i32 : i32, i32
  }
}

module attributes {stable_mosaic.version = 14 : i64} {
  func.func @tc_node_tanh(%arg0: memref<2x10240x32xf32, #tpu.memory_space<vmem>>, %arg1: memref<1x32xf32, #tpu.memory_space<vmem>>, %arg2: memref<10240x32xf32, #tpu.memory_space<vmem>>) attributes {dimension_semantics = [], scalar_prefetch = 0 : i64, scratch_operands = 0 : i64, tpu.core_type = #tpu.core_type<tc>} {
    %get3A = arith.constant 0 : index
    %get3A_0 = arith.constant 0 : index
    %get3A_1 = arith.constant 0 : index
    %get3A_2 = vector.load %arg0[%get3A, %get3A_0, %get3A_1] : memref<2x10240x32xf32, #tpu.memory_space<vmem>>, vector<2x10240x32xf32>
    %slice3A = vector.extract_strided_slice %get3A_2 {offsets = [0, 0, 0], sizes = [1, 10240, 32], strides = [1, 1, 1]} : vector<2x10240x32xf32> to vector<1x10240x32xf32>
    %squeeze3A = vector.shape_cast %slice3A : vector<1x10240x32xf32> to vector<10240x32xf32>
    %slice3A_3 = vector.extract_strided_slice %get3A_2 {offsets = [1, 0, 0], sizes = [1, 10240, 32], strides = [1, 1, 1]} : vector<2x10240x32xf32> to vector<1x10240x32xf32>
    %squeeze3A_4 = vector.shape_cast %slice3A_3 : vector<1x10240x32xf32> to vector<10240x32xf32>
    %add3A = arith.addf %squeeze3A, %squeeze3A_4 : vector<10240x32xf32>
    %get3A_5 = arith.constant 0 : index
    %get3A_6 = arith.constant 0 : index
    %get3A_7 = vector.load %arg1[%get3A_5, %get3A_6] : memref<1x32xf32, #tpu.memory_space<vmem>>, vector<1x32xf32>
    %add3A_8 = vector.broadcast %get3A_7 : vector<1x32xf32> to vector<10240x32xf32>
    %add3A_9 = arith.addf %add3A, %add3A_8 : vector<10240x32xf32>
    %tanh3A = math.tanh %add3A_9 : vector<10240x32xf32>
    %swap3A = arith.constant 0 : index
    %swap3A_10 = arith.constant 0 : index
    %swap3A_11 = vector.load %arg2[%swap3A, %swap3A_10] : memref<10240x32xf32, #tpu.memory_space<vmem>>, vector<10240x32xf32>
    tpu.vector_store %arg2[%swap3A, %swap3A_10], %tanh3A {strides = array<i32>} : memref<10240x32xf32, #tpu.memory_space<vmem>>, vector<10240x32xf32>,
    return
  }
}

module attributes {stable_mosaic.version = 14 : i64} {
  func.func @tc_edge1(%arg0: i32, %arg1: memref<2048x128xf32, #tpu.memory_space<vmem>>, %arg2: memref<2048x128xf32, #tpu.memory_space<vmem>>, %arg3: memref<128x128xf32, #tpu.memory_space<vmem>>, %arg4: memref<2048x128xf32, #tpu.memory_space<vmem>>) attributes {dimension_semantics = [#tpu.dimension_semantics<arbitrary>], iteration_bounds = array<i64: 40>, scalar_prefetch = 0 : i64, scratch_operands = 0 : i64, tpu.core_type = #tpu.core_type<tc>, window_params = [{transform_indices = @transform_0, window_bounds = array<i64: 2048, 128>}, {transform_indices = @transform_1, window_bounds = array<i64: 2048, 128>}, {pipeline_mode = #tpu.pipeline_mode<synchronous>, transform_indices = @transform_2, window_bounds = array<i64: 128, 128>}, {transform_indices = @transform_3, window_bounds = array<i64: 2048, 128>}]} {
    %get3A = arith.constant 0 : index
    %get3A_0 = arith.constant 0 : index
    %get3A_1 = vector.load %arg1[%get3A, %get3A_0] : memref<2048x128xf32, #tpu.memory_space<vmem>>, vector<2048x128xf32>
    %get3A_2 = arith.constant 0 : index
    %get3A_3 = arith.constant 0 : index
    %get3A_4 = vector.load %arg2[%get3A_2, %get3A_3] : memref<2048x128xf32, #tpu.memory_space<vmem>>, vector<2048x128xf32>
    %mul3A = arith.mulf %get3A_1, %get3A_4 : vector<2048x128xf32>
    %get3A_5 = arith.constant 0 : index
    %get3A_6 = arith.constant 0 : index
    %get3A_7 = vector.load %arg3[%get3A_5, %get3A_6] : memref<128x128xf32, #tpu.memory_space<vmem>>, vector<128x128xf32>
    %dot_general3A = arith.constant dense<0.000000e+00> : vector<2048x128xf32>
    %dot_general3A_8 = tpu.matmul %mul3A, %get3A_7, %dot_general3A {dimension_numbers = #tpu.dot_dimension_numbers<[1], [0], [0], [1], [0, 0, 1, 1], [], []>, transpose_lhs_hint = false} : vector<2048x128xf32>, vector<128x128xf32>, vector<2048x128xf32> -> vector<2048x128xf32>
    %swap3A = arith.constant 0 : index
    %swap3A_9 = arith.constant 0 : index
    %swap3A_10 = vector.load %arg4[%swap3A, %swap3A_9] : memref<2048x128xf32, #tpu.memory_space<vmem>>, vector<2048x128xf32>
    tpu.vector_store %arg4[%swap3A, %swap3A_9], %dot_general3A_8 {strides = array<i32>} : memref<2048x128xf32, #tpu.memory_space<vmem>>, vector<2048x128xf32>,
    return
  }
  func.func @transform_0(%arg0: i32) -> (i32, i32) {
    %c0_i32 = arith.constant 0 : i32
    %c0_i32_0 = arith.constant 0 : i32
    return %arg0, %c0_i32 : i32, i32
  }
  func.func @transform_1(%arg0: i32) -> (i32, i32) {
    %c0_i32 = arith.constant 0 : i32
    %c0_i32_0 = arith.constant 0 : i32
    return %arg0, %c0_i32 : i32, i32
  }
  func.func @transform_2(%arg0: i32) -> (i32, i32) {
    %c0_i32 = arith.constant 0 : i32
    %c0_i32_0 = arith.constant 0 : i32
    %c0_i32_1 = arith.constant 0 : i32
    return %c0_i32, %c0_i32_0 : i32, i32
  }
  func.func @transform_3(%arg0: i32) -> (i32, i32) {
    %c0_i32 = arith.constant 0 : i32
    %c0_i32_0 = arith.constant 0 : i32
    return %arg0, %c0_i32 : i32, i32
  }
}

module attributes {stable_mosaic.version = 14 : i64} {
  func.func @tc_pool(%arg0: memref<80x128xf32, #tpu.memory_space<vmem>>, %arg1: memref<80x128xf32, #tpu.memory_space<vmem>>, %arg2: memref<1x1xf32, #tpu.memory_space<vmem>>, %arg3: memref<80x128xi32, #tpu.memory_space<vmem>>, %arg4: memref<500x1xf32, #tpu.memory_space<vmem>>, %arg5: memref<500x1xi32, #tpu.memory_space<vmem>>) attributes {dimension_semantics = [], scalar_prefetch = 0 : i64, scratch_operands = 0 : i64, tpu.core_type = #tpu.core_type<tc>} {
    %get3A = arith.constant 0 : index
    %get3A_0 = arith.constant 0 : index
    %get3A_1 = vector.load %arg2[%get3A, %get3A_0] : memref<1x1xf32, #tpu.memory_space<vmem>>, vector<1x1xf32>
    %get3A_2 = vector.extract %get3A_1[0, 0] : f32 from vector<1x1xf32>
    %iota3A = tpu.iota {dimensions = array<i32: 0>} : vector<512x128xi32>
    %broadcast_in_dim3A = arith.constant 0xFF800000 : f32
    %broadcast_in_dim3A_3 = vector.broadcast %broadcast_in_dim3A : f32 to vector<512x1xf32>
    %scan3A = arith.constant 0xFF800000 : f32
    %scan3A_4 = arith.constant 0 : i32
    %scan3A_5 = arith.constant 10 : i32
    %scan3A_6 = arith.addi %scan3A_4, %scan3A_5 : i32
    %scan3A_7 = arith.constant 1 : i32
    %scan3A_8 = scf.for %scan3A_25 = %scan3A_4 to %scan3A_6 step %scan3A_7 iter_args(%scan3A_26 = %broadcast_in_dim3A_3) -> (vector<512x1xf32>)  : i32 {
      %mul3A = arith.constant 8 : i32
      %mul3A_27 = arith.muli %scan3A_25, %mul3A : i32
      %add3A = arith.constant 0 : i32
      %add3A_28 = arith.addi %mul3A_27, %add3A : i32
      %get3A_29 = arith.index_cast %add3A_28 : i32 to index
      %get3A_30 = arith.constant 0 : index
      %get3A_31 = vector.load %arg0[%get3A_29, %get3A_30] : memref<80x128xf32, #tpu.memory_space<vmem>>, vector<1x128xf32>
      %get3A_32 = arith.index_cast %add3A_28 : i32 to index
      %get3A_33 = arith.constant 0 : index
      %get3A_34 = vector.load %arg1[%get3A_32, %get3A_33] : memref<80x128xf32, #tpu.memory_space<vmem>>, vector<1x128xf32>
      %add3A_35 = arith.addf %get3A_31, %get3A_34 : vector<1x128xf32>
      %add3A_36 = vector.broadcast %get3A_2 : f32 to vector<1x128xf32>
      %add3A_37 = arith.addf %add3A_35, %add3A_36 : vector<1x128xf32>
      %get3A_38 = arith.index_cast %add3A_28 : i32 to index
      %get3A_39 = arith.constant 0 : index
      %get3A_40 = vector.load %arg3[%get3A_38, %get3A_39] : memref<80x128xi32, #tpu.memory_space<vmem>>, vector<1x128xi32>
      %eq3A = vector.broadcast %get3A_40 : vector<1x128xi32> to vector<512x128xi32>
      %eq3A_41 = arith.cmpi eq, %eq3A, %iota3A : vector<512x128xi32>
      %broadcast_in_dim3A_42 = vector.shape_cast %add3A_37 : vector<1x128xf32> to vector<1x128xf32>
      %broadcast_in_dim3A_43 = vector.broadcast %broadcast_in_dim3A_42 : vector<1x128xf32> to vector<512x128xf32>
      %broadcast_in_dim3A_44 = vector.broadcast %scan3A : f32 to vector<512x128xf32>
      %select_n3A = arith.select %eq3A_41, %broadcast_in_dim3A_43, %broadcast_in_dim3A_44 : vector<512x128xi1>, vector<512x128xf32>
      %reduce_max3A = arith.constant dense<0xFF800000> : vector<512xf32>
      %reduce_max3A_45 = vector.multi_reduction <maximumf>, %select_n3A, %reduce_max3A [1] : vector<512x128xf32> to vector<512xf32>
      %broadcast_in_dim3A_46 = vector.shape_cast %reduce_max3A_45 : vector<512xf32> to vector<512x1xf32>
      %max3A = arith.maximumf %scan3A_26, %broadcast_in_dim3A_46 : vector<512x1xf32>
      %mul3A_47 = arith.constant 8 : i32
      %mul3A_48 = arith.muli %scan3A_25, %mul3A_47 : i32
      %add3A_49 = arith.constant 1 : i32
      %add3A_50 = arith.addi %mul3A_48, %add3A_49 : i32
      %get3A_51 = arith.index_cast %add3A_50 : i32 to index
      %get3A_52 = arith.constant 0 : index
      %get3A_53 = vector.load %arg0[%get3A_51, %get3A_52] : memref<80x128xf32, #tpu.memory_space<vmem>>, vector<1x128xf32>
      %get3A_54 = arith.index_cast %add3A_50 : i32 to index
      %get3A_55 = arith.constant 0 : index
      %get3A_56 = vector.load %arg1[%get3A_54, %get3A_55] : memref<80x128xf32, #tpu.memory_space<vmem>>, vector<1x128xf32>
      %add3A_57 = arith.addf %get3A_53, %get3A_56 : vector<1x128xf32>
      %add3A_58 = vector.broadcast %get3A_2 : f32 to vector<1x128xf32>
      %add3A_59 = arith.addf %add3A_57, %add3A_58 : vector<1x128xf32>
      %get3A_60 = arith.index_cast %add3A_50 : i32 to index
      %get3A_61 = arith.constant 0 : index
      %get3A_62 = vector.load %arg3[%get3A_60, %get3A_61] : memref<80x128xi32, #tpu.memory_space<vmem>>, vector<1x128xi32>
      %eq3A_63 = vector.broadcast %get3A_62 : vector<1x128xi32> to vector<512x128xi32>
      %eq3A_64 = arith.cmpi eq, %eq3A_63, %iota3A : vector<512x128xi32>
      %broadcast_in_dim3A_65 = vector.shape_cast %add3A_59 : vector<1x128xf32> to vector<1x128xf32>
      %broadcast_in_dim3A_66 = vector.broadcast %broadcast_in_dim3A_65 : vector<1x128xf32> to vector<512x128xf32>
      %broadcast_in_dim3A_67 = vector.broadcast %scan3A : f32 to vector<512x128xf32>
      %select_n3A_68 = arith.select %eq3A_64, %broadcast_in_dim3A_66, %broadcast_in_dim3A_67 : vector<512x128xi1>, vector<512x128xf32>
      %reduce_max3A_69 = arith.constant dense<0xFF800000> : vector<512xf32>
      %reduce_max3A_70 = vector.multi_reduction <maximumf>, %select_n3A_68, %reduce_max3A_69 [1] : vector<512x128xf32> to vector<512xf32>
      %broadcast_in_dim3A_71 = vector.shape_cast %reduce_max3A_70 : vector<512xf32> to vector<512x1xf32>
      %max3A_72 = arith.maximumf %max3A, %broadcast_in_dim3A_71 : vector<512x1xf32>
      %mul3A_73 = arith.constant 8 : i32
      %mul3A_74 = arith.muli %scan3A_25, %mul3A_73 : i32
      %add3A_75 = arith.constant 2 : i32
      %add3A_76 = arith.addi %mul3A_74, %add3A_75 : i32
      %get3A_77 = arith.index_cast %add3A_76 : i32 to index
      %get3A_78 = arith.constant 0 : index
      %get3A_79 = vector.load %arg0[%get3A_77, %get3A_78] : memref<80x128xf32, #tpu.memory_space<vmem>>, vector<1x128xf32>
      %get3A_80 = arith.index_cast %add3A_76 : i32 to index
      %get3A_81 = arith.constant 0 : index
      %get3A_82 = vector.load %arg1[%get3A_80, %get3A_81] : memref<80x128xf32, #tpu.memory_space<vmem>>, vector<1x128xf32>
      %add3A_83 = arith.addf %get3A_79, %get3A_82 : vector<1x128xf32>
      %add3A_84 = vector.broadcast %get3A_2 : f32 to vector<1x128xf32>
      %add3A_85 = arith.addf %add3A_83, %add3A_84 : vector<1x128xf32>
      %get3A_86 = arith.index_cast %add3A_76 : i32 to index
      %get3A_87 = arith.constant 0 : index
      %get3A_88 = vector.load %arg3[%get3A_86, %get3A_87] : memref<80x128xi32, #tpu.memory_space<vmem>>, vector<1x128xi32>
      %eq3A_89 = vector.broadcast %get3A_88 : vector<1x128xi32> to vector<512x128xi32>
      %eq3A_90 = arith.cmpi eq, %eq3A_89, %iota3A : vector<512x128xi32>
      %broadcast_in_dim3A_91 = vector.shape_cast %add3A_85 : vector<1x128xf32> to vector<1x128xf32>
      %broadcast_in_dim3A_92 = vector.broadcast %broadcast_in_dim3A_91 : vector<1x128xf32> to vector<512x128xf32>
      %broadcast_in_dim3A_93 = vector.broadcast %scan3A : f32 to vector<512x128xf32>
      %select_n3A_94 = arith.select %eq3A_90, %broadcast_in_dim3A_92, %broadcast_in_dim3A_93 : vector<512x128xi1>, vector<512x128xf32>
      %reduce_max3A_95 = arith.constant dense<0xFF800000> : vector<512xf32>
      %reduce_max3A_96 = vector.multi_reduction <maximumf>, %select_n3A_94, %reduce_max3A_95 [1] : vector<512x128xf32> to vector<512xf32>
      %broadcast_in_dim3A_97 = vector.shape_cast %reduce_max3A_96 : vector<512xf32> to vector<512x1xf32>
      %max3A_98 = arith.maximumf %max3A_72, %broadcast_in_dim3A_97 : vector<512x1xf32>
      %mul3A_99 = arith.constant 8 : i32
      %mul3A_100 = arith.muli %scan3A_25, %mul3A_99 : i32
      %add3A_101 = arith.constant 3 : i32
      %add3A_102 = arith.addi %mul3A_100, %add3A_101 : i32
      %get3A_103 = arith.index_cast %add3A_102 : i32 to index
      %get3A_104 = arith.constant 0 : index
      %get3A_105 = vector.load %arg0[%get3A_103, %get3A_104] : memref<80x128xf32, #tpu.memory_space<vmem>>, vector<1x128xf32>
      %get3A_106 = arith.index_cast %add3A_102 : i32 to index
      %get3A_107 = arith.constant 0 : index
      %get3A_108 = vector.load %arg1[%get3A_106, %get3A_107] : memref<80x128xf32, #tpu.memory_space<vmem>>, vector<1x128xf32>
      %add3A_109 = arith.addf %get3A_105, %get3A_108 : vector<1x128xf32>
      %add3A_110 = vector.broadcast %get3A_2 : f32 to vector<1x128xf32>
      %add3A_111 = arith.addf %add3A_109, %add3A_110 : vector<1x128xf32>
      %get3A_112 = arith.index_cast %add3A_102 : i32 to index
      %get3A_113 = arith.constant 0 : index
      %get3A_114 = vector.load %arg3[%get3A_112, %get3A_113] : memref<80x128xi32, #tpu.memory_space<vmem>>, vector<1x128xi32>
      %eq3A_115 = vector.broadcast %get3A_114 : vector<1x128xi32> to vector<512x128xi32>
      %eq3A_116 = arith.cmpi eq, %eq3A_115, %iota3A : vector<512x128xi32>
      %broadcast_in_dim3A_117 = vector.shape_cast %add3A_111 : vector<1x128xf32> to vector<1x128xf32>
      %broadcast_in_dim3A_118 = vector.broadcast %broadcast_in_dim3A_117 : vector<1x128xf32> to vector<512x128xf32>
      %broadcast_in_dim3A_119 = vector.broadcast %scan3A : f32 to vector<512x128xf32>
      %select_n3A_120 = arith.select %eq3A_116, %broadcast_in_dim3A_118, %broadcast_in_dim3A_119 : vector<512x128xi1>, vector<512x128xf32>
      %reduce_max3A_121 = arith.constant dense<0xFF800000> : vector<512xf32>
      %reduce_max3A_122 = vector.multi_reduction <maximumf>, %select_n3A_120, %reduce_max3A_121 [1] : vector<512x128xf32> to vector<512xf32>
      %broadcast_in_dim3A_123 = vector.shape_cast %reduce_max3A_122 : vector<512xf32> to vector<512x1xf32>
      %max3A_124 = arith.maximumf %max3A_98, %broadcast_in_dim3A_123 : vector<512x1xf32>
      %mul3A_125 = arith.constant 8 : i32
      %mul3A_126 = arith.muli %scan3A_25, %mul3A_125 : i32
      %add3A_127 = arith.constant 4 : i32
      %add3A_128 = arith.addi %mul3A_126, %add3A_127 : i32
      %get3A_129 = arith.index_cast %add3A_128 : i32 to index
      %get3A_130 = arith.constant 0 : index
      %get3A_131 = vector.load %arg0[%get3A_129, %get3A_130] : memref<80x128xf32, #tpu.memory_space<vmem>>, vector<1x128xf32>
      %get3A_132 = arith.index_cast %add3A_128 : i32 to index
      %get3A_133 = arith.constant 0 : index
      %get3A_134 = vector.load %arg1[%get3A_132, %get3A_133] : memref<80x128xf32, #tpu.memory_space<vmem>>, vector<1x128xf32>
      %add3A_135 = arith.addf %get3A_131, %get3A_134 : vector<1x128xf32>
      %add3A_136 = vector.broadcast %get3A_2 : f32 to vector<1x128xf32>
      %add3A_137 = arith.addf %add3A_135, %add3A_136 : vector<1x128xf32>
      %get3A_138 = arith.index_cast %add3A_128 : i32 to index
      %get3A_139 = arith.constant 0 : index
      %get3A_140 = vector.load %arg3[%get3A_138, %get3A_139] : memref<80x128xi32, #tpu.memory_space<vmem>>, vector<1x128xi32>
      %eq3A_141 = vector.broadcast %get3A_140 : vector<1x128xi32> to vector<512x128xi32>
      %eq3A_142 = arith.cmpi eq, %eq3A_141, %iota3A : vector<512x128xi32>
      %broadcast_in_dim3A_143 = vector.shape_cast %add3A_137 : vector<1x128xf32> to vector<1x128xf32>
      %broadcast_in_dim3A_144 = vector.broadcast %broadcast_in_dim3A_143 : vector<1x128xf32> to vector<512x128xf32>
      %broadcast_in_dim3A_145 = vector.broadcast %scan3A : f32 to vector<512x128xf32>
      %select_n3A_146 = arith.select %eq3A_142, %broadcast_in_dim3A_144, %broadcast_in_dim3A_145 : vector<512x128xi1>, vector<512x128xf32>
      %reduce_max3A_147 = arith.constant dense<0xFF800000> : vector<512xf32>
      %reduce_max3A_148 = vector.multi_reduction <maximumf>, %select_n3A_146, %reduce_max3A_147 [1] : vector<512x128xf32> to vector<512xf32>
      %broadcast_in_dim3A_149 = vector.shape_cast %reduce_max3A_148 : vector<512xf32> to vector<512x1xf32>
      %max3A_150 = arith.maximumf %max3A_124, %broadcast_in_dim3A_149 : vector<512x1xf32>
      %mul3A_151 = arith.constant 8 : i32
      %mul3A_152 = arith.muli %scan3A_25, %mul3A_151 : i32
      %add3A_153 = arith.constant 5 : i32
      %add3A_154 = arith.addi %mul3A_152, %add3A_153 : i32
      %get3A_155 = arith.index_cast %add3A_154 : i32 to index
      %get3A_156 = arith.constant 0 : index
      %get3A_157 = vector.load %arg0[%get3A_155, %get3A_156] : memref<80x128xf32, #tpu.memory_space<vmem>>, vector<1x128xf32>
      %get3A_158 = arith.index_cast %add3A_154 : i32 to index
      %get3A_159 = arith.constant 0 : index
      %get3A_160 = vector.load %arg1[%get3A_158, %get3A_159] : memref<80x128xf32, #tpu.memory_space<vmem>>, vector<1x128xf32>
      %add3A_161 = arith.addf %get3A_157, %get3A_160 : vector<1x128xf32>
      %add3A_162 = vector.broadcast %get3A_2 : f32 to vector<1x128xf32>
      %add3A_163 = arith.addf %add3A_161, %add3A_162 : vector<1x128xf32>
      %get3A_164 = arith.index_cast %add3A_154 : i32 to index
      %get3A_165 = arith.constant 0 : index
      %get3A_166 = vector.load %arg3[%get3A_164, %get3A_165] : memref<80x128xi32, #tpu.memory_space<vmem>>, vector<1x128xi32>
      %eq3A_167 = vector.broadcast %get3A_166 : vector<1x128xi32> to vector<512x128xi32>
      %eq3A_168 = arith.cmpi eq, %eq3A_167, %iota3A : vector<512x128xi32>
      %broadcast_in_dim3A_169 = vector.shape_cast %add3A_163 : vector<1x128xf32> to vector<1x128xf32>
      %broadcast_in_dim3A_170 = vector.broadcast %broadcast_in_dim3A_169 : vector<1x128xf32> to vector<512x128xf32>
      %broadcast_in_dim3A_171 = vector.broadcast %scan3A : f32 to vector<512x128xf32>
      %select_n3A_172 = arith.select %eq3A_168, %broadcast_in_dim3A_170, %broadcast_in_dim3A_171 : vector<512x128xi1>, vector<512x128xf32>
      %reduce_max3A_173 = arith.constant dense<0xFF800000> : vector<512xf32>
      %reduce_max3A_174 = vector.multi_reduction <maximumf>, %select_n3A_172, %reduce_max3A_173 [1] : vector<512x128xf32> to vector<512xf32>
      %broadcast_in_dim3A_175 = vector.shape_cast %reduce_max3A_174 : vector<512xf32> to vector<512x1xf32>
      %max3A_176 = arith.maximumf %max3A_150, %broadcast_in_dim3A_175 : vector<512x1xf32>
      %mul3A_177 = arith.constant 8 : i32
      %mul3A_178 = arith.muli %scan3A_25, %mul3A_177 : i32
      %add3A_179 = arith.constant 6 : i32
      %add3A_180 = arith.addi %mul3A_178, %add3A_179 : i32
      %get3A_181 = arith.index_cast %add3A_180 : i32 to index
      %get3A_182 = arith.constant 0 : index
      %get3A_183 = vector.load %arg0[%get3A_181, %get3A_182] : memref<80x128xf32, #tpu.memory_space<vmem>>, vector<1x128xf32>
      %get3A_184 = arith.index_cast %add3A_180 : i32 to index
      %get3A_185 = arith.constant 0 : index
      %get3A_186 = vector.load %arg1[%get3A_184, %get3A_185] : memref<80x128xf32, #tpu.memory_space<vmem>>, vector<1x128xf32>
      %add3A_187 = arith.addf %get3A_183, %get3A_186 : vector<1x128xf32>
      %add3A_188 = vector.broadcast %get3A_2 : f32 to vector<1x128xf32>
      %add3A_189 = arith.addf %add3A_187, %add3A_188 : vector<1x128xf32>
      %get3A_190 = arith.index_cast %add3A_180 : i32 to index
      %get3A_191 = arith.constant 0 : index
      %get3A_192 = vector.load %arg3[%get3A_190, %get3A_191] : memref<80x128xi32, #tpu.memory_space<vmem>>, vector<1x128xi32>
      %eq3A_193 = vector.broadcast %get3A_192 : vector<1x128xi32> to vector<512x128xi32>
      %eq3A_194 = arith.cmpi eq, %eq3A_193, %iota3A : vector<512x128xi32>
      %broadcast_in_dim3A_195 = vector.shape_cast %add3A_189 : vector<1x128xf32> to vector<1x128xf32>
      %broadcast_in_dim3A_196 = vector.broadcast %broadcast_in_dim3A_195 : vector<1x128xf32> to vector<512x128xf32>
      %broadcast_in_dim3A_197 = vector.broadcast %scan3A : f32 to vector<512x128xf32>
      %select_n3A_198 = arith.select %eq3A_194, %broadcast_in_dim3A_196, %broadcast_in_dim3A_197 : vector<512x128xi1>, vector<512x128xf32>
      %reduce_max3A_199 = arith.constant dense<0xFF800000> : vector<512xf32>
      %reduce_max3A_200 = vector.multi_reduction <maximumf>, %select_n3A_198, %reduce_max3A_199 [1] : vector<512x128xf32> to vector<512xf32>
      %broadcast_in_dim3A_201 = vector.shape_cast %reduce_max3A_200 : vector<512xf32> to vector<512x1xf32>
      %max3A_202 = arith.maximumf %max3A_176, %broadcast_in_dim3A_201 : vector<512x1xf32>
      %mul3A_203 = arith.constant 8 : i32
      %mul3A_204 = arith.muli %scan3A_25, %mul3A_203 : i32
      %add3A_205 = arith.constant 7 : i32
      %add3A_206 = arith.addi %mul3A_204, %add3A_205 : i32
      %get3A_207 = arith.index_cast %add3A_206 : i32 to index
      %get3A_208 = arith.constant 0 : index
      %get3A_209 = vector.load %arg0[%get3A_207, %get3A_208] : memref<80x128xf32, #tpu.memory_space<vmem>>, vector<1x128xf32>
      %get3A_210 = arith.index_cast %add3A_206 : i32 to index
      %get3A_211 = arith.constant 0 : index
      %get3A_212 = vector.load %arg1[%get3A_210, %get3A_211] : memref<80x128xf32, #tpu.memory_space<vmem>>, vector<1x128xf32>
      %add3A_213 = arith.addf %get3A_209, %get3A_212 : vector<1x128xf32>
      %add3A_214 = vector.broadcast %get3A_2 : f32 to vector<1x128xf32>
      %add3A_215 = arith.addf %add3A_213, %add3A_214 : vector<1x128xf32>
      %get3A_216 = arith.index_cast %add3A_206 : i32 to index
      %get3A_217 = arith.constant 0 : index
      %get3A_218 = vector.load %arg3[%get3A_216, %get3A_217] : memref<80x128xi32, #tpu.memory_space<vmem>>, vector<1x128xi32>
      %eq3A_219 = vector.broadcast %get3A_218 : vector<1x128xi32> to vector<512x128xi32>
      %eq3A_220 = arith.cmpi eq, %eq3A_219, %iota3A : vector<512x128xi32>
      %broadcast_in_dim3A_221 = vector.shape_cast %add3A_215 : vector<1x128xf32> to vector<1x128xf32>
      %broadcast_in_dim3A_222 = vector.broadcast %broadcast_in_dim3A_221 : vector<1x128xf32> to vector<512x128xf32>
      %broadcast_in_dim3A_223 = vector.broadcast %scan3A : f32 to vector<512x128xf32>
      %select_n3A_224 = arith.select %eq3A_220, %broadcast_in_dim3A_222, %broadcast_in_dim3A_223 : vector<512x128xi1>, vector<512x128xf32>
      %reduce_max3A_225 = arith.constant dense<0xFF800000> : vector<512xf32>
      %reduce_max3A_226 = vector.multi_reduction <maximumf>, %select_n3A_224, %reduce_max3A_225 [1] : vector<512x128xf32> to vector<512xf32>
      %broadcast_in_dim3A_227 = vector.shape_cast %reduce_max3A_226 : vector<512xf32> to vector<512x1xf32>
      %max3A_228 = arith.maximumf %max3A_202, %broadcast_in_dim3A_227 : vector<512x1xf32>
      scf.yield %max3A_228 : vector<512x1xf32>
    }
    %scan3A_9 = arith.constant 10 : i32
    %broadcast_in_dim3A_10 = arith.constant -2147483648 : i32
    %broadcast_in_dim3A_11 = vector.broadcast %broadcast_in_dim3A_10 : i32 to vector<512x1xi32>
    %scan3A_12 = arith.constant -2147483648 : i32
    %scan3A_13 = arith.constant 0 : i32
    %scan3A_14 = arith.constant 10 : i32
    %scan3A_15 = arith.addi %scan3A_13, %scan3A_14 : i32
    %scan3A_16 = arith.constant 1 : i32
    %scan3A_17 = scf.for %scan3A_25 = %scan3A_13 to %scan3A_15 step %scan3A_16 iter_args(%scan3A_26 = %broadcast_in_dim3A_11) -> (vector<512x1xi32>)  : i32 {
      %mul3A = arith.constant 8 : i32
      %mul3A_27 = arith.muli %scan3A_25, %mul3A : i32
      %add3A = arith.constant 0 : i32
      %add3A_28 = arith.addi %mul3A_27, %add3A : i32
      %get3A_29 = arith.index_cast %add3A_28 : i32 to index
      %get3A_30 = arith.constant 0 : index
      %get3A_31 = vector.load %arg0[%get3A_29, %get3A_30] : memref<80x128xf32, #tpu.memory_space<vmem>>, vector<1x128xf32>
      %get3A_32 = arith.index_cast %add3A_28 : i32 to index
      %get3A_33 = arith.constant 0 : index
      %get3A_34 = vector.load %arg1[%get3A_32, %get3A_33] : memref<80x128xf32, #tpu.memory_space<vmem>>, vector<1x128xf32>
      %add3A_35 = arith.addf %get3A_31, %get3A_34 : vector<1x128xf32>
      %add3A_36 = vector.broadcast %get3A_2 : f32 to vector<1x128xf32>
      %add3A_37 = arith.addf %add3A_35, %add3A_36 : vector<1x128xf32>
      %get3A_38 = arith.index_cast %add3A_28 : i32 to index
      %get3A_39 = arith.constant 0 : index
      %get3A_40 = vector.load %arg3[%get3A_38, %get3A_39] : memref<80x128xi32, #tpu.memory_space<vmem>>, vector<1x128xi32>
      %iota3A_41 = tpu.iota {dimensions = array<i32: 1>} : vector<512x128xi32>
      %mul3A_42 = arith.constant 128 : i32
      %mul3A_43 = arith.muli %add3A_28, %mul3A_42 : i32
      %add3A_44 = vector.broadcast %mul3A_43 : i32 to vector<512x128xi32>
      %add3A_45 = arith.addi %iota3A_41, %add3A_44 : vector<512x128xi32>
      %eq3A = vector.broadcast %get3A_40 : vector<1x128xi32> to vector<512x128xi32>
      %eq3A_46 = arith.cmpi eq, %eq3A, %iota3A : vector<512x128xi32>
      %ge3A = vector.broadcast %add3A_37 : vector<1x128xf32> to vector<512x128xf32>
      %ge3A_47 = vector.broadcast %scan3A_8 : vector<512x1xf32> to vector<512x128xf32>
      %ge3A_48 = arith.cmpf oge, %ge3A, %ge3A_47 : vector<512x128xf32>
      %and3A = arith.andi %eq3A_46, %ge3A_48 : vector<512x128xi1>
      %broadcast_in_dim3A_49 = vector.broadcast %scan3A_12 : i32 to vector<512x128xi32>
      %select_n3A = arith.select %and3A, %add3A_45, %broadcast_in_dim3A_49 : vector<512x128xi1>, vector<512x128xi32>
      %reduce_max3A = arith.constant dense<-2147483648> : vector<512xi32>
      %reduce_max3A_50 = vector.multi_reduction <maxsi>, %select_n3A, %reduce_max3A [1] : vector<512x128xi32> to vector<512xi32>
      %broadcast_in_dim3A_51 = vector.shape_cast %reduce_max3A_50 : vector<512xi32> to vector<512x1xi32>
      %max3A = arith.maxsi %scan3A_26, %broadcast_in_dim3A_51 : vector<512x1xi32>
      %mul3A_52 = arith.constant 8 : i32
      %mul3A_53 = arith.muli %scan3A_25, %mul3A_52 : i32
      %add3A_54 = arith.constant 1 : i32
      %add3A_55 = arith.addi %mul3A_53, %add3A_54 : i32
      %get3A_56 = arith.index_cast %add3A_55 : i32 to index
      %get3A_57 = arith.constant 0 : index
      %get3A_58 = vector.load %arg0[%get3A_56, %get3A_57] : memref<80x128xf32, #tpu.memory_space<vmem>>, vector<1x128xf32>
      %get3A_59 = arith.index_cast %add3A_55 : i32 to index
      %get3A_60 = arith.constant 0 : index
      %get3A_61 = vector.load %arg1[%get3A_59, %get3A_60] : memref<80x128xf32, #tpu.memory_space<vmem>>, vector<1x128xf32>
      %add3A_62 = arith.addf %get3A_58, %get3A_61 : vector<1x128xf32>
      %add3A_63 = vector.broadcast %get3A_2 : f32 to vector<1x128xf32>
      %add3A_64 = arith.addf %add3A_62, %add3A_63 : vector<1x128xf32>
      %get3A_65 = arith.index_cast %add3A_55 : i32 to index
      %get3A_66 = arith.constant 0 : index
      %get3A_67 = vector.load %arg3[%get3A_65, %get3A_66] : memref<80x128xi32, #tpu.memory_space<vmem>>, vector<1x128xi32>
      %iota3A_68 = tpu.iota {dimensions = array<i32: 1>} : vector<512x128xi32>
      %mul3A_69 = arith.constant 128 : i32
      %mul3A_70 = arith.muli %add3A_55, %mul3A_69 : i32
      %add3A_71 = vector.broadcast %mul3A_70 : i32 to vector<512x128xi32>
      %add3A_72 = arith.addi %iota3A_68, %add3A_71 : vector<512x128xi32>
      %eq3A_73 = vector.broadcast %get3A_67 : vector<1x128xi32> to vector<512x128xi32>
      %eq3A_74 = arith.cmpi eq, %eq3A_73, %iota3A : vector<512x128xi32>
      %ge3A_75 = vector.broadcast %add3A_64 : vector<1x128xf32> to vector<512x128xf32>
      %ge3A_76 = vector.broadcast %scan3A_8 : vector<512x1xf32> to vector<512x128xf32>
      %ge3A_77 = arith.cmpf oge, %ge3A_75, %ge3A_76 : vector<512x128xf32>
      %and3A_78 = arith.andi %eq3A_74, %ge3A_77 : vector<512x128xi1>
      %broadcast_in_dim3A_79 = vector.broadcast %scan3A_12 : i32 to vector<512x128xi32>
      %select_n3A_80 = arith.select %and3A_78, %add3A_72, %broadcast_in_dim3A_79 : vector<512x128xi1>, vector<512x128xi32>
      %reduce_max3A_81 = arith.constant dense<-2147483648> : vector<512xi32>
      %reduce_max3A_82 = vector.multi_reduction <maxsi>, %select_n3A_80, %reduce_max3A_81 [1] : vector<512x128xi32> to vector<512xi32>
      %broadcast_in_dim3A_83 = vector.shape_cast %reduce_max3A_82 : vector<512xi32> to vector<512x1xi32>
      %max3A_84 = arith.maxsi %max3A, %broadcast_in_dim3A_83 : vector<512x1xi32>
      %mul3A_85 = arith.constant 8 : i32
      %mul3A_86 = arith.muli %scan3A_25, %mul3A_85 : i32
      %add3A_87 = arith.constant 2 : i32
      %add3A_88 = arith.addi %mul3A_86, %add3A_87 : i32
      %get3A_89 = arith.index_cast %add3A_88 : i32 to index
      %get3A_90 = arith.constant 0 : index
      %get3A_91 = vector.load %arg0[%get3A_89, %get3A_90] : memref<80x128xf32, #tpu.memory_space<vmem>>, vector<1x128xf32>
      %get3A_92 = arith.index_cast %add3A_88 : i32 to index
      %get3A_93 = arith.constant 0 : index
      %get3A_94 = vector.load %arg1[%get3A_92, %get3A_93] : memref<80x128xf32, #tpu.memory_space<vmem>>, vector<1x128xf32>
      %add3A_95 = arith.addf %get3A_91, %get3A_94 : vector<1x128xf32>
      %add3A_96 = vector.broadcast %get3A_2 : f32 to vector<1x128xf32>
      %add3A_97 = arith.addf %add3A_95, %add3A_96 : vector<1x128xf32>
      %get3A_98 = arith.index_cast %add3A_88 : i32 to index
      %get3A_99 = arith.constant 0 : index
      %get3A_100 = vector.load %arg3[%get3A_98, %get3A_99] : memref<80x128xi32, #tpu.memory_space<vmem>>, vector<1x128xi32>
      %iota3A_101 = tpu.iota {dimensions = array<i32: 1>} : vector<512x128xi32>
      %mul3A_102 = arith.constant 128 : i32
      %mul3A_103 = arith.muli %add3A_88, %mul3A_102 : i32
      %add3A_104 = vector.broadcast %mul3A_103 : i32 to vector<512x128xi32>
      %add3A_105 = arith.addi %iota3A_101, %add3A_104 : vector<512x128xi32>
      %eq3A_106 = vector.broadcast %get3A_100 : vector<1x128xi32> to vector<512x128xi32>
      %eq3A_107 = arith.cmpi eq, %eq3A_106, %iota3A : vector<512x128xi32>
      %ge3A_108 = vector.broadcast %add3A_97 : vector<1x128xf32> to vector<512x128xf32>
      %ge3A_109 = vector.broadcast %scan3A_8 : vector<512x1xf32> to vector<512x128xf32>
      %ge3A_110 = arith.cmpf oge, %ge3A_108, %ge3A_109 : vector<512x128xf32>
      %and3A_111 = arith.andi %eq3A_107, %ge3A_110 : vector<512x128xi1>
      %broadcast_in_dim3A_112 = vector.broadcast %scan3A_12 : i32 to vector<512x128xi32>
      %select_n3A_113 = arith.select %and3A_111, %add3A_105, %broadcast_in_dim3A_112 : vector<512x128xi1>, vector<512x128xi32>
      %reduce_max3A_114 = arith.constant dense<-2147483648> : vector<512xi32>
      %reduce_max3A_115 = vector.multi_reduction <maxsi>, %select_n3A_113, %reduce_max3A_114 [1] : vector<512x128xi32> to vector<512xi32>
      %broadcast_in_dim3A_116 = vector.shape_cast %reduce_max3A_115 : vector<512xi32> to vector<512x1xi32>
      %max3A_117 = arith.maxsi %max3A_84, %broadcast_in_dim3A_116 : vector<512x1xi32>
      %mul3A_118 = arith.constant 8 : i32
      %mul3A_119 = arith.muli %scan3A_25, %mul3A_118 : i32
      %add3A_120 = arith.constant 3 : i32
      %add3A_121 = arith.addi %mul3A_119, %add3A_120 : i32
      %get3A_122 = arith.index_cast %add3A_121 : i32 to index
      %get3A_123 = arith.constant 0 : index
      %get3A_124 = vector.load %arg0[%get3A_122, %get3A_123] : memref<80x128xf32, #tpu.memory_space<vmem>>, vector<1x128xf32>
      %get3A_125 = arith.index_cast %add3A_121 : i32 to index
      %get3A_126 = arith.constant 0 : index
      %get3A_127 = vector.load %arg1[%get3A_125, %get3A_126] : memref<80x128xf32, #tpu.memory_space<vmem>>, vector<1x128xf32>
      %add3A_128 = arith.addf %get3A_124, %get3A_127 : vector<1x128xf32>
      %add3A_129 = vector.broadcast %get3A_2 : f32 to vector<1x128xf32>
      %add3A_130 = arith.addf %add3A_128, %add3A_129 : vector<1x128xf32>
      %get3A_131 = arith.index_cast %add3A_121 : i32 to index
      %get3A_132 = arith.constant 0 : index
      %get3A_133 = vector.load %arg3[%get3A_131, %get3A_132] : memref<80x128xi32, #tpu.memory_space<vmem>>, vector<1x128xi32>
      %iota3A_134 = tpu.iota {dimensions = array<i32: 1>} : vector<512x128xi32>
      %mul3A_135 = arith.constant 128 : i32
      %mul3A_136 = arith.muli %add3A_121, %mul3A_135 : i32
      %add3A_137 = vector.broadcast %mul3A_136 : i32 to vector<512x128xi32>
      %add3A_138 = arith.addi %iota3A_134, %add3A_137 : vector<512x128xi32>
      %eq3A_139 = vector.broadcast %get3A_133 : vector<1x128xi32> to vector<512x128xi32>
      %eq3A_140 = arith.cmpi eq, %eq3A_139, %iota3A : vector<512x128xi32>
      %ge3A_141 = vector.broadcast %add3A_130 : vector<1x128xf32> to vector<512x128xf32>
      %ge3A_142 = vector.broadcast %scan3A_8 : vector<512x1xf32> to vector<512x128xf32>
      %ge3A_143 = arith.cmpf oge, %ge3A_141, %ge3A_142 : vector<512x128xf32>
      %and3A_144 = arith.andi %eq3A_140, %ge3A_143 : vector<512x128xi1>
      %broadcast_in_dim3A_145 = vector.broadcast %scan3A_12 : i32 to vector<512x128xi32>
      %select_n3A_146 = arith.select %and3A_144, %add3A_138, %broadcast_in_dim3A_145 : vector<512x128xi1>, vector<512x128xi32>
      %reduce_max3A_147 = arith.constant dense<-2147483648> : vector<512xi32>
      %reduce_max3A_148 = vector.multi_reduction <maxsi>, %select_n3A_146, %reduce_max3A_147 [1] : vector<512x128xi32> to vector<512xi32>
      %broadcast_in_dim3A_149 = vector.shape_cast %reduce_max3A_148 : vector<512xi32> to vector<512x1xi32>
      %max3A_150 = arith.maxsi %max3A_117, %broadcast_in_dim3A_149 : vector<512x1xi32>
      %mul3A_151 = arith.constant 8 : i32
      %mul3A_152 = arith.muli %scan3A_25, %mul3A_151 : i32
      %add3A_153 = arith.constant 4 : i32
      %add3A_154 = arith.addi %mul3A_152, %add3A_153 : i32
      %get3A_155 = arith.index_cast %add3A_154 : i32 to index
      %get3A_156 = arith.constant 0 : index
      %get3A_157 = vector.load %arg0[%get3A_155, %get3A_156] : memref<80x128xf32, #tpu.memory_space<vmem>>, vector<1x128xf32>
      %get3A_158 = arith.index_cast %add3A_154 : i32 to index
      %get3A_159 = arith.constant 0 : index
      %get3A_160 = vector.load %arg1[%get3A_158, %get3A_159] : memref<80x128xf32, #tpu.memory_space<vmem>>, vector<1x128xf32>
      %add3A_161 = arith.addf %get3A_157, %get3A_160 : vector<1x128xf32>
      %add3A_162 = vector.broadcast %get3A_2 : f32 to vector<1x128xf32>
      %add3A_163 = arith.addf %add3A_161, %add3A_162 : vector<1x128xf32>
      %get3A_164 = arith.index_cast %add3A_154 : i32 to index
      %get3A_165 = arith.constant 0 : index
      %get3A_166 = vector.load %arg3[%get3A_164, %get3A_165] : memref<80x128xi32, #tpu.memory_space<vmem>>, vector<1x128xi32>
      %iota3A_167 = tpu.iota {dimensions = array<i32: 1>} : vector<512x128xi32>
      %mul3A_168 = arith.constant 128 : i32
      %mul3A_169 = arith.muli %add3A_154, %mul3A_168 : i32
      %add3A_170 = vector.broadcast %mul3A_169 : i32 to vector<512x128xi32>
      %add3A_171 = arith.addi %iota3A_167, %add3A_170 : vector<512x128xi32>
      %eq3A_172 = vector.broadcast %get3A_166 : vector<1x128xi32> to vector<512x128xi32>
      %eq3A_173 = arith.cmpi eq, %eq3A_172, %iota3A : vector<512x128xi32>
      %ge3A_174 = vector.broadcast %add3A_163 : vector<1x128xf32> to vector<512x128xf32>
      %ge3A_175 = vector.broadcast %scan3A_8 : vector<512x1xf32> to vector<512x128xf32>
      %ge3A_176 = arith.cmpf oge, %ge3A_174, %ge3A_175 : vector<512x128xf32>
      %and3A_177 = arith.andi %eq3A_173, %ge3A_176 : vector<512x128xi1>
      %broadcast_in_dim3A_178 = vector.broadcast %scan3A_12 : i32 to vector<512x128xi32>
      %select_n3A_179 = arith.select %and3A_177, %add3A_171, %broadcast_in_dim3A_178 : vector<512x128xi1>, vector<512x128xi32>
      %reduce_max3A_180 = arith.constant dense<-2147483648> : vector<512xi32>
      %reduce_max3A_181 = vector.multi_reduction <maxsi>, %select_n3A_179, %reduce_max3A_180 [1] : vector<512x128xi32> to vector<512xi32>
      %broadcast_in_dim3A_182 = vector.shape_cast %reduce_max3A_181 : vector<512xi32> to vector<512x1xi32>
      %max3A_183 = arith.maxsi %max3A_150, %broadcast_in_dim3A_182 : vector<512x1xi32>
      %mul3A_184 = arith.constant 8 : i32
      %mul3A_185 = arith.muli %scan3A_25, %mul3A_184 : i32
      %add3A_186 = arith.constant 5 : i32
      %add3A_187 = arith.addi %mul3A_185, %add3A_186 : i32
      %get3A_188 = arith.index_cast %add3A_187 : i32 to index
      %get3A_189 = arith.constant 0 : index
      %get3A_190 = vector.load %arg0[%get3A_188, %get3A_189] : memref<80x128xf32, #tpu.memory_space<vmem>>, vector<1x128xf32>
      %get3A_191 = arith.index_cast %add3A_187 : i32 to index
      %get3A_192 = arith.constant 0 : index
      %get3A_193 = vector.load %arg1[%get3A_191, %get3A_192] : memref<80x128xf32, #tpu.memory_space<vmem>>, vector<1x128xf32>
      %add3A_194 = arith.addf %get3A_190, %get3A_193 : vector<1x128xf32>
      %add3A_195 = vector.broadcast %get3A_2 : f32 to vector<1x128xf32>
      %add3A_196 = arith.addf %add3A_194, %add3A_195 : vector<1x128xf32>
      %get3A_197 = arith.index_cast %add3A_187 : i32 to index
      %get3A_198 = arith.constant 0 : index
      %get3A_199 = vector.load %arg3[%get3A_197, %get3A_198] : memref<80x128xi32, #tpu.memory_space<vmem>>, vector<1x128xi32>
      %iota3A_200 = tpu.iota {dimensions = array<i32: 1>} : vector<512x128xi32>
      %mul3A_201 = arith.constant 128 : i32
      %mul3A_202 = arith.muli %add3A_187, %mul3A_201 : i32
      %add3A_203 = vector.broadcast %mul3A_202 : i32 to vector<512x128xi32>
      %add3A_204 = arith.addi %iota3A_200, %add3A_203 : vector<512x128xi32>
      %eq3A_205 = vector.broadcast %get3A_199 : vector<1x128xi32> to vector<512x128xi32>
      %eq3A_206 = arith.cmpi eq, %eq3A_205, %iota3A : vector<512x128xi32>
      %ge3A_207 = vector.broadcast %add3A_196 : vector<1x128xf32> to vector<512x128xf32>
      %ge3A_208 = vector.broadcast %scan3A_8 : vector<512x1xf32> to vector<512x128xf32>
      %ge3A_209 = arith.cmpf oge, %ge3A_207, %ge3A_208 : vector<512x128xf32>
      %and3A_210 = arith.andi %eq3A_206, %ge3A_209 : vector<512x128xi1>
      %broadcast_in_dim3A_211 = vector.broadcast %scan3A_12 : i32 to vector<512x128xi32>
      %select_n3A_212 = arith.select %and3A_210, %add3A_204, %broadcast_in_dim3A_211 : vector<512x128xi1>, vector<512x128xi32>
      %reduce_max3A_213 = arith.constant dense<-2147483648> : vector<512xi32>
      %reduce_max3A_214 = vector.multi_reduction <maxsi>, %select_n3A_212, %reduce_max3A_213 [1] : vector<512x128xi32> to vector<512xi32>
      %broadcast_in_dim3A_215 = vector.shape_cast %reduce_max3A_214 : vector<512xi32> to vector<512x1xi32>
      %max3A_216 = arith.maxsi %max3A_183, %broadcast_in_dim3A_215 : vector<512x1xi32>
      %mul3A_217 = arith.constant 8 : i32
      %mul3A_218 = arith.muli %scan3A_25, %mul3A_217 : i32
      %add3A_219 = arith.constant 6 : i32
      %add3A_220 = arith.addi %mul3A_218, %add3A_219 : i32
      %get3A_221 = arith.index_cast %add3A_220 : i32 to index
      %get3A_222 = arith.constant 0 : index
      %get3A_223 = vector.load %arg0[%get3A_221, %get3A_222] : memref<80x128xf32, #tpu.memory_space<vmem>>, vector<1x128xf32>
      %get3A_224 = arith.index_cast %add3A_220 : i32 to index
      %get3A_225 = arith.constant 0 : index
      %get3A_226 = vector.load %arg1[%get3A_224, %get3A_225] : memref<80x128xf32, #tpu.memory_space<vmem>>, vector<1x128xf32>
      %add3A_227 = arith.addf %get3A_223, %get3A_226 : vector<1x128xf32>
      %add3A_228 = vector.broadcast %get3A_2 : f32 to vector<1x128xf32>
      %add3A_229 = arith.addf %add3A_227, %add3A_228 : vector<1x128xf32>
      %get3A_230 = arith.index_cast %add3A_220 : i32 to index
      %get3A_231 = arith.constant 0 : index
      %get3A_232 = vector.load %arg3[%get3A_230, %get3A_231] : memref<80x128xi32, #tpu.memory_space<vmem>>, vector<1x128xi32>
      %iota3A_233 = tpu.iota {dimensions = array<i32: 1>} : vector<512x128xi32>
      %mul3A_234 = arith.constant 128 : i32
      %mul3A_235 = arith.muli %add3A_220, %mul3A_234 : i32
      %add3A_236 = vector.broadcast %mul3A_235 : i32 to vector<512x128xi32>
      %add3A_237 = arith.addi %iota3A_233, %add3A_236 : vector<512x128xi32>
      %eq3A_238 = vector.broadcast %get3A_232 : vector<1x128xi32> to vector<512x128xi32>
      %eq3A_239 = arith.cmpi eq, %eq3A_238, %iota3A : vector<512x128xi32>
      %ge3A_240 = vector.broadcast %add3A_229 : vector<1x128xf32> to vector<512x128xf32>
      %ge3A_241 = vector.broadcast %scan3A_8 : vector<512x1xf32> to vector<512x128xf32>
      %ge3A_242 = arith.cmpf oge, %ge3A_240, %ge3A_241 : vector<512x128xf32>
      %and3A_243 = arith.andi %eq3A_239, %ge3A_242 : vector<512x128xi1>
      %broadcast_in_dim3A_244 = vector.broadcast %scan3A_12 : i32 to vector<512x128xi32>
      %select_n3A_245 = arith.select %and3A_243, %add3A_237, %broadcast_in_dim3A_244 : vector<512x128xi1>, vector<512x128xi32>
      %reduce_max3A_246 = arith.constant dense<-2147483648> : vector<512xi32>
      %reduce_max3A_247 = vector.multi_reduction <maxsi>, %select_n3A_245, %reduce_max3A_246 [1] : vector<512x128xi32> to vector<512xi32>
      %broadcast_in_dim3A_248 = vector.shape_cast %reduce_max3A_247 : vector<512xi32> to vector<512x1xi32>
      %max3A_249 = arith.maxsi %max3A_216, %broadcast_in_dim3A_248 : vector<512x1xi32>
      %mul3A_250 = arith.constant 8 : i32
      %mul3A_251 = arith.muli %scan3A_25, %mul3A_250 : i32
      %add3A_252 = arith.constant 7 : i32
      %add3A_253 = arith.addi %mul3A_251, %add3A_252 : i32
      %get3A_254 = arith.index_cast %add3A_253 : i32 to index
      %get3A_255 = arith.constant 0 : index
      %get3A_256 = vector.load %arg0[%get3A_254, %get3A_255] : memref<80x128xf32, #tpu.memory_space<vmem>>, vector<1x128xf32>
      %get3A_257 = arith.index_cast %add3A_253 : i32 to index
      %get3A_258 = arith.constant 0 : index
      %get3A_259 = vector.load %arg1[%get3A_257, %get3A_258] : memref<80x128xf32, #tpu.memory_space<vmem>>, vector<1x128xf32>
      %add3A_260 = arith.addf %get3A_256, %get3A_259 : vector<1x128xf32>
      %add3A_261 = vector.broadcast %get3A_2 : f32 to vector<1x128xf32>
      %add3A_262 = arith.addf %add3A_260, %add3A_261 : vector<1x128xf32>
      %get3A_263 = arith.index_cast %add3A_253 : i32 to index
      %get3A_264 = arith.constant 0 : index
      %get3A_265 = vector.load %arg3[%get3A_263, %get3A_264] : memref<80x128xi32, #tpu.memory_space<vmem>>, vector<1x128xi32>
      %iota3A_266 = tpu.iota {dimensions = array<i32: 1>} : vector<512x128xi32>
      %mul3A_267 = arith.constant 128 : i32
      %mul3A_268 = arith.muli %add3A_253, %mul3A_267 : i32
      %add3A_269 = vector.broadcast %mul3A_268 : i32 to vector<512x128xi32>
      %add3A_270 = arith.addi %iota3A_266, %add3A_269 : vector<512x128xi32>
      %eq3A_271 = vector.broadcast %get3A_265 : vector<1x128xi32> to vector<512x128xi32>
      %eq3A_272 = arith.cmpi eq, %eq3A_271, %iota3A : vector<512x128xi32>
      %ge3A_273 = vector.broadcast %add3A_262 : vector<1x128xf32> to vector<512x128xf32>
      %ge3A_274 = vector.broadcast %scan3A_8 : vector<512x1xf32> to vector<512x128xf32>
      %ge3A_275 = arith.cmpf oge, %ge3A_273, %ge3A_274 : vector<512x128xf32>
      %and3A_276 = arith.andi %eq3A_272, %ge3A_275 : vector<512x128xi1>
      %broadcast_in_dim3A_277 = vector.broadcast %scan3A_12 : i32 to vector<512x128xi32>
      %select_n3A_278 = arith.select %and3A_276, %add3A_270, %broadcast_in_dim3A_277 : vector<512x128xi1>, vector<512x128xi32>
      %reduce_max3A_279 = arith.constant dense<-2147483648> : vector<512xi32>
      %reduce_max3A_280 = vector.multi_reduction <maxsi>, %select_n3A_278, %reduce_max3A_279 [1] : vector<512x128xi32> to vector<512xi32>
      %broadcast_in_dim3A_281 = vector.shape_cast %reduce_max3A_280 : vector<512xi32> to vector<512x1xi32>
      %max3A_282 = arith.maxsi %max3A_249, %broadcast_in_dim3A_281 : vector<512x1xi32>
      scf.yield %max3A_282 : vector<512x1xi32>
    }
    %scan3A_18 = arith.constant 10 : i32
    %slice3A = vector.extract_strided_slice %scan3A_8 {offsets = [0, 0], sizes = [500, 1], strides = [1, 1]} : vector<512x1xf32> to vector<500x1xf32>
    %swap3A = arith.constant 0 : index
    %swap3A_19 = arith.constant 0 : index
    %swap3A_20 = vector.load %arg4[%swap3A, %swap3A_19] : memref<500x1xf32, #tpu.memory_space<vmem>>, vector<500x1xf32>
    tpu.vector_store %arg4[%swap3A, %swap3A_19], %slice3A {strides = array<i32>} : memref<500x1xf32, #tpu.memory_space<vmem>>, vector<500x1xf32>,
    %slice3A_21 = vector.extract_strided_slice %scan3A_17 {offsets = [0, 0], sizes = [500, 1], strides = [1, 1]} : vector<512x1xi32> to vector<500x1xi32>
    %swap3A_22 = arith.constant 0 : index
    %swap3A_23 = arith.constant 0 : index
    %swap3A_24 = vector.load %arg5[%swap3A_22, %swap3A_23] : memref<500x1xi32, #tpu.memory_space<vmem>>, vector<500x1xi32>
    tpu.vector_store %arg5[%swap3A_22, %swap3A_23], %slice3A_21 {strides = array<i32>} : memref<500x1xi32, #tpu.memory_space<vmem>>, vector<500x1xi32>,
    return
  }
}

</mosaic_0001>

<sc_bundles>
// kernel: sc_gather_edges.3.cloned.1.call-start
scs
__scs_entry_jumppad:
0x0: {  	(pc) =	sbr.rel $0x88, $3  }
0x1: {  	(tag) =	ssettag $0x0;
	lr =	simm.s32 $0x1  }
0x2: {  	[smem:$0x3F93] =	sst lr;
	_ =	strace $0xD0000000  }
0x3: {  	_ = 	snop  }
0x4: {  	_ = 	snop  }
0x5: {  	_ = 	snop  }
0x6: {  	_ = 	snop  }
0x7: {  	_ = 	snop  }
__scs_overlays_trampoline_lowered:
0x8: {  	[smem:$0x3FA2] =	sst s0  }
0x9: {  	[smem:$0x3FA3] =	sst s1  }
0xa: {  	[smem:$0x3FA4] =	sst s2  }
0xb: {  	[smem:$0x3FA5] =	sst s3  }
0xc: {  	[smem:$0x3FA6] =	sst s4  }
0xd: {  	[smem:$0x3FA7] =	sst s5  }
0xe: {  	[smem:$0x3FA8] =	sst s6  }
0xf: {  	[smem:$0x3FA9] =	sst s7  }
0x10: {  	[smem:$0x3FAA] =	sst s8  }
0x11: {  	[smem:$0x3FAB] =	sst s9;
	s0 =	simm.s32 @!p0 $0x0  }
0x12: {  	s1 =	sld [smem:$0x3F91];
	s0 =	simm.s32 @p0 $0x1  }
0x13: {  	[smem:$0x3FAC] =	sst s0;
	s0 =	simm.s32 @!p1 $0x0  }
0x14: {  	s2 =	sld [smem:$0x3F90];
	s0 =	simm.s32 @p1 $0x1  }
0x15: {  	[smem:$0x3FAD] =	sst s0;
	s0 =	simm.s32 @!p2 $0x0  }
0x16: {  	s3 =	sld [smem:$0x3FDB];
	s0 =	simm.s32 @p2 $0x1  }
0x17: {  	s4 =	simm.s32 $0x1BF5;
	[smem:$0x3FAF] =	sst s0  }
0x18: {  	s0 =	sld [smem:$0x3F92];
	_ =	swait.ge [sflag:s4], $0x0  }
0x19: {  	s7 =	sld [smem:$0x3F93]  }
0x1a: {  	s8 =	sadd.s32 $0xFFFFE003, lr  }
0x1b: {  	s9 =	sadd.s32 $0xFFFFFEF7, lr;
	s5 =	simm.s32 $0xFFFFFFFF;
	p2 =	slt.u32 s8, $0xFFFFF086  }
0x1c: {  	p1 =	slt.u32 s9, $0xF7A;
	s5 =	simm.s32 @!p2 $0x0  }
0x1d: {  	s5 =	simm.s32 @p1 $0x1;
	p0 =	seq.s32 s7, s2  }
0x1e: {  	s7 =	smul.u32 @!p0 $0xF7A, s2;
	p2 =	seq.s32 @!p0 s5, $0x0  }
0x1f: {  	s9 =	smul.u32 $0xF7A, s1;
	s8 =	simm.s32 @!p0 $0x1BF5;
	p2 =	por !p2, p0  }
0x20: {  	[sflag:s8] =	ssyncset.s32 @!p0 $0xFFFFF086;
	s6 =	sadd.s32 @!p0 s3, s7;
	s7 =	simm.s32 @!p0 $0x108  }
0x21: {  	s3 =	sadd.s32 s3, s9;
	s6 =	sadd.s32 @!p0 $0x88, s6;
	s7 =	simm.s32 @p2 $0x1082  }
0x22: {  	[simem:s7], [sflag:s8] =	dma.local @!p0 [hbm:s6], $0xF7A  }
0x23: {  	s9 =	sor.u32 $0xD0000000, s2;
	s6 =	simm.s32 $0x108;
	_ =	swait.ge @!p0 [sflag:s8], $0x0  }
0x24: {  	s3 =	sadd.s32 $0x88, s3;
	s6 =	simm.s32 @!p1 $0x1082;
	[sflag:s4] =	ssyncset.s32 $0xFFFFF086  }
0x25: {  	[simem:s6], [sflag:s4] =	dma.local [hbm:s3], $0xF7A  }
0x26: {  	[smem:$0x3F93] =	sst s1;
	(tag) =	ssettag s2;
	_ =	strace s9  }
0x27: {  	s1 =	sld [smem:$0x3FA3]  }
0x28: {  	s2 =	sld [smem:$0x3FA4]  }
0x29: {  	s4 =	sld [smem:$0x3FA6]  }
0x2a: {  	p0 =	seq.s32 s5, $0x0;
	s5 =	sld [smem:$0x3FA7]  }
0x2b: {  	s6 =	sld [smem:$0x3FA8]  }
0x2c: {  	s7 =	sld [smem:$0x3FA9]  }
0x2d: {  	s3 =	simm.s32 $0x108;
	s8 =	sld [smem:$0x3FAA]  }
0x2e: {  	s3 =	simm.s32 @!p0 $0x1082;
	s9 =	sld [smem:$0x3FAB]  }
0x2f: {  	lr =	sadd.s32 s0, s3;
	s0 =	sld [smem:$0x3FA2]  }
0x30: {  	s3 =	sld [smem:$0x3FA5]  }
0x31: {  	[smem:$0x3FAE] =	sst s10  }
0x32: {  	s10 =	sld [smem:$0x3FAC];
	_ =	sdelay $0x3  }
0x33: {  	p0 =	seq.s32 s10, $0x1;
	s10 =	sld [smem:$0x3FAE];
	_ =	sdelay $0x3  }
0x34: {  	[smem:$0x3FAE] =	sst s10  }
0x35: {  	s10 =	sld [smem:$0x3FAD];
	_ =	sdelay $0x3  }
0x36: {  	p1 =	seq.s32 s10, $0x1;
	s10 =	sld [smem:$0x3FAE];
	_ =	sdelay $0x3  }
0x37: {  	[smem:$0x3FAE] =	sst s10  }
0x38: {  	s10 =	sld [smem:$0x3FAF]  }
0x39: {  	_ = 	snop;
	(pc) =	sbr.ind lr, $3  }
0x3a: {  	_ = 	snop  }
0x3b: {  	_ = 	snop  }
0x3c: {  	p2 =	seq.s32 s10, $0x1;
	s10 =	sld [smem:$0x3FAE]  }
0x3d: {  	_ =	shalt  }
0x3e: {  	_ =	shalt  }
0x3f: {  	_ =	shalt  }
0x40: {  	_ =	shalt  }
0x41: {  	_ =	shalt  }
0x42: {  	_ =	shalt  }
0x43: {  	_ =	shalt  }
0x44: {  	_ =	shalt  }
0x45: {  	_ =	shalt  }
0x46: {  	_ =	shalt  }
0x47: {  	_ =	shalt  }
0x48: {  	_ =	shalt  }
0x49: {  	_ =	shalt  }
0x4a: {  	_ =	shalt  }
0x4b: {  	_ =	shalt  }
0x4c: {  	_ =	shalt  }
0x4d: {  	_ =	shalt  }
0x4e: {  	_ =	shalt  }
0x4f: {  	_ =	shalt  }
0x50: {  	_ =	shalt  }
0x51: {  	_ =	shalt  }
0x52: {  	_ =	shalt  }
0x53: {  	_ =	shalt  }
0x54: {  	_ =	shalt  }
0x55: {  	_ =	shalt  }
0x56: {  	_ =	shalt  }
0x57: {  	_ =	shalt  }
0x58: {  	_ =	shalt  }
0x59: {  	_ =	shalt  }
0x5a: {  	_ =	shalt  }
0x5b: {  	_ =	shalt  }
0x5c: {  	_ =	shalt  }
0x5d: {  	_ =	shalt  }
0x5e: {  	_ =	shalt  }
0x5f: {  	_ =	shalt  }
0x60: {  	_ =	shalt  }
0x61: {  	_ =	shalt  }
0x62: {  	_ =	shalt  }
0x63: {  	_ =	shalt  }
0x64: {  	_ =	shalt  }
0x65: {  	_ =	shalt  }
0x66: {  	_ =	shalt  }
0x67: {  	_ =	shalt  }
0x68: {  	_ =	shalt  }
0x69: {  	_ =	shalt  }
0x6a: {  	_ =	shalt  }
0x6b: {  	_ =	shalt  }
0x6c: {  	_ =	shalt  }
0x6d: {  	_ =	shalt  }
0x6e: {  	_ =	shalt  }
0x6f: {  	_ =	shalt  }
0x70: {  	_ =	shalt  }
0x71: {  	_ =	shalt  }
0x72: {  	_ =	shalt  }
0x73: {  	_ =	shalt  }
0x74: {  	_ =	shalt  }
0x75: {  	_ =	shalt  }
0x76: {  	_ =	shalt  }
0x77: {  	_ =	shalt  }
0x78: {  	_ =	shalt  }
0x79: {  	_ =	shalt  }
0x7a: {  	_ =	shalt  }
0x7b: {  	_ =	shalt  }
0x7c: {  	_ =	shalt  }
0x7d: {  	_ =	shalt  }
0x7e: {  	_ =	shalt  }
0x7f: {  	_ =	shalt  }
0x80: {  	_ =	shalt  }
0x81: {  	_ =	shalt  }
0x82: {  	_ =	shalt  }
0x83: {  	_ =	shalt  }
0x84: {  	_ =	shalt  }
0x85: {  	_ =	shalt  }
0x86: {  	_ =	shalt  }
0x87: {  	_ =	shalt  }
.Lfunc_end0:
.L_simem_size_0:
called_computation_lowered:
.L_overlay_start_0:
0x88: {  	s2 =	sld [smem:$0x3FD9]  }
0x89: {  	s3 =	sld [smem:$0x3FFE];
	_ =	sdelay $0x1  }
0x8a: {  	s1 =	srdreg.scid  }
0x8b: {  	s0 =	sand.u32 $0x1, s1  }
0x8c: {  	s16 =	sshll.u32 s0, $0xA;
	s2 =	sadd.s32 s3, s2  }
0x8d: {  	s2 =	sadd.s32 s2, s16  }
0x8e: {  	[smem:$0x3FBA] =	sst s2  }
0x8f: {  	_ = 	snop  }
0x90: {  	(tm) =	ssettm $0x1  }
0x91: {  	s17 =	sld [smem:$0x3FFB];
	_ =	sdelay $0x3  }
0x92: {  	_ =	strace s17  }
0x93: {  	s2 =	sld [smem:$0x3FFC];
	_ =	sdelay $0x3  }
0x94: {  	_ =	strace s2  }
0x95: {  	s2 =	sld [smem:$0x3FFD];
	_ =	sdelay $0x3  }
0x96: {  	_ =	strace s2  }
0x97: {  	_ =	strace $0x8FFFFFFF  }
0x98: {  	s18 =	sld [smem:$0x3FDB];
	_ =	sdelay $0x1  }
0x99: {  	s19 =	simm.s32 $_scs_section_size  }
0x9a: {  	s4 =	simm.s32 $_size__tile_overlayer_lowered;
	s5 =	simm.s32 $_tile_overlayer_lowered  }
0x9b: {  	s22 =	simm.s32 $0x1BFF;
	s21 =	sshll.u32 s5, $0x1;
	s2 =	sadd.s32 s19, s18  }
0x9c: {  	s6 =	simm.s32 $0x0;
	s20 =	sshll.u32 s4, $0x1;
	s4 =	sadd.s32 s21, s2  }
0x9d: {  	[timem:s6], [sflag:s22] =	dma.local [hbm:s4], s20  }
0x9e: {  	_ =	swait.ge [sflag:s22], s20  }
0x9f: {  	s3 =	ssub.s32 $0x0, s20;
	[sflag:s22] =	ssyncset.done $0x0  }
0xa0: {  	[sflag:s22] =	ssyncadd.s32 s3;
	_ =	sdelay $0x1  }
0xa1: {  	s23 =	simm.s32 $0x1B8B  }
0xa2: {  	_ =	swait.ge [sflag:s23], $0x1  }
0xa3: {  	[sflag:s23] =	ssyncset.done $0x0  }
0xa4: {  	s25 =	simm.s32 $0x1B8E;
	s24 =	sld [smem:$0x3FFE];
	[sflag:s23] =	ssyncadd.s32 $0xFFFFFFFF  }
0xa5: {  	s26 =	simm.s32 $execute0_lowered;
	[smem:$0x3FD2] =	sst s25  }
0xa6: {  	s4 =	sshll.u32 s26, $0x1;
	_ =	strace $0x80000046;
	[dreg:$0x1] =	wrdreg $0xFFFFFFFF  }
0xa7: {  	s28 =	simm.s32 $_size_execute0_lowered;
	s2 =	sadd.s32 s2, s4;
	[dreg:$0x0] =	wrdreg $0x0  }
0xa8: {  	s4 =	sshll.u32 s28, $0x1;
	[dreg:$0x2] =	wrdreg s2  }
0xa9: {  	[dreg:$0x3] =	wrdreg s4  }
0xaa: {  	[dreg:$0x4] =	wrdreg $0xC0  }
0xab: {  	_ =	task [dreg:s6], $0x5FFFF  }
0xac: {  	[dreg:$0x1] =	wrdreg $0xFFFFFFFF  }
0xad: {  	[dreg:$0x0] =	wrdreg $0x60  }
0xae: {  	[dreg:$0x2] =	wrdreg s24  }
0xaf: {  	[dreg:$0x3] =	wrdreg $0x108000  }
0xb0: {  	[dreg:$0x4] =	wrdreg $0x9  }
0xb1: {  	_ =	task.clear_ibuf [dreg:s6], $0x5FFFF;
	_ =	strace $0x90000046  }
0xb2: {  	s29 =	simm.s32 $0x9;
	_ =	strace $0x80000048  }
0xb3: {  	_ =	swait.ge [sflag:s29], $0x1  }
0xb4: {  	[sflag:s29] =	ssyncadd.s32 $0xFFFFFFFF  }
0xb5: {  	_ =	strace $0x90000048  }
0xb6: {  	_ =	sfence  }
0xb7: {  	s30 =	sld [smem:$0x0];
	_ =	sdelay $0x2  }
0xb8: {  	s31 =	sshll.u32 s1, $0xD;
	s1 =	sshrl.u32 s1, $0x2  }
0xb9: {  	s3 =	sand.u32 $0x4000, s31;
	s1 =	sadd.s32 s1, s30  }
0xba: {  	s0 =	sor.u32 s3, s0;
	s1 =	sshll.u32 s1, $0x11  }
0xbb: {  	s0 =	sor.u32 s1, s0  }
0xbc: {  	s0 =	sadd.s32 $0x8F2B, s0  }
0xbd: {  	[sflag:s0] =	ssyncadd.remote.s32 $0x1  }
0xbe: {  	_ =	sfence.sel $0xFFFF  }
0xbf: {  	[dreg:$0x0] =	wrdreg $0xFFFFFFFF;
	(pc) =	sbr.abs _section_cstart, $3  }
0xc0: {  	[dreg:$0x1] =	wrdreg $0xFFFFFFFF  }
0xc1: {  	_ =	task.clear_ibuf [dreg:s6], $0x2FFFF;
	_ =	strace $0x9FFFFFFF  }
0xc2: {  	(tm) =	ssettm $0x7FFFFFFF  }
0xc3: {  	_ =	shalt  }
tec
execute0_lowered:
.L_overlay_start_1:
0x0: {  	(tag) =	ssettag $0x1  }
0x1: {  	s0 =	rddreg [dreg:$0x0]  }
0x2: {  	s2 =	rddreg [dreg:$0x1]  }
0x3: {  	s10 =	stileid.u32;
	s4 =	srdreg.scid  }
0x4: {  	s3 =	simm.s32 $0x0;
	s12 =	simm.s32 $0x1800;
	s13 =	simm.s32 $0x100  }
0x5: {  	s14 =	simm.s32 $0x2800;
	s16 =	simm.s32 $0x180;
	[smem:$0x7FF] =	sst s3  }
0x6: {  	s17 =	simm.s32 $0x3800;
	_ =	strace $0x80000047;
	[dreg:$0x5] =	wrdreg s12  }
0x7: {  	s18 =	simm.s32 $0x200;
	s19 =	simm.s32 $0x4800;
	[dreg:$0x6] =	wrdreg s13  }
0x8: {  	s20 =	simm.s32 $0x280;
	s22 =	simm.s32 $0x5800;
	[dreg:$0x7] =	wrdreg s14  }
0x9: {  	s23 =	simm.s32 $0x300;
	s24 =	simm.s32 $0x6800;
	[dreg:$0x8] =	wrdreg s16  }
0xa: {  	s25 =	simm.s32 $0x380;
	s28 =	simm.s32 $0x780;
	[dreg:$0x9] =	wrdreg s17  }
0xb: {  	s29 =	simm.s32 $0xF800;
	s30 =	simm.s32 $0x1;
	[dreg:$0xa] =	wrdreg s18  }
0xc: {  	s31 =	simm.s32 $0x2;
	s1 =	smul.u32 $0x5000, s10;
	[dreg:$0xb] =	wrdreg s19  }
0xd: {  	s5 =	smul.u32 $0xA00, s10;
	s4 =	sand.u32 $0x1, s4;
	[dreg:$0xc] =	wrdreg s20  }
0xe: {  	s8 =	smul.u32 $0x14000, s10;
	s15 =	sshll.u32 s10, $0x6;
	[dreg:$0xd] =	wrdreg s22  }
0xf: {  	s10 =	simm.s32 $0x3;
	s6 =	smul.u32 $0x500, s4;
	[dreg:$0xe] =	wrdreg s23  }
0x10: {  	s26 =	ssub.s32 $0x2, s4;
	s4 =	smul.u32 $0xA000, s4;
	[dreg:$0xf] =	wrdreg s24  }
0x11: {  	[dreg:$0x10] =	wrdreg s25;
	s12 =	simm.s32 $0x80;
	s13 =	simm.s32 $0x800  }
0x12: {  	s14 =	simm.s32 $0x8800;
	s19 =	simm.s32 $0x580;
	s20 =	simm.s32 $0xB800  }
0x13: {  	s22 =	simm.s32 $0xC800;
	s23 =	simm.s32 $0x680;
	s24 =	simm.s32 $0xD800  }
0x14: {  	s25 =	simm.s32 $0x700;
	s7 =	sshrl.u32 s1, $0x3;
	s5 =	sadd.s32 s5, s0  }
0x15: {  	s9 =	sshrl.u32 s26, $0x1;
	s1 =	sadd.s32 s1, s2;
	s7 =	sadd.s32 s7, s0  }
0x16: {  	s5 =	sadd.s32 s6, s5;
	s0 =	sadd.s32 s8, s0;
	s1 =	sshrl.u32 s1, $0x3  }
0x17: {  	s6 =	ssub.s32 s26, s9;
	s26 =	simm.s32 $0x7800;
	[dreg:$0x17] =	wrdreg s1  }
0x18: {  	s9 =	simm.s32 $0x500;
	s11 =	sadd.s32 $0x1C00, s5;
	[dreg:$0x11] =	wrdreg s26  }
0x19: {  	s5 =	sadd.s32 $0xBC00, s5;
	s7 =	sadd.s32 $0x15C00, s7;
	[dreg:$0x3] =	wrdreg s11  }
0x1a: {  	s6 =	smax.u32 s6, $0x1;
	s0 =	sadd.s32 s4, s0;
	[dreg:$0x4] =	wrdreg s5  }
0x1b: {  	s26 =	simm.s32 $0xE800;
	s1 =	simm.s32 $0x0;
	[dreg:$0x12] =	wrdreg s7  }
0x1c: {  	s7 =	sor.u32 $0x1C03, s15;
	[dreg:$0x14] =	wrdreg s6;
	s21 =	sadd.s32 $0x15FC00, s0  }
0x1d: {  	s0 =	sadd.s32 $0x1FC00, s0;
	s11 =	simm.s32 $0x400;
	[dreg:$0x13] =	wrdreg s7  }
0x1e: {  	s5 =	simm.s32 $0x480;
	s6 =	simm.s32 $0x9800;
	[dreg:$0x15] =	wrdreg s21  }
0x1f: {  	s15 =	simm.s32 $0xA800;
	[dreg:$0x16] =	wrdreg s0;
	s21 =	simm.s32 $0x600  }
.LBB2_1:
0x20: {  	[dreg:$0x18] =	wrdreg s1  }
0x21: {  	s0 =	rddreg [dreg:$0x12]  }
0x22: {  	s7 =	rddreg [dreg:$0x13]  }
0x23: {  	s4 =	rddreg [dreg:$0x17]  }
0x24: {  	[spmem:s4], [sflag:s7] =	dma.local [hbm:s0], $0xA00  }
0x25: {  	_ =	swait.ge [sflag:s10], $0xA00  }
0x26: {  	[sflag:s10] =	ssyncset.done $0x0  }
0x27: {  	[sflag:s10] =	ssyncadd.s32 $0xFFFFF600  }
0x28: {  	[bflag:$0x0] =	sbarrier.arrive $0xFFFF  }
0x29: {  	s8 =	rddreg [dreg:$0x4]  }
0x2a: {  	s1 =	sadd.s32 $0x0, s8  }
0x2b: {  	[tilespmem:s3], [sflag:$0x3] =	stream.linear.gather [hbm4b:s1+s3], $0x400, $0x38;
	[tilespmem:$0x15800] =	vst v63  }
0x2c: {  	_ =	swait.ge [sflag:s10], $0x400  }
0x2d: {  	s16 =	rddreg [dreg:$0x3];
	[sflag:s10] =	ssyncset.done $0x0  }
0x2e: {  	[sflag:s10] =	ssyncadd.s32 $0xFFFFFC00;
	s1 =	sadd.s32 $0x0, s16  }
0x2f: {  	[tilespmem:s11], [sflag:$0x3] =	stream.linear.gather [hbm4b:s1+s3], $0x400, $0x38;
	[tilespmem:$0x15800] =	vst v63  }
0x30: {  	_ =	swait.ge [sflag:s10], $0x400  }
0x31: {  	s17 =	rddreg [dreg:$0x6]  }
0x32: {  	s18 =	rddreg [dreg:$0x5]  }
0x33: {  	s7 =	rddreg [dreg:$0x7]  }
0x34: {  	[sflag:s10] =	ssyncset.done $0x0;
	s8 =	rddreg [dreg:$0x9]  }
0x35: {  	s0 =	rddreg [dreg:$0x8];
	[sflag:s10] =	ssyncadd.s32 $0xFFFFFC00  }
0x36: {  	[tilespmem:s13], [sflag:$0x1] =	stream.indirect.gather [spmem:s2], $0x20, s3, s12, $0xb8;
	[tilespmem:$0x15800] =	vst v63  }
0x37: {  	s16 =	rddreg [dreg:$0xb]  }
0x38: {  	[tilespmem:s18], [sflag:$0x1] =	stream.indirect.gather [spmem:s2], $0x20, s12, s12, $0xb8;
	[tilespmem:$0x15800] =	vst v63  }
0x39: {  	s18 =	rddreg [dreg:$0xd]  }
0x3a: {  	[tilespmem:s7], [sflag:$0x1] =	stream.indirect.gather [spmem:s2], $0x20, s17, s12, $0xb8;
	[tilespmem:$0x15800] =	vst v63  }
0x3b: {  	s17 =	rddreg [dreg:$0xa]  }
0x3c: {  	s7 =	rddreg [dreg:$0xf]  }
0x3d: {  	[tilespmem:s8], [sflag:$0x1] =	stream.indirect.gather [spmem:s2], $0x20, s0, s12, $0xb8;
	[tilespmem:$0x15800] =	vst v63  }
0x3e: {  	s0 =	rddreg [dreg:$0xc]  }
0x3f: {  	[tilespmem:s16], [sflag:$0x1] =	stream.indirect.gather [spmem:s2], $0x20, s17, s12, $0xb8;
	[tilespmem:$0x15800] =	vst v63  }
0x40: {  	s16 =	rddreg [dreg:$0xe]  }
0x41: {  	[tilespmem:s18], [sflag:$0x1] =	stream.indirect.gather [spmem:s2], $0x20, s0, s12, $0xb8;
	[tilespmem:$0x15800] =	vst v63  }
0x42: {  	s17 =	rddreg [dreg:$0x11]  }
0x43: {  	[tilespmem:s7], [sflag:$0x1] =	stream.indirect.gather [spmem:s2], $0x20, s16, s12, $0xb8;
	[tilespmem:$0x15800] =	vst v63  }
0x44: {  	s18 =	rddreg [dreg:$0x10]  }
0x45: {  	[tilespmem:s17], [sflag:$0x1] =	stream.indirect.gather [spmem:s2], $0x20, s18, s12, $0xb8;
	[tilespmem:$0x15800] =	vst v63  }
0x46: {  	_ = 	snop  }
0x47: {  	[tilespmem:s14], [sflag:$0x2] =	stream.indirect.gather [spmem:s2], $0x20, s11, s12, $0xb8;
	[tilespmem:$0x15800] =	vst v63  }
0x48: {  	_ = 	snop  }
0x49: {  	[tilespmem:s6], [sflag:$0x2] =	stream.indirect.gather [spmem:s2], $0x20, s5, s12, $0xb8;
	[tilespmem:$0x15800] =	vst v63  }
0x4a: {  	_ = 	snop  }
0x4b: {  	[tilespmem:s15], [sflag:$0x2] =	stream.indirect.gather [spmem:s2], $0x20, s9, s12, $0xb8;
	[tilespmem:$0x15800] =	vst v63  }
0x4c: {  	_ = 	snop  }
0x4d: {  	[tilespmem:s20], [sflag:$0x2] =	stream.indirect.gather [spmem:s2], $0x20, s19, s12, $0xb8;
	[tilespmem:$0x15800] =	vst v63  }
0x4e: {  	_ = 	snop  }
0x4f: {  	[tilespmem:s22], [sflag:$0x2] =	stream.indirect.gather [spmem:s2], $0x20, s21, s12, $0xb8;
	[tilespmem:$0x15800] =	vst v63  }
0x50: {  	_ = 	snop  }
0x51: {  	[tilespmem:s24], [sflag:$0x2] =	stream.indirect.gather [spmem:s2], $0x20, s23, s12, $0xb8;
	[tilespmem:$0x15800] =	vst v63  }
0x52: {  	_ = 	snop  }
0x53: {  	[tilespmem:s26], [sflag:$0x2] =	stream.indirect.gather [spmem:s2], $0x20, s25, s12, $0xb8;
	[tilespmem:$0x15800] =	vst v63  }
0x54: {  	_ = 	snop  }
0x55: {  	[tilespmem:s29], [sflag:$0x2] =	stream.indirect.gather [spmem:s2], $0x20, s28, s12, $0xb8;
	[tilespmem:$0x15800] =	vst v63  }
0x56: {  	_ =	swait.ge [sflag:s30], $0x1000  }
0x57: {  	[sflag:s30] =	ssyncset.done $0x0  }
0x58: {  	[sflag:s30] =	ssyncadd.s32 $0xFFFFF000  }
0x59: {  	_ =	swait.ge [sflag:s30], $0x1000  }
0x5a: {  	[sflag:s30] =	ssyncset.done $0x0  }
0x5b: {  	[sflag:s30] =	ssyncadd.s32 $0xFFFFF000  }
0x5c: {  	_ =	swait.ge [sflag:s30], $0x1000  }
0x5d: {  	[sflag:s30] =	ssyncset.done $0x0  }
0x5e: {  	[sflag:s30] =	ssyncadd.s32 $0xFFFFF000  }
0x5f: {  	_ =	swait.ge [sflag:s30], $0x1000  }
0x60: {  	[sflag:s30] =	ssyncset.done $0x0  }
0x61: {  	[sflag:s30] =	ssyncadd.s32 $0xFFFFF000  }
0x62: {  	_ =	swait.ge [sflag:s30], $0x1000  }
0x63: {  	[sflag:s30] =	ssyncset.done $0x0  }
0x64: {  	[sflag:s30] =	ssyncadd.s32 $0xFFFFF000  }
0x65: {  	_ =	swait.ge [sflag:s30], $0x1000  }
0x66: {  	[sflag:s30] =	ssyncset.done $0x0  }
0x67: {  	[sflag:s30] =	ssyncadd.s32 $0xFFFFF000  }
0x68: {  	_ =	swait.ge [sflag:s30], $0x1000  }
0x69: {  	[sflag:s30] =	ssyncset.done $0x0  }
0x6a: {  	[sflag:s30] =	ssyncadd.s32 $0xFFFFF000  }
0x6b: {  	_ =	swait.ge [sflag:s30], $0x1000  }
0x6c: {  	[sflag:s30] =	ssyncset.done $0x0  }
0x6d: {  	[sflag:s30] =	ssyncadd.s32 $0xFFFFF000  }
0x6e: {  	_ =	swait.ge [sflag:s31], $0x1000  }
0x6f: {  	[sflag:s31] =	ssyncset.done $0x0  }
0x70: {  	[sflag:s31] =	ssyncadd.s32 $0xFFFFF000  }
0x71: {  	_ =	swait.ge [sflag:s31], $0x1000  }
0x72: {  	[sflag:s31] =	ssyncset.done $0x0  }
0x73: {  	[sflag:s31] =	ssyncadd.s32 $0xFFFFF000  }
0x74: {  	_ =	swait.ge [sflag:s31], $0x1000  }
0x75: {  	[sflag:s31] =	ssyncset.done $0x0  }
0x76: {  	[sflag:s31] =	ssyncadd.s32 $0xFFFFF000  }
0x77: {  	_ =	swait.ge [sflag:s31], $0x1000  }
0x78: {  	[sflag:s31] =	ssyncset.done $0x0  }
0x79: {  	[sflag:s31] =	ssyncadd.s32 $0xFFFFF000  }
0x7a: {  	_ =	swait.ge [sflag:s31], $0x1000  }
0x7b: {  	[sflag:s31] =	ssyncset.done $0x0  }
0x7c: {  	[sflag:s31] =	ssyncadd.s32 $0xFFFFF000  }
0x7d: {  	_ =	swait.ge [sflag:s31], $0x1000  }
0x7e: {  	[sflag:s31] =	ssyncset.done $0x0  }
0x7f: {  	[sflag:s31] =	ssyncadd.s32 $0xFFFFF000  }
0x80: {  	_ =	swait.ge [sflag:s31], $0x1000  }
0x81: {  	[sflag:s31] =	ssyncset.done $0x0  }
0x82: {  	[sflag:s31] =	ssyncadd.s32 $0xFFFFF000  }
0x83: {  	_ =	swait.ge [sflag:s31], $0x1000  }
0x84: {  	[sflag:s31] =	ssyncset.done $0x0  }
0x85: {  	s8 =	rddreg [dreg:$0x16];
	[sflag:s31] =	ssyncadd.s32 $0xFFFFF000  }
0x86: {  	[hbm4b:s8+s3] =	stream.linear.scatter [tilespmem:s13], [sflag:$0x3], $0x8000, $0x38;
	[tilespmem:$0x15800] =	vst v63  }
0x87: {  	_ =	swait.ge [sflag:s10], $0x8000  }
0x88: {  	s4 =	rddreg [dreg:$0x15]  }
0x89: {  	s1 =	simm.s32 $0x80;
	s7 =	smov.u32 s4  }
.LBB2_2:
0x8a: {  	[sflag:s10] =	ssyncset.done $0x0  }
0x8b: {  	[sflag:s10] =	ssyncadd.s32 $0xFFFF8000  }
0x8c: {  	[hbm4b:s4+s3] =	stream.linear.scatter [tilespmem:s14], [sflag:$0x3], $0x8000, $0x38;
	[tilespmem:$0x15800] =	vst v63  }
0x8d: {  	_ =	swait.ge [sflag:s10], $0x8000  }
0x8e: {  	s9 =	smov.u32 s1;
	s6 =	rddreg [dreg:$0x4];
	[sflag:s10] =	ssyncset.done $0x0  }
0x8f: {  	[sflag:s10] =	ssyncadd.s32 $0xFFFF8000;
	s6 =	sadd.s32 s9, s6  }
0x90: {  	[tilespmem:s3], [sflag:$0x3] =	stream.linear.gather [hbm4b:s6+s3], $0x400, $0x38;
	[tilespmem:$0x15800] =	vst v63  }
0x91: {  	_ =	swait.ge [sflag:s10], $0x400  }
0x92: {  	s16 =	rddreg [dreg:$0x3];
	[sflag:s10] =	ssyncset.done $0x0  }
0x93: {  	[sflag:s10] =	ssyncadd.s32 $0xFFFFFC00;
	s6 =	sadd.s32 s9, s16  }
0x94: {  	[tilespmem:s11], [sflag:$0x3] =	stream.linear.gather [hbm4b:s6+s3], $0x400, $0x38;
	[tilespmem:$0x15800] =	vst v63  }
0x95: {  	_ =	swait.ge [sflag:s10], $0x400  }
0x96: {  	s6 =	rddreg [dreg:$0x11]  }
0x97: {  	s9 =	rddreg [dreg:$0xf]  }
0x98: {  	s5 =	rddreg [dreg:$0xd]  }
0x99: {  	s0 =	rddreg [dreg:$0xb]  }
0x9a: {  	[sflag:s10] =	ssyncset.done $0x0;
	s15 =	rddreg [dreg:$0x6]  }
0x9b: {  	s16 =	rddreg [dreg:$0x5];
	[sflag:s10] =	ssyncadd.s32 $0xFFFFFC00  }
0x9c: {  	[tilespmem:s13], [sflag:$0x1] =	stream.indirect.gather [spmem:s2], $0x20, s3, s12, $0xb8;
	[tilespmem:$0x15800] =	vst v63  }
0x9d: {  	s17 =	rddreg [dreg:$0x7]  }
0x9e: {  	[tilespmem:s16], [sflag:$0x1] =	stream.indirect.gather [spmem:s2], $0x20, s12, s12, $0xb8;
	[tilespmem:$0x15800] =	vst v63  }
0x9f: {  	s18 =	rddreg [dreg:$0x9]  }
0xa0: {  	[tilespmem:s17], [sflag:$0x1] =	stream.indirect.gather [spmem:s2], $0x20, s15, s12, $0xb8;
	[tilespmem:$0x15800] =	vst v63  }
0xa1: {  	s16 =	rddreg [dreg:$0x8]  }
0xa2: {  	[tilespmem:s18], [sflag:$0x1] =	stream.indirect.gather [spmem:s2], $0x20, s16, s12, $0xb8;
	[tilespmem:$0x15800] =	vst v63  }
0xa3: {  	s17 =	rddreg [dreg:$0xa]  }
0xa4: {  	[tilespmem:s0], [sflag:$0x1] =	stream.indirect.gather [spmem:s2], $0x20, s17, s12, $0xb8;
	[tilespmem:$0x15800] =	vst v63  }
0xa5: {  	s18 =	rddreg [dreg:$0xc]  }
0xa6: {  	[tilespmem:s5], [sflag:$0x1] =	stream.indirect.gather [spmem:s2], $0x20, s18, s12, $0xb8;
	[tilespmem:$0x15800] =	vst v63  }
0xa7: {  	s17 =	rddreg [dreg:$0xe]  }
0xa8: {  	[tilespmem:s9], [sflag:$0x1] =	stream.indirect.gather [spmem:s2], $0x20, s17, s12, $0xb8;
	[tilespmem:$0x15800] =	vst v63  }
0xa9: {  	s18 =	rddreg [dreg:$0x10]  }
0xaa: {  	[tilespmem:s6], [sflag:$0x1] =	stream.indirect.gather [spmem:s2], $0x20, s18, s12, $0xb8;
	[tilespmem:$0x15800] =	vst v63  }
0xab: {  	_ = 	snop  }
0xac: {  	[tilespmem:s14], [sflag:$0x2] =	stream.indirect.gather [spmem:s2], $0x20, s11, s12, $0xb8;
	[tilespmem:$0x15800] =	vst v63  }
0xad: {  	s5 =	simm.s32 $0x480;
	s6 =	simm.s32 $0x9800  }
0xae: {  	[tilespmem:s6], [sflag:$0x2] =	stream.indirect.gather [spmem:s2], $0x20, s5, s12, $0xb8;
	[tilespmem:$0x15800] =	vst v63  }
0xaf: {  	s15 =	simm.s32 $0xA800;
	s9 =	simm.s32 $0x500  }
0xb0: {  	[tilespmem:s15], [sflag:$0x2] =	stream.indirect.gather [spmem:s2], $0x20, s9, s12, $0xb8;
	[tilespmem:$0x15800] =	vst v63  }
0xb1: {  	_ = 	snop  }
0xb2: {  	[tilespmem:s20], [sflag:$0x2] =	stream.indirect.gather [spmem:s2], $0x20, s19, s12, $0xb8;
	[tilespmem:$0x15800] =	vst v63  }
0xb3: {  	_ = 	snop  }
0xb4: {  	[tilespmem:s22], [sflag:$0x2] =	stream.indirect.gather [spmem:s2], $0x20, s21, s12, $0xb8;
	[tilespmem:$0x15800] =	vst v63  }
0xb5: {  	_ = 	snop  }
0xb6: {  	[tilespmem:s24], [sflag:$0x2] =	stream.indirect.gather [spmem:s2], $0x20, s23, s12, $0xb8;
	[tilespmem:$0x15800] =	vst v63  }
0xb7: {  	_ = 	snop  }
0xb8: {  	[tilespmem:s26], [sflag:$0x2] =	stream.indirect.gather [spmem:s2], $0x20, s25, s12, $0xb8;
	[tilespmem:$0x15800] =	vst v63  }
0xb9: {  	_ = 	snop  }
0xba: {  	[tilespmem:s29], [sflag:$0x2] =	stream.indirect.gather [spmem:s2], $0x20, s28, s12, $0xb8;
	[tilespmem:$0x15800] =	vst v63  }
0xbb: {  	_ =	swait.ge [sflag:s30], $0x1000  }
0xbc: {  	[sflag:s30] =	ssyncset.done $0x0  }
0xbd: {  	[sflag:s30] =	ssyncadd.s32 $0xFFFFF000  }
0xbe: {  	_ =	swait.ge [sflag:s30], $0x1000  }
0xbf: {  	[sflag:s30] =	ssyncset.done $0x0  }
0xc0: {  	[sflag:s30] =	ssyncadd.s32 $0xFFFFF000  }
0xc1: {  	_ =	swait.ge [sflag:s30], $0x1000  }
0xc2: {  	[sflag:s30] =	ssyncset.done $0x0  }
0xc3: {  	[sflag:s30] =	ssyncadd.s32 $0xFFFFF000  }
0xc4: {  	_ =	swait.ge [sflag:s30], $0x1000  }
0xc5: {  	[sflag:s30] =	ssyncset.done $0x0  }
0xc6: {  	[sflag:s30] =	ssyncadd.s32 $0xFFFFF000  }
0xc7: {  	_ =	swait.ge [sflag:s30], $0x1000  }
0xc8: {  	[sflag:s30] =	ssyncset.done $0x0  }
0xc9: {  	[sflag:s30] =	ssyncadd.s32 $0xFFFFF000  }
0xca: {  	_ =	swait.ge [sflag:s30], $0x1000  }
0xcb: {  	[sflag:s30] =	ssyncset.done $0x0  }
0xcc: {  	[sflag:s30] =	ssyncadd.s32 $0xFFFFF000  }
0xcd: {  	_ =	swait.ge [sflag:s30], $0x1000  }
0xce: {  	[sflag:s30] =	ssyncset.done $0x0  }
0xcf: {  	[sflag:s30] =	ssyncadd.s32 $0xFFFFF000  }
0xd0: {  	_ =	swait.ge [sflag:s30], $0x1000  }
0xd1: {  	[sflag:s30] =	ssyncset.done $0x0  }
0xd2: {  	[sflag:s30] =	ssyncadd.s32 $0xFFFFF000  }
0xd3: {  	_ =	swait.ge [sflag:s31], $0x1000  }
0xd4: {  	[sflag:s31] =	ssyncset.done $0x0  }
0xd5: {  	[sflag:s31] =	ssyncadd.s32 $0xFFFFF000  }
0xd6: {  	_ =	swait.ge [sflag:s31], $0x1000  }
0xd7: {  	[sflag:s31] =	ssyncset.done $0x0  }
0xd8: {  	[sflag:s31] =	ssyncadd.s32 $0xFFFFF000  }
0xd9: {  	_ =	swait.ge [sflag:s31], $0x1000  }
0xda: {  	[sflag:s31] =	ssyncset.done $0x0  }
0xdb: {  	[sflag:s31] =	ssyncadd.s32 $0xFFFFF000  }
0xdc: {  	_ =	swait.ge [sflag:s31], $0x1000  }
0xdd: {  	[sflag:s31] =	ssyncset.done $0x0  }
0xde: {  	[sflag:s31] =	ssyncadd.s32 $0xFFFFF000  }
0xdf: {  	_ =	swait.ge [sflag:s31], $0x1000  }
0xe0: {  	[sflag:s31] =	ssyncset.done $0x0  }
0xe1: {  	[sflag:s31] =	ssyncadd.s32 $0xFFFFF000  }
0xe2: {  	_ =	swait.ge [sflag:s31], $0x1000  }
0xe3: {  	[sflag:s31] =	ssyncset.done $0x0  }
0xe4: {  	[sflag:s31] =	ssyncadd.s32 $0xFFFFF000  }
0xe5: {  	_ =	swait.ge [sflag:s31], $0x1000  }
0xe6: {  	[sflag:s31] =	ssyncset.done $0x0  }
0xe7: {  	p0 =	sne.s32 s1, $0x480;
	[sflag:s31] =	ssyncadd.s32 $0xFFFFF000  }
.Ltmp0:
0xe8: {  	_ =	swait.ge [sflag:s31], $0x1000;
	(pc) =	sbr.rel @p0 .LBB2_2-.Ltmp0, $4  }
0xe9: {  	[sflag:s31] =	ssyncset.done $0x0  }
0xea: {  	s7 =	sadd.s32 $0x1000, s7;
	s8 =	sadd.s32 $0x1000, s8;
	[sflag:s31] =	ssyncadd.s32 $0xFFFFF000  }
0xeb: {  	[hbm4b:s8+s3] =	stream.linear.scatter [tilespmem:s13], [sflag:$0x3], $0x8000, $0x38;
	[tilespmem:$0x15800] =	vst v63  }
0xec: {  	s1 =	sadd.s32 $0x80, s1;
	s4 =	smov.u32 s7;
	_ =	swait.ge [sflag:s10], $0x8000  }
0xed: {  	[sflag:s10] =	ssyncset.done $0x0  }
0xee: {  	[sflag:s10] =	ssyncadd.s32 $0xFFFF8000  }
0xef: {  	[hbm4b:s4+s3] =	stream.linear.scatter [tilespmem:s14], [sflag:$0x3], $0x8000, $0x38;
	[tilespmem:$0x15800] =	vst v63  }
0xf0: {  	_ =	swait.ge [sflag:s10], $0x8000  }
0xf1: {  	s1 =	rddreg [dreg:$0x18]  }
0xf2: {  	s0 =	rddreg [dreg:$0x14];
	s1 =	sadd.s32 $0x1, s1  }
0xf3: {  	p0 =	sne.s32 s1, s0  }
.Ltmp1:
0xf4: {  	_ = 	snop;
	(pc) =	sbr.rel @p0 .LBB2_1-.Ltmp1, $3  }
0xf5: {  	_ =	sdelay $0x1  }
0xf6: {  	[sflag:s10] =	ssyncset.done $0x0  }
0xf7: {  	[sflag:s10] =	ssyncadd.s32 $0xFFFF8000  }
0xf8: {  	_ =	sfence.sel $0x180000  }
0xf9: {  	[bflag:$0x0] =	sbarrier.arrive $0xFFFF  }
0xfa: {  	_ =	strace $0x90000047  }
0xfb: {  	s0 =	stileid.u32;
	[bflag:$0x2] =	sbarrier.arrive $0xFFFF  }
0xfc: {  	p0 =	sne.s32 s0, $0x0;
	s0 =	rddreg [dreg:$0x2]  }
0xfd: {  	s0 =	sadd.s32 @!p0 $0x100000, s0  }
0xfe: {  	[sflag:s0] =	ssyncadd.tile.s32 @!p0 $0x1;
	_ =	shalt  }
.Lfunc_end2:
_tile_overlayer_lowered:
.L_overlay_start_2:
0xff: {  	(tag) =	ssettag $0x2  }
0x100: {  	s0 =	rddreg [dreg:$0x0];
	s2 =	stileid.u32  }
0x101: {  	s1 =	rddreg [dreg:$0x1];
	p0 =	sne.s32 s2, $0x0  }
0x102: {  	s3 =	rddreg [dreg:$0x2];
	[bflag:$0x3] =	sbarrier.arrive $0xFFFF;
	s2 =	simm.s32 @!p0 $0x1C03  }
0x103: {  	[timem:s3], [sflag:s2] =	dma.local @!p0 [hbm:s0], s1  }
0x104: {  	s0 =	simm.s32 @!p0 $0x3  }
0x105: {  	_ =	swait.ge @!p0 [sflag:s0], s1  }
0x106: {  	s1 =	ssub.s32 @!p0 $0x0, s1;
	[sflag:s0] =	ssyncset.done @!p0 $0x0  }
0x107: {  	[sflag:s0] =	ssyncadd.s32 @!p0 s1  }
0x108: {  	[bflag:$0x3] =	sbarrier.arrive $0xFFFF  }
0x109: {  	_ =	shalt  }

// kernel: sc_gather_feats.3.cloned.1.call-start
scs
__scs_entry_jumppad:
0x0: {  	(pc) =	sbr.rel $0x88, $3  }
0x1: {  	(tag) =	ssettag $0x0;
	lr =	simm.s32 $0x1  }
0x2: {  	[smem:$0x3F93] =	sst lr;
	_ =	strace $0xD0000000  }
0x3: {  	_ = 	snop  }
0x4: {  	_ = 	snop  }
0x5: {  	_ = 	snop  }
0x6: {  	_ = 	snop  }
0x7: {  	_ = 	snop  }
__scs_overlays_trampoline_lowered:
0x8: {  	[smem:$0x3FA2] =	sst s0  }
0x9: {  	[smem:$0x3FA3] =	sst s1  }
0xa: {  	[smem:$0x3FA4] =	sst s2  }
0xb: {  	[smem:$0x3FA5] =	sst s3  }
0xc: {  	[smem:$0x3FA6] =	sst s4  }
0xd: {  	[smem:$0x3FA7] =	sst s5  }
0xe: {  	[smem:$0x3FA8] =	sst s6  }
0xf: {  	[smem:$0x3FA9] =	sst s7  }
0x10: {  	[smem:$0x3FAA] =	sst s8  }
0x11: {  	[smem:$0x3FAB] =	sst s9;
	s0 =	simm.s32 @!p0 $0x0  }
0x12: {  	s1 =	sld [smem:$0x3F91];
	s0 =	simm.s32 @p0 $0x1  }
0x13: {  	[smem:$0x3FAC] =	sst s0;
	s0 =	simm.s32 @!p1 $0x0  }
0x14: {  	s2 =	sld [smem:$0x3F90];
	s0 =	simm.s32 @p1 $0x1  }
0x15: {  	[smem:$0x3FAD] =	sst s0;
	s0 =	simm.s32 @!p2 $0x0  }
0x16: {  	s3 =	sld [smem:$0x3FDB];
	s0 =	simm.s32 @p2 $0x1  }
0x17: {  	s4 =	simm.s32 $0x1BF5;
	[smem:$0x3FAF] =	sst s0  }
0x18: {  	s0 =	sld [smem:$0x3F92];
	_ =	swait.ge [sflag:s4], $0x0  }
0x19: {  	s7 =	sld [smem:$0x3F93]  }
0x1a: {  	s8 =	sadd.s32 $0xFFFFE003, lr  }
0x1b: {  	s9 =	sadd.s32 $0xFFFFFEF7, lr;
	s5 =	simm.s32 $0xFFFFFFFF;
	p2 =	slt.u32 s8, $0xFFFFF086  }
0x1c: {  	p1 =	slt.u32 s9, $0xF7A;
	s5 =	simm.s32 @!p2 $0x0  }
0x1d: {  	s5 =	simm.s32 @p1 $0x1;
	p0 =	seq.s32 s7, s2  }
0x1e: {  	s7 =	smul.u32 @!p0 $0xF7A, s2;
	p2 =	seq.s32 @!p0 s5, $0x0  }
0x1f: {  	s9 =	smul.u32 $0xF7A, s1;
	s8 =	simm.s32 @!p0 $0x1BF5;
	p2 =	por !p2, p0  }
0x20: {  	[sflag:s8] =	ssyncset.s32 @!p0 $0xFFFFF086;
	s6 =	sadd.s32 @!p0 s3, s7;
	s7 =	simm.s32 @!p0 $0x108  }
0x21: {  	s3 =	sadd.s32 s3, s9;
	s6 =	sadd.s32 @!p0 $0x88, s6;
	s7 =	simm.s32 @p2 $0x1082  }
0x22: {  	[simem:s7], [sflag:s8] =	dma.local @!p0 [hbm:s6], $0xF7A  }
0x23: {  	s9 =	sor.u32 $0xD0000000, s2;
	s6 =	simm.s32 $0x108;
	_ =	swait.ge @!p0 [sflag:s8], $0x0  }
0x24: {  	s3 =	sadd.s32 $0x88, s3;
	s6 =	simm.s32 @!p1 $0x1082;
	[sflag:s4] =	ssyncset.s32 $0xFFFFF086  }
0x25: {  	[simem:s6], [sflag:s4] =	dma.local [hbm:s3], $0xF7A  }
0x26: {  	[smem:$0x3F93] =	sst s1;
	(tag) =	ssettag s2;
	_ =	strace s9  }
0x27: {  	s1 =	sld [smem:$0x3FA3]  }
0x28: {  	s2 =	sld [smem:$0x3FA4]  }
0x29: {  	s4 =	sld [smem:$0x3FA6]  }
0x2a: {  	p0 =	seq.s32 s5, $0x0;
	s5 =	sld [smem:$0x3FA7]  }
0x2b: {  	s6 =	sld [smem:$0x3FA8]  }
0x2c: {  	s7 =	sld [smem:$0x3FA9]  }
0x2d: {  	s3 =	simm.s32 $0x108;
	s8 =	sld [smem:$0x3FAA]  }
0x2e: {  	s3 =	simm.s32 @!p0 $0x1082;
	s9 =	sld [smem:$0x3FAB]  }
0x2f: {  	lr =	sadd.s32 s0, s3;
	s0 =	sld [smem:$0x3FA2]  }
0x30: {  	s3 =	sld [smem:$0x3FA5]  }
0x31: {  	[smem:$0x3FAE] =	sst s10  }
0x32: {  	s10 =	sld [smem:$0x3FAC];
	_ =	sdelay $0x3  }
0x33: {  	p0 =	seq.s32 s10, $0x1;
	s10 =	sld [smem:$0x3FAE];
	_ =	sdelay $0x3  }
0x34: {  	[smem:$0x3FAE] =	sst s10  }
0x35: {  	s10 =	sld [smem:$0x3FAD];
	_ =	sdelay $0x3  }
0x36: {  	p1 =	seq.s32 s10, $0x1;
	s10 =	sld [smem:$0x3FAE];
	_ =	sdelay $0x3  }
0x37: {  	[smem:$0x3FAE] =	sst s10  }
0x38: {  	s10 =	sld [smem:$0x3FAF]  }
0x39: {  	_ = 	snop;
	(pc) =	sbr.ind lr, $3  }
0x3a: {  	_ = 	snop  }
0x3b: {  	_ = 	snop  }
0x3c: {  	p2 =	seq.s32 s10, $0x1;
	s10 =	sld [smem:$0x3FAE]  }
0x3d: {  	_ =	shalt  }
0x3e: {  	_ =	shalt  }
0x3f: {  	_ =	shalt  }
0x40: {  	_ =	shalt  }
0x41: {  	_ =	shalt  }
0x42: {  	_ =	shalt  }
0x43: {  	_ =	shalt  }
0x44: {  	_ =	shalt  }
0x45: {  	_ =	shalt  }
0x46: {  	_ =	shalt  }
0x47: {  	_ =	shalt  }
0x48: {  	_ =	shalt  }
0x49: {  	_ =	shalt  }
0x4a: {  	_ =	shalt  }
0x4b: {  	_ =	shalt  }
0x4c: {  	_ =	shalt  }
0x4d: {  	_ =	shalt  }
0x4e: {  	_ =	shalt  }
0x4f: {  	_ =	shalt  }
0x50: {  	_ =	shalt  }
0x51: {  	_ =	shalt  }
0x52: {  	_ =	shalt  }
0x53: {  	_ =	shalt  }
0x54: {  	_ =	shalt  }
0x55: {  	_ =	shalt  }
0x56: {  	_ =	shalt  }
0x57: {  	_ =	shalt  }
0x58: {  	_ =	shalt  }
0x59: {  	_ =	shalt  }
0x5a: {  	_ =	shalt  }
0x5b: {  	_ =	shalt  }
0x5c: {  	_ =	shalt  }
0x5d: {  	_ =	shalt  }
0x5e: {  	_ =	shalt  }
0x5f: {  	_ =	shalt  }
0x60: {  	_ =	shalt  }
0x61: {  	_ =	shalt  }
0x62: {  	_ =	shalt  }
0x63: {  	_ =	shalt  }
0x64: {  	_ =	shalt  }
0x65: {  	_ =	shalt  }
0x66: {  	_ =	shalt  }
0x67: {  	_ =	shalt  }
0x68: {  	_ =	shalt  }
0x69: {  	_ =	shalt  }
0x6a: {  	_ =	shalt  }
0x6b: {  	_ =	shalt  }
0x6c: {  	_ =	shalt  }
0x6d: {  	_ =	shalt  }
0x6e: {  	_ =	shalt  }
0x6f: {  	_ =	shalt  }
0x70: {  	_ =	shalt  }
0x71: {  	_ =	shalt  }
0x72: {  	_ =	shalt  }
0x73: {  	_ =	shalt  }
0x74: {  	_ =	shalt  }
0x75: {  	_ =	shalt  }
0x76: {  	_ =	shalt  }
0x77: {  	_ =	shalt  }
0x78: {  	_ =	shalt  }
0x79: {  	_ =	shalt  }
0x7a: {  	_ =	shalt  }
0x7b: {  	_ =	shalt  }
0x7c: {  	_ =	shalt  }
0x7d: {  	_ =	shalt  }
0x7e: {  	_ =	shalt  }
0x7f: {  	_ =	shalt  }
0x80: {  	_ =	shalt  }
0x81: {  	_ =	shalt  }
0x82: {  	_ =	shalt  }
0x83: {  	_ =	shalt  }
0x84: {  	_ =	shalt  }
0x85: {  	_ =	shalt  }
0x86: {  	_ =	shalt  }
0x87: {  	_ =	shalt  }
.Lfunc_end0:
.L_simem_size_0:
called_computation.2_lowered:
.L_overlay_start_0:
0x88: {  	s2 =	sld [smem:$0x3FD9]  }
0x89: {  	s3 =	sld [smem:$0x3FFE];
	_ =	sdelay $0x1  }
0x8a: {  	s1 =	srdreg.scid  }
0x8b: {  	s0 =	sand.u32 $0x1, s1  }
0x8c: {  	s16 =	sshll.u32 s0, $0xA;
	s2 =	sadd.s32 s3, s2  }
0x8d: {  	s2 =	sadd.s32 s2, s16  }
0x8e: {  	[smem:$0x3FBA] =	sst s2  }
0x8f: {  	_ = 	snop  }
0x90: {  	(tm) =	ssettm $0x1  }
0x91: {  	s17 =	sld [smem:$0x3FFB];
	_ =	sdelay $0x3  }
0x92: {  	_ =	strace s17  }
0x93: {  	s2 =	sld [smem:$0x3FFC];
	_ =	sdelay $0x3  }
0x94: {  	_ =	strace s2  }
0x95: {  	s2 =	sld [smem:$0x3FFD];
	_ =	sdelay $0x3  }
0x96: {  	_ =	strace s2  }
0x97: {  	_ =	strace $0x8FFFFFFF  }
0x98: {  	s18 =	sld [smem:$0x3FDB];
	_ =	sdelay $0x1  }
0x99: {  	s19 =	simm.s32 $_scs_section_size  }
0x9a: {  	s4 =	simm.s32 $_size__tile_overlayer_lowered;
	s5 =	simm.s32 $_tile_overlayer_lowered  }
0x9b: {  	s22 =	simm.s32 $0x1BFF;
	s21 =	sshll.u32 s5, $0x1;
	s2 =	sadd.s32 s19, s18  }
0x9c: {  	s6 =	simm.s32 $0x0;
	s20 =	sshll.u32 s4, $0x1;
	s4 =	sadd.s32 s21, s2  }
0x9d: {  	[timem:s6], [sflag:s22] =	dma.local [hbm:s4], s20  }
0x9e: {  	_ =	swait.ge [sflag:s22], s20  }
0x9f: {  	s3 =	ssub.s32 $0x0, s20;
	[sflag:s22] =	ssyncset.done $0x0  }
0xa0: {  	[sflag:s22] =	ssyncadd.s32 s3;
	_ =	sdelay $0x1  }
0xa1: {  	s23 =	simm.s32 $0x1B8B  }
0xa2: {  	_ =	swait.ge [sflag:s23], $0x1  }
0xa3: {  	[sflag:s23] =	ssyncset.done $0x0  }
0xa4: {  	s25 =	simm.s32 $0x1B8E;
	s24 =	sld [smem:$0x3FFE];
	[sflag:s23] =	ssyncadd.s32 $0xFFFFFFFF  }
0xa5: {  	s26 =	simm.s32 $execute0_lowered;
	[smem:$0x3FD2] =	sst s25  }
0xa6: {  	s4 =	sshll.u32 s26, $0x1;
	_ =	strace $0x8000004C;
	[dreg:$0x1] =	wrdreg $0xFFFFFFFF  }
0xa7: {  	s28 =	simm.s32 $_size_execute0_lowered;
	s2 =	sadd.s32 s2, s4;
	[dreg:$0x0] =	wrdreg $0x0  }
0xa8: {  	s4 =	sshll.u32 s28, $0x1;
	[dreg:$0x2] =	wrdreg s2  }
0xa9: {  	[dreg:$0x3] =	wrdreg s4  }
0xaa: {  	[dreg:$0x4] =	wrdreg $0xC0  }
0xab: {  	_ =	task [dreg:s6], $0x5FFFF  }
0xac: {  	[dreg:$0x1] =	wrdreg $0xFFFFFFFF  }
0xad: {  	[dreg:$0x0] =	wrdreg $0x60  }
0xae: {  	[dreg:$0x2] =	wrdreg s24  }
0xaf: {  	[dreg:$0x3] =	wrdreg $0x108000  }
0xb0: {  	[dreg:$0x4] =	wrdreg $0x9  }
0xb1: {  	_ =	task.clear_ibuf [dreg:s6], $0x5FFFF;
	_ =	strace $0x9000004C  }
0xb2: {  	s29 =	simm.s32 $0x9;
	_ =	strace $0x8000004E  }
0xb3: {  	_ =	swait.ge [sflag:s29], $0x1  }
0xb4: {  	[sflag:s29] =	ssyncadd.s32 $0xFFFFFFFF  }
0xb5: {  	_ =	strace $0x9000004E  }
0xb6: {  	_ =	sfence  }
0xb7: {  	s30 =	sld [smem:$0x0];
	_ =	sdelay $0x2  }
0xb8: {  	s31 =	sshll.u32 s1, $0xD;
	s1 =	sshrl.u32 s1, $0x2  }
0xb9: {  	s3 =	sand.u32 $0x4000, s31;
	s1 =	sadd.s32 s1, s30  }
0xba: {  	s0 =	sor.u32 s3, s0;
	s1 =	sshll.u32 s1, $0x11  }
0xbb: {  	s0 =	sor.u32 s1, s0  }
0xbc: {  	s0 =	sadd.s32 $0x8F2B, s0  }
0xbd: {  	[sflag:s0] =	ssyncadd.remote.s32 $0x1  }
0xbe: {  	_ =	sfence.sel $0xFFFF  }
0xbf: {  	[dreg:$0x0] =	wrdreg $0xFFFFFFFF;
	(pc) =	sbr.abs _section_cstart, $3  }
0xc0: {  	[dreg:$0x1] =	wrdreg $0xFFFFFFFF  }
0xc1: {  	_ =	task.clear_ibuf [dreg:s6], $0x2FFFF;
	_ =	strace $0x9FFFFFFF  }
0xc2: {  	(tm) =	ssettm $0x7FFFFFFF  }
0xc3: {  	_ =	shalt  }
tec
execute0_lowered:
.L_overlay_start_1:
0x0: {  	(tag) =	ssettag $0x1  }
0x1: {  	s0 =	rddreg [dreg:$0x0]  }
0x2: {  	s2 =	rddreg [dreg:$0x1];
	s3 =	simm.s32 $0x0;
	s11 =	stileid.u32  }
0x3: {  	s5 =	srdreg.scid;
	s18 =	simm.s32 $0x1800;
	s19 =	simm.s32 $0x100  }
0x4: {  	s20 =	simm.s32 $0x2800;
	s21 =	simm.s32 $0x180;
	s22 =	simm.s32 $0x3800  }
0x5: {  	s23 =	simm.s32 $0x200;
	s24 =	simm.s32 $0x4800;
	s25 =	simm.s32 $0x280  }
0x6: {  	s26 =	simm.s32 $0x5800;
	s12 =	simm.s32 $0x300;
	[smem:$0x7FF] =	sst s3  }
0x7: {  	s13 =	simm.s32 $0x6800;
	_ =	strace $0x8000004D;
	[dreg:$0x4] =	wrdreg s18  }
0x8: {  	s14 =	simm.s32 $0x380;
	s15 =	simm.s32 $0x7800;
	[dreg:$0x5] =	wrdreg s19  }
0x9: {  	s28 =	simm.s32 $0xD800;
	s29 =	simm.s32 $0x700;
	[dreg:$0x6] =	wrdreg s20  }
0xa: {  	s30 =	simm.s32 $0xE800;
	s1 =	smul.u32 $0x5000, s11;
	[dreg:$0x7] =	wrdreg s21  }
0xb: {  	s31 =	simm.s32 $0x780;
	s4 =	smul.u32 $0xA00, s11;
	[dreg:$0x8] =	wrdreg s22  }
0xc: {  	s6 =	smul.u32 $0x14000, s11;
	s5 =	sand.u32 $0x1, s5;
	[dreg:$0x9] =	wrdreg s23  }
0xd: {  	s17 =	sshll.u32 s11, $0x6;
	s11 =	simm.s32 $0x800;
	[dreg:$0xa] =	wrdreg s24  }
0xe: {  	s8 =	ssub.s32 $0x2, s5;
	s9 =	smul.u32 $0x500, s5;
	[dreg:$0xb] =	wrdreg s25  }
0xf: {  	s5 =	smul.u32 $0xA000, s5;
	[dreg:$0xc] =	wrdreg s26;
	s18 =	simm.s32 $0x480  }
0x10: {  	s19 =	simm.s32 $0x9800;
	s20 =	simm.s32 $0x500;
	s21 =	simm.s32 $0xA800  }
0x11: {  	s22 =	simm.s32 $0x580;
	s23 =	simm.s32 $0xB800;
	s24 =	simm.s32 $0x600  }
0x12: {  	s25 =	simm.s32 $0xC800;
	s26 =	simm.s32 $0x680;
	s7 =	sshrl.u32 s1, $0x3  }
0x13: {  	s4 =	sadd.s32 s4, s0;
	s10 =	sshrl.u32 s8, $0x1;
	s1 =	sadd.s32 s1, s2  }
0x14: {  	s7 =	sadd.s32 s7, s0;
	s0 =	sadd.s32 s6, s0;
	s16 =	ssub.s32 s8, s10  }
0x15: {  	s4 =	sadd.s32 s9, s4;
	s1 =	sshrl.u32 s1, $0x3;
	s9 =	simm.s32 $0x2  }
0x16: {  	s10 =	simm.s32 $0x80;
	s7 =	sadd.s32 $0x1FC00, s7;
	[dreg:$0x11] =	wrdreg s1  }
0x17: {  	s4 =	sadd.s32 $0xBC00, s4;
	s6 =	smax.u32 s16, $0x1;
	[dreg:$0xd] =	wrdreg s7  }
0x18: {  	s0 =	sadd.s32 s5, s0;
	s16 =	simm.s32 $0x400;
	[dreg:$0x3] =	wrdreg s4  }
0x19: {  	s1 =	simm.s32 $0x1;
	s7 =	sor.u32 $0x1C02, s17;
	[dreg:$0xf] =	wrdreg s6  }
0x1a: {  	s5 =	simm.s32 $0x0;
	s0 =	sadd.s32 $0x29C00, s0;
	[dreg:$0xe] =	wrdreg s7  }
0x1b: {  	s17 =	simm.s32 $0x8800;
	[dreg:$0x10] =	wrdreg s0;
	s0 =	simm.s32 $0xF800  }
.LBB2_1:
0x1c: {  	[dreg:$0x12] =	wrdreg s5  }
0x1d: {  	s4 =	rddreg [dreg:$0xd]  }
0x1e: {  	s7 =	rddreg [dreg:$0xe]  }
0x1f: {  	s6 =	rddreg [dreg:$0x11]  }
0x20: {  	[spmem:s6], [sflag:s7] =	dma.local [hbm:s4], $0xA00  }
0x21: {  	_ =	swait.ge [sflag:s9], $0xA00  }
0x22: {  	[sflag:s9] =	ssyncset.done $0x0  }
0x23: {  	[sflag:s9] =	ssyncadd.s32 $0xFFFFF600  }
0x24: {  	[bflag:$0x0] =	sbarrier.arrive $0xFFFF  }
0x25: {  	s8 =	rddreg [dreg:$0x3]  }
0x26: {  	s5 =	sadd.s32 $0x0, s8  }
0x27: {  	[tilespmem:s3], [sflag:$0x2] =	stream.linear.gather [hbm4b:s5+s3], $0x800, $0x38;
	[tilespmem:$0x15800] =	vst v63  }
0x28: {  	_ =	swait.ge [sflag:s9], $0x800  }
0x29: {  	s5 =	rddreg [dreg:$0x5]  }
0x2a: {  	[sflag:s9] =	ssyncset.done $0x0;
	s4 =	rddreg [dreg:$0x4]  }
0x2b: {  	s7 =	rddreg [dreg:$0x6];
	[sflag:s9] =	ssyncadd.s32 $0xFFFFF800  }
0x2c: {  	[tilespmem:s11], [sflag:$0x1] =	stream.indirect.gather [spmem:s2], $0x20, s3, s10, $0xb8;
	[tilespmem:$0x15800] =	vst v63  }
0x2d: {  	s8 =	rddreg [dreg:$0x8]  }
0x2e: {  	[tilespmem:s4], [sflag:$0x1] =	stream.indirect.gather [spmem:s2], $0x20, s10, s10, $0xb8;
	[tilespmem:$0x15800] =	vst v63  }
0x2f: {  	s4 =	rddreg [dreg:$0x7]  }
0x30: {  	[tilespmem:s7], [sflag:$0x1] =	stream.indirect.gather [spmem:s2], $0x20, s5, s10, $0xb8;
	[tilespmem:$0x15800] =	vst v63  }
0x31: {  	s5 =	rddreg [dreg:$0xa]  }
0x32: {  	s7 =	rddreg [dreg:$0x9]  }
0x33: {  	[tilespmem:s8], [sflag:$0x1] =	stream.indirect.gather [spmem:s2], $0x20, s4, s10, $0xb8;
	[tilespmem:$0x15800] =	vst v63  }
0x34: {  	s8 =	rddreg [dreg:$0xc]  }
0x35: {  	[tilespmem:s5], [sflag:$0x1] =	stream.indirect.gather [spmem:s2], $0x20, s7, s10, $0xb8;
	[tilespmem:$0x15800] =	vst v63  }
0x36: {  	s4 =	rddreg [dreg:$0xb]  }
0x37: {  	[tilespmem:s8], [sflag:$0x1] =	stream.indirect.gather [spmem:s2], $0x20, s4, s10, $0xb8;
	[tilespmem:$0x15800] =	vst v63  }
0x38: {  	_ = 	snop  }
0x39: {  	[tilespmem:s13], [sflag:$0x1] =	stream.indirect.gather [spmem:s2], $0x20, s12, s10, $0xb8;
	[tilespmem:$0x15800] =	vst v63  }
0x3a: {  	_ = 	snop  }
0x3b: {  	[tilespmem:s15], [sflag:$0x1] =	stream.indirect.gather [spmem:s2], $0x20, s14, s10, $0xb8;
	[tilespmem:$0x15800] =	vst v63  }
0x3c: {  	_ = 	snop  }
0x3d: {  	[tilespmem:s17], [sflag:$0x1] =	stream.indirect.gather [spmem:s2], $0x20, s16, s10, $0xb8;
	[tilespmem:$0x15800] =	vst v63  }
0x3e: {  	_ = 	snop  }
0x3f: {  	[tilespmem:s19], [sflag:$0x1] =	stream.indirect.gather [spmem:s2], $0x20, s18, s10, $0xb8;
	[tilespmem:$0x15800] =	vst v63  }
0x40: {  	_ = 	snop  }
0x41: {  	[tilespmem:s21], [sflag:$0x1] =	stream.indirect.gather [spmem:s2], $0x20, s20, s10, $0xb8;
	[tilespmem:$0x15800] =	vst v63  }
0x42: {  	_ = 	snop  }
0x43: {  	[tilespmem:s23], [sflag:$0x1] =	stream.indirect.gather [spmem:s2], $0x20, s22, s10, $0xb8;
	[tilespmem:$0x15800] =	vst v63  }
0x44: {  	_ = 	snop  }
0x45: {  	[tilespmem:s25], [sflag:$0x1] =	stream.indirect.gather [spmem:s2], $0x20, s24, s10, $0xb8;
	[tilespmem:$0x15800] =	vst v63  }
0x46: {  	_ = 	snop  }
0x47: {  	[tilespmem:s28], [sflag:$0x1] =	stream.indirect.gather [spmem:s2], $0x20, s26, s10, $0xb8;
	[tilespmem:$0x15800] =	vst v63  }
0x48: {  	_ = 	snop  }
0x49: {  	[tilespmem:s30], [sflag:$0x1] =	stream.indirect.gather [spmem:s2], $0x20, s29, s10, $0xb8;
	[tilespmem:$0x15800] =	vst v63  }
0x4a: {  	_ = 	snop  }
0x4b: {  	[tilespmem:s0], [sflag:$0x1] =	stream.indirect.gather [spmem:s2], $0x20, s31, s10, $0xb8;
	[tilespmem:$0x15800] =	vst v63  }
0x4c: {  	_ =	swait.ge [sflag:s1], $0x1000  }
0x4d: {  	[sflag:s1] =	ssyncset.done $0x0  }
0x4e: {  	[sflag:s1] =	ssyncadd.s32 $0xFFFFF000  }
0x4f: {  	_ =	swait.ge [sflag:s1], $0x1000  }
0x50: {  	[sflag:s1] =	ssyncset.done $0x0  }
0x51: {  	[sflag:s1] =	ssyncadd.s32 $0xFFFFF000  }
0x52: {  	_ =	swait.ge [sflag:s1], $0x1000  }
0x53: {  	[sflag:s1] =	ssyncset.done $0x0  }
0x54: {  	[sflag:s1] =	ssyncadd.s32 $0xFFFFF000  }
0x55: {  	_ =	swait.ge [sflag:s1], $0x1000  }
0x56: {  	[sflag:s1] =	ssyncset.done $0x0  }
0x57: {  	[sflag:s1] =	ssyncadd.s32 $0xFFFFF000  }
0x58: {  	_ =	swait.ge [sflag:s1], $0x1000  }
0x59: {  	[sflag:s1] =	ssyncset.done $0x0  }
0x5a: {  	[sflag:s1] =	ssyncadd.s32 $0xFFFFF000  }
0x5b: {  	_ =	swait.ge [sflag:s1], $0x1000  }
0x5c: {  	[sflag:s1] =	ssyncset.done $0x0  }
0x5d: {  	[sflag:s1] =	ssyncadd.s32 $0xFFFFF000  }
0x5e: {  	_ =	swait.ge [sflag:s1], $0x1000  }
0x5f: {  	[sflag:s1] =	ssyncset.done $0x0  }
0x60: {  	[sflag:s1] =	ssyncadd.s32 $0xFFFFF000  }
0x61: {  	_ =	swait.ge [sflag:s1], $0x1000  }
0x62: {  	[sflag:s1] =	ssyncset.done $0x0  }
0x63: {  	[sflag:s1] =	ssyncadd.s32 $0xFFFFF000  }
0x64: {  	_ =	swait.ge [sflag:s1], $0x1000  }
0x65: {  	[sflag:s1] =	ssyncset.done $0x0  }
0x66: {  	[sflag:s1] =	ssyncadd.s32 $0xFFFFF000  }
0x67: {  	_ =	swait.ge [sflag:s1], $0x1000  }
0x68: {  	[sflag:s1] =	ssyncset.done $0x0  }
0x69: {  	[sflag:s1] =	ssyncadd.s32 $0xFFFFF000  }
0x6a: {  	_ =	swait.ge [sflag:s1], $0x1000  }
0x6b: {  	[sflag:s1] =	ssyncset.done $0x0  }
0x6c: {  	[sflag:s1] =	ssyncadd.s32 $0xFFFFF000  }
0x6d: {  	_ =	swait.ge [sflag:s1], $0x1000  }
0x6e: {  	[sflag:s1] =	ssyncset.done $0x0  }
0x6f: {  	[sflag:s1] =	ssyncadd.s32 $0xFFFFF000  }
0x70: {  	_ =	swait.ge [sflag:s1], $0x1000  }
0x71: {  	[sflag:s1] =	ssyncset.done $0x0  }
0x72: {  	[sflag:s1] =	ssyncadd.s32 $0xFFFFF000  }
0x73: {  	_ =	swait.ge [sflag:s1], $0x1000  }
0x74: {  	[sflag:s1] =	ssyncset.done $0x0  }
0x75: {  	[sflag:s1] =	ssyncadd.s32 $0xFFFFF000  }
0x76: {  	_ =	swait.ge [sflag:s1], $0x1000  }
0x77: {  	[sflag:s1] =	ssyncset.done $0x0  }
0x78: {  	[sflag:s1] =	ssyncadd.s32 $0xFFFFF000  }
0x79: {  	_ =	swait.ge [sflag:s1], $0x1000  }
0x7a: {  	[sflag:s1] =	ssyncset.done $0x0;
	s7 =	rddreg [dreg:$0x10]  }
0x7b: {  	s5 =	simm.s32 $0x100;
	[sflag:s1] =	ssyncadd.s32 $0xFFFFF000;
	s6 =	sadd.s32 $0x2000, s7  }
.LBB2_2:
0x7c: {  	[hbm4b:s7+s3] =	stream.linear.scatter [tilespmem:s11], [sflag:$0x2], $0x10000, $0x38;
	[tilespmem:$0x15800] =	vst v63  }
0x7d: {  	_ =	swait.ge [sflag:s9], $0x10000  }
0x7e: {  	s8 =	smov.u32 s5;
	s4 =	rddreg [dreg:$0x3];
	[sflag:s9] =	ssyncset.done $0x0  }
0x7f: {  	[sflag:s9] =	ssyncadd.s32 $0xFFFF0000;
	s4 =	sadd.s32 s8, s4  }
0x80: {  	[tilespmem:s3], [sflag:$0x2] =	stream.linear.gather [hbm4b:s4+s3], $0x800, $0x38;
	[tilespmem:$0x15800] =	vst v63  }
0x81: {  	_ =	swait.ge [sflag:s9], $0x800  }
0x82: {  	s4 =	rddreg [dreg:$0xc]  }
0x83: {  	s8 =	rddreg [dreg:$0xa]  }
0x84: {  	[sflag:s9] =	ssyncset.done $0x0;
	s12 =	rddreg [dreg:$0x5]  }
0x85: {  	s13 =	rddreg [dreg:$0x4];
	[sflag:s9] =	ssyncadd.s32 $0xFFFFF800  }
0x86: {  	[tilespmem:s11], [sflag:$0x1] =	stream.indirect.gather [spmem:s2], $0x20, s3, s10, $0xb8;
	[tilespmem:$0x15800] =	vst v63  }
0x87: {  	s14 =	rddreg [dreg:$0x6]  }
0x88: {  	[tilespmem:s13], [sflag:$0x1] =	stream.indirect.gather [spmem:s2], $0x20, s10, s10, $0xb8;
	[tilespmem:$0x15800] =	vst v63  }
0x89: {  	s15 =	rddreg [dreg:$0x8]  }
0x8a: {  	[tilespmem:s14], [sflag:$0x1] =	stream.indirect.gather [spmem:s2], $0x20, s12, s10, $0xb8;
	[tilespmem:$0x15800] =	vst v63  }
0x8b: {  	s13 =	rddreg [dreg:$0x7]  }
0x8c: {  	[tilespmem:s15], [sflag:$0x1] =	stream.indirect.gather [spmem:s2], $0x20, s13, s10, $0xb8;
	[tilespmem:$0x15800] =	vst v63  }
0x8d: {  	s12 =	rddreg [dreg:$0x9]  }
0x8e: {  	[tilespmem:s8], [sflag:$0x1] =	stream.indirect.gather [spmem:s2], $0x20, s12, s10, $0xb8;
	[tilespmem:$0x15800] =	vst v63  }
0x8f: {  	s13 =	rddreg [dreg:$0xb]  }
0x90: {  	[tilespmem:s4], [sflag:$0x1] =	stream.indirect.gather [spmem:s2], $0x20, s13, s10, $0xb8;
	[tilespmem:$0x15800] =	vst v63  }
0x91: {  	s12 =	simm.s32 $0x300;
	s13 =	simm.s32 $0x6800  }
0x92: {  	[tilespmem:s13], [sflag:$0x1] =	stream.indirect.gather [spmem:s2], $0x20, s12, s10, $0xb8;
	[tilespmem:$0x15800] =	vst v63  }
0x93: {  	s14 =	simm.s32 $0x380;
	s15 =	simm.s32 $0x7800  }
0x94: {  	[tilespmem:s15], [sflag:$0x1] =	stream.indirect.gather [spmem:s2], $0x20, s14, s10, $0xb8;
	[tilespmem:$0x15800] =	vst v63  }
0x95: {  	_ = 	snop  }
0x96: {  	[tilespmem:s17], [sflag:$0x1] =	stream.indirect.gather [spmem:s2], $0x20, s16, s10, $0xb8;
	[tilespmem:$0x15800] =	vst v63  }
0x97: {  	_ = 	snop  }
0x98: {  	[tilespmem:s19], [sflag:$0x1] =	stream.indirect.gather [spmem:s2], $0x20, s18, s10, $0xb8;
	[tilespmem:$0x15800] =	vst v63  }
0x99: {  	_ = 	snop  }
0x9a: {  	[tilespmem:s21], [sflag:$0x1] =	stream.indirect.gather [spmem:s2], $0x20, s20, s10, $0xb8;
	[tilespmem:$0x15800] =	vst v63  }
0x9b: {  	_ = 	snop  }
0x9c: {  	[tilespmem:s23], [sflag:$0x1] =	stream.indirect.gather [spmem:s2], $0x20, s22, s10, $0xb8;
	[tilespmem:$0x15800] =	vst v63  }
0x9d: {  	_ = 	snop  }
0x9e: {  	[tilespmem:s25], [sflag:$0x1] =	stream.indirect.gather [spmem:s2], $0x20, s24, s10, $0xb8;
	[tilespmem:$0x15800] =	vst v63  }
0x9f: {  	_ = 	snop  }
0xa0: {  	[tilespmem:s28], [sflag:$0x1] =	stream.indirect.gather [spmem:s2], $0x20, s26, s10, $0xb8;
	[tilespmem:$0x15800] =	vst v63  }
0xa1: {  	_ = 	snop  }
0xa2: {  	[tilespmem:s30], [sflag:$0x1] =	stream.indirect.gather [spmem:s2], $0x20, s29, s10, $0xb8;
	[tilespmem:$0x15800] =	vst v63  }
0xa3: {  	_ = 	snop  }
0xa4: {  	[tilespmem:s0], [sflag:$0x1] =	stream.indirect.gather [spmem:s2], $0x20, s31, s10, $0xb8;
	[tilespmem:$0x15800] =	vst v63  }
0xa5: {  	_ =	swait.ge [sflag:s1], $0x1000  }
0xa6: {  	[sflag:s1] =	ssyncset.done $0x0  }
0xa7: {  	[sflag:s1] =	ssyncadd.s32 $0xFFFFF000  }
0xa8: {  	_ =	swait.ge [sflag:s1], $0x1000  }
0xa9: {  	[sflag:s1] =	ssyncset.done $0x0  }
0xaa: {  	[sflag:s1] =	ssyncadd.s32 $0xFFFFF000  }
0xab: {  	_ =	swait.ge [sflag:s1], $0x1000  }
0xac: {  	[sflag:s1] =	ssyncset.done $0x0  }
0xad: {  	[sflag:s1] =	ssyncadd.s32 $0xFFFFF000  }
0xae: {  	_ =	swait.ge [sflag:s1], $0x1000  }
0xaf: {  	[sflag:s1] =	ssyncset.done $0x0  }
0xb0: {  	[sflag:s1] =	ssyncadd.s32 $0xFFFFF000  }
0xb1: {  	_ =	swait.ge [sflag:s1], $0x1000  }
0xb2: {  	[sflag:s1] =	ssyncset.done $0x0  }
0xb3: {  	[sflag:s1] =	ssyncadd.s32 $0xFFFFF000  }
0xb4: {  	_ =	swait.ge [sflag:s1], $0x1000  }
0xb5: {  	[sflag:s1] =	ssyncset.done $0x0  }
0xb6: {  	[sflag:s1] =	ssyncadd.s32 $0xFFFFF000  }
0xb7: {  	_ =	swait.ge [sflag:s1], $0x1000  }
0xb8: {  	[sflag:s1] =	ssyncset.done $0x0  }
0xb9: {  	[sflag:s1] =	ssyncadd.s32 $0xFFFFF000  }
0xba: {  	_ =	swait.ge [sflag:s1], $0x1000  }
0xbb: {  	[sflag:s1] =	ssyncset.done $0x0  }
0xbc: {  	[sflag:s1] =	ssyncadd.s32 $0xFFFFF000  }
0xbd: {  	_ =	swait.ge [sflag:s1], $0x1000  }
0xbe: {  	[sflag:s1] =	ssyncset.done $0x0  }
0xbf: {  	[sflag:s1] =	ssyncadd.s32 $0xFFFFF000  }
0xc0: {  	_ =	swait.ge [sflag:s1], $0x1000  }
0xc1: {  	[sflag:s1] =	ssyncset.done $0x0  }
0xc2: {  	[sflag:s1] =	ssyncadd.s32 $0xFFFFF000  }
0xc3: {  	_ =	swait.ge [sflag:s1], $0x1000  }
0xc4: {  	[sflag:s1] =	ssyncset.done $0x0  }
0xc5: {  	[sflag:s1] =	ssyncadd.s32 $0xFFFFF000  }
0xc6: {  	_ =	swait.ge [sflag:s1], $0x1000  }
0xc7: {  	[sflag:s1] =	ssyncset.done $0x0  }
0xc8: {  	[sflag:s1] =	ssyncadd.s32 $0xFFFFF000  }
0xc9: {  	_ =	swait.ge [sflag:s1], $0x1000  }
0xca: {  	[sflag:s1] =	ssyncset.done $0x0  }
0xcb: {  	[sflag:s1] =	ssyncadd.s32 $0xFFFFF000  }
0xcc: {  	_ =	swait.ge [sflag:s1], $0x1000  }
0xcd: {  	[sflag:s1] =	ssyncset.done $0x0  }
0xce: {  	[sflag:s1] =	ssyncadd.s32 $0xFFFFF000  }
0xcf: {  	p0 =	sne.s32 s5, $0x400;
	_ =	swait.ge [sflag:s1], $0x1000  }
.Ltmp0:
0xd0: {  	[sflag:s1] =	ssyncset.done $0x0;
	(pc) =	sbr.rel @p0 .LBB2_2-.Ltmp0, $4  }
0xd1: {  	[sflag:s1] =	ssyncadd.s32 $0xFFFFF000  }
0xd2: {  	_ =	swait.ge [sflag:s1], $0x1000  }
0xd3: {  	s7 =	smov.u32 s6;
	[sflag:s1] =	ssyncset.done $0x0  }
0xd4: {  	s5 =	sadd.s32 $0x100, s5;
	s6 =	sadd.s32 $0x2000, s6;
	[sflag:s1] =	ssyncadd.s32 $0xFFFFF000  }
0xd5: {  	[hbm4b:s7+s3] =	stream.linear.scatter [tilespmem:s11], [sflag:$0x2], $0x10000, $0x38;
	[tilespmem:$0x15800] =	vst v63  }
0xd6: {  	_ =	swait.ge [sflag:s9], $0x10000  }
0xd7: {  	s5 =	rddreg [dreg:$0x12]  }
0xd8: {  	s4 =	rddreg [dreg:$0xf];
	s5 =	sadd.s32 $0x1, s5  }
0xd9: {  	p0 =	sne.s32 s5, s4  }
.Ltmp1:
0xda: {  	_ = 	snop;
	(pc) =	sbr.rel @p0 .LBB2_1-.Ltmp1, $3  }
0xdb: {  	_ =	sdelay $0x1  }
0xdc: {  	[sflag:s9] =	ssyncset.done $0x0  }
0xdd: {  	[sflag:s9] =	ssyncadd.s32 $0xFFFF0000  }
0xde: {  	_ =	sfence.sel $0x180000  }
0xdf: {  	[bflag:$0x0] =	sbarrier.arrive $0xFFFF  }
0xe0: {  	_ =	strace $0x9000004D  }
0xe1: {  	s0 =	stileid.u32;
	[bflag:$0x2] =	sbarrier.arrive $0xFFFF  }
0xe2: {  	p0 =	sne.s32 s0, $0x0;
	s0 =	rddreg [dreg:$0x2]  }
0xe3: {  	s0 =	sadd.s32 @!p0 $0x100000, s0  }
0xe4: {  	[sflag:s0] =	ssyncadd.tile.s32 @!p0 $0x1;
	_ =	shalt  }
.Lfunc_end2:
_tile_overlayer_lowered:
.L_overlay_start_2:
0xe5: {  	(tag) =	ssettag $0x2  }
0xe6: {  	s0 =	rddreg [dreg:$0x0];
	s2 =	stileid.u32  }
0xe7: {  	s1 =	rddreg [dreg:$0x1];
	p0 =	sne.s32 s2, $0x0  }
0xe8: {  	s3 =	rddreg [dreg:$0x2];
	[bflag:$0x3] =	sbarrier.arrive $0xFFFF;
	s2 =	simm.s32 @!p0 $0x1C02  }
0xe9: {  	[timem:s3], [sflag:s2] =	dma.local @!p0 [hbm:s0], s1  }
0xea: {  	s0 =	simm.s32 @!p0 $0x2  }
0xeb: {  	_ =	swait.ge @!p0 [sflag:s0], s1  }
0xec: {  	s1 =	ssub.s32 @!p0 $0x0, s1;
	[sflag:s0] =	ssyncset.done @!p0 $0x0  }
0xed: {  	[sflag:s0] =	ssyncadd.s32 @!p0 s1  }
0xee: {  	[bflag:$0x3] =	sbarrier.arrive $0xFFFF  }
0xef: {  	_ =	shalt  }

// kernel: sc_scatter_msg0.4.cloned.1.call-start
scs
__scs_entry_jumppad:
0x0: {  	(pc) =	sbr.rel $0x88, $3  }
0x1: {  	(tag) =	ssettag $0x0;
	lr =	simm.s32 $0x1  }
0x2: {  	[smem:$0x3F93] =	sst lr;
	_ =	strace $0xD0000000  }
0x3: {  	_ = 	snop  }
0x4: {  	_ = 	snop  }
0x5: {  	_ = 	snop  }
0x6: {  	_ = 	snop  }
0x7: {  	_ = 	snop  }
__scs_overlays_trampoline_lowered:
0x8: {  	[smem:$0x3FA2] =	sst s0  }
0x9: {  	[smem:$0x3FA3] =	sst s1  }
0xa: {  	[smem:$0x3FA4] =	sst s2  }
0xb: {  	[smem:$0x3FA5] =	sst s3  }
0xc: {  	[smem:$0x3FA6] =	sst s4  }
0xd: {  	[smem:$0x3FA7] =	sst s5  }
0xe: {  	[smem:$0x3FA8] =	sst s6  }
0xf: {  	[smem:$0x3FA9] =	sst s7  }
0x10: {  	[smem:$0x3FAA] =	sst s8  }
0x11: {  	[smem:$0x3FAB] =	sst s9;
	s0 =	simm.s32 @!p0 $0x0  }
0x12: {  	s1 =	sld [smem:$0x3F91];
	s0 =	simm.s32 @p0 $0x1  }
0x13: {  	[smem:$0x3FAC] =	sst s0;
	s0 =	simm.s32 @!p1 $0x0  }
0x14: {  	s2 =	sld [smem:$0x3F90];
	s0 =	simm.s32 @p1 $0x1  }
0x15: {  	[smem:$0x3FAD] =	sst s0;
	s0 =	simm.s32 @!p2 $0x0  }
0x16: {  	s3 =	sld [smem:$0x3FDB];
	s0 =	simm.s32 @p2 $0x1  }
0x17: {  	s4 =	simm.s32 $0x1BF5;
	[smem:$0x3FAF] =	sst s0  }
0x18: {  	s0 =	sld [smem:$0x3F92];
	_ =	swait.ge [sflag:s4], $0x0  }
0x19: {  	s7 =	sld [smem:$0x3F93]  }
0x1a: {  	s8 =	sadd.s32 $0xFFFFE003, lr  }
0x1b: {  	s9 =	sadd.s32 $0xFFFFFEF7, lr;
	s5 =	simm.s32 $0xFFFFFFFF;
	p2 =	slt.u32 s8, $0xFFFFF086  }
0x1c: {  	p1 =	slt.u32 s9, $0xF7A;
	s5 =	simm.s32 @!p2 $0x0  }
0x1d: {  	s5 =	simm.s32 @p1 $0x1;
	p0 =	seq.s32 s7, s2  }
0x1e: {  	s7 =	smul.u32 @!p0 $0xF7A, s2;
	p2 =	seq.s32 @!p0 s5, $0x0  }
0x1f: {  	s9 =	smul.u32 $0xF7A, s1;
	s8 =	simm.s32 @!p0 $0x1BF5;
	p2 =	por !p2, p0  }
0x20: {  	[sflag:s8] =	ssyncset.s32 @!p0 $0xFFFFF086;
	s6 =	sadd.s32 @!p0 s3, s7;
	s7 =	simm.s32 @!p0 $0x108  }
0x21: {  	s3 =	sadd.s32 s3, s9;
	s6 =	sadd.s32 @!p0 $0x88, s6;
	s7 =	simm.s32 @p2 $0x1082  }
0x22: {  	[simem:s7], [sflag:s8] =	dma.local @!p0 [hbm:s6], $0xF7A  }
0x23: {  	s9 =	sor.u32 $0xD0000000, s2;
	s6 =	simm.s32 $0x108;
	_ =	swait.ge @!p0 [sflag:s8], $0x0  }
0x24: {  	s3 =	sadd.s32 $0x88, s3;
	s6 =	simm.s32 @!p1 $0x1082;
	[sflag:s4] =	ssyncset.s32 $0xFFFFF086  }
0x25: {  	[simem:s6], [sflag:s4] =	dma.local [hbm:s3], $0xF7A  }
0x26: {  	[smem:$0x3F93] =	sst s1;
	(tag) =	ssettag s2;
	_ =	strace s9  }
0x27: {  	s1 =	sld [smem:$0x3FA3]  }
0x28: {  	s2 =	sld [smem:$0x3FA4]  }
0x29: {  	s4 =	sld [smem:$0x3FA6]  }
0x2a: {  	p0 =	seq.s32 s5, $0x0;
	s5 =	sld [smem:$0x3FA7]  }
0x2b: {  	s6 =	sld [smem:$0x3FA8]  }
0x2c: {  	s7 =	sld [smem:$0x3FA9]  }
0x2d: {  	s3 =	simm.s32 $0x108;
	s8 =	sld [smem:$0x3FAA]  }
0x2e: {  	s3 =	simm.s32 @!p0 $0x1082;
	s9 =	sld [smem:$0x3FAB]  }
0x2f: {  	lr =	sadd.s32 s0, s3;
	s0 =	sld [smem:$0x3FA2]  }
0x30: {  	s3 =	sld [smem:$0x3FA5]  }
0x31: {  	[smem:$0x3FAE] =	sst s10  }
0x32: {  	s10 =	sld [smem:$0x3FAC];
	_ =	sdelay $0x3  }
0x33: {  	p0 =	seq.s32 s10, $0x1;
	s10 =	sld [smem:$0x3FAE];
	_ =	sdelay $0x3  }
0x34: {  	[smem:$0x3FAE] =	sst s10  }
0x35: {  	s10 =	sld [smem:$0x3FAD];
	_ =	sdelay $0x3  }
0x36: {  	p1 =	seq.s32 s10, $0x1;
	s10 =	sld [smem:$0x3FAE];
	_ =	sdelay $0x3  }
0x37: {  	[smem:$0x3FAE] =	sst s10  }
0x38: {  	s10 =	sld [smem:$0x3FAF]  }
0x39: {  	_ = 	snop;
	(pc) =	sbr.ind lr, $3  }
0x3a: {  	_ = 	snop  }
0x3b: {  	_ = 	snop  }
0x3c: {  	p2 =	seq.s32 s10, $0x1;
	s10 =	sld [smem:$0x3FAE]  }
0x3d: {  	_ =	shalt  }
0x3e: {  	_ =	shalt  }
0x3f: {  	_ =	shalt  }
0x40: {  	_ =	shalt  }
0x41: {  	_ =	shalt  }
0x42: {  	_ =	shalt  }
0x43: {  	_ =	shalt  }
0x44: {  	_ =	shalt  }
0x45: {  	_ =	shalt  }
0x46: {  	_ =	shalt  }
0x47: {  	_ =	shalt  }
0x48: {  	_ =	shalt  }
0x49: {  	_ =	shalt  }
0x4a: {  	_ =	shalt  }
0x4b: {  	_ =	shalt  }
0x4c: {  	_ =	shalt  }
0x4d: {  	_ =	shalt  }
0x4e: {  	_ =	shalt  }
0x4f: {  	_ =	shalt  }
0x50: {  	_ =	shalt  }
0x51: {  	_ =	shalt  }
0x52: {  	_ =	shalt  }
0x53: {  	_ =	shalt  }
0x54: {  	_ =	shalt  }
0x55: {  	_ =	shalt  }
0x56: {  	_ =	shalt  }
0x57: {  	_ =	shalt  }
0x58: {  	_ =	shalt  }
0x59: {  	_ =	shalt  }
0x5a: {  	_ =	shalt  }
0x5b: {  	_ =	shalt  }
0x5c: {  	_ =	shalt  }
0x5d: {  	_ =	shalt  }
0x5e: {  	_ =	shalt  }
0x5f: {  	_ =	shalt  }
0x60: {  	_ =	shalt  }
0x61: {  	_ =	shalt  }
0x62: {  	_ =	shalt  }
0x63: {  	_ =	shalt  }
0x64: {  	_ =	shalt  }
0x65: {  	_ =	shalt  }
0x66: {  	_ =	shalt  }
0x67: {  	_ =	shalt  }
0x68: {  	_ =	shalt  }
0x69: {  	_ =	shalt  }
0x6a: {  	_ =	shalt  }
0x6b: {  	_ =	shalt  }
0x6c: {  	_ =	shalt  }
0x6d: {  	_ =	shalt  }
0x6e: {  	_ =	shalt  }
0x6f: {  	_ =	shalt  }
0x70: {  	_ =	shalt  }
0x71: {  	_ =	shalt  }
0x72: {  	_ =	shalt  }
0x73: {  	_ =	shalt  }
0x74: {  	_ =	shalt  }
0x75: {  	_ =	shalt  }
0x76: {  	_ =	shalt  }
0x77: {  	_ =	shalt  }
0x78: {  	_ =	shalt  }
0x79: {  	_ =	shalt  }
0x7a: {  	_ =	shalt  }
0x7b: {  	_ =	shalt  }
0x7c: {  	_ =	shalt  }
0x7d: {  	_ =	shalt  }
0x7e: {  	_ =	shalt  }
0x7f: {  	_ =	shalt  }
0x80: {  	_ =	shalt  }
0x81: {  	_ =	shalt  }
0x82: {  	_ =	shalt  }
0x83: {  	_ =	shalt  }
0x84: {  	_ =	shalt  }
0x85: {  	_ =	shalt  }
0x86: {  	_ =	shalt  }
0x87: {  	_ =	shalt  }
.Lfunc_end0:
.L_simem_size_0:
called_computation.1_lowered:
.L_overlay_start_0:
0x88: {  	s2 =	sld [smem:$0x3FD9]  }
0x89: {  	s3 =	sld [smem:$0x3FFE];
	_ =	sdelay $0x1  }
0x8a: {  	s1 =	srdreg.scid  }
0x8b: {  	s0 =	sand.u32 $0x1, s1  }
0x8c: {  	s16 =	sshll.u32 s0, $0xA;
	s2 =	sadd.s32 s3, s2  }
0x8d: {  	s2 =	sadd.s32 s2, s16  }
0x8e: {  	[smem:$0x3FBA] =	sst s2  }
0x8f: {  	_ = 	snop  }
0x90: {  	(tm) =	ssettm $0x1  }
0x91: {  	s17 =	sld [smem:$0x3FFB];
	_ =	sdelay $0x3  }
0x92: {  	_ =	strace s17  }
0x93: {  	s2 =	sld [smem:$0x3FFC];
	_ =	sdelay $0x3  }
0x94: {  	_ =	strace s2  }
0x95: {  	s2 =	sld [smem:$0x3FFD];
	_ =	sdelay $0x3  }
0x96: {  	_ =	strace s2  }
0x97: {  	_ =	strace $0x8FFFFFFF  }
0x98: {  	s18 =	sld [smem:$0x3FDB];
	_ =	sdelay $0x1  }
0x99: {  	s19 =	simm.s32 $_scs_section_size  }
0x9a: {  	s4 =	simm.s32 $_size__tile_overlayer_lowered;
	s5 =	simm.s32 $_tile_overlayer_lowered  }
0x9b: {  	s22 =	simm.s32 $0x1BFF;
	s21 =	sshll.u32 s5, $0x1;
	s2 =	sadd.s32 s19, s18  }
0x9c: {  	s6 =	simm.s32 $0x0;
	s20 =	sshll.u32 s4, $0x1;
	s4 =	sadd.s32 s21, s2  }
0x9d: {  	[timem:s6], [sflag:s22] =	dma.local [hbm:s4], s20  }
0x9e: {  	_ =	swait.ge [sflag:s22], s20  }
0x9f: {  	s3 =	ssub.s32 $0x0, s20;
	[sflag:s22] =	ssyncset.done $0x0  }
0xa0: {  	[sflag:s22] =	ssyncadd.s32 s3;
	_ =	sdelay $0x1  }
0xa1: {  	s23 =	simm.s32 $0x1B8B  }
0xa2: {  	_ =	swait.ge [sflag:s23], $0x1  }
0xa3: {  	[sflag:s23] =	ssyncset.done $0x0  }
0xa4: {  	s25 =	simm.s32 $0x1B8E;
	s24 =	sld [smem:$0x3FFE];
	[sflag:s23] =	ssyncadd.s32 $0xFFFFFFFF  }
0xa5: {  	s26 =	simm.s32 $execute0_lowered;
	[smem:$0x3FD2] =	sst s25  }
0xa6: {  	s4 =	sshll.u32 s26, $0x1;
	_ =	strace $0x80000049;
	[dreg:$0x1] =	wrdreg $0xFFFFFFFF  }
0xa7: {  	s28 =	simm.s32 $_size_execute0_lowered;
	s2 =	sadd.s32 s2, s4;
	[dreg:$0x0] =	wrdreg $0x0  }
0xa8: {  	s4 =	sshll.u32 s28, $0x1;
	[dreg:$0x2] =	wrdreg s2  }
0xa9: {  	[dreg:$0x3] =	wrdreg s4  }
0xaa: {  	[dreg:$0x4] =	wrdreg $0xC0  }
0xab: {  	_ =	task [dreg:s6], $0x5FFFF  }
0xac: {  	[dreg:$0x1] =	wrdreg $0xFFFFFFFF  }
0xad: {  	[dreg:$0x0] =	wrdreg $0x60  }
0xae: {  	[dreg:$0x2] =	wrdreg s24  }
0xaf: {  	[dreg:$0x3] =	wrdreg $0x108000  }
0xb0: {  	[dreg:$0x4] =	wrdreg $0x9  }
0xb1: {  	_ =	task.clear_ibuf [dreg:s6], $0x5FFFF;
	_ =	strace $0x90000049  }
0xb2: {  	s29 =	simm.s32 $0x9;
	_ =	strace $0x8000004B  }
0xb3: {  	_ =	swait.ge [sflag:s29], $0x1  }
0xb4: {  	[sflag:s29] =	ssyncadd.s32 $0xFFFFFFFF  }
0xb5: {  	_ =	strace $0x9000004B  }
0xb6: {  	_ =	sfence  }
0xb7: {  	s30 =	sld [smem:$0x0];
	_ =	sdelay $0x2  }
0xb8: {  	s31 =	sshll.u32 s1, $0xD;
	s1 =	sshrl.u32 s1, $0x2  }
0xb9: {  	s3 =	sand.u32 $0x4000, s31;
	s1 =	sadd.s32 s1, s30  }
0xba: {  	s0 =	sor.u32 s3, s0;
	s1 =	sshll.u32 s1, $0x11  }
0xbb: {  	s0 =	sor.u32 s1, s0  }
0xbc: {  	s0 =	sadd.s32 $0x8F2B, s0  }
0xbd: {  	[sflag:s0] =	ssyncadd.remote.s32 $0x1  }
0xbe: {  	_ =	sfence.sel $0xFFFF  }
0xbf: {  	[dreg:$0x0] =	wrdreg $0xFFFFFFFF;
	(pc) =	sbr.abs _section_cstart, $3  }
0xc0: {  	[dreg:$0x1] =	wrdreg $0xFFFFFFFF  }
0xc1: {  	_ =	task.clear_ibuf [dreg:s6], $0x2FFFF;
	_ =	strace $0x9FFFFFFF  }
0xc2: {  	(tm) =	ssettm $0x7FFFFFFF  }
0xc3: {  	_ =	shalt  }
tec
execute0_lowered:
.L_overlay_start_1:
0x0: {  	(tag) =	ssettag $0x1  }
0x1: {  	s0 =	rddreg [dreg:$0x0]  }
0x2: {  	s2 =	rddreg [dreg:$0x1]  }
0x3: {  	s3 =	simm.s32 $0x0;
	s11 =	stileid.u32;
	s5 =	srdreg.scid  }
0x4: {  	s17 =	simm.s32 $0x1800;
	s18 =	simm.s32 $0x100;
	s19 =	simm.s32 $0x2800  }
0x5: {  	s20 =	simm.s32 $0x180;
	s21 =	simm.s32 $0x3800;
	s22 =	simm.s32 $0x200  }
0x6: {  	s12 =	simm.s32 $0x5800;
	s13 =	simm.s32 $0x300;
	s14 =	simm.s32 $0x6800  }
0x7: {  	s15 =	simm.s32 $0x380;
	s28 =	simm.s32 $0xC800;
	s29 =	simm.s32 $0x680  }
0x8: {  	s30 =	simm.s32 $0xD800;
	s31 =	simm.s32 $0x700;
	[smem:$0x7FF] =	sst s3  }
0x9: {  	s1 =	smul.u32 $0xA00, s11;
	_ =	strace $0x8000004A;
	[dreg:$0x4] =	wrdreg s17  }
0xa: {  	s4 =	smul.u32 $0x5000, s11;
	s5 =	sand.u32 $0x1, s5;
	[dreg:$0x5] =	wrdreg s18  }
0xb: {  	s25 =	sshll.u32 s11, $0x6;
	s16 =	smul.u32 $0x14000, s11;
	[dreg:$0x6] =	wrdreg s19  }
0xc: {  	s11 =	simm.s32 $0x80;
	s7 =	smul.u32 $0xA000, s5;
	[dreg:$0x7] =	wrdreg s20  }
0xd: {  	s8 =	ssub.s32 $0x2, s5;
	s5 =	smul.u32 $0x500, s5;
	[dreg:$0x8] =	wrdreg s21  }
0xe: {  	[dreg:$0x9] =	wrdreg s22;
	s17 =	simm.s32 $0x400;
	s18 =	simm.s32 $0x8800  }
0xf: {  	s19 =	simm.s32 $0x480;
	s20 =	simm.s32 $0x9800;
	s21 =	simm.s32 $0x500  }
0x10: {  	s22 =	simm.s32 $0xA800;
	s1 =	sadd.s32 s1, s0;
	s6 =	sshrl.u32 s4, $0x3  }
0x11: {  	s10 =	sshrl.u32 s8, $0x1;
	s4 =	sadd.s32 s4, s2;
	s9 =	sadd.s32 s6, s0  }
0x12: {  	s0 =	sadd.s32 s7, s0;
	s23 =	ssub.s32 s8, s10;
	s1 =	sadd.s32 s5, s1  }
0x13: {  	s10 =	simm.s32 $0x800;
	s24 =	sadd.s32 $0x15C00, s9;
	s26 =	sadd.s32 $0x1FC00, s0  }
0x14: {  	s1 =	sadd.s32 $0x1C00, s1;
	s7 =	smax.u32 s23, $0x1;
	[dreg:$0xc] =	wrdreg s24  }
0x15: {  	s0 =	sadd.s32 s16, s0;
	s9 =	simm.s32 $0x1;
	[dreg:$0x3] =	wrdreg s1  }
0x16: {  	s23 =	simm.s32 $0x4800;
	s16 =	simm.s32 $0x7800;
	[dreg:$0xe] =	wrdreg s7  }
0x17: {  	s24 =	sor.u32 $0x1C01, s25;
	s0 =	sadd.s32 $0x29FC00, s0;
	[dreg:$0xa] =	wrdreg s23  }
0x18: {  	s7 =	sshrl.u32 s4, $0x3;
	s25 =	simm.s32 $0x280;
	[dreg:$0xf] =	wrdreg s0  }
0x19: {  	s23 =	simm.s32 $0x580;
	s26 =	sadd.s32 s6, s26;
	[dreg:$0xb] =	wrdreg s25  }
0x1a: {  	s1 =	simm.s32 $0x780;
	s4 =	simm.s32 $0xF800;
	[dreg:$0x11] =	wrdreg s26  }
0x1b: {  	s6 =	simm.s32 $0x0;
	s25 =	simm.s32 $0xB800;
	[dreg:$0xd] =	wrdreg s24  }
0x1c: {  	s26 =	simm.s32 $0x600;
	s0 =	simm.s32 $0xE800;
	[dreg:$0x10] =	wrdreg s7  }
.LBB2_1:
0x1d: {  	s5 =	rddreg [dreg:$0xc]  }
0x1e: {  	[spmem:s7], [sflag:s24] =	dma.local [hbm:s5], $0xA00  }
0x1f: {  	_ =	swait.ge [sflag:s9], $0xA00  }
0x20: {  	[sflag:s9] =	ssyncset.done $0x0  }
0x21: {  	[sflag:s9] =	ssyncadd.s32 $0xFFFFF600  }
0x22: {  	[bflag:$0x0] =	sbarrier.arrive $0xFFFF  }
0x23: {  	s7 =	rddreg [dreg:$0x3]  }
0x24: {  	s5 =	sadd.s32 $0x0, s7  }
0x25: {  	[tilespmem:s3], [sflag:$0x1] =	stream.linear.gather [hbm4b:s5+s3], $0x800, $0x38;
	[tilespmem:$0x15800] =	vst v63  }
0x26: {  	_ =	swait.ge [sflag:s9], $0x800  }
0x27: {  	[sflag:s9] =	ssyncset.done $0x0  }
0x28: {  	s7 =	rddreg [dreg:$0xf];
	[sflag:s9] =	ssyncadd.s32 $0xFFFFF800  }
0x29: {  	[tilespmem:s10], [sflag:$0x1] =	stream.linear.gather [hbm4b:s7+s3], $0x10000, $0x38;
	[tilespmem:$0x15800] =	vst v63  }
0x2a: {  	_ =	swait.ge [sflag:s9], $0x10000  }
0x2b: {  	[sflag:s9] =	ssyncset.done $0x0  }
0x2c: {  	[sflag:s9] =	ssyncadd.s32 $0xFFFF0000  }
0x2d: {  	[spmem:s2] =	stream.indirect.scatter.add.f32 [tilespmem:s10], [sflag:$0x1], $0x20, s3, s11, $0xb8;
	[tilespmem:$0x15800] =	vst v63  }
0x2e: {  	_ =	swait.ge [sflag:s9], $0x1000  }
0x2f: {  	[sflag:s9] =	ssyncset.done $0x0  }
0x30: {  	s8 =	rddreg [dreg:$0x4];
	[sflag:s9] =	ssyncadd.s32 $0xFFFFF000  }
0x31: {  	[spmem:s2] =	stream.indirect.scatter.add.f32 [tilespmem:s8], [sflag:$0x1], $0x20, s11, s11, $0xb8;
	[tilespmem:$0x15800] =	vst v63  }
0x32: {  	_ =	swait.ge [sflag:s9], $0x1000  }
0x33: {  	s24 =	rddreg [dreg:$0x5];
	[sflag:s9] =	ssyncset.done $0x0  }
0x34: {  	s8 =	rddreg [dreg:$0x6];
	[sflag:s9] =	ssyncadd.s32 $0xFFFFF000  }
0x35: {  	[spmem:s2] =	stream.indirect.scatter.add.f32 [tilespmem:s8], [sflag:$0x1], $0x20, s24, s11, $0xb8;
	[tilespmem:$0x15800] =	vst v63  }
0x36: {  	_ =	swait.ge [sflag:s9], $0x1000  }
0x37: {  	s24 =	rddreg [dreg:$0x7];
	[sflag:s9] =	ssyncset.done $0x0  }
0x38: {  	s8 =	rddreg [dreg:$0x8];
	[sflag:s9] =	ssyncadd.s32 $0xFFFFF000  }
0x39: {  	[spmem:s2] =	stream.indirect.scatter.add.f32 [tilespmem:s8], [sflag:$0x1], $0x20, s24, s11, $0xb8;
	[tilespmem:$0x15800] =	vst v63  }
0x3a: {  	_ =	swait.ge [sflag:s9], $0x1000  }
0x3b: {  	s24 =	rddreg [dreg:$0x9];
	[sflag:s9] =	ssyncset.done $0x0  }
0x3c: {  	s8 =	rddreg [dreg:$0xa];
	[sflag:s9] =	ssyncadd.s32 $0xFFFFF000  }
0x3d: {  	[spmem:s2] =	stream.indirect.scatter.add.f32 [tilespmem:s8], [sflag:$0x1], $0x20, s24, s11, $0xb8;
	[tilespmem:$0x15800] =	vst v63  }
0x3e: {  	_ =	swait.ge [sflag:s9], $0x1000  }
0x3f: {  	[sflag:s9] =	ssyncset.done $0x0  }
0x40: {  	s24 =	rddreg [dreg:$0xb];
	[sflag:s9] =	ssyncadd.s32 $0xFFFFF000  }
0x41: {  	[spmem:s2] =	stream.indirect.scatter.add.f32 [tilespmem:s12], [sflag:$0x1], $0x20, s24, s11, $0xb8;
	[tilespmem:$0x15800] =	vst v63  }
0x42: {  	_ =	swait.ge [sflag:s9], $0x1000  }
0x43: {  	[sflag:s9] =	ssyncset.done $0x0  }
0x44: {  	[sflag:s9] =	ssyncadd.s32 $0xFFFFF000  }
0x45: {  	[spmem:s2] =	stream.indirect.scatter.add.f32 [tilespmem:s14], [sflag:$0x1], $0x20, s13, s11, $0xb8;
	[tilespmem:$0x15800] =	vst v63  }
0x46: {  	_ =	swait.ge [sflag:s9], $0x1000  }
0x47: {  	[sflag:s9] =	ssyncset.done $0x0  }
0x48: {  	[sflag:s9] =	ssyncadd.s32 $0xFFFFF000  }
0x49: {  	[spmem:s2] =	stream.indirect.scatter.add.f32 [tilespmem:s16], [sflag:$0x1], $0x20, s15, s11, $0xb8;
	[tilespmem:$0x15800] =	vst v63  }
0x4a: {  	_ =	swait.ge [sflag:s9], $0x1000  }
0x4b: {  	[sflag:s9] =	ssyncset.done $0x0  }
0x4c: {  	[sflag:s9] =	ssyncadd.s32 $0xFFFFF000  }
0x4d: {  	[spmem:s2] =	stream.indirect.scatter.add.f32 [tilespmem:s18], [sflag:$0x1], $0x20, s17, s11, $0xb8;
	[tilespmem:$0x15800] =	vst v63  }
0x4e: {  	_ =	swait.ge [sflag:s9], $0x1000  }
0x4f: {  	[sflag:s9] =	ssyncset.done $0x0  }
0x50: {  	[sflag:s9] =	ssyncadd.s32 $0xFFFFF000  }
0x51: {  	[spmem:s2] =	stream.indirect.scatter.add.f32 [tilespmem:s20], [sflag:$0x1], $0x20, s19, s11, $0xb8;
	[tilespmem:$0x15800] =	vst v63  }
0x52: {  	_ =	swait.ge [sflag:s9], $0x1000  }
0x53: {  	[sflag:s9] =	ssyncset.done $0x0  }
0x54: {  	[sflag:s9] =	ssyncadd.s32 $0xFFFFF000  }
0x55: {  	[spmem:s2] =	stream.indirect.scatter.add.f32 [tilespmem:s22], [sflag:$0x1], $0x20, s21, s11, $0xb8;
	[tilespmem:$0x15800] =	vst v63  }
0x56: {  	_ =	swait.ge [sflag:s9], $0x1000  }
0x57: {  	[sflag:s9] =	ssyncset.done $0x0  }
0x58: {  	[sflag:s9] =	ssyncadd.s32 $0xFFFFF000  }
0x59: {  	[spmem:s2] =	stream.indirect.scatter.add.f32 [tilespmem:s25], [sflag:$0x1], $0x20, s23, s11, $0xb8;
	[tilespmem:$0x15800] =	vst v63  }
0x5a: {  	_ =	swait.ge [sflag:s9], $0x1000  }
0x5b: {  	[sflag:s9] =	ssyncset.done $0x0  }
0x5c: {  	[sflag:s9] =	ssyncadd.s32 $0xFFFFF000  }
0x5d: {  	[spmem:s2] =	stream.indirect.scatter.add.f32 [tilespmem:s28], [sflag:$0x1], $0x20, s26, s11, $0xb8;
	[tilespmem:$0x15800] =	vst v63  }
0x5e: {  	_ =	swait.ge [sflag:s9], $0x1000  }
0x5f: {  	[sflag:s9] =	ssyncset.done $0x0  }
0x60: {  	[sflag:s9] =	ssyncadd.s32 $0xFFFFF000  }
0x61: {  	[spmem:s2] =	stream.indirect.scatter.add.f32 [tilespmem:s30], [sflag:$0x1], $0x20, s29, s11, $0xb8;
	[tilespmem:$0x15800] =	vst v63  }
0x62: {  	_ =	swait.ge [sflag:s9], $0x1000  }
0x63: {  	[sflag:s9] =	ssyncset.done $0x0  }
0x64: {  	[sflag:s9] =	ssyncadd.s32 $0xFFFFF000  }
0x65: {  	[spmem:s2] =	stream.indirect.scatter.add.f32 [tilespmem:s0], [sflag:$0x1], $0x20, s31, s11, $0xb8;
	[tilespmem:$0x15800] =	vst v63  }
0x66: {  	_ =	swait.ge [sflag:s9], $0x1000  }
0x67: {  	[sflag:s9] =	ssyncset.done $0x0  }
0x68: {  	s5 =	sadd.s32 $0x2000, s7;
	s24 =	simm.s32 $0x100;
	[sflag:s9] =	ssyncadd.s32 $0xFFFFF000  }
.LBB2_2:
0x69: {  	[spmem:s2] =	stream.indirect.scatter.add.f32 [tilespmem:s4], [sflag:$0x1], $0x20, s1, s11, $0xb8;
	[tilespmem:$0x15800] =	vst v63  }
0x6a: {  	_ =	swait.ge [sflag:s9], $0x1000  }
0x6b: {  	s7 =	smov.u32 s24;
	s8 =	rddreg [dreg:$0x3];
	[sflag:s9] =	ssyncset.done $0x0  }
0x6c: {  	[sflag:s9] =	ssyncadd.s32 $0xFFFFF000;
	s7 =	sadd.s32 s7, s8  }
0x6d: {  	[tilespmem:s3], [sflag:$0x1] =	stream.linear.gather [hbm4b:s7+s3], $0x800, $0x38;
	[tilespmem:$0x15800] =	vst v63  }
0x6e: {  	_ =	swait.ge [sflag:s9], $0x800  }
0x6f: {  	[sflag:s9] =	ssyncset.done $0x0  }
0x70: {  	[sflag:s9] =	ssyncadd.s32 $0xFFFFF800  }
0x71: {  	[tilespmem:s10], [sflag:$0x1] =	stream.linear.gather [hbm4b:s5+s3], $0x10000, $0x38;
	[tilespmem:$0x15800] =	vst v63  }
0x72: {  	_ =	swait.ge [sflag:s9], $0x10000  }
0x73: {  	[sflag:s9] =	ssyncset.done $0x0  }
0x74: {  	[sflag:s9] =	ssyncadd.s32 $0xFFFF0000  }
0x75: {  	[spmem:s2] =	stream.indirect.scatter.add.f32 [tilespmem:s10], [sflag:$0x1], $0x20, s3, s11, $0xb8;
	[tilespmem:$0x15800] =	vst v63  }
0x76: {  	_ =	swait.ge [sflag:s9], $0x1000  }
0x77: {  	[sflag:s9] =	ssyncset.done $0x0  }
0x78: {  	s8 =	rddreg [dreg:$0x4];
	[sflag:s9] =	ssyncadd.s32 $0xFFFFF000  }
0x79: {  	[spmem:s2] =	stream.indirect.scatter.add.f32 [tilespmem:s8], [sflag:$0x1], $0x20, s11, s11, $0xb8;
	[tilespmem:$0x15800] =	vst v63  }
0x7a: {  	_ =	swait.ge [sflag:s9], $0x1000  }
0x7b: {  	s7 =	rddreg [dreg:$0x5];
	[sflag:s9] =	ssyncset.done $0x0  }
0x7c: {  	s8 =	rddreg [dreg:$0x6];
	[sflag:s9] =	ssyncadd.s32 $0xFFFFF000  }
0x7d: {  	[spmem:s2] =	stream.indirect.scatter.add.f32 [tilespmem:s8], [sflag:$0x1], $0x20, s7, s11, $0xb8;
	[tilespmem:$0x15800] =	vst v63  }
0x7e: {  	_ =	swait.ge [sflag:s9], $0x1000  }
0x7f: {  	[sflag:s9] =	ssyncset.done $0x0;
	s7 =	rddreg [dreg:$0x7]  }
0x80: {  	s8 =	rddreg [dreg:$0x8];
	[sflag:s9] =	ssyncadd.s32 $0xFFFFF000  }
0x81: {  	[spmem:s2] =	stream.indirect.scatter.add.f32 [tilespmem:s8], [sflag:$0x1], $0x20, s7, s11, $0xb8;
	[tilespmem:$0x15800] =	vst v63  }
0x82: {  	_ =	swait.ge [sflag:s9], $0x1000  }
0x83: {  	[sflag:s9] =	ssyncset.done $0x0;
	s7 =	rddreg [dreg:$0x9]  }
0x84: {  	s8 =	rddreg [dreg:$0xa];
	[sflag:s9] =	ssyncadd.s32 $0xFFFFF000  }
0x85: {  	[spmem:s2] =	stream.indirect.scatter.add.f32 [tilespmem:s8], [sflag:$0x1], $0x20, s7, s11, $0xb8;
	[tilespmem:$0x15800] =	vst v63  }
0x86: {  	_ =	swait.ge [sflag:s9], $0x1000  }
0x87: {  	[sflag:s9] =	ssyncset.done $0x0  }
0x88: {  	s8 =	rddreg [dreg:$0xb];
	[sflag:s9] =	ssyncadd.s32 $0xFFFFF000  }
0x89: {  	[spmem:s2] =	stream.indirect.scatter.add.f32 [tilespmem:s12], [sflag:$0x1], $0x20, s8, s11, $0xb8;
	[tilespmem:$0x15800] =	vst v63  }
0x8a: {  	_ =	swait.ge [sflag:s9], $0x1000  }
0x8b: {  	[sflag:s9] =	ssyncset.done $0x0  }
0x8c: {  	[sflag:s9] =	ssyncadd.s32 $0xFFFFF000  }
0x8d: {  	[spmem:s2] =	stream.indirect.scatter.add.f32 [tilespmem:s14], [sflag:$0x1], $0x20, s13, s11, $0xb8;
	[tilespmem:$0x15800] =	vst v63  }
0x8e: {  	_ =	swait.ge [sflag:s9], $0x1000  }
0x8f: {  	[sflag:s9] =	ssyncset.done $0x0  }
0x90: {  	[sflag:s9] =	ssyncadd.s32 $0xFFFFF000  }
0x91: {  	[spmem:s2] =	stream.indirect.scatter.add.f32 [tilespmem:s16], [sflag:$0x1], $0x20, s15, s11, $0xb8;
	[tilespmem:$0x15800] =	vst v63  }
0x92: {  	_ =	swait.ge [sflag:s9], $0x1000  }
0x93: {  	[sflag:s9] =	ssyncset.done $0x0  }
0x94: {  	[sflag:s9] =	ssyncadd.s32 $0xFFFFF000  }
0x95: {  	[spmem:s2] =	stream.indirect.scatter.add.f32 [tilespmem:s18], [sflag:$0x1], $0x20, s17, s11, $0xb8;
	[tilespmem:$0x15800] =	vst v63  }
0x96: {  	_ =	swait.ge [sflag:s9], $0x1000  }
0x97: {  	[sflag:s9] =	ssyncset.done $0x0  }
0x98: {  	[sflag:s9] =	ssyncadd.s32 $0xFFFFF000  }
0x99: {  	[spmem:s2] =	stream.indirect.scatter.add.f32 [tilespmem:s20], [sflag:$0x1], $0x20, s19, s11, $0xb8;
	[tilespmem:$0x15800] =	vst v63  }
0x9a: {  	_ =	swait.ge [sflag:s9], $0x1000  }
0x9b: {  	[sflag:s9] =	ssyncset.done $0x0  }
0x9c: {  	[sflag:s9] =	ssyncadd.s32 $0xFFFFF000  }
0x9d: {  	[spmem:s2] =	stream.indirect.scatter.add.f32 [tilespmem:s22], [sflag:$0x1], $0x20, s21, s11, $0xb8;
	[tilespmem:$0x15800] =	vst v63  }
0x9e: {  	_ =	swait.ge [sflag:s9], $0x1000  }
0x9f: {  	[sflag:s9] =	ssyncset.done $0x0  }
0xa0: {  	[sflag:s9] =	ssyncadd.s32 $0xFFFFF000  }
0xa1: {  	[spmem:s2] =	stream.indirect.scatter.add.f32 [tilespmem:s25], [sflag:$0x1], $0x20, s23, s11, $0xb8;
	[tilespmem:$0x15800] =	vst v63  }
0xa2: {  	_ =	swait.ge [sflag:s9], $0x1000  }
0xa3: {  	[sflag:s9] =	ssyncset.done $0x0  }
0xa4: {  	[sflag:s9] =	ssyncadd.s32 $0xFFFFF000  }
0xa5: {  	[spmem:s2] =	stream.indirect.scatter.add.f32 [tilespmem:s28], [sflag:$0x1], $0x20, s26, s11, $0xb8;
	[tilespmem:$0x15800] =	vst v63  }
0xa6: {  	_ =	swait.ge [sflag:s9], $0x1000  }
0xa7: {  	[sflag:s9] =	ssyncset.done $0x0  }
0xa8: {  	[sflag:s9] =	ssyncadd.s32 $0xFFFFF000  }
0xa9: {  	[spmem:s2] =	stream.indirect.scatter.add.f32 [tilespmem:s30], [sflag:$0x1], $0x20, s29, s11, $0xb8;
	[tilespmem:$0x15800] =	vst v63  }
0xaa: {  	_ =	swait.ge [sflag:s9], $0x1000  }
0xab: {  	p0 =	sne.s32 s24, $0x400;
	[sflag:s9] =	ssyncset.done $0x0  }
.Ltmp0:
0xac: {  	[sflag:s9] =	ssyncadd.s32 $0xFFFFF000;
	(pc) =	sbr.rel @p0 .LBB2_2-.Ltmp0, $4  }
0xad: {  	[spmem:s2] =	stream.indirect.scatter.add.f32 [tilespmem:s0], [sflag:$0x1], $0x20, s31, s11, $0xb8;
	[tilespmem:$0x15800] =	vst v63  }
0xae: {  	_ =	swait.ge [sflag:s9], $0x1000  }
0xaf: {  	[sflag:s9] =	ssyncset.done $0x0  }
0xb0: {  	s24 =	sadd.s32 $0x100, s24;
	s5 =	sadd.s32 $0x2000, s5;
	[sflag:s9] =	ssyncadd.s32 $0xFFFFF000  }
0xb1: {  	[spmem:s2] =	stream.indirect.scatter.add.f32 [tilespmem:s4], [sflag:$0x1], $0x20, s1, s11, $0xb8;
	[tilespmem:$0x15800] =	vst v63  }
0xb2: {  	_ =	swait.ge [sflag:s9], $0x1000  }
0xb3: {  	[sflag:s9] =	ssyncset.done $0x0  }
0xb4: {  	[sflag:s9] =	ssyncadd.s32 $0xFFFFF000  }
0xb5: {  	[bflag:$0x0] =	sbarrier.arrive $0xFFFF  }
0xb6: {  	s24 =	rddreg [dreg:$0xd]  }
0xb7: {  	s7 =	rddreg [dreg:$0x10]  }
0xb8: {  	s5 =	rddreg [dreg:$0x11]  }
0xb9: {  	[hbm:s5], [sflag:s24] =	dma.local [spmem:s7], $0xA00  }
0xba: {  	_ =	swait.ge [sflag:s9], $0xA00  }
0xbb: {  	s6 =	sadd.s32 $0x1, s6;
	s8 =	rddreg [dreg:$0xe]  }
0xbc: {  	p0 =	sne.s32 s6, s8  }
.Ltmp1:
0xbd: {  	_ = 	snop;
	(pc) =	sbr.rel @p0 .LBB2_1-.Ltmp1, $3  }
0xbe: {  	_ =	sdelay $0x1  }
0xbf: {  	[sflag:s9] =	ssyncset.done $0x0  }
0xc0: {  	[sflag:s9] =	ssyncadd.s32 $0xFFFFF600  }
0xc1: {  	_ =	sfence.sel $0x180000  }
0xc2: {  	[bflag:$0x0] =	sbarrier.arrive $0xFFFF  }
0xc3: {  	_ =	strace $0x9000004A  }
0xc4: {  	s0 =	stileid.u32;
	[bflag:$0x2] =	sbarrier.arrive $0xFFFF  }
0xc5: {  	p0 =	sne.s32 s0, $0x0;
	s0 =	rddreg [dreg:$0x2]  }
0xc6: {  	s0 =	sadd.s32 @!p0 $0x100000, s0  }
0xc7: {  	[sflag:s0] =	ssyncadd.tile.s32 @!p0 $0x1;
	_ =	shalt  }
.Lfunc_end2:
_tile_overlayer_lowered:
.L_overlay_start_2:
0xc8: {  	(tag) =	ssettag $0x2  }
0xc9: {  	s0 =	rddreg [dreg:$0x0];
	s2 =	stileid.u32  }
0xca: {  	s1 =	rddreg [dreg:$0x1];
	p0 =	sne.s32 s2, $0x0  }
0xcb: {  	s3 =	rddreg [dreg:$0x2];
	[bflag:$0x3] =	sbarrier.arrive $0xFFFF;
	s2 =	simm.s32 @!p0 $0x1C01  }
0xcc: {  	[timem:s3], [sflag:s2] =	dma.local @!p0 [hbm:s0], s1  }
0xcd: {  	s0 =	simm.s32 @!p0 $0x1  }
0xce: {  	_ =	swait.ge @!p0 [sflag:s0], s1  }
0xcf: {  	s1 =	ssub.s32 @!p0 $0x0, s1;
	[sflag:s0] =	ssyncset.done @!p0 $0x0  }
0xd0: {  	[sflag:s0] =	ssyncadd.s32 @!p0 s1  }
0xd1: {  	[bflag:$0x3] =	sbarrier.arrive $0xFFFF  }
0xd2: {  	_ =	shalt  }

// kernel: sc_scatter_msg0.7.cloned.1.call-start
scs
__scs_entry_jumppad:
0x0: {  	(pc) =	sbr.rel $0x88, $3  }
0x1: {  	(tag) =	ssettag $0x0;
	lr =	simm.s32 $0x1  }
0x2: {  	[smem:$0x3F93] =	sst lr;
	_ =	strace $0xD0000000  }
0x3: {  	_ = 	snop  }
0x4: {  	_ = 	snop  }
0x5: {  	_ = 	snop  }
0x6: {  	_ = 	snop  }
0x7: {  	_ = 	snop  }
__scs_overlays_trampoline_lowered:
0x8: {  	[smem:$0x3FA2] =	sst s0  }
0x9: {  	[smem:$0x3FA3] =	sst s1  }
0xa: {  	[smem:$0x3FA4] =	sst s2  }
0xb: {  	[smem:$0x3FA5] =	sst s3  }
0xc: {  	[smem:$0x3FA6] =	sst s4  }
0xd: {  	[smem:$0x3FA7] =	sst s5  }
0xe: {  	[smem:$0x3FA8] =	sst s6  }
0xf: {  	[smem:$0x3FA9] =	sst s7  }
0x10: {  	[smem:$0x3FAA] =	sst s8  }
0x11: {  	[smem:$0x3FAB] =	sst s9;
	s0 =	simm.s32 @!p0 $0x0  }
0x12: {  	s1 =	sld [smem:$0x3F91];
	s0 =	simm.s32 @p0 $0x1  }
0x13: {  	[smem:$0x3FAC] =	sst s0;
	s0 =	simm.s32 @!p1 $0x0  }
0x14: {  	s2 =	sld [smem:$0x3F90];
	s0 =	simm.s32 @p1 $0x1  }
0x15: {  	[smem:$0x3FAD] =	sst s0;
	s0 =	simm.s32 @!p2 $0x0  }
0x16: {  	s3 =	sld [smem:$0x3FDB];
	s0 =	simm.s32 @p2 $0x1  }
0x17: {  	s4 =	simm.s32 $0x1BF5;
	[smem:$0x3FAF] =	sst s0  }
0x18: {  	s0 =	sld [smem:$0x3F92];
	_ =	swait.ge [sflag:s4], $0x0  }
0x19: {  	s7 =	sld [smem:$0x3F93]  }
0x1a: {  	s8 =	sadd.s32 $0xFFFFE003, lr  }
0x1b: {  	s9 =	sadd.s32 $0xFFFFFEF7, lr;
	s5 =	simm.s32 $0xFFFFFFFF;
	p2 =	slt.u32 s8, $0xFFFFF086  }
0x1c: {  	p1 =	slt.u32 s9, $0xF7A;
	s5 =	simm.s32 @!p2 $0x0  }
0x1d: {  	s5 =	simm.s32 @p1 $0x1;
	p0 =	seq.s32 s7, s2  }
0x1e: {  	s7 =	smul.u32 @!p0 $0xF7A, s2;
	p2 =	seq.s32 @!p0 s5, $0x0  }
0x1f: {  	s9 =	smul.u32 $0xF7A, s1;
	s8 =	simm.s32 @!p0 $0x1BF5;
	p2 =	por !p2, p0  }
0x20: {  	[sflag:s8] =	ssyncset.s32 @!p0 $0xFFFFF086;
	s6 =	sadd.s32 @!p0 s3, s7;
	s7 =	simm.s32 @!p0 $0x108  }
0x21: {  	s3 =	sadd.s32 s3, s9;
	s6 =	sadd.s32 @!p0 $0x88, s6;
	s7 =	simm.s32 @p2 $0x1082  }
0x22: {  	[simem:s7], [sflag:s8] =	dma.local @!p0 [hbm:s6], $0xF7A  }
0x23: {  	s9 =	sor.u32 $0xD0000000, s2;
	s6 =	simm.s32 $0x108;
	_ =	swait.ge @!p0 [sflag:s8], $0x0  }
0x24: {  	s3 =	sadd.s32 $0x88, s3;
	s6 =	simm.s32 @!p1 $0x1082;
	[sflag:s4] =	ssyncset.s32 $0xFFFFF086  }
0x25: {  	[simem:s6], [sflag:s4] =	dma.local [hbm:s3], $0xF7A  }
0x26: {  	[smem:$0x3F93] =	sst s1;
	(tag) =	ssettag s2;
	_ =	strace s9  }
0x27: {  	s1 =	sld [smem:$0x3FA3]  }
0x28: {  	s2 =	sld [smem:$0x3FA4]  }
0x29: {  	s4 =	sld [smem:$0x3FA6]  }
0x2a: {  	p0 =	seq.s32 s5, $0x0;
	s5 =	sld [smem:$0x3FA7]  }
0x2b: {  	s6 =	sld [smem:$0x3FA8]  }
0x2c: {  	s7 =	sld [smem:$0x3FA9]  }
0x2d: {  	s3 =	simm.s32 $0x108;
	s8 =	sld [smem:$0x3FAA]  }
0x2e: {  	s3 =	simm.s32 @!p0 $0x1082;
	s9 =	sld [smem:$0x3FAB]  }
0x2f: {  	lr =	sadd.s32 s0, s3;
	s0 =	sld [smem:$0x3FA2]  }
0x30: {  	s3 =	sld [smem:$0x3FA5]  }
0x31: {  	[smem:$0x3FAE] =	sst s10  }
0x32: {  	s10 =	sld [smem:$0x3FAC];
	_ =	sdelay $0x3  }
0x33: {  	p0 =	seq.s32 s10, $0x1;
	s10 =	sld [smem:$0x3FAE];
	_ =	sdelay $0x3  }
0x34: {  	[smem:$0x3FAE] =	sst s10  }
0x35: {  	s10 =	sld [smem:$0x3FAD];
	_ =	sdelay $0x3  }
0x36: {  	p1 =	seq.s32 s10, $0x1;
	s10 =	sld [smem:$0x3FAE];
	_ =	sdelay $0x3  }
0x37: {  	[smem:$0x3FAE] =	sst s10  }
0x38: {  	s10 =	sld [smem:$0x3FAF]  }
0x39: {  	_ = 	snop;
	(pc) =	sbr.ind lr, $3  }
0x3a: {  	_ = 	snop  }
0x3b: {  	_ = 	snop  }
0x3c: {  	p2 =	seq.s32 s10, $0x1;
	s10 =	sld [smem:$0x3FAE]  }
0x3d: {  	_ =	shalt  }
0x3e: {  	_ =	shalt  }
0x3f: {  	_ =	shalt  }
0x40: {  	_ =	shalt  }
0x41: {  	_ =	shalt  }
0x42: {  	_ =	shalt  }
0x43: {  	_ =	shalt  }
0x44: {  	_ =	shalt  }
0x45: {  	_ =	shalt  }
0x46: {  	_ =	shalt  }
0x47: {  	_ =	shalt  }
0x48: {  	_ =	shalt  }
0x49: {  	_ =	shalt  }
0x4a: {  	_ =	shalt  }
0x4b: {  	_ =	shalt  }
0x4c: {  	_ =	shalt  }
0x4d: {  	_ =	shalt  }
0x4e: {  	_ =	shalt  }
0x4f: {  	_ =	shalt  }
0x50: {  	_ =	shalt  }
0x51: {  	_ =	shalt  }
0x52: {  	_ =	shalt  }
0x53: {  	_ =	shalt  }
0x54: {  	_ =	shalt  }
0x55: {  	_ =	shalt  }
0x56: {  	_ =	shalt  }
0x57: {  	_ =	shalt  }
0x58: {  	_ =	shalt  }
0x59: {  	_ =	shalt  }
0x5a: {  	_ =	shalt  }
0x5b: {  	_ =	shalt  }
0x5c: {  	_ =	shalt  }
0x5d: {  	_ =	shalt  }
0x5e: {  	_ =	shalt  }
0x5f: {  	_ =	shalt  }
0x60: {  	_ =	shalt  }
0x61: {  	_ =	shalt  }
0x62: {  	_ =	shalt  }
0x63: {  	_ =	shalt  }
0x64: {  	_ =	shalt  }
0x65: {  	_ =	shalt  }
0x66: {  	_ =	shalt  }
0x67: {  	_ =	shalt  }
0x68: {  	_ =	shalt  }
0x69: {  	_ =	shalt  }
0x6a: {  	_ =	shalt  }
0x6b: {  	_ =	shalt  }
0x6c: {  	_ =	shalt  }
0x6d: {  	_ =	shalt  }
0x6e: {  	_ =	shalt  }
0x6f: {  	_ =	shalt  }
0x70: {  	_ =	shalt  }
0x71: {  	_ =	shalt  }
0x72: {  	_ =	shalt  }
0x73: {  	_ =	shalt  }
0x74: {  	_ =	shalt  }
0x75: {  	_ =	shalt  }
0x76: {  	_ =	shalt  }
0x77: {  	_ =	shalt  }
0x78: {  	_ =	shalt  }
0x79: {  	_ =	shalt  }
0x7a: {  	_ =	shalt  }
0x7b: {  	_ =	shalt  }
0x7c: {  	_ =	shalt  }
0x7d: {  	_ =	shalt  }
0x7e: {  	_ =	shalt  }
0x7f: {  	_ =	shalt  }
0x80: {  	_ =	shalt  }
0x81: {  	_ =	shalt  }
0x82: {  	_ =	shalt  }
0x83: {  	_ =	shalt  }
0x84: {  	_ =	shalt  }
0x85: {  	_ =	shalt  }
0x86: {  	_ =	shalt  }
0x87: {  	_ =	shalt  }
.Lfunc_end0:
.L_simem_size_0:
called_computation.3_lowered:
.L_overlay_start_0:
0x88: {  	s2 =	sld [smem:$0x3FD9]  }
0x89: {  	s3 =	sld [smem:$0x3FFE];
	_ =	sdelay $0x1  }
0x8a: {  	s1 =	srdreg.scid  }
0x8b: {  	s0 =	sand.u32 $0x1, s1  }
0x8c: {  	s16 =	sshll.u32 s0, $0xA;
	s2 =	sadd.s32 s3, s2  }
0x8d: {  	s2 =	sadd.s32 s2, s16  }
0x8e: {  	[smem:$0x3FBA] =	sst s2  }
0x8f: {  	_ = 	snop  }
0x90: {  	(tm) =	ssettm $0x1  }
0x91: {  	s17 =	sld [smem:$0x3FFB];
	_ =	sdelay $0x3  }
0x92: {  	_ =	strace s17  }
0x93: {  	s2 =	sld [smem:$0x3FFC];
	_ =	sdelay $0x3  }
0x94: {  	_ =	strace s2  }
0x95: {  	s2 =	sld [smem:$0x3FFD];
	_ =	sdelay $0x3  }
0x96: {  	_ =	strace s2  }
0x97: {  	_ =	strace $0x8FFFFFFF  }
0x98: {  	s18 =	sld [smem:$0x3FDB];
	_ =	sdelay $0x1  }
0x99: {  	s19 =	simm.s32 $_scs_section_size  }
0x9a: {  	s4 =	simm.s32 $_size__tile_overlayer_lowered;
	s5 =	simm.s32 $_tile_overlayer_lowered  }
0x9b: {  	s22 =	simm.s32 $0x1BFF;
	s21 =	sshll.u32 s5, $0x1;
	s2 =	sadd.s32 s19, s18  }
0x9c: {  	s6 =	simm.s32 $0x0;
	s20 =	sshll.u32 s4, $0x1;
	s4 =	sadd.s32 s21, s2  }
0x9d: {  	[timem:s6], [sflag:s22] =	dma.local [hbm:s4], s20  }
0x9e: {  	_ =	swait.ge [sflag:s22], s20  }
0x9f: {  	s3 =	ssub.s32 $0x0, s20;
	[sflag:s22] =	ssyncset.done $0x0  }
0xa0: {  	[sflag:s22] =	ssyncadd.s32 s3;
	_ =	sdelay $0x1  }
0xa1: {  	s23 =	simm.s32 $0x1B8B  }
0xa2: {  	_ =	swait.ge [sflag:s23], $0x1  }
0xa3: {  	[sflag:s23] =	ssyncset.done $0x0  }
0xa4: {  	s25 =	simm.s32 $0x1B8E;
	s24 =	sld [smem:$0x3FFE];
	[sflag:s23] =	ssyncadd.s32 $0xFFFFFFFF  }
0xa5: {  	s26 =	simm.s32 $execute0_lowered;
	[smem:$0x3FD2] =	sst s25  }
0xa6: {  	s4 =	sshll.u32 s26, $0x1;
	_ =	strace $0x8000004F;
	[dreg:$0x1] =	wrdreg $0xFFFFFFFF  }
0xa7: {  	s28 =	simm.s32 $_size_execute0_lowered;
	s2 =	sadd.s32 s2, s4;
	[dreg:$0x0] =	wrdreg $0x0  }
0xa8: {  	s4 =	sshll.u32 s28, $0x1;
	[dreg:$0x2] =	wrdreg s2  }
0xa9: {  	[dreg:$0x3] =	wrdreg s4  }
0xaa: {  	[dreg:$0x4] =	wrdreg $0xC0  }
0xab: {  	_ =	task [dreg:s6], $0x5FFFF  }
0xac: {  	[dreg:$0x1] =	wrdreg $0xFFFFFFFF  }
0xad: {  	[dreg:$0x0] =	wrdreg $0x60  }
0xae: {  	[dreg:$0x2] =	wrdreg s24  }
0xaf: {  	[dreg:$0x3] =	wrdreg $0x108000  }
0xb0: {  	[dreg:$0x4] =	wrdreg $0x9  }
0xb1: {  	_ =	task.clear_ibuf [dreg:s6], $0x5FFFF;
	_ =	strace $0x9000004F  }
0xb2: {  	s29 =	simm.s32 $0x9;
	_ =	strace $0x80000051  }
0xb3: {  	_ =	swait.ge [sflag:s29], $0x1  }
0xb4: {  	[sflag:s29] =	ssyncadd.s32 $0xFFFFFFFF  }
0xb5: {  	_ =	strace $0x90000051  }
0xb6: {  	_ =	sfence  }
0xb7: {  	s30 =	sld [smem:$0x0];
	_ =	sdelay $0x2  }
0xb8: {  	s31 =	sshll.u32 s1, $0xD;
	s1 =	sshrl.u32 s1, $0x2  }
0xb9: {  	s3 =	sand.u32 $0x4000, s31;
	s1 =	sadd.s32 s1, s30  }
0xba: {  	s0 =	sor.u32 s3, s0;
	s1 =	sshll.u32 s1, $0x11  }
0xbb: {  	s0 =	sor.u32 s1, s0  }
0xbc: {  	s0 =	sadd.s32 $0x8F2B, s0  }
0xbd: {  	[sflag:s0] =	ssyncadd.remote.s32 $0x1  }
0xbe: {  	_ =	sfence.sel $0xFFFF  }
0xbf: {  	[dreg:$0x0] =	wrdreg $0xFFFFFFFF;
	(pc) =	sbr.abs _section_cstart, $3  }
0xc0: {  	[dreg:$0x1] =	wrdreg $0xFFFFFFFF  }
0xc1: {  	_ =	task.clear_ibuf [dreg:s6], $0x2FFFF;
	_ =	strace $0x9FFFFFFF  }
0xc2: {  	(tm) =	ssettm $0x7FFFFFFF  }
0xc3: {  	_ =	shalt  }
tec
execute0_lowered:
.L_overlay_start_1:
0x0: {  	(tag) =	ssettag $0x1  }
0x1: {  	s0 =	rddreg [dreg:$0x0]  }
0x2: {  	s2 =	rddreg [dreg:$0x1]  }
0x3: {  	s3 =	simm.s32 $0x0;
	s11 =	stileid.u32;
	s5 =	srdreg.scid  }
0x4: {  	s17 =	simm.s32 $0x1800;
	s18 =	simm.s32 $0x100;
	s19 =	simm.s32 $0x2800  }
0x5: {  	s20 =	simm.s32 $0x180;
	s21 =	simm.s32 $0x3800;
	s22 =	simm.s32 $0x200  }
0x6: {  	s12 =	simm.s32 $0x5800;
	s13 =	simm.s32 $0x300;
	s14 =	simm.s32 $0x6800  }
0x7: {  	s15 =	simm.s32 $0x380;
	s28 =	simm.s32 $0xC800;
	s29 =	simm.s32 $0x680  }
0x8: {  	s30 =	simm.s32 $0xD800;
	s31 =	simm.s32 $0x700;
	[smem:$0x7FF] =	sst s3  }
0x9: {  	s1 =	smul.u32 $0xA00, s11;
	_ =	strace $0x80000050;
	[dreg:$0x4] =	wrdreg s17  }
0xa: {  	s4 =	smul.u32 $0x5000, s11;
	s5 =	sand.u32 $0x1, s5;
	[dreg:$0x5] =	wrdreg s18  }
0xb: {  	s25 =	sshll.u32 s11, $0x6;
	s16 =	smul.u32 $0x14000, s11;
	[dreg:$0x6] =	wrdreg s19  }
0xc: {  	s11 =	simm.s32 $0x80;
	s7 =	smul.u32 $0xA000, s5;
	[dreg:$0x7] =	wrdreg s20  }
0xd: {  	s8 =	ssub.s32 $0x2, s5;
	s5 =	smul.u32 $0x500, s5;
	[dreg:$0x8] =	wrdreg s21  }
0xe: {  	[dreg:$0x9] =	wrdreg s22;
	s17 =	simm.s32 $0x400;
	s18 =	simm.s32 $0x8800  }
0xf: {  	s19 =	simm.s32 $0x480;
	s20 =	simm.s32 $0x9800;
	s21 =	simm.s32 $0x500  }
0x10: {  	s22 =	simm.s32 $0xA800;
	s1 =	sadd.s32 s1, s0;
	s6 =	sshrl.u32 s4, $0x3  }
0x11: {  	s10 =	sshrl.u32 s8, $0x1;
	s4 =	sadd.s32 s4, s2;
	s9 =	sadd.s32 s6, s0  }
0x12: {  	s0 =	sadd.s32 s7, s0;
	s23 =	ssub.s32 s8, s10;
	s1 =	sadd.s32 s5, s1  }
0x13: {  	s10 =	simm.s32 $0x800;
	s24 =	sadd.s32 $0x15C00, s9;
	s26 =	sadd.s32 $0x1FC00, s0  }
0x14: {  	s1 =	sadd.s32 $0x1C00, s1;
	s7 =	smax.u32 s23, $0x1;
	[dreg:$0xc] =	wrdreg s24  }
0x15: {  	s0 =	sadd.s32 s16, s0;
	s9 =	simm.s32 $0x1;
	[dreg:$0x3] =	wrdreg s1  }
0x16: {  	s23 =	simm.s32 $0x4800;
	s16 =	simm.s32 $0x7800;
	[dreg:$0xe] =	wrdreg s7  }
0x17: {  	s24 =	sor.u32 $0x1C01, s25;
	s0 =	sadd.s32 $0x169C00, s0;
	[dreg:$0xa] =	wrdreg s23  }
0x18: {  	s7 =	sshrl.u32 s4, $0x3;
	s25 =	simm.s32 $0x280;
	[dreg:$0xf] =	wrdreg s0  }
0x19: {  	s23 =	simm.s32 $0x580;
	s26 =	sadd.s32 s6, s26;
	[dreg:$0xb] =	wrdreg s25  }
0x1a: {  	s1 =	simm.s32 $0x780;
	s4 =	simm.s32 $0xF800;
	[dreg:$0x11] =	wrdreg s26  }
0x1b: {  	s6 =	simm.s32 $0x0;
	s25 =	simm.s32 $0xB800;
	[dreg:$0xd] =	wrdreg s24  }
0x1c: {  	s26 =	simm.s32 $0x600;
	s0 =	simm.s32 $0xE800;
	[dreg:$0x10] =	wrdreg s7  }
.LBB2_1:
0x1d: {  	s5 =	rddreg [dreg:$0xc]  }
0x1e: {  	[spmem:s7], [sflag:s24] =	dma.local [hbm:s5], $0xA00  }
0x1f: {  	_ =	swait.ge [sflag:s9], $0xA00  }
0x20: {  	[sflag:s9] =	ssyncset.done $0x0  }
0x21: {  	[sflag:s9] =	ssyncadd.s32 $0xFFFFF600  }
0x22: {  	[bflag:$0x0] =	sbarrier.arrive $0xFFFF  }
0x23: {  	s7 =	rddreg [dreg:$0x3]  }
0x24: {  	s5 =	sadd.s32 $0x0, s7  }
0x25: {  	[tilespmem:s3], [sflag:$0x1] =	stream.linear.gather [hbm4b:s5+s3], $0x800, $0x38;
	[tilespmem:$0x15800] =	vst v63  }
0x26: {  	_ =	swait.ge [sflag:s9], $0x800  }
0x27: {  	[sflag:s9] =	ssyncset.done $0x0  }
0x28: {  	s7 =	rddreg [dreg:$0xf];
	[sflag:s9] =	ssyncadd.s32 $0xFFFFF800  }
0x29: {  	[tilespmem:s10], [sflag:$0x1] =	stream.linear.gather [hbm4b:s7+s3], $0x10000, $0x38;
	[tilespmem:$0x15800] =	vst v63  }
0x2a: {  	_ =	swait.ge [sflag:s9], $0x10000  }
0x2b: {  	[sflag:s9] =	ssyncset.done $0x0  }
0x2c: {  	[sflag:s9] =	ssyncadd.s32 $0xFFFF0000  }
0x2d: {  	[spmem:s2] =	stream.indirect.scatter.add.f32 [tilespmem:s10], [sflag:$0x1], $0x20, s3, s11, $0xb8;
	[tilespmem:$0x15800] =	vst v63  }
0x2e: {  	_ =	swait.ge [sflag:s9], $0x1000  }
0x2f: {  	[sflag:s9] =	ssyncset.done $0x0  }
0x30: {  	s8 =	rddreg [dreg:$0x4];
	[sflag:s9] =	ssyncadd.s32 $0xFFFFF000  }
0x31: {  	[spmem:s2] =	stream.indirect.scatter.add.f32 [tilespmem:s8], [sflag:$0x1], $0x20, s11, s11, $0xb8;
	[tilespmem:$0x15800] =	vst v63  }
0x32: {  	_ =	swait.ge [sflag:s9], $0x1000  }
0x33: {  	s24 =	rddreg [dreg:$0x5];
	[sflag:s9] =	ssyncset.done $0x0  }
0x34: {  	s8 =	rddreg [dreg:$0x6];
	[sflag:s9] =	ssyncadd.s32 $0xFFFFF000  }
0x35: {  	[spmem:s2] =	stream.indirect.scatter.add.f32 [tilespmem:s8], [sflag:$0x1], $0x20, s24, s11, $0xb8;
	[tilespmem:$0x15800] =	vst v63  }
0x36: {  	_ =	swait.ge [sflag:s9], $0x1000  }
0x37: {  	s24 =	rddreg [dreg:$0x7];
	[sflag:s9] =	ssyncset.done $0x0  }
0x38: {  	s8 =	rddreg [dreg:$0x8];
	[sflag:s9] =	ssyncadd.s32 $0xFFFFF000  }
0x39: {  	[spmem:s2] =	stream.indirect.scatter.add.f32 [tilespmem:s8], [sflag:$0x1], $0x20, s24, s11, $0xb8;
	[tilespmem:$0x15800] =	vst v63  }
0x3a: {  	_ =	swait.ge [sflag:s9], $0x1000  }
0x3b: {  	s24 =	rddreg [dreg:$0x9];
	[sflag:s9] =	ssyncset.done $0x0  }
0x3c: {  	s8 =	rddreg [dreg:$0xa];
	[sflag:s9] =	ssyncadd.s32 $0xFFFFF000  }
0x3d: {  	[spmem:s2] =	stream.indirect.scatter.add.f32 [tilespmem:s8], [sflag:$0x1], $0x20, s24, s11, $0xb8;
	[tilespmem:$0x15800] =	vst v63  }
0x3e: {  	_ =	swait.ge [sflag:s9], $0x1000  }
0x3f: {  	[sflag:s9] =	ssyncset.done $0x0  }
0x40: {  	s24 =	rddreg [dreg:$0xb];
	[sflag:s9] =	ssyncadd.s32 $0xFFFFF000  }
0x41: {  	[spmem:s2] =	stream.indirect.scatter.add.f32 [tilespmem:s12], [sflag:$0x1], $0x20, s24, s11, $0xb8;
	[tilespmem:$0x15800] =	vst v63  }
0x42: {  	_ =	swait.ge [sflag:s9], $0x1000  }
0x43: {  	[sflag:s9] =	ssyncset.done $0x0  }
0x44: {  	[sflag:s9] =	ssyncadd.s32 $0xFFFFF000  }
0x45: {  	[spmem:s2] =	stream.indirect.scatter.add.f32 [tilespmem:s14], [sflag:$0x1], $0x20, s13, s11, $0xb8;
	[tilespmem:$0x15800] =	vst v63  }
0x46: {  	_ =	swait.ge [sflag:s9], $0x1000  }
0x47: {  	[sflag:s9] =	ssyncset.done $0x0  }
0x48: {  	[sflag:s9] =	ssyncadd.s32 $0xFFFFF000  }
0x49: {  	[spmem:s2] =	stream.indirect.scatter.add.f32 [tilespmem:s16], [sflag:$0x1], $0x20, s15, s11, $0xb8;
	[tilespmem:$0x15800] =	vst v63  }
0x4a: {  	_ =	swait.ge [sflag:s9], $0x1000  }
0x4b: {  	[sflag:s9] =	ssyncset.done $0x0  }
0x4c: {  	[sflag:s9] =	ssyncadd.s32 $0xFFFFF000  }
0x4d: {  	[spmem:s2] =	stream.indirect.scatter.add.f32 [tilespmem:s18], [sflag:$0x1], $0x20, s17, s11, $0xb8;
	[tilespmem:$0x15800] =	vst v63  }
0x4e: {  	_ =	swait.ge [sflag:s9], $0x1000  }
0x4f: {  	[sflag:s9] =	ssyncset.done $0x0  }
0x50: {  	[sflag:s9] =	ssyncadd.s32 $0xFFFFF000  }
0x51: {  	[spmem:s2] =	stream.indirect.scatter.add.f32 [tilespmem:s20], [sflag:$0x1], $0x20, s19, s11, $0xb8;
	[tilespmem:$0x15800] =	vst v63  }
0x52: {  	_ =	swait.ge [sflag:s9], $0x1000  }
0x53: {  	[sflag:s9] =	ssyncset.done $0x0  }
0x54: {  	[sflag:s9] =	ssyncadd.s32 $0xFFFFF000  }
0x55: {  	[spmem:s2] =	stream.indirect.scatter.add.f32 [tilespmem:s22], [sflag:$0x1], $0x20, s21, s11, $0xb8;
	[tilespmem:$0x15800] =	vst v63  }
0x56: {  	_ =	swait.ge [sflag:s9], $0x1000  }
0x57: {  	[sflag:s9] =	ssyncset.done $0x0  }
0x58: {  	[sflag:s9] =	ssyncadd.s32 $0xFFFFF000  }
0x59: {  	[spmem:s2] =	stream.indirect.scatter.add.f32 [tilespmem:s25], [sflag:$0x1], $0x20, s23, s11, $0xb8;
	[tilespmem:$0x15800] =	vst v63  }
0x5a: {  	_ =	swait.ge [sflag:s9], $0x1000  }
0x5b: {  	[sflag:s9] =	ssyncset.done $0x0  }
0x5c: {  	[sflag:s9] =	ssyncadd.s32 $0xFFFFF000  }
0x5d: {  	[spmem:s2] =	stream.indirect.scatter.add.f32 [tilespmem:s28], [sflag:$0x1], $0x20, s26, s11, $0xb8;
	[tilespmem:$0x15800] =	vst v63  }
0x5e: {  	_ =	swait.ge [sflag:s9], $0x1000  }
0x5f: {  	[sflag:s9] =	ssyncset.done $0x0  }
0x60: {  	[sflag:s9] =	ssyncadd.s32 $0xFFFFF000  }
0x61: {  	[spmem:s2] =	stream.indirect.scatter.add.f32 [tilespmem:s30], [sflag:$0x1], $0x20, s29, s11, $0xb8;
	[tilespmem:$0x15800] =	vst v63  }
0x62: {  	_ =	swait.ge [sflag:s9], $0x1000  }
0x63: {  	[sflag:s9] =	ssyncset.done $0x0  }
0x64: {  	[sflag:s9] =	ssyncadd.s32 $0xFFFFF000  }
0x65: {  	[spmem:s2] =	stream.indirect.scatter.add.f32 [tilespmem:s0], [sflag:$0x1], $0x20, s31, s11, $0xb8;
	[tilespmem:$0x15800] =	vst v63  }
0x66: {  	_ =	swait.ge [sflag:s9], $0x1000  }
0x67: {  	[sflag:s9] =	ssyncset.done $0x0  }
0x68: {  	s5 =	sadd.s32 $0x2000, s7;
	s24 =	simm.s32 $0x100;
	[sflag:s9] =	ssyncadd.s32 $0xFFFFF000  }
.LBB2_2:
0x69: {  	[spmem:s2] =	stream.indirect.scatter.add.f32 [tilespmem:s4], [sflag:$0x1], $0x20, s1, s11, $0xb8;
	[tilespmem:$0x15800] =	vst v63  }
0x6a: {  	_ =	swait.ge [sflag:s9], $0x1000  }
0x6b: {  	s7 =	smov.u32 s24;
	s8 =	rddreg [dreg:$0x3];
	[sflag:s9] =	ssyncset.done $0x0  }
0x6c: {  	[sflag:s9] =	ssyncadd.s32 $0xFFFFF000;
	s7 =	sadd.s32 s7, s8  }
0x6d: {  	[tilespmem:s3], [sflag:$0x1] =	stream.linear.gather [hbm4b:s7+s3], $0x800, $0x38;
	[tilespmem:$0x15800] =	vst v63  }
0x6e: {  	_ =	swait.ge [sflag:s9], $0x800  }
0x6f: {  	[sflag:s9] =	ssyncset.done $0x0  }
0x70: {  	[sflag:s9] =	ssyncadd.s32 $0xFFFFF800  }
0x71: {  	[tilespmem:s10], [sflag:$0x1] =	stream.linear.gather [hbm4b:s5+s3], $0x10000, $0x38;
	[tilespmem:$0x15800] =	vst v63  }
0x72: {  	_ =	swait.ge [sflag:s9], $0x10000  }
0x73: {  	[sflag:s9] =	ssyncset.done $0x0  }
0x74: {  	[sflag:s9] =	ssyncadd.s32 $0xFFFF0000  }
0x75: {  	[spmem:s2] =	stream.indirect.scatter.add.f32 [tilespmem:s10], [sflag:$0x1], $0x20, s3, s11, $0xb8;
	[tilespmem:$0x15800] =	vst v63  }
0x76: {  	_ =	swait.ge [sflag:s9], $0x1000  }
0x77: {  	[sflag:s9] =	ssyncset.done $0x0  }
0x78: {  	s8 =	rddreg [dreg:$0x4];
	[sflag:s9] =	ssyncadd.s32 $0xFFFFF000  }
0x79: {  	[spmem:s2] =	stream.indirect.scatter.add.f32 [tilespmem:s8], [sflag:$0x1], $0x20, s11, s11, $0xb8;
	[tilespmem:$0x15800] =	vst v63  }
0x7a: {  	_ =	swait.ge [sflag:s9], $0x1000  }
0x7b: {  	s7 =	rddreg [dreg:$0x5];
	[sflag:s9] =	ssyncset.done $0x0  }
0x7c: {  	s8 =	rddreg [dreg:$0x6];
	[sflag:s9] =	ssyncadd.s32 $0xFFFFF000  }
0x7d: {  	[spmem:s2] =	stream.indirect.scatter.add.f32 [tilespmem:s8], [sflag:$0x1], $0x20, s7, s11, $0xb8;
	[tilespmem:$0x15800] =	vst v63  }
0x7e: {  	_ =	swait.ge [sflag:s9], $0x1000  }
0x7f: {  	[sflag:s9] =	ssyncset.done $0x0;
	s7 =	rddreg [dreg:$0x7]  }
0x80: {  	s8 =	rddreg [dreg:$0x8];
	[sflag:s9] =	ssyncadd.s32 $0xFFFFF000  }
0x81: {  	[spmem:s2] =	stream.indirect.scatter.add.f32 [tilespmem:s8], [sflag:$0x1], $0x20, s7, s11, $0xb8;
	[tilespmem:$0x15800] =	vst v63  }
0x82: {  	_ =	swait.ge [sflag:s9], $0x1000  }
0x83: {  	[sflag:s9] =	ssyncset.done $0x0;
	s7 =	rddreg [dreg:$0x9]  }
0x84: {  	s8 =	rddreg [dreg:$0xa];
	[sflag:s9] =	ssyncadd.s32 $0xFFFFF000  }
0x85: {  	[spmem:s2] =	stream.indirect.scatter.add.f32 [tilespmem:s8], [sflag:$0x1], $0x20, s7, s11, $0xb8;
	[tilespmem:$0x15800] =	vst v63  }
0x86: {  	_ =	swait.ge [sflag:s9], $0x1000  }
0x87: {  	[sflag:s9] =	ssyncset.done $0x0  }
0x88: {  	s8 =	rddreg [dreg:$0xb];
	[sflag:s9] =	ssyncadd.s32 $0xFFFFF000  }
0x89: {  	[spmem:s2] =	stream.indirect.scatter.add.f32 [tilespmem:s12], [sflag:$0x1], $0x20, s8, s11, $0xb8;
	[tilespmem:$0x15800] =	vst v63  }
0x8a: {  	_ =	swait.ge [sflag:s9], $0x1000  }
0x8b: {  	[sflag:s9] =	ssyncset.done $0x0  }
0x8c: {  	[sflag:s9] =	ssyncadd.s32 $0xFFFFF000  }
0x8d: {  	[spmem:s2] =	stream.indirect.scatter.add.f32 [tilespmem:s14], [sflag:$0x1], $0x20, s13, s11, $0xb8;
	[tilespmem:$0x15800] =	vst v63  }
0x8e: {  	_ =	swait.ge [sflag:s9], $0x1000  }
0x8f: {  	[sflag:s9] =	ssyncset.done $0x0  }
0x90: {  	[sflag:s9] =	ssyncadd.s32 $0xFFFFF000  }
0x91: {  	[spmem:s2] =	stream.indirect.scatter.add.f32 [tilespmem:s16], [sflag:$0x1], $0x20, s15, s11, $0xb8;
	[tilespmem:$0x15800] =	vst v63  }
0x92: {  	_ =	swait.ge [sflag:s9], $0x1000  }
0x93: {  	[sflag:s9] =	ssyncset.done $0x0  }
0x94: {  	[sflag:s9] =	ssyncadd.s32 $0xFFFFF000  }
0x95: {  	[spmem:s2] =	stream.indirect.scatter.add.f32 [tilespmem:s18], [sflag:$0x1], $0x20, s17, s11, $0xb8;
	[tilespmem:$0x15800] =	vst v63  }
0x96: {  	_ =	swait.ge [sflag:s9], $0x1000  }
0x97: {  	[sflag:s9] =	ssyncset.done $0x0  }
0x98: {  	[sflag:s9] =	ssyncadd.s32 $0xFFFFF000  }
0x99: {  	[spmem:s2] =	stream.indirect.scatter.add.f32 [tilespmem:s20], [sflag:$0x1], $0x20, s19, s11, $0xb8;
	[tilespmem:$0x15800] =	vst v63  }
0x9a: {  	_ =	swait.ge [sflag:s9], $0x1000  }
0x9b: {  	[sflag:s9] =	ssyncset.done $0x0  }
0x9c: {  	[sflag:s9] =	ssyncadd.s32 $0xFFFFF000  }
0x9d: {  	[spmem:s2] =	stream.indirect.scatter.add.f32 [tilespmem:s22], [sflag:$0x1], $0x20, s21, s11, $0xb8;
	[tilespmem:$0x15800] =	vst v63  }
0x9e: {  	_ =	swait.ge [sflag:s9], $0x1000  }
0x9f: {  	[sflag:s9] =	ssyncset.done $0x0  }
0xa0: {  	[sflag:s9] =	ssyncadd.s32 $0xFFFFF000  }
0xa1: {  	[spmem:s2] =	stream.indirect.scatter.add.f32 [tilespmem:s25], [sflag:$0x1], $0x20, s23, s11, $0xb8;
	[tilespmem:$0x15800] =	vst v63  }
0xa2: {  	_ =	swait.ge [sflag:s9], $0x1000  }
0xa3: {  	[sflag:s9] =	ssyncset.done $0x0  }
0xa4: {  	[sflag:s9] =	ssyncadd.s32 $0xFFFFF000  }
0xa5: {  	[spmem:s2] =	stream.indirect.scatter.add.f32 [tilespmem:s28], [sflag:$0x1], $0x20, s26, s11, $0xb8;
	[tilespmem:$0x15800] =	vst v63  }
0xa6: {  	_ =	swait.ge [sflag:s9], $0x1000  }
0xa7: {  	[sflag:s9] =	ssyncset.done $0x0  }
0xa8: {  	[sflag:s9] =	ssyncadd.s32 $0xFFFFF000  }
0xa9: {  	[spmem:s2] =	stream.indirect.scatter.add.f32 [tilespmem:s30], [sflag:$0x1], $0x20, s29, s11, $0xb8;
	[tilespmem:$0x15800] =	vst v63  }
0xaa: {  	_ =	swait.ge [sflag:s9], $0x1000  }
0xab: {  	p0 =	sne.s32 s24, $0x400;
	[sflag:s9] =	ssyncset.done $0x0  }
.Ltmp0:
0xac: {  	[sflag:s9] =	ssyncadd.s32 $0xFFFFF000;
	(pc) =	sbr.rel @p0 .LBB2_2-.Ltmp0, $4  }
0xad: {  	[spmem:s2] =	stream.indirect.scatter.add.f32 [tilespmem:s0], [sflag:$0x1], $0x20, s31, s11, $0xb8;
	[tilespmem:$0x15800] =	vst v63  }
0xae: {  	_ =	swait.ge [sflag:s9], $0x1000  }
0xaf: {  	[sflag:s9] =	ssyncset.done $0x0  }
0xb0: {  	s24 =	sadd.s32 $0x100, s24;
	s5 =	sadd.s32 $0x2000, s5;
	[sflag:s9] =	ssyncadd.s32 $0xFFFFF000  }
0xb1: {  	[spmem:s2] =	stream.indirect.scatter.add.f32 [tilespmem:s4], [sflag:$0x1], $0x20, s1, s11, $0xb8;
	[tilespmem:$0x15800] =	vst v63  }
0xb2: {  	_ =	swait.ge [sflag:s9], $0x1000  }
0xb3: {  	[sflag:s9] =	ssyncset.done $0x0  }
0xb4: {  	[sflag:s9] =	ssyncadd.s32 $0xFFFFF000  }
0xb5: {  	[bflag:$0x0] =	sbarrier.arrive $0xFFFF  }
0xb6: {  	s24 =	rddreg [dreg:$0xd]  }
0xb7: {  	s7 =	rddreg [dreg:$0x10]  }
0xb8: {  	s5 =	rddreg [dreg:$0x11]  }
0xb9: {  	[hbm:s5], [sflag:s24] =	dma.local [spmem:s7], $0xA00  }
0xba: {  	_ =	swait.ge [sflag:s9], $0xA00  }
0xbb: {  	s6 =	sadd.s32 $0x1, s6;
	s8 =	rddreg [dreg:$0xe]  }
0xbc: {  	p0 =	sne.s32 s6, s8  }
.Ltmp1:
0xbd: {  	_ = 	snop;
	(pc) =	sbr.rel @p0 .LBB2_1-.Ltmp1, $3  }
0xbe: {  	_ =	sdelay $0x1  }
0xbf: {  	[sflag:s9] =	ssyncset.done $0x0  }
0xc0: {  	[sflag:s9] =	ssyncadd.s32 $0xFFFFF600  }
0xc1: {  	_ =	sfence.sel $0x180000  }
0xc2: {  	[bflag:$0x0] =	sbarrier.arrive $0xFFFF  }
0xc3: {  	_ =	strace $0x90000050  }
0xc4: {  	s0 =	stileid.u32;
	[bflag:$0x2] =	sbarrier.arrive $0xFFFF  }
0xc5: {  	p0 =	sne.s32 s0, $0x0;
	s0 =	rddreg [dreg:$0x2]  }
0xc6: {  	s0 =	sadd.s32 @!p0 $0x100000, s0  }
0xc7: {  	[sflag:s0] =	ssyncadd.tile.s32 @!p0 $0x1;
	_ =	shalt  }
.Lfunc_end2:
_tile_overlayer_lowered:
.L_overlay_start_2:
0xc8: {  	(tag) =	ssettag $0x2  }
0xc9: {  	s0 =	rddreg [dreg:$0x0];
	s2 =	stileid.u32  }
0xca: {  	s1 =	rddreg [dreg:$0x1];
	p0 =	sne.s32 s2, $0x0  }
0xcb: {  	s3 =	rddreg [dreg:$0x2];
	[bflag:$0x3] =	sbarrier.arrive $0xFFFF;
	s2 =	simm.s32 @!p0 $0x1C01  }
0xcc: {  	[timem:s3], [sflag:s2] =	dma.local @!p0 [hbm:s0], s1  }
0xcd: {  	s0 =	simm.s32 @!p0 $0x1  }
0xce: {  	_ =	swait.ge @!p0 [sflag:s0], s1  }
0xcf: {  	s1 =	ssub.s32 @!p0 $0x0, s1;
	[sflag:s0] =	ssyncset.done @!p0 $0x0  }
0xd0: {  	[sflag:s0] =	ssyncadd.s32 @!p0 s1  }
0xd1: {  	[bflag:$0x3] =	sbarrier.arrive $0xFFFF  }
0xd2: {  	_ =	shalt  }

</sc_bundles>
